<compile_context>
chip_gen: v7x
topology: tpu7x:2x2x1
jax: 0.10.2.dev20260603
libtpu: 0.0.44.dev20260713+nightly
codegen_flags: <defaults>
</compile_context>

<pallas_src>
import functools

import jax
import jax.numpy as jnp
from jax import lax
from jax.experimental import pallas as pl
from jax.experimental.pallas import tpu as pltpu
from jax.experimental.pallas import tpu_sc as plsc

TOK = 8192
HID = 2048
E = 8

MBLK = 256
MBLKS = TOK // MBLK
NL = MBLKS + E - 1
NLP = 40

GATE_BLK = 512

NC = 2
NS = 16
NW = NC * NS
RPW = TOK // NW
CH = 16
NCH = RPW // CH


def _gate_route_body(x_ref, wg_ref, pos_ref, starts_ref, ends_ref, bid_ref,
                     eid_ref, valid_ref, xbf_ref, t1_acc):
    i = pl.program_id(0)
    x = x_ref[...]
    u = lax.bitcast_convert_type(x, jnp.uint32)
    lsb = (u >> 16) & jnp.uint32(1)
    r = (u + jnp.uint32(0x7FFF) + lsb) >> 16
    a = r[:, :HID // 2]
    b = r[:, HID // 2:]
    xbf_ref[...] = lax.bitcast_convert_type(a | (b << 16), jnp.int32)
    wg = wg_ref[...]
    logits = lax.dot_general(x, wg, (((1,), (1,)), ((), ())),
                             preferred_element_type=jnp.float32)
    mx = jnp.max(logits, axis=1, keepdims=True)
    eidx = lax.broadcasted_iota(jnp.int32, logits.shape, 1)
    cand = jnp.where(logits == mx, eidx, E)
    t1_acc[pl.ds(i * GATE_BLK, GATE_BLK), :] = jnp.min(cand, axis=1,
                                                       keepdims=True)

    @pl.when(i == TOK // GATE_BLK - 1)
    def _():
        _route_compute(t1_acc, pos_ref, starts_ref, ends_ref, bid_ref,
                       eid_ref, valid_ref)


def _route_compute(top1_ref, pos_ref, starts_ref, ends_ref, bid_ref, eid_ref,
                   valid_ref):
    t1 = top1_ref[...]
    eids = lax.broadcasted_iota(jnp.int32, (TOK, E), 1)
    onehot = (t1 == eids).astype(jnp.int32)

    csum = onehot
    k = 1
    while k < TOK:
        csum = csum + jnp.concatenate(
            [jnp.zeros((k, E), jnp.int32), csum[:TOK - k, :]], axis=0)
        k *= 2
    counts = csum[TOK - 1:TOK, :]

    incl = counts
    k = 1
    while k < E:
        incl = incl + jnp.concatenate(
            [jnp.zeros((1, k), jnp.int32), incl[:, :E - k]], axis=1)
        k *= 2
    starts = incl - counts
    ends = incl

    rank_excl = csum - onehot
    pos = jnp.sum(onehot * (starts + rank_excl), axis=1, keepdims=True)
    pos_ref[...] = pos
    starts_ref[...] = starts
    ends_ref[...] = ends

    nonempty = counts > 0
    first_blk = starts // MBLK
    last_blk = (ends - 1) // MBLK
    tiles = jnp.where(nonempty, last_blk - first_blk + 1, 0)
    ct = tiles
    k = 1
    while k < E:
        ct = ct + jnp.concatenate(
            [jnp.zeros((1, k), jnp.int32), ct[:, :E - k]], axis=1)
        k *= 2
    ct_excl = ct - tiles
    total = ct[:, E - 1:E]

    l_ids = lax.broadcasted_iota(jnp.int32, (NLP, 1), 0)
    ct_b = jnp.broadcast_to(ct, (NLP, E))
    g = jnp.sum((ct_b <= l_ids).astype(jnp.int32), axis=1, keepdims=True)
    valid = l_ids < total
    gc = jnp.minimum(g, E - 1)
    onehot_g = (gc == lax.broadcasted_iota(jnp.int32, (NLP, E), 1)).astype(
        jnp.int32)
    fb = jnp.sum(onehot_g * jnp.broadcast_to(first_blk, (NLP, E)), axis=1,
                 keepdims=True)
    cte = jnp.sum(onehot_g * jnp.broadcast_to(ct_excl, (NLP, E)), axis=1,
                  keepdims=True)
    bid = fb + (l_ids - cte)
    bid_ref[...] = jnp.where(valid, bid, MBLKS - 1)
    eid_ref[...] = jnp.where(valid, gc, E - 1)
    valid_ref[...] = valid.astype(jnp.int32)


def _gate_route(tokens, Wg):
    nsteps = TOK // GATE_BLK
    return pl.pallas_call(
        _gate_route_body,
        grid=(nsteps,),
        in_specs=[
            pl.BlockSpec((GATE_BLK, HID), lambda i: (i, 0)),
            pl.BlockSpec((E, HID), lambda i: (0, 0)),
        ],
        out_specs=(
            pl.BlockSpec((TOK, 1), lambda i: (0, 0)),
            pl.BlockSpec((1, E), lambda i: (0, 0)),
            pl.BlockSpec((1, E), lambda i: (0, 0)),
            pl.BlockSpec((NLP, 1), lambda i: (0, 0)),
            pl.BlockSpec((NLP, 1), lambda i: (0, 0)),
            pl.BlockSpec((NLP, 1), lambda i: (0, 0)),
            pl.BlockSpec((GATE_BLK, HID // 2), lambda i: (i, 0)),
        ),
        out_shape=(
            jax.ShapeDtypeStruct((TOK, 1), jnp.int32),
            jax.ShapeDtypeStruct((1, E), jnp.int32),
            jax.ShapeDtypeStruct((1, E), jnp.int32),
            jax.ShapeDtypeStruct((NLP, 1), jnp.int32),
            jax.ShapeDtypeStruct((NLP, 1), jnp.int32),
            jax.ShapeDtypeStruct((NLP, 1), jnp.int32),
            jax.ShapeDtypeStruct((TOK, HID // 2), jnp.int32),
        ),
        scratch_shapes=[pltpu.VMEM((TOK, 1), jnp.int32)],
        compiler_params=pltpu.CompilerParams(
            dimension_semantics=("arbitrary",)),
    )(tokens, Wg)


def _sc_mesh():
    return plsc.VectorSubcoreMesh(core_axis_name="c", subcore_axis_name="s")


NBUF = 3


def _sc_scratch(width, dtype):
    return ([pltpu.VMEM((CH,), jnp.int32) for _ in range(NBUF)]
            + [pltpu.VMEM((CH, width), dtype) for _ in range(NBUF)]
            + [pltpu.SemaphoreType.DMA for _ in range(2 * NBUF)])


def _sc_scatter_rows(src, pos):
    @functools.partial(
        pl.kernel,
        out_type=jax.ShapeDtypeStruct((TOK, HID // 2), jnp.int32),
        mesh=_sc_mesh(),
        scratch_types=_sc_scratch(HID // 2, jnp.int32),
    )
    def body(src_hbm, pos_hbm, out_hbm, *scratch):
        idx = scratch[:NBUF]
        rows = scratch[NBUF:2 * NBUF]
        lsem = scratch[2 * NBUF:3 * NBUF]
        ssem = scratch[3 * NBUF:4 * NBUF]
        wid = lax.axis_index("s") * NC + lax.axis_index("c")
        base = wid * RPW

        def load(c, b):
            off = base + c * CH
            d1 = pltpu.async_copy(pos_hbm.at[pl.ds(off, CH)], idx[b], lsem[b])
            d2 = pltpu.async_copy(src_hbm.at[pl.ds(off, CH)], rows[b], lsem[b])
            return (d1, d2)

        loads = [None] * NBUF
        scats = [None] * NBUF
        for c in range(min(NBUF, NCH)):
            loads[c] = load(c, c)
        for c in range(NCH):
            b = c % NBUF
            loads[b][0].wait()
            loads[b][1].wait()
            scats[b] = pltpu.async_copy(rows[b], out_hbm.at[idx[b]], ssem[b])
            nc = c + NBUF
            if nc < NCH:
                scats[b].wait()
                scats[b] = None
                loads[b] = load(nc, b)
        for b in range(NBUF):
            if scats[b] is not None:
                scats[b].wait()

    return body(src, pos)


def _sc_gather_rows(src, pos):
    @functools.partial(
        pl.kernel,
        out_type=jax.ShapeDtypeStruct((TOK, HID), jnp.float32),
        mesh=_sc_mesh(),
        scratch_types=_sc_scratch(HID, jnp.float32),
    )
    def body(src_hbm, pos_hbm, out_hbm, *scratch):
        idx = scratch[:NBUF]
        rows = scratch[NBUF:2 * NBUF]
        gsem = scratch[2 * NBUF:3 * NBUF]
        stsem = scratch[3 * NBUF:4 * NBUF]
        wid = lax.axis_index("s") * NC + lax.axis_index("c")
        base = wid * RPW

        def gather(c, b):
            off = base + c * CH
            pltpu.sync_copy(pos_hbm.at[pl.ds(off, CH)], idx[b])
            return pltpu.async_copy(src_hbm.at[idx[b]], rows[b], gsem[b])

        gats = [None] * NBUF
        stores = [None] * NBUF
        for c in range(min(NBUF, NCH)):
            gats[c] = gather(c, c)
        for c in range(NCH):
            b = c % NBUF
            gats[b].wait()
            off = base + c * CH
            stores[b] = pltpu.async_copy(rows[b], out_hbm.at[pl.ds(off, CH)],
                                         stsem[b])
            nc = c + NBUF
            if nc < NCH:
                stores[b].wait()
                stores[b] = None
                gats[b] = gather(nc, b)
        for b in range(NBUF):
            if stores[b] is not None:
                stores[b].wait()

    return body(src, pos)


def _moe_body(bid_ref, eid_ref, valid_ref, s_ref, e_ref,
              xs_ref, we_ref, be_ref, wc_ref, out_ref):
    l = pl.program_id(0)

    @pl.when(valid_ref[l] == 1)
    def _():
        v = lax.bitcast_convert_type(xs_ref[...], jnp.uint32)
        lo = lax.bitcast_convert_type(v << 16, jnp.float32)
        hi = lax.bitcast_convert_type(v & jnp.uint32(0xFFFF0000), jnp.float32)
        x = jnp.concatenate([lo, hi], axis=1)
        w = we_ref[0]
        h = lax.dot_general(x, w, (((1,), (1,)), ((), ())),
                            preferred_element_type=jnp.float32)
        h = h + be_ref[0]
        h = 0.5 * h * (1.0 + lax.erf(h * 0.7071067811865476))
        g = eid_ref[l]
        rows = bid_ref[l] * MBLK + lax.broadcasted_iota(
            jnp.int32, (MBLK, 1), 0)
        mask = (rows >= s_ref[g]) & (rows < e_ref[g])
        hm = jnp.where(mask, h, 0.0)
        y = lax.dot_general(hm, wc_ref[...], (((1,), (1,)), ((), ())),
                            preferred_element_type=jnp.float32)
        out_ref[...] = jnp.where(mask, y, out_ref[...])


def _moe(bid, eid, valid, starts, ends, xs, We, be, Wc):
    grid_spec = pltpu.PrefetchScalarGridSpec(
        num_scalar_prefetch=5,
        grid=(NL,),
        in_specs=[
            pl.BlockSpec((MBLK, HID // 2),
                         lambda l, b, e, v, s, en: (b[l], 0)),
            pl.BlockSpec((1, HID, HID), lambda l, b, e, v, s, en: (e[l], 0, 0)),
            pl.BlockSpec((1, 1, HID), lambda l, b, e, v, s, en: (e[l], 0, 0)),
            pl.BlockSpec((HID, HID), lambda l, b, e, v, s, en: (0, 0)),
        ],
        out_specs=pl.BlockSpec((MBLK, HID), lambda l, b, e, v, s, en: (b[l], 0)),
    )
    return pl.pallas_call(
        _moe_body,
        grid_spec=grid_spec,
        out_shape=jax.ShapeDtypeStruct((TOK, HID), jnp.float32),
        compiler_params=pltpu.CompilerParams(
            dimension_semantics=("arbitrary",),
            vmem_limit_bytes=100 * 1024 * 1024),
    )(bid, eid, valid, starts, ends, xs, We, be.reshape(E, 1, HID), Wc)


def kernel(tokens, Wg, We, be, Wc):
    pos2, starts2, ends2, bid2, eid2, valid2, tokens_bf = _gate_route(tokens,
                                                                      Wg)
    pos = pos2.reshape(TOK)
    bid = bid2.reshape(NLP)
    eid = eid2.reshape(NLP)
    valid = valid2.reshape(NLP)
    starts = starts2.reshape(E)
    ends = ends2.reshape(E)
    xs = _sc_scatter_rows(tokens_bf, pos)
    ys = _moe(bid, eid, valid, starts, ends, xs, We, be, Wc)
    return _sc_gather_rows(ys, pos)

# --- scband reference (transcript-rebuilt; emitter-appended) ---
"""Pipeline reference for scband-baseline-overlap-mo-e-30777735643616 (READ-ONLY COPY).

The authoritative reference and input builder live on the scoring server;
editing this copy changes nothing except your own understanding.
"""

import jax, jax.numpy as jnp
import numpy as np

TOK = 8192
HIDDEN = 2048
E = 8

def setup_inputs(seed: int = 0) -> dict:
    key = jax.random.key(seed)
    ks = jax.random.split(key, 5)
    tokens = jax.random.normal(ks[0], (TOK, HIDDEN), dtype=jnp.float32)
    s = 1.0 / np.sqrt(HIDDEN)
    Wg = jax.random.uniform(ks[1], (E, HIDDEN), minval=-s, maxval=s, dtype=jnp.float32)
    We = jax.random.uniform(ks[2], (E, HIDDEN, HIDDEN), minval=-s, maxval=s, dtype=jnp.float32)
    be = jax.random.uniform(ks[3], (E, HIDDEN), minval=-s, maxval=s, dtype=jnp.float32)
    Wc = jax.random.uniform(ks[4], (HIDDEN, HIDDEN), minval=-s, maxval=s, dtype=jnp.float32)
    return {"tokens": tokens, "Wg": Wg, "We": We, "be": be, "Wc": Wc}

def reference(tokens, Wg, We, be, Wc):
    # gate: nn.Linear(hidden, E, bias=False) -> logits = tokens @ Wg.T
    logits = tokens @ Wg.T
    top1 = jnp.argmax(logits, axis=-1)
    outputs = jnp.zeros_like(tokens)
    for idx in range(We.shape[0]):
        # expert: Linear(hidden, hidden) + exact GELU
        h = jax.nn.gelu(tokens @ We[idx].T + be[idx], approximate=False)
        outputs = jnp.where((top1 == idx)[:, None], h, outputs)
    # combine: Linear(hidden, hidden, bias=False)
    return outputs @ Wc.T

if __name__ == "__main__":
    import jax
    _d = setup_inputs()
    print(jax.jit(kernel)(*tuple(_d.values())))

</pallas_src>

<mosaic_0001>
#map = affine_map<(d0, d1) -> (0, 0)>
#map1 = affine_map<(d0, d1) -> (0)>
module attributes {stable_mosaic.version = 14 : i64} {
  func.func @body(%arg0: i32, %arg1: i32, %arg2: memref<8192x1024xi32, #tpu.memory_space<hbm>>, %arg3: memref<8192xi32, #tpu.memory_space<hbm>>, %arg4: memref<8192x1024xi32, #tpu.memory_space<hbm>>, %arg5: memref<16xi32, #tpu.memory_space<vmem>>, %arg6: memref<16xi32, #tpu.memory_space<vmem>>, %arg7: memref<16xi32, #tpu.memory_space<vmem>>, %arg8: memref<16x1024xi32, #tpu.memory_space<vmem>>, %arg9: memref<16x1024xi32, #tpu.memory_space<vmem>>, %arg10: memref<16x1024xi32, #tpu.memory_space<vmem>>, %arg11: memref<!tpu.dma_semaphore, #tpu.memory_space<semaphore_mem>>, %arg12: memref<!tpu.dma_semaphore, #tpu.memory_space<semaphore_mem>>, %arg13: memref<!tpu.dma_semaphore, #tpu.memory_space<semaphore_mem>>, %arg14: memref<!tpu.dma_semaphore, #tpu.memory_space<semaphore_mem>>, %arg15: memref<!tpu.dma_semaphore, #tpu.memory_space<semaphore_mem>>, %arg16: memref<!tpu.dma_semaphore, #tpu.memory_space<semaphore_mem>>) attributes {dimension_semantics = [#tpu.dimension_semantics<core_parallel>, #tpu.dimension_semantics<subcore_parallel>], iteration_bounds = array<i64: 2, 16>, scalar_prefetch = 0 : i64, scratch_operands = 12 : i64, tpu.core_type = #tpu.core_type<sc_vector_subcore>, window_params = [{transform_indices = #map}, {transform_indices = #map1}, {transform_indices = #map}]} {
    %mul3A = arith.constant 2 : i32
    %mul3A_0 = arith.muli %arg1, %mul3A : i32
    %add3A = arith.addi %mul3A_0, %arg0 : i32
    %mul3A_1 = arith.constant 256 : i32
    %mul3A_2 = arith.muli %add3A, %mul3A_1 : i32
    %add3A_3 = arith.constant 0 : i32
    %add3A_4 = arith.addi %mul3A_2, %add3A_3 : i32
    %dma_start3A = tpu.memref_slice %arg3[%add3A_4] : memref<8192xi32, #tpu.memory_space<hbm>> -> memref<16xi32, #tpu.memory_space<hbm>>
    %dma_start3A_5 = tpu.memref_slice %arg3[%add3A_4] : memref<8192xi32, #tpu.memory_space<hbm>> -> memref<16xi32, #tpu.memory_space<hbm>>
    tpu.enqueue_dma source(%dma_start3A_5 : memref<16xi32, #tpu.memory_space<hbm>>) target(%arg5 : memref<16xi32, #tpu.memory_space<vmem>>) target_semaphore(%arg11 : memref<!tpu.dma_semaphore, #tpu.memory_space<semaphore_mem>>)
    %dma_start3A_6 = arith.constant 0 : i32
    %dma_start3A_7 = tpu.memref_slice %arg2[%add3A_4, %dma_start3A_6] : memref<8192x1024xi32, #tpu.memory_space<hbm>> -> memref<16x1024xi32, #tpu.memory_space<hbm>>
    %dma_start3A_8 = arith.constant 0 : i32
    %dma_start3A_9 = tpu.memref_slice %arg2[%add3A_4, %dma_start3A_8] : memref<8192x1024xi32, #tpu.memory_space<hbm>> -> memref<16x1024xi32, #tpu.memory_space<hbm>>
    tpu.enqueue_dma source(%dma_start3A_9 : memref<16x1024xi32, #tpu.memory_space<hbm>>) target(%arg8 : memref<16x1024xi32, #tpu.memory_space<vmem>>) target_semaphore(%arg11 : memref<!tpu.dma_semaphore, #tpu.memory_space<semaphore_mem>>)
    %add3A_10 = arith.constant 16 : i32
    %add3A_11 = arith.addi %mul3A_2, %add3A_10 : i32
    %dma_start3A_12 = tpu.memref_slice %arg3[%add3A_11] : memref<8192xi32, #tpu.memory_space<hbm>> -> memref<16xi32, #tpu.memory_space<hbm>>
    %dma_start3A_13 = tpu.memref_slice %arg3[%add3A_11] : memref<8192xi32, #tpu.memory_space<hbm>> -> memref<16xi32, #tpu.memory_space<hbm>>
    tpu.enqueue_dma source(%dma_start3A_13 : memref<16xi32, #tpu.memory_space<hbm>>) target(%arg6 : memref<16xi32, #tpu.memory_space<vmem>>) target_semaphore(%arg12 : memref<!tpu.dma_semaphore, #tpu.memory_space<semaphore_mem>>)
    %dma_start3A_14 = arith.constant 0 : i32
    %dma_start3A_15 = tpu.memref_slice %arg2[%add3A_11, %dma_start3A_14] : memref<8192x1024xi32, #tpu.memory_space<hbm>> -> memref<16x1024xi32, #tpu.memory_space<hbm>>
    %dma_start3A_16 = arith.constant 0 : i32
    %dma_start3A_17 = tpu.memref_slice %arg2[%add3A_11, %dma_start3A_16] : memref<8192x1024xi32, #tpu.memory_space<hbm>> -> memref<16x1024xi32, #tpu.memory_space<hbm>>
    tpu.enqueue_dma source(%dma_start3A_17 : memref<16x1024xi32, #tpu.memory_space<hbm>>) target(%arg9 : memref<16x1024xi32, #tpu.memory_space<vmem>>) target_semaphore(%arg12 : memref<!tpu.dma_semaphore, #tpu.memory_space<semaphore_mem>>)
    %add3A_18 = arith.constant 32 : i32
    %add3A_19 = arith.addi %mul3A_2, %add3A_18 : i32
    %dma_start3A_20 = tpu.memref_slice %arg3[%add3A_19] : memref<8192xi32, #tpu.memory_space<hbm>> -> memref<16xi32, #tpu.memory_space<hbm>>
    %dma_start3A_21 = tpu.memref_slice %arg3[%add3A_19] : memref<8192xi32, #tpu.memory_space<hbm>> -> memref<16xi32, #tpu.memory_space<hbm>>
    tpu.enqueue_dma source(%dma_start3A_21 : memref<16xi32, #tpu.memory_space<hbm>>) target(%arg7 : memref<16xi32, #tpu.memory_space<vmem>>) target_semaphore(%arg13 : memref<!tpu.dma_semaphore, #tpu.memory_space<semaphore_mem>>)
    %dma_start3A_22 = arith.constant 0 : i32
    %dma_start3A_23 = tpu.memref_slice %arg2[%add3A_19, %dma_start3A_22] : memref<8192x1024xi32, #tpu.memory_space<hbm>> -> memref<16x1024xi32, #tpu.memory_space<hbm>>
    %dma_start3A_24 = arith.constant 0 : i32
    %dma_start3A_25 = tpu.memref_slice %arg2[%add3A_19, %dma_start3A_24] : memref<8192x1024xi32, #tpu.memory_space<hbm>> -> memref<16x1024xi32, #tpu.memory_space<hbm>>
    tpu.enqueue_dma source(%dma_start3A_25 : memref<16x1024xi32, #tpu.memory_space<hbm>>) target(%arg10 : memref<16x1024xi32, #tpu.memory_space<vmem>>) target_semaphore(%arg13 : memref<!tpu.dma_semaphore, #tpu.memory_space<semaphore_mem>>)
    %dma_wait3A = tpu.memref_slice %arg3[%add3A_4] : memref<8192xi32, #tpu.memory_space<hbm>> -> memref<16xi32, #tpu.memory_space<hbm>>
    %dma_wait3A_26 = tpu.memref_slice %arg3[%add3A_4] : memref<8192xi32, #tpu.memory_space<hbm>> -> memref<16xi32, #tpu.memory_space<hbm>>
    tpu.wait_dma2 semaphore(%arg11 : memref<!tpu.dma_semaphore, #tpu.memory_space<semaphore_mem>>) src(%dma_wait3A_26 : memref<16xi32, #tpu.memory_space<hbm>>) dst(%arg5 : memref<16xi32, #tpu.memory_space<vmem>>)
    %dma_wait3A_27 = arith.constant 0 : i32
    %dma_wait3A_28 = tpu.memref_slice %arg2[%add3A_4, %dma_wait3A_27] : memref<8192x1024xi32, #tpu.memory_space<hbm>> -> memref<16x1024xi32, #tpu.memory_space<hbm>>
    %dma_wait3A_29 = arith.constant 0 : i32
    %dma_wait3A_30 = tpu.memref_slice %arg2[%add3A_4, %dma_wait3A_29] : memref<8192x1024xi32, #tpu.memory_space<hbm>> -> memref<16x1024xi32, #tpu.memory_space<hbm>>
    tpu.wait_dma2 semaphore(%arg11 : memref<!tpu.dma_semaphore, #tpu.memory_space<semaphore_mem>>) src(%dma_wait3A_30 : memref<16x1024xi32, #tpu.memory_space<hbm>>) dst(%arg8 : memref<16x1024xi32, #tpu.memory_space<vmem>>)
    %dma_start3A_31 = arith.constant 0 : i32
    %dma_start3A_32 = arith.constant 0 : i32
    %dma_start3A_33 = tpu.memref_slice %arg4[%dma_start3A_31, %dma_start3A_32] : memref<8192x1024xi32, #tpu.memory_space<hbm>> -> memref<8192x1024xi32, #tpu.memory_space<hbm>>
    tpu.enqueue_indirect_dma source(%arg8 : memref<16x1024xi32, #tpu.memory_space<vmem>>) target(%dma_start3A_33 : memref<8192x1024xi32, #tpu.memory_space<hbm>>) offsets(%arg5 : memref<16xi32, #tpu.memory_space<vmem>>) semaphore(%arg14 : memref<!tpu.dma_semaphore, #tpu.memory_space<semaphore_mem>>)
    %dma_wait3A_34 = arith.constant 0 : i32
    %dma_wait3A_35 = arith.constant 0 : i32
    %dma_wait3A_36 = tpu.memref_slice %arg4[%dma_wait3A_34, %dma_wait3A_35] : memref<8192x1024xi32, #tpu.memory_space<hbm>> -> memref<8192x1024xi32, #tpu.memory_space<hbm>>
    tpu.wait_indirect_dma semaphore(%arg14 : memref<!tpu.dma_semaphore, #tpu.memory_space<semaphore_mem>>) src(%arg8 : memref<16x1024xi32, #tpu.memory_space<vmem>>) dst(%dma_wait3A_36 : memref<8192x1024xi32, #tpu.memory_space<hbm>>)
    %add3A_37 = arith.constant 48 : i32
    %add3A_38 = arith.addi %mul3A_2, %add3A_37 : i32
    %dma_start3A_39 = tpu.memref_slice %arg3[%add3A_38] : memref<8192xi32, #tpu.memory_space<hbm>> -> memref<16xi32, #tpu.memory_space<hbm>>
    %dma_start3A_40 = tpu.memref_slice %arg3[%add3A_38] : memref<8192xi32, #tpu.memory_space<hbm>> -> memref<16xi32, #tpu.memory_space<hbm>>
    tpu.enqueue_dma source(%dma_start3A_40 : memref<16xi32, #tpu.memory_space<hbm>>) target(%arg5 : memref<16xi32, #tpu.memory_space<vmem>>) target_semaphore(%arg11 : memref<!tpu.dma_semaphore, #tpu.memory_space<semaphore_mem>>)
    %dma_start3A_41 = arith.constant 0 : i32
    %dma_start3A_42 = tpu.memref_slice %arg2[%add3A_38, %dma_start3A_41] : memref<8192x1024xi32, #tpu.memory_space<hbm>> -> memref<16x1024xi32, #tpu.memory_space<hbm>>
    %dma_start3A_43 = arith.constant 0 : i32
    %dma_start3A_44 = tpu.memref_slice %arg2[%add3A_38, %dma_start3A_43] : memref<8192x1024xi32, #tpu.memory_space<hbm>> -> memref<16x1024xi32, #tpu.memory_space<hbm>>
    tpu.enqueue_dma source(%dma_start3A_44 : memref<16x1024xi32, #tpu.memory_space<hbm>>) target(%arg8 : memref<16x1024xi32, #tpu.memory_space<vmem>>) target_semaphore(%arg11 : memref<!tpu.dma_semaphore, #tpu.memory_space<semaphore_mem>>)
    %dma_wait3A_45 = tpu.memref_slice %arg3[%add3A_11] : memref<8192xi32, #tpu.memory_space<hbm>> -> memref<16xi32, #tpu.memory_space<hbm>>
    %dma_wait3A_46 = tpu.memref_slice %arg3[%add3A_11] : memref<8192xi32, #tpu.memory_space<hbm>> -> memref<16xi32, #tpu.memory_space<hbm>>
    tpu.wait_dma2 semaphore(%arg12 : memref<!tpu.dma_semaphore, #tpu.memory_space<semaphore_mem>>) src(%dma_wait3A_46 : memref<16xi32, #tpu.memory_space<hbm>>) dst(%arg6 : memref<16xi32, #tpu.memory_space<vmem>>)
    %dma_wait3A_47 = arith.constant 0 : i32
    %dma_wait3A_48 = tpu.memref_slice %arg2[%add3A_11, %dma_wait3A_47] : memref<8192x1024xi32, #tpu.memory_space<hbm>> -> memref<16x1024xi32, #tpu.memory_space<hbm>>
    %dma_wait3A_49 = arith.constant 0 : i32
    %dma_wait3A_50 = tpu.memref_slice %arg2[%add3A_11, %dma_wait3A_49] : memref<8192x1024xi32, #tpu.memory_space<hbm>> -> memref<16x1024xi32, #tpu.memory_space<hbm>>
    tpu.wait_dma2 semaphore(%arg12 : memref<!tpu.dma_semaphore, #tpu.memory_space<semaphore_mem>>) src(%dma_wait3A_50 : memref<16x1024xi32, #tpu.memory_space<hbm>>) dst(%arg9 : memref<16x1024xi32, #tpu.memory_space<vmem>>)
    %dma_start3A_51 = arith.constant 0 : i32
    %dma_start3A_52 = arith.constant 0 : i32
    %dma_start3A_53 = tpu.memref_slice %arg4[%dma_start3A_51, %dma_start3A_52] : memref<8192x1024xi32, #tpu.memory_space<hbm>> -> memref<8192x1024xi32, #tpu.memory_space<hbm>>
    tpu.enqueue_indirect_dma source(%arg9 : memref<16x1024xi32, #tpu.memory_space<vmem>>) target(%dma_start3A_53 : memref<8192x1024xi32, #tpu.memory_space<hbm>>) offsets(%arg6 : memref<16xi32, #tpu.memory_space<vmem>>) semaphore(%arg15 : memref<!tpu.dma_semaphore, #tpu.memory_space<semaphore_mem>>)
    %dma_wait3A_54 = arith.constant 0 : i32
    %dma_wait3A_55 = arith.constant 0 : i32
    %dma_wait3A_56 = tpu.memref_slice %arg4[%dma_wait3A_54, %dma_wait3A_55] : memref<8192x1024xi32, #tpu.memory_space<hbm>> -> memref<8192x1024xi32, #tpu.memory_space<hbm>>
    tpu.wait_indirect_dma semaphore(%arg15 : memref<!tpu.dma_semaphore, #tpu.memory_space<semaphore_mem>>) src(%arg9 : memref<16x1024xi32, #tpu.memory_space<vmem>>) dst(%dma_wait3A_56 : memref<8192x1024xi32, #tpu.memory_space<hbm>>)
    %add3A_57 = arith.constant 64 : i32
    %add3A_58 = arith.addi %mul3A_2, %add3A_57 : i32
    %dma_start3A_59 = tpu.memref_slice %arg3[%add3A_58] : memref<8192xi32, #tpu.memory_space<hbm>> -> memref<16xi32, #tpu.memory_space<hbm>>
    %dma_start3A_60 = tpu.memref_slice %arg3[%add3A_58] : memref<8192xi32, #tpu.memory_space<hbm>> -> memref<16xi32, #tpu.memory_space<hbm>>
    tpu.enqueue_dma source(%dma_start3A_60 : memref<16xi32, #tpu.memory_space<hbm>>) target(%arg6 : memref<16xi32, #tpu.memory_space<vmem>>) target_semaphore(%arg12 : memref<!tpu.dma_semaphore, #tpu.memory_space<semaphore_mem>>)
    %dma_start3A_61 = arith.constant 0 : i32
    %dma_start3A_62 = tpu.memref_slice %arg2[%add3A_58, %dma_start3A_61] : memref<8192x1024xi32, #tpu.memory_space<hbm>> -> memref<16x1024xi32, #tpu.memory_space<hbm>>
    %dma_start3A_63 = arith.constant 0 : i32
    %dma_start3A_64 = tpu.memref_slice %arg2[%add3A_58, %dma_start3A_63] : memref<8192x1024xi32, #tpu.memory_space<hbm>> -> memref<16x1024xi32, #tpu.memory_space<hbm>>
    tpu.enqueue_dma source(%dma_start3A_64 : memref<16x1024xi32, #tpu.memory_space<hbm>>) target(%arg9 : memref<16x1024xi32, #tpu.memory_space<vmem>>) target_semaphore(%arg12 : memref<!tpu.dma_semaphore, #tpu.memory_space<semaphore_mem>>)
    %dma_wait3A_65 = tpu.memref_slice %arg3[%add3A_19] : memref<8192xi32, #tpu.memory_space<hbm>> -> memref<16xi32, #tpu.memory_space<hbm>>
    %dma_wait3A_66 = tpu.memref_slice %arg3[%add3A_19] : memref<8192xi32, #tpu.memory_space<hbm>> -> memref<16xi32, #tpu.memory_space<hbm>>
    tpu.wait_dma2 semaphore(%arg13 : memref<!tpu.dma_semaphore, #tpu.memory_space<semaphore_mem>>) src(%dma_wait3A_66 : memref<16xi32, #tpu.memory_space<hbm>>) dst(%arg7 : memref<16xi32, #tpu.memory_space<vmem>>)
    %dma_wait3A_67 = arith.constant 0 : i32
    %dma_wait3A_68 = tpu.memref_slice %arg2[%add3A_19, %dma_wait3A_67] : memref<8192x1024xi32, #tpu.memory_space<hbm>> -> memref<16x1024xi32, #tpu.memory_space<hbm>>
    %dma_wait3A_69 = arith.constant 0 : i32
    %dma_wait3A_70 = tpu.memref_slice %arg2[%add3A_19, %dma_wait3A_69] : memref<8192x1024xi32, #tpu.memory_space<hbm>> -> memref<16x1024xi32, #tpu.memory_space<hbm>>
    tpu.wait_dma2 semaphore(%arg13 : memref<!tpu.dma_semaphore, #tpu.memory_space<semaphore_mem>>) src(%dma_wait3A_70 : memref<16x1024xi32, #tpu.memory_space<hbm>>) dst(%arg10 : memref<16x1024xi32, #tpu.memory_space<vmem>>)
    %dma_start3A_71 = arith.constant 0 : i32
    %dma_start3A_72 = arith.constant 0 : i32
    %dma_start3A_73 = tpu.memref_slice %arg4[%dma_start3A_71, %dma_start3A_72] : memref<8192x1024xi32, #tpu.memory_space<hbm>> -> memref<8192x1024xi32, #tpu.memory_space<hbm>>
    tpu.enqueue_indirect_dma source(%arg10 : memref<16x1024xi32, #tpu.memory_space<vmem>>) target(%dma_start3A_73 : memref<8192x1024xi32, #tpu.memory_space<hbm>>) offsets(%arg7 : memref<16xi32, #tpu.memory_space<vmem>>) semaphore(%arg16 : memref<!tpu.dma_semaphore, #tpu.memory_space<semaphore_mem>>)
    %dma_wait3A_74 = arith.constant 0 : i32
    %dma_wait3A_75 = arith.constant 0 : i32
    %dma_wait3A_76 = tpu.memref_slice %arg4[%dma_wait3A_74, %dma_wait3A_75] : memref<8192x1024xi32, #tpu.memory_space<hbm>> -> memref<8192x1024xi32, #tpu.memory_space<hbm>>
    tpu.wait_indirect_dma semaphore(%arg16 : memref<!tpu.dma_semaphore, #tpu.memory_space<semaphore_mem>>) src(%arg10 : memref<16x1024xi32, #tpu.memory_space<vmem>>) dst(%dma_wait3A_76 : memref<8192x1024xi32, #tpu.memory_space<hbm>>)
    %add3A_77 = arith.constant 80 : i32
    %add3A_78 = arith.addi %mul3A_2, %add3A_77 : i32
    %dma_start3A_79 = tpu.memref_slice %arg3[%add3A_78] : memref<8192xi32, #tpu.memory_space<hbm>> -> memref<16xi32, #tpu.memory_space<hbm>>
    %dma_start3A_80 = tpu.memref_slice %arg3[%add3A_78] : memref<8192xi32, #tpu.memory_space<hbm>> -> memref<16xi32, #tpu.memory_space<hbm>>
    tpu.enqueue_dma source(%dma_start3A_80 : memref<16xi32, #tpu.memory_space<hbm>>) target(%arg7 : memref<16xi32, #tpu.memory_space<vmem>>) target_semaphore(%arg13 : memref<!tpu.dma_semaphore, #tpu.memory_space<semaphore_mem>>)
    %dma_start3A_81 = arith.constant 0 : i32
    %dma_start3A_82 = tpu.memref_slice %arg2[%add3A_78, %dma_start3A_81] : memref<8192x1024xi32, #tpu.memory_space<hbm>> -> memref<16x1024xi32, #tpu.memory_space<hbm>>
    %dma_start3A_83 = arith.constant 0 : i32
    %dma_start3A_84 = tpu.memref_slice %arg2[%add3A_78, %dma_start3A_83] : memref<8192x1024xi32, #tpu.memory_space<hbm>> -> memref<16x1024xi32, #tpu.memory_space<hbm>>
    tpu.enqueue_dma source(%dma_start3A_84 : memref<16x1024xi32, #tpu.memory_space<hbm>>) target(%arg10 : memref<16x1024xi32, #tpu.memory_space<vmem>>) target_semaphore(%arg13 : memref<!tpu.dma_semaphore, #tpu.memory_space<semaphore_mem>>)
    %dma_wait3A_85 = tpu.memref_slice %arg3[%add3A_38] : memref<8192xi32, #tpu.memory_space<hbm>> -> memref<16xi32, #tpu.memory_space<hbm>>
    %dma_wait3A_86 = tpu.memref_slice %arg3[%add3A_38] : memref<8192xi32, #tpu.memory_space<hbm>> -> memref<16xi32, #tpu.memory_space<hbm>>
    tpu.wait_dma2 semaphore(%arg11 : memref<!tpu.dma_semaphore, #tpu.memory_space<semaphore_mem>>) src(%dma_wait3A_86 : memref<16xi32, #tpu.memory_space<hbm>>) dst(%arg5 : memref<16xi32, #tpu.memory_space<vmem>>)
    %dma_wait3A_87 = arith.constant 0 : i32
    %dma_wait3A_88 = tpu.memref_slice %arg2[%add3A_38, %dma_wait3A_87] : memref<8192x1024xi32, #tpu.memory_space<hbm>> -> memref<16x1024xi32, #tpu.memory_space<hbm>>
    %dma_wait3A_89 = arith.constant 0 : i32
    %dma_wait3A_90 = tpu.memref_slice %arg2[%add3A_38, %dma_wait3A_89] : memref<8192x1024xi32, #tpu.memory_space<hbm>> -> memref<16x1024xi32, #tpu.memory_space<hbm>>
    tpu.wait_dma2 semaphore(%arg11 : memref<!tpu.dma_semaphore, #tpu.memory_space<semaphore_mem>>) src(%dma_wait3A_90 : memref<16x1024xi32, #tpu.memory_space<hbm>>) dst(%arg8 : memref<16x1024xi32, #tpu.memory_space<vmem>>)
    %dma_start3A_91 = arith.constant 0 : i32
    %dma_start3A_92 = arith.constant 0 : i32
    %dma_start3A_93 = tpu.memref_slice %arg4[%dma_start3A_91, %dma_start3A_92] : memref<8192x1024xi32, #tpu.memory_space<hbm>> -> memref<8192x1024xi32, #tpu.memory_space<hbm>>
    tpu.enqueue_indirect_dma source(%arg8 : memref<16x1024xi32, #tpu.memory_space<vmem>>) target(%dma_start3A_93 : memref<8192x1024xi32, #tpu.memory_space<hbm>>) offsets(%arg5 : memref<16xi32, #tpu.memory_space<vmem>>) semaphore(%arg14 : memref<!tpu.dma_semaphore, #tpu.memory_space<semaphore_mem>>)
    %dma_wait3A_94 = arith.constant 0 : i32
    %dma_wait3A_95 = arith.constant 0 : i32
    %dma_wait3A_96 = tpu.memref_slice %arg4[%dma_wait3A_94, %dma_wait3A_95] : memref<8192x1024xi32, #tpu.memory_space<hbm>> -> memref<8192x1024xi32, #tpu.memory_space<hbm>>
    tpu.wait_indirect_dma semaphore(%arg14 : memref<!tpu.dma_semaphore, #tpu.memory_space<semaphore_mem>>) src(%arg8 : memref<16x1024xi32, #tpu.memory_space<vmem>>) dst(%dma_wait3A_96 : memref<8192x1024xi32, #tpu.memory_space<hbm>>)
    %add3A_97 = arith.constant 96 : i32
    %add3A_98 = arith.addi %mul3A_2, %add3A_97 : i32
    %dma_start3A_99 = tpu.memref_slice %arg3[%add3A_98] : memref<8192xi32, #tpu.memory_space<hbm>> -> memref<16xi32, #tpu.memory_space<hbm>>
    %dma_start3A_100 = tpu.memref_slice %arg3[%add3A_98] : memref<8192xi32, #tpu.memory_space<hbm>> -> memref<16xi32, #tpu.memory_space<hbm>>
    tpu.enqueue_dma source(%dma_start3A_100 : memref<16xi32, #tpu.memory_space<hbm>>) target(%arg5 : memref<16xi32, #tpu.memory_space<vmem>>) target_semaphore(%arg11 : memref<!tpu.dma_semaphore, #tpu.memory_space<semaphore_mem>>)
    %dma_start3A_101 = arith.constant 0 : i32
    %dma_start3A_102 = tpu.memref_slice %arg2[%add3A_98, %dma_start3A_101] : memref<8192x1024xi32, #tpu.memory_space<hbm>> -> memref<16x1024xi32, #tpu.memory_space<hbm>>
    %dma_start3A_103 = arith.constant 0 : i32
    %dma_start3A_104 = tpu.memref_slice %arg2[%add3A_98, %dma_start3A_103] : memref<8192x1024xi32, #tpu.memory_space<hbm>> -> memref<16x1024xi32, #tpu.memory_space<hbm>>
    tpu.enqueue_dma source(%dma_start3A_104 : memref<16x1024xi32, #tpu.memory_space<hbm>>) target(%arg8 : memref<16x1024xi32, #tpu.memory_space<vmem>>) target_semaphore(%arg11 : memref<!tpu.dma_semaphore, #tpu.memory_space<semaphore_mem>>)
    %dma_wait3A_105 = tpu.memref_slice %arg3[%add3A_58] : memref<8192xi32, #tpu.memory_space<hbm>> -> memref<16xi32, #tpu.memory_space<hbm>>
    %dma_wait3A_106 = tpu.memref_slice %arg3[%add3A_58] : memref<8192xi32, #tpu.memory_space<hbm>> -> memref<16xi32, #tpu.memory_space<hbm>>
    tpu.wait_dma2 semaphore(%arg12 : memref<!tpu.dma_semaphore, #tpu.memory_space<semaphore_mem>>) src(%dma_wait3A_106 : memref<16xi32, #tpu.memory_space<hbm>>) dst(%arg6 : memref<16xi32, #tpu.memory_space<vmem>>)
    %dma_wait3A_107 = arith.constant 0 : i32
    %dma_wait3A_108 = tpu.memref_slice %arg2[%add3A_58, %dma_wait3A_107] : memref<8192x1024xi32, #tpu.memory_space<hbm>> -> memref<16x1024xi32, #tpu.memory_space<hbm>>
    %dma_wait3A_109 = arith.constant 0 : i32
    %dma_wait3A_110 = tpu.memref_slice %arg2[%add3A_58, %dma_wait3A_109] : memref<8192x1024xi32, #tpu.memory_space<hbm>> -> memref<16x1024xi32, #tpu.memory_space<hbm>>
    tpu.wait_dma2 semaphore(%arg12 : memref<!tpu.dma_semaphore, #tpu.memory_space<semaphore_mem>>) src(%dma_wait3A_110 : memref<16x1024xi32, #tpu.memory_space<hbm>>) dst(%arg9 : memref<16x1024xi32, #tpu.memory_space<vmem>>)
    %dma_start3A_111 = arith.constant 0 : i32
    %dma_start3A_112 = arith.constant 0 : i32
    %dma_start3A_113 = tpu.memref_slice %arg4[%dma_start3A_111, %dma_start3A_112] : memref<8192x1024xi32, #tpu.memory_space<hbm>> -> memref<8192x1024xi32, #tpu.memory_space<hbm>>
    tpu.enqueue_indirect_dma source(%arg9 : memref<16x1024xi32, #tpu.memory_space<vmem>>) target(%dma_start3A_113 : memref<8192x1024xi32, #tpu.memory_space<hbm>>) offsets(%arg6 : memref<16xi32, #tpu.memory_space<vmem>>) semaphore(%arg15 : memref<!tpu.dma_semaphore, #tpu.memory_space<semaphore_mem>>)
    %dma_wait3A_114 = arith.constant 0 : i32
    %dma_wait3A_115 = arith.constant 0 : i32
    %dma_wait3A_116 = tpu.memref_slice %arg4[%dma_wait3A_114, %dma_wait3A_115] : memref<8192x1024xi32, #tpu.memory_space<hbm>> -> memref<8192x1024xi32, #tpu.memory_space<hbm>>
    tpu.wait_indirect_dma semaphore(%arg15 : memref<!tpu.dma_semaphore, #tpu.memory_space<semaphore_mem>>) src(%arg9 : memref<16x1024xi32, #tpu.memory_space<vmem>>) dst(%dma_wait3A_116 : memref<8192x1024xi32, #tpu.memory_space<hbm>>)
    %add3A_117 = arith.constant 112 : i32
    %add3A_118 = arith.addi %mul3A_2, %add3A_117 : i32
    %dma_start3A_119 = tpu.memref_slice %arg3[%add3A_118] : memref<8192xi32, #tpu.memory_space<hbm>> -> memref<16xi32, #tpu.memory_space<hbm>>
    %dma_start3A_120 = tpu.memref_slice %arg3[%add3A_118] : memref<8192xi32, #tpu.memory_space<hbm>> -> memref<16xi32, #tpu.memory_space<hbm>>
    tpu.enqueue_dma source(%dma_start3A_120 : memref<16xi32, #tpu.memory_space<hbm>>) target(%arg6 : memref<16xi32, #tpu.memory_space<vmem>>) target_semaphore(%arg12 : memref<!tpu.dma_semaphore, #tpu.memory_space<semaphore_mem>>)
    %dma_start3A_121 = arith.constant 0 : i32
    %dma_start3A_122 = tpu.memref_slice %arg2[%add3A_118, %dma_start3A_121] : memref<8192x1024xi32, #tpu.memory_space<hbm>> -> memref<16x1024xi32, #tpu.memory_space<hbm>>
    %dma_start3A_123 = arith.constant 0 : i32
    %dma_start3A_124 = tpu.memref_slice %arg2[%add3A_118, %dma_start3A_123] : memref<8192x1024xi32, #tpu.memory_space<hbm>> -> memref<16x1024xi32, #tpu.memory_space<hbm>>
    tpu.enqueue_dma source(%dma_start3A_124 : memref<16x1024xi32, #tpu.memory_space<hbm>>) target(%arg9 : memref<16x1024xi32, #tpu.memory_space<vmem>>) target_semaphore(%arg12 : memref<!tpu.dma_semaphore, #tpu.memory_space<semaphore_mem>>)
    %dma_wait3A_125 = tpu.memref_slice %arg3[%add3A_78] : memref<8192xi32, #tpu.memory_space<hbm>> -> memref<16xi32, #tpu.memory_space<hbm>>
    %dma_wait3A_126 = tpu.memref_slice %arg3[%add3A_78] : memref<8192xi32, #tpu.memory_space<hbm>> -> memref<16xi32, #tpu.memory_space<hbm>>
    tpu.wait_dma2 semaphore(%arg13 : memref<!tpu.dma_semaphore, #tpu.memory_space<semaphore_mem>>) src(%dma_wait3A_126 : memref<16xi32, #tpu.memory_space<hbm>>) dst(%arg7 : memref<16xi32, #tpu.memory_space<vmem>>)
    %dma_wait3A_127 = arith.constant 0 : i32
    %dma_wait3A_128 = tpu.memref_slice %arg2[%add3A_78, %dma_wait3A_127] : memref<8192x1024xi32, #tpu.memory_space<hbm>> -> memref<16x1024xi32, #tpu.memory_space<hbm>>
    %dma_wait3A_129 = arith.constant 0 : i32
    %dma_wait3A_130 = tpu.memref_slice %arg2[%add3A_78, %dma_wait3A_129] : memref<8192x1024xi32, #tpu.memory_space<hbm>> -> memref<16x1024xi32, #tpu.memory_space<hbm>>
    tpu.wait_dma2 semaphore(%arg13 : memref<!tpu.dma_semaphore, #tpu.memory_space<semaphore_mem>>) src(%dma_wait3A_130 : memref<16x1024xi32, #tpu.memory_space<hbm>>) dst(%arg10 : memref<16x1024xi32, #tpu.memory_space<vmem>>)
    %dma_start3A_131 = arith.constant 0 : i32
    %dma_start3A_132 = arith.constant 0 : i32
    %dma_start3A_133 = tpu.memref_slice %arg4[%dma_start3A_131, %dma_start3A_132] : memref<8192x1024xi32, #tpu.memory_space<hbm>> -> memref<8192x1024xi32, #tpu.memory_space<hbm>>
    tpu.enqueue_indirect_dma source(%arg10 : memref<16x1024xi32, #tpu.memory_space<vmem>>) target(%dma_start3A_133 : memref<8192x1024xi32, #tpu.memory_space<hbm>>) offsets(%arg7 : memref<16xi32, #tpu.memory_space<vmem>>) semaphore(%arg16 : memref<!tpu.dma_semaphore, #tpu.memory_space<semaphore_mem>>)
    %dma_wait3A_134 = arith.constant 0 : i32
    %dma_wait3A_135 = arith.constant 0 : i32
    %dma_wait3A_136 = tpu.memref_slice %arg4[%dma_wait3A_134, %dma_wait3A_135] : memref<8192x1024xi32, #tpu.memory_space<hbm>> -> memref<8192x1024xi32, #tpu.memory_space<hbm>>
    tpu.wait_indirect_dma semaphore(%arg16 : memref<!tpu.dma_semaphore, #tpu.memory_space<semaphore_mem>>) src(%arg10 : memref<16x1024xi32, #tpu.memory_space<vmem>>) dst(%dma_wait3A_136 : memref<8192x1024xi32, #tpu.memory_space<hbm>>)
    %add3A_137 = arith.constant 128 : i32
    %add3A_138 = arith.addi %mul3A_2, %add3A_137 : i32
    %dma_start3A_139 = tpu.memref_slice %arg3[%add3A_138] : memref<8192xi32, #tpu.memory_space<hbm>> -> memref<16xi32, #tpu.memory_space<hbm>>
    %dma_start3A_140 = tpu.memref_slice %arg3[%add3A_138] : memref<8192xi32, #tpu.memory_space<hbm>> -> memref<16xi32, #tpu.memory_space<hbm>>
    tpu.enqueue_dma source(%dma_start3A_140 : memref<16xi32, #tpu.memory_space<hbm>>) target(%arg7 : memref<16xi32, #tpu.memory_space<vmem>>) target_semaphore(%arg13 : memref<!tpu.dma_semaphore, #tpu.memory_space<semaphore_mem>>)
    %dma_start3A_141 = arith.constant 0 : i32
    %dma_start3A_142 = tpu.memref_slice %arg2[%add3A_138, %dma_start3A_141] : memref<8192x1024xi32, #tpu.memory_space<hbm>> -> memref<16x1024xi32, #tpu.memory_space<hbm>>
    %dma_start3A_143 = arith.constant 0 : i32
    %dma_start3A_144 = tpu.memref_slice %arg2[%add3A_138, %dma_start3A_143] : memref<8192x1024xi32, #tpu.memory_space<hbm>> -> memref<16x1024xi32, #tpu.memory_space<hbm>>
    tpu.enqueue_dma source(%dma_start3A_144 : memref<16x1024xi32, #tpu.memory_space<hbm>>) target(%arg10 : memref<16x1024xi32, #tpu.memory_space<vmem>>) target_semaphore(%arg13 : memref<!tpu.dma_semaphore, #tpu.memory_space<semaphore_mem>>)
    %dma_wait3A_145 = tpu.memref_slice %arg3[%add3A_98] : memref<8192xi32, #tpu.memory_space<hbm>> -> memref<16xi32, #tpu.memory_space<hbm>>
    %dma_wait3A_146 = tpu.memref_slice %arg3[%add3A_98] : memref<8192xi32, #tpu.memory_space<hbm>> -> memref<16xi32, #tpu.memory_space<hbm>>
    tpu.wait_dma2 semaphore(%arg11 : memref<!tpu.dma_semaphore, #tpu.memory_space<semaphore_mem>>) src(%dma_wait3A_146 : memref<16xi32, #tpu.memory_space<hbm>>) dst(%arg5 : memref<16xi32, #tpu.memory_space<vmem>>)
    %dma_wait3A_147 = arith.constant 0 : i32
    %dma_wait3A_148 = tpu.memref_slice %arg2[%add3A_98, %dma_wait3A_147] : memref<8192x1024xi32, #tpu.memory_space<hbm>> -> memref<16x1024xi32, #tpu.memory_space<hbm>>
    %dma_wait3A_149 = arith.constant 0 : i32
    %dma_wait3A_150 = tpu.memref_slice %arg2[%add3A_98, %dma_wait3A_149] : memref<8192x1024xi32, #tpu.memory_space<hbm>> -> memref<16x1024xi32, #tpu.memory_space<hbm>>
    tpu.wait_dma2 semaphore(%arg11 : memref<!tpu.dma_semaphore, #tpu.memory_space<semaphore_mem>>) src(%dma_wait3A_150 : memref<16x1024xi32, #tpu.memory_space<hbm>>) dst(%arg8 : memref<16x1024xi32, #tpu.memory_space<vmem>>)
    %dma_start3A_151 = arith.constant 0 : i32
    %dma_start3A_152 = arith.constant 0 : i32
    %dma_start3A_153 = tpu.memref_slice %arg4[%dma_start3A_151, %dma_start3A_152] : memref<8192x1024xi32, #tpu.memory_space<hbm>> -> memref<8192x1024xi32, #tpu.memory_space<hbm>>
    tpu.enqueue_indirect_dma source(%arg8 : memref<16x1024xi32, #tpu.memory_space<vmem>>) target(%dma_start3A_153 : memref<8192x1024xi32, #tpu.memory_space<hbm>>) offsets(%arg5 : memref<16xi32, #tpu.memory_space<vmem>>) semaphore(%arg14 : memref<!tpu.dma_semaphore, #tpu.memory_space<semaphore_mem>>)
    %dma_wait3A_154 = arith.constant 0 : i32
    %dma_wait3A_155 = arith.constant 0 : i32
    %dma_wait3A_156 = tpu.memref_slice %arg4[%dma_wait3A_154, %dma_wait3A_155] : memref<8192x1024xi32, #tpu.memory_space<hbm>> -> memref<8192x1024xi32, #tpu.memory_space<hbm>>
    tpu.wait_indirect_dma semaphore(%arg14 : memref<!tpu.dma_semaphore, #tpu.memory_space<semaphore_mem>>) src(%arg8 : memref<16x1024xi32, #tpu.memory_space<vmem>>) dst(%dma_wait3A_156 : memref<8192x1024xi32, #tpu.memory_space<hbm>>)
    %add3A_157 = arith.constant 144 : i32
    %add3A_158 = arith.addi %mul3A_2, %add3A_157 : i32
    %dma_start3A_159 = tpu.memref_slice %arg3[%add3A_158] : memref<8192xi32, #tpu.memory_space<hbm>> -> memref<16xi32, #tpu.memory_space<hbm>>
    %dma_start3A_160 = tpu.memref_slice %arg3[%add3A_158] : memref<8192xi32, #tpu.memory_space<hbm>> -> memref<16xi32, #tpu.memory_space<hbm>>
    tpu.enqueue_dma source(%dma_start3A_160 : memref<16xi32, #tpu.memory_space<hbm>>) target(%arg5 : memref<16xi32, #tpu.memory_space<vmem>>) target_semaphore(%arg11 : memref<!tpu.dma_semaphore, #tpu.memory_space<semaphore_mem>>)
    %dma_start3A_161 = arith.constant 0 : i32
    %dma_start3A_162 = tpu.memref_slice %arg2[%add3A_158, %dma_start3A_161] : memref<8192x1024xi32, #tpu.memory_space<hbm>> -> memref<16x1024xi32, #tpu.memory_space<hbm>>
    %dma_start3A_163 = arith.constant 0 : i32
    %dma_start3A_164 = tpu.memref_slice %arg2[%add3A_158, %dma_start3A_163] : memref<8192x1024xi32, #tpu.memory_space<hbm>> -> memref<16x1024xi32, #tpu.memory_space<hbm>>
    tpu.enqueue_dma source(%dma_start3A_164 : memref<16x1024xi32, #tpu.memory_space<hbm>>) target(%arg8 : memref<16x1024xi32, #tpu.memory_space<vmem>>) target_semaphore(%arg11 : memref<!tpu.dma_semaphore, #tpu.memory_space<semaphore_mem>>)
    %dma_wait3A_165 = tpu.memref_slice %arg3[%add3A_118] : memref<8192xi32, #tpu.memory_space<hbm>> -> memref<16xi32, #tpu.memory_space<hbm>>
    %dma_wait3A_166 = tpu.memref_slice %arg3[%add3A_118] : memref<8192xi32, #tpu.memory_space<hbm>> -> memref<16xi32, #tpu.memory_space<hbm>>
    tpu.wait_dma2 semaphore(%arg12 : memref<!tpu.dma_semaphore, #tpu.memory_space<semaphore_mem>>) src(%dma_wait3A_166 : memref<16xi32, #tpu.memory_space<hbm>>) dst(%arg6 : memref<16xi32, #tpu.memory_space<vmem>>)
    %dma_wait3A_167 = arith.constant 0 : i32
    %dma_wait3A_168 = tpu.memref_slice %arg2[%add3A_118, %dma_wait3A_167] : memref<8192x1024xi32, #tpu.memory_space<hbm>> -> memref<16x1024xi32, #tpu.memory_space<hbm>>
    %dma_wait3A_169 = arith.constant 0 : i32
    %dma_wait3A_170 = tpu.memref_slice %arg2[%add3A_118, %dma_wait3A_169] : memref<8192x1024xi32, #tpu.memory_space<hbm>> -> memref<16x1024xi32, #tpu.memory_space<hbm>>
    tpu.wait_dma2 semaphore(%arg12 : memref<!tpu.dma_semaphore, #tpu.memory_space<semaphore_mem>>) src(%dma_wait3A_170 : memref<16x1024xi32, #tpu.memory_space<hbm>>) dst(%arg9 : memref<16x1024xi32, #tpu.memory_space<vmem>>)
    %dma_start3A_171 = arith.constant 0 : i32
    %dma_start3A_172 = arith.constant 0 : i32
    %dma_start3A_173 = tpu.memref_slice %arg4[%dma_start3A_171, %dma_start3A_172] : memref<8192x1024xi32, #tpu.memory_space<hbm>> -> memref<8192x1024xi32, #tpu.memory_space<hbm>>
    tpu.enqueue_indirect_dma source(%arg9 : memref<16x1024xi32, #tpu.memory_space<vmem>>) target(%dma_start3A_173 : memref<8192x1024xi32, #tpu.memory_space<hbm>>) offsets(%arg6 : memref<16xi32, #tpu.memory_space<vmem>>) semaphore(%arg15 : memref<!tpu.dma_semaphore, #tpu.memory_space<semaphore_mem>>)
    %dma_wait3A_174 = arith.constant 0 : i32
    %dma_wait3A_175 = arith.constant 0 : i32
    %dma_wait3A_176 = tpu.memref_slice %arg4[%dma_wait3A_174, %dma_wait3A_175] : memref<8192x1024xi32, #tpu.memory_space<hbm>> -> memref<8192x1024xi32, #tpu.memory_space<hbm>>
    tpu.wait_indirect_dma semaphore(%arg15 : memref<!tpu.dma_semaphore, #tpu.memory_space<semaphore_mem>>) src(%arg9 : memref<16x1024xi32, #tpu.memory_space<vmem>>) dst(%dma_wait3A_176 : memref<8192x1024xi32, #tpu.memory_space<hbm>>)
    %add3A_177 = arith.constant 160 : i32
    %add3A_178 = arith.addi %mul3A_2, %add3A_177 : i32
    %dma_start3A_179 = tpu.memref_slice %arg3[%add3A_178] : memref<8192xi32, #tpu.memory_space<hbm>> -> memref<16xi32, #tpu.memory_space<hbm>>
    %dma_start3A_180 = tpu.memref_slice %arg3[%add3A_178] : memref<8192xi32, #tpu.memory_space<hbm>> -> memref<16xi32, #tpu.memory_space<hbm>>
    tpu.enqueue_dma source(%dma_start3A_180 : memref<16xi32, #tpu.memory_space<hbm>>) target(%arg6 : memref<16xi32, #tpu.memory_space<vmem>>) target_semaphore(%arg12 : memref<!tpu.dma_semaphore, #tpu.memory_space<semaphore_mem>>)
    %dma_start3A_181 = arith.constant 0 : i32
    %dma_start3A_182 = tpu.memref_slice %arg2[%add3A_178, %dma_start3A_181] : memref<8192x1024xi32, #tpu.memory_space<hbm>> -> memref<16x1024xi32, #tpu.memory_space<hbm>>
    %dma_start3A_183 = arith.constant 0 : i32
    %dma_start3A_184 = tpu.memref_slice %arg2[%add3A_178, %dma_start3A_183] : memref<8192x1024xi32, #tpu.memory_space<hbm>> -> memref<16x1024xi32, #tpu.memory_space<hbm>>
    tpu.enqueue_dma source(%dma_start3A_184 : memref<16x1024xi32, #tpu.memory_space<hbm>>) target(%arg9 : memref<16x1024xi32, #tpu.memory_space<vmem>>) target_semaphore(%arg12 : memref<!tpu.dma_semaphore, #tpu.memory_space<semaphore_mem>>)
    %dma_wait3A_185 = tpu.memref_slice %arg3[%add3A_138] : memref<8192xi32, #tpu.memory_space<hbm>> -> memref<16xi32, #tpu.memory_space<hbm>>
    %dma_wait3A_186 = tpu.memref_slice %arg3[%add3A_138] : memref<8192xi32, #tpu.memory_space<hbm>> -> memref<16xi32, #tpu.memory_space<hbm>>
    tpu.wait_dma2 semaphore(%arg13 : memref<!tpu.dma_semaphore, #tpu.memory_space<semaphore_mem>>) src(%dma_wait3A_186 : memref<16xi32, #tpu.memory_space<hbm>>) dst(%arg7 : memref<16xi32, #tpu.memory_space<vmem>>)
    %dma_wait3A_187 = arith.constant 0 : i32
    %dma_wait3A_188 = tpu.memref_slice %arg2[%add3A_138, %dma_wait3A_187] : memref<8192x1024xi32, #tpu.memory_space<hbm>> -> memref<16x1024xi32, #tpu.memory_space<hbm>>
    %dma_wait3A_189 = arith.constant 0 : i32
    %dma_wait3A_190 = tpu.memref_slice %arg2[%add3A_138, %dma_wait3A_189] : memref<8192x1024xi32, #tpu.memory_space<hbm>> -> memref<16x1024xi32, #tpu.memory_space<hbm>>
    tpu.wait_dma2 semaphore(%arg13 : memref<!tpu.dma_semaphore, #tpu.memory_space<semaphore_mem>>) src(%dma_wait3A_190 : memref<16x1024xi32, #tpu.memory_space<hbm>>) dst(%arg10 : memref<16x1024xi32, #tpu.memory_space<vmem>>)
    %dma_start3A_191 = arith.constant 0 : i32
    %dma_start3A_192 = arith.constant 0 : i32
    %dma_start3A_193 = tpu.memref_slice %arg4[%dma_start3A_191, %dma_start3A_192] : memref<8192x1024xi32, #tpu.memory_space<hbm>> -> memref<8192x1024xi32, #tpu.memory_space<hbm>>
    tpu.enqueue_indirect_dma source(%arg10 : memref<16x1024xi32, #tpu.memory_space<vmem>>) target(%dma_start3A_193 : memref<8192x1024xi32, #tpu.memory_space<hbm>>) offsets(%arg7 : memref<16xi32, #tpu.memory_space<vmem>>) semaphore(%arg16 : memref<!tpu.dma_semaphore, #tpu.memory_space<semaphore_mem>>)
    %dma_wait3A_194 = arith.constant 0 : i32
    %dma_wait3A_195 = arith.constant 0 : i32
    %dma_wait3A_196 = tpu.memref_slice %arg4[%dma_wait3A_194, %dma_wait3A_195] : memref<8192x1024xi32, #tpu.memory_space<hbm>> -> memref<8192x1024xi32, #tpu.memory_space<hbm>>
    tpu.wait_indirect_dma semaphore(%arg16 : memref<!tpu.dma_semaphore, #tpu.memory_space<semaphore_mem>>) src(%arg10 : memref<16x1024xi32, #tpu.memory_space<vmem>>) dst(%dma_wait3A_196 : memref<8192x1024xi32, #tpu.memory_space<hbm>>)
    %add3A_197 = arith.constant 176 : i32
    %add3A_198 = arith.addi %mul3A_2, %add3A_197 : i32
    %dma_start3A_199 = tpu.memref_slice %arg3[%add3A_198] : memref<8192xi32, #tpu.memory_space<hbm>> -> memref<16xi32, #tpu.memory_space<hbm>>
    %dma_start3A_200 = tpu.memref_slice %arg3[%add3A_198] : memref<8192xi32, #tpu.memory_space<hbm>> -> memref<16xi32, #tpu.memory_space<hbm>>
    tpu.enqueue_dma source(%dma_start3A_200 : memref<16xi32, #tpu.memory_space<hbm>>) target(%arg7 : memref<16xi32, #tpu.memory_space<vmem>>) target_semaphore(%arg13 : memref<!tpu.dma_semaphore, #tpu.memory_space<semaphore_mem>>)
    %dma_start3A_201 = arith.constant 0 : i32
    %dma_start3A_202 = tpu.memref_slice %arg2[%add3A_198, %dma_start3A_201] : memref<8192x1024xi32, #tpu.memory_space<hbm>> -> memref<16x1024xi32, #tpu.memory_space<hbm>>
    %dma_start3A_203 = arith.constant 0 : i32
    %dma_start3A_204 = tpu.memref_slice %arg2[%add3A_198, %dma_start3A_203] : memref<8192x1024xi32, #tpu.memory_space<hbm>> -> memref<16x1024xi32, #tpu.memory_space<hbm>>
    tpu.enqueue_dma source(%dma_start3A_204 : memref<16x1024xi32, #tpu.memory_space<hbm>>) target(%arg10 : memref<16x1024xi32, #tpu.memory_space<vmem>>) target_semaphore(%arg13 : memref<!tpu.dma_semaphore, #tpu.memory_space<semaphore_mem>>)
    %dma_wait3A_205 = tpu.memref_slice %arg3[%add3A_158] : memref<8192xi32, #tpu.memory_space<hbm>> -> memref<16xi32, #tpu.memory_space<hbm>>
    %dma_wait3A_206 = tpu.memref_slice %arg3[%add3A_158] : memref<8192xi32, #tpu.memory_space<hbm>> -> memref<16xi32, #tpu.memory_space<hbm>>
    tpu.wait_dma2 semaphore(%arg11 : memref<!tpu.dma_semaphore, #tpu.memory_space<semaphore_mem>>) src(%dma_wait3A_206 : memref<16xi32, #tpu.memory_space<hbm>>) dst(%arg5 : memref<16xi32, #tpu.memory_space<vmem>>)
    %dma_wait3A_207 = arith.constant 0 : i32
    %dma_wait3A_208 = tpu.memref_slice %arg2[%add3A_158, %dma_wait3A_207] : memref<8192x1024xi32, #tpu.memory_space<hbm>> -> memref<16x1024xi32, #tpu.memory_space<hbm>>
    %dma_wait3A_209 = arith.constant 0 : i32
    %dma_wait3A_210 = tpu.memref_slice %arg2[%add3A_158, %dma_wait3A_209] : memref<8192x1024xi32, #tpu.memory_space<hbm>> -> memref<16x1024xi32, #tpu.memory_space<hbm>>
    tpu.wait_dma2 semaphore(%arg11 : memref<!tpu.dma_semaphore, #tpu.memory_space<semaphore_mem>>) src(%dma_wait3A_210 : memref<16x1024xi32, #tpu.memory_space<hbm>>) dst(%arg8 : memref<16x1024xi32, #tpu.memory_space<vmem>>)
    %dma_start3A_211 = arith.constant 0 : i32
    %dma_start3A_212 = arith.constant 0 : i32
    %dma_start3A_213 = tpu.memref_slice %arg4[%dma_start3A_211, %dma_start3A_212] : memref<8192x1024xi32, #tpu.memory_space<hbm>> -> memref<8192x1024xi32, #tpu.memory_space<hbm>>
    tpu.enqueue_indirect_dma source(%arg8 : memref<16x1024xi32, #tpu.memory_space<vmem>>) target(%dma_start3A_213 : memref<8192x1024xi32, #tpu.memory_space<hbm>>) offsets(%arg5 : memref<16xi32, #tpu.memory_space<vmem>>) semaphore(%arg14 : memref<!tpu.dma_semaphore, #tpu.memory_space<semaphore_mem>>)
    %dma_wait3A_214 = arith.constant 0 : i32
    %dma_wait3A_215 = arith.constant 0 : i32
    %dma_wait3A_216 = tpu.memref_slice %arg4[%dma_wait3A_214, %dma_wait3A_215] : memref<8192x1024xi32, #tpu.memory_space<hbm>> -> memref<8192x1024xi32, #tpu.memory_space<hbm>>
    tpu.wait_indirect_dma semaphore(%arg14 : memref<!tpu.dma_semaphore, #tpu.memory_space<semaphore_mem>>) src(%arg8 : memref<16x1024xi32, #tpu.memory_space<vmem>>) dst(%dma_wait3A_216 : memref<8192x1024xi32, #tpu.memory_space<hbm>>)
    %add3A_217 = arith.constant 192 : i32
    %add3A_218 = arith.addi %mul3A_2, %add3A_217 : i32
    %dma_start3A_219 = tpu.memref_slice %arg3[%add3A_218] : memref<8192xi32, #tpu.memory_space<hbm>> -> memref<16xi32, #tpu.memory_space<hbm>>
    %dma_start3A_220 = tpu.memref_slice %arg3[%add3A_218] : memref<8192xi32, #tpu.memory_space<hbm>> -> memref<16xi32, #tpu.memory_space<hbm>>
    tpu.enqueue_dma source(%dma_start3A_220 : memref<16xi32, #tpu.memory_space<hbm>>) target(%arg5 : memref<16xi32, #tpu.memory_space<vmem>>) target_semaphore(%arg11 : memref<!tpu.dma_semaphore, #tpu.memory_space<semaphore_mem>>)
    %dma_start3A_221 = arith.constant 0 : i32
    %dma_start3A_222 = tpu.memref_slice %arg2[%add3A_218, %dma_start3A_221] : memref<8192x1024xi32, #tpu.memory_space<hbm>> -> memref<16x1024xi32, #tpu.memory_space<hbm>>
    %dma_start3A_223 = arith.constant 0 : i32
    %dma_start3A_224 = tpu.memref_slice %arg2[%add3A_218, %dma_start3A_223] : memref<8192x1024xi32, #tpu.memory_space<hbm>> -> memref<16x1024xi32, #tpu.memory_space<hbm>>
    tpu.enqueue_dma source(%dma_start3A_224 : memref<16x1024xi32, #tpu.memory_space<hbm>>) target(%arg8 : memref<16x1024xi32, #tpu.memory_space<vmem>>) target_semaphore(%arg11 : memref<!tpu.dma_semaphore, #tpu.memory_space<semaphore_mem>>)
    %dma_wait3A_225 = tpu.memref_slice %arg3[%add3A_178] : memref<8192xi32, #tpu.memory_space<hbm>> -> memref<16xi32, #tpu.memory_space<hbm>>
    %dma_wait3A_226 = tpu.memref_slice %arg3[%add3A_178] : memref<8192xi32, #tpu.memory_space<hbm>> -> memref<16xi32, #tpu.memory_space<hbm>>
    tpu.wait_dma2 semaphore(%arg12 : memref<!tpu.dma_semaphore, #tpu.memory_space<semaphore_mem>>) src(%dma_wait3A_226 : memref<16xi32, #tpu.memory_space<hbm>>) dst(%arg6 : memref<16xi32, #tpu.memory_space<vmem>>)
    %dma_wait3A_227 = arith.constant 0 : i32
    %dma_wait3A_228 = tpu.memref_slice %arg2[%add3A_178, %dma_wait3A_227] : memref<8192x1024xi32, #tpu.memory_space<hbm>> -> memref<16x1024xi32, #tpu.memory_space<hbm>>
    %dma_wait3A_229 = arith.constant 0 : i32
    %dma_wait3A_230 = tpu.memref_slice %arg2[%add3A_178, %dma_wait3A_229] : memref<8192x1024xi32, #tpu.memory_space<hbm>> -> memref<16x1024xi32, #tpu.memory_space<hbm>>
    tpu.wait_dma2 semaphore(%arg12 : memref<!tpu.dma_semaphore, #tpu.memory_space<semaphore_mem>>) src(%dma_wait3A_230 : memref<16x1024xi32, #tpu.memory_space<hbm>>) dst(%arg9 : memref<16x1024xi32, #tpu.memory_space<vmem>>)
    %dma_start3A_231 = arith.constant 0 : i32
    %dma_start3A_232 = arith.constant 0 : i32
    %dma_start3A_233 = tpu.memref_slice %arg4[%dma_start3A_231, %dma_start3A_232] : memref<8192x1024xi32, #tpu.memory_space<hbm>> -> memref<8192x1024xi32, #tpu.memory_space<hbm>>
    tpu.enqueue_indirect_dma source(%arg9 : memref<16x1024xi32, #tpu.memory_space<vmem>>) target(%dma_start3A_233 : memref<8192x1024xi32, #tpu.memory_space<hbm>>) offsets(%arg6 : memref<16xi32, #tpu.memory_space<vmem>>) semaphore(%arg15 : memref<!tpu.dma_semaphore, #tpu.memory_space<semaphore_mem>>)
    %dma_wait3A_234 = arith.constant 0 : i32
    %dma_wait3A_235 = arith.constant 0 : i32
    %dma_wait3A_236 = tpu.memref_slice %arg4[%dma_wait3A_234, %dma_wait3A_235] : memref<8192x1024xi32, #tpu.memory_space<hbm>> -> memref<8192x1024xi32, #tpu.memory_space<hbm>>
    tpu.wait_indirect_dma semaphore(%arg15 : memref<!tpu.dma_semaphore, #tpu.memory_space<semaphore_mem>>) src(%arg9 : memref<16x1024xi32, #tpu.memory_space<vmem>>) dst(%dma_wait3A_236 : memref<8192x1024xi32, #tpu.memory_space<hbm>>)
    %add3A_237 = arith.constant 208 : i32
    %add3A_238 = arith.addi %mul3A_2, %add3A_237 : i32
    %dma_start3A_239 = tpu.memref_slice %arg3[%add3A_238] : memref<8192xi32, #tpu.memory_space<hbm>> -> memref<16xi32, #tpu.memory_space<hbm>>
    %dma_start3A_240 = tpu.memref_slice %arg3[%add3A_238] : memref<8192xi32, #tpu.memory_space<hbm>> -> memref<16xi32, #tpu.memory_space<hbm>>
    tpu.enqueue_dma source(%dma_start3A_240 : memref<16xi32, #tpu.memory_space<hbm>>) target(%arg6 : memref<16xi32, #tpu.memory_space<vmem>>) target_semaphore(%arg12 : memref<!tpu.dma_semaphore, #tpu.memory_space<semaphore_mem>>)
    %dma_start3A_241 = arith.constant 0 : i32
    %dma_start3A_242 = tpu.memref_slice %arg2[%add3A_238, %dma_start3A_241] : memref<8192x1024xi32, #tpu.memory_space<hbm>> -> memref<16x1024xi32, #tpu.memory_space<hbm>>
    %dma_start3A_243 = arith.constant 0 : i32
    %dma_start3A_244 = tpu.memref_slice %arg2[%add3A_238, %dma_start3A_243] : memref<8192x1024xi32, #tpu.memory_space<hbm>> -> memref<16x1024xi32, #tpu.memory_space<hbm>>
    tpu.enqueue_dma source(%dma_start3A_244 : memref<16x1024xi32, #tpu.memory_space<hbm>>) target(%arg9 : memref<16x1024xi32, #tpu.memory_space<vmem>>) target_semaphore(%arg12 : memref<!tpu.dma_semaphore, #tpu.memory_space<semaphore_mem>>)
    %dma_wait3A_245 = tpu.memref_slice %arg3[%add3A_198] : memref<8192xi32, #tpu.memory_space<hbm>> -> memref<16xi32, #tpu.memory_space<hbm>>
    %dma_wait3A_246 = tpu.memref_slice %arg3[%add3A_198] : memref<8192xi32, #tpu.memory_space<hbm>> -> memref<16xi32, #tpu.memory_space<hbm>>
    tpu.wait_dma2 semaphore(%arg13 : memref<!tpu.dma_semaphore, #tpu.memory_space<semaphore_mem>>) src(%dma_wait3A_246 : memref<16xi32, #tpu.memory_space<hbm>>) dst(%arg7 : memref<16xi32, #tpu.memory_space<vmem>>)
    %dma_wait3A_247 = arith.constant 0 : i32
    %dma_wait3A_248 = tpu.memref_slice %arg2[%add3A_198, %dma_wait3A_247] : memref<8192x1024xi32, #tpu.memory_space<hbm>> -> memref<16x1024xi32, #tpu.memory_space<hbm>>
    %dma_wait3A_249 = arith.constant 0 : i32
    %dma_wait3A_250 = tpu.memref_slice %arg2[%add3A_198, %dma_wait3A_249] : memref<8192x1024xi32, #tpu.memory_space<hbm>> -> memref<16x1024xi32, #tpu.memory_space<hbm>>
    tpu.wait_dma2 semaphore(%arg13 : memref<!tpu.dma_semaphore, #tpu.memory_space<semaphore_mem>>) src(%dma_wait3A_250 : memref<16x1024xi32, #tpu.memory_space<hbm>>) dst(%arg10 : memref<16x1024xi32, #tpu.memory_space<vmem>>)
    %dma_start3A_251 = arith.constant 0 : i32
    %dma_start3A_252 = arith.constant 0 : i32
    %dma_start3A_253 = tpu.memref_slice %arg4[%dma_start3A_251, %dma_start3A_252] : memref<8192x1024xi32, #tpu.memory_space<hbm>> -> memref<8192x1024xi32, #tpu.memory_space<hbm>>
    tpu.enqueue_indirect_dma source(%arg10 : memref<16x1024xi32, #tpu.memory_space<vmem>>) target(%dma_start3A_253 : memref<8192x1024xi32, #tpu.memory_space<hbm>>) offsets(%arg7 : memref<16xi32, #tpu.memory_space<vmem>>) semaphore(%arg16 : memref<!tpu.dma_semaphore, #tpu.memory_space<semaphore_mem>>)
    %dma_wait3A_254 = arith.constant 0 : i32
    %dma_wait3A_255 = arith.constant 0 : i32
    %dma_wait3A_256 = tpu.memref_slice %arg4[%dma_wait3A_254, %dma_wait3A_255] : memref<8192x1024xi32, #tpu.memory_space<hbm>> -> memref<8192x1024xi32, #tpu.memory_space<hbm>>
    tpu.wait_indirect_dma semaphore(%arg16 : memref<!tpu.dma_semaphore, #tpu.memory_space<semaphore_mem>>) src(%arg10 : memref<16x1024xi32, #tpu.memory_space<vmem>>) dst(%dma_wait3A_256 : memref<8192x1024xi32, #tpu.memory_space<hbm>>)
    %add3A_257 = arith.constant 224 : i32
    %add3A_258 = arith.addi %mul3A_2, %add3A_257 : i32
    %dma_start3A_259 = tpu.memref_slice %arg3[%add3A_258] : memref<8192xi32, #tpu.memory_space<hbm>> -> memref<16xi32, #tpu.memory_space<hbm>>
    %dma_start3A_260 = tpu.memref_slice %arg3[%add3A_258] : memref<8192xi32, #tpu.memory_space<hbm>> -> memref<16xi32, #tpu.memory_space<hbm>>
    tpu.enqueue_dma source(%dma_start3A_260 : memref<16xi32, #tpu.memory_space<hbm>>) target(%arg7 : memref<16xi32, #tpu.memory_space<vmem>>) target_semaphore(%arg13 : memref<!tpu.dma_semaphore, #tpu.memory_space<semaphore_mem>>)
    %dma_start3A_261 = arith.constant 0 : i32
    %dma_start3A_262 = tpu.memref_slice %arg2[%add3A_258, %dma_start3A_261] : memref<8192x1024xi32, #tpu.memory_space<hbm>> -> memref<16x1024xi32, #tpu.memory_space<hbm>>
    %dma_start3A_263 = arith.constant 0 : i32
    %dma_start3A_264 = tpu.memref_slice %arg2[%add3A_258, %dma_start3A_263] : memref<8192x1024xi32, #tpu.memory_space<hbm>> -> memref<16x1024xi32, #tpu.memory_space<hbm>>
    tpu.enqueue_dma source(%dma_start3A_264 : memref<16x1024xi32, #tpu.memory_space<hbm>>) target(%arg10 : memref<16x1024xi32, #tpu.memory_space<vmem>>) target_semaphore(%arg13 : memref<!tpu.dma_semaphore, #tpu.memory_space<semaphore_mem>>)
    %dma_wait3A_265 = tpu.memref_slice %arg3[%add3A_218] : memref<8192xi32, #tpu.memory_space<hbm>> -> memref<16xi32, #tpu.memory_space<hbm>>
    %dma_wait3A_266 = tpu.memref_slice %arg3[%add3A_218] : memref<8192xi32, #tpu.memory_space<hbm>> -> memref<16xi32, #tpu.memory_space<hbm>>
    tpu.wait_dma2 semaphore(%arg11 : memref<!tpu.dma_semaphore, #tpu.memory_space<semaphore_mem>>) src(%dma_wait3A_266 : memref<16xi32, #tpu.memory_space<hbm>>) dst(%arg5 : memref<16xi32, #tpu.memory_space<vmem>>)
    %dma_wait3A_267 = arith.constant 0 : i32
    %dma_wait3A_268 = tpu.memref_slice %arg2[%add3A_218, %dma_wait3A_267] : memref<8192x1024xi32, #tpu.memory_space<hbm>> -> memref<16x1024xi32, #tpu.memory_space<hbm>>
    %dma_wait3A_269 = arith.constant 0 : i32
    %dma_wait3A_270 = tpu.memref_slice %arg2[%add3A_218, %dma_wait3A_269] : memref<8192x1024xi32, #tpu.memory_space<hbm>> -> memref<16x1024xi32, #tpu.memory_space<hbm>>
    tpu.wait_dma2 semaphore(%arg11 : memref<!tpu.dma_semaphore, #tpu.memory_space<semaphore_mem>>) src(%dma_wait3A_270 : memref<16x1024xi32, #tpu.memory_space<hbm>>) dst(%arg8 : memref<16x1024xi32, #tpu.memory_space<vmem>>)
    %dma_start3A_271 = arith.constant 0 : i32
    %dma_start3A_272 = arith.constant 0 : i32
    %dma_start3A_273 = tpu.memref_slice %arg4[%dma_start3A_271, %dma_start3A_272] : memref<8192x1024xi32, #tpu.memory_space<hbm>> -> memref<8192x1024xi32, #tpu.memory_space<hbm>>
    tpu.enqueue_indirect_dma source(%arg8 : memref<16x1024xi32, #tpu.memory_space<vmem>>) target(%dma_start3A_273 : memref<8192x1024xi32, #tpu.memory_space<hbm>>) offsets(%arg5 : memref<16xi32, #tpu.memory_space<vmem>>) semaphore(%arg14 : memref<!tpu.dma_semaphore, #tpu.memory_space<semaphore_mem>>)
    %dma_wait3A_274 = arith.constant 0 : i32
    %dma_wait3A_275 = arith.constant 0 : i32
    %dma_wait3A_276 = tpu.memref_slice %arg4[%dma_wait3A_274, %dma_wait3A_275] : memref<8192x1024xi32, #tpu.memory_space<hbm>> -> memref<8192x1024xi32, #tpu.memory_space<hbm>>
    tpu.wait_indirect_dma semaphore(%arg14 : memref<!tpu.dma_semaphore, #tpu.memory_space<semaphore_mem>>) src(%arg8 : memref<16x1024xi32, #tpu.memory_space<vmem>>) dst(%dma_wait3A_276 : memref<8192x1024xi32, #tpu.memory_space<hbm>>)
    %add3A_277 = arith.constant 240 : i32
    %add3A_278 = arith.addi %mul3A_2, %add3A_277 : i32
    %dma_start3A_279 = tpu.memref_slice %arg3[%add3A_278] : memref<8192xi32, #tpu.memory_space<hbm>> -> memref<16xi32, #tpu.memory_space<hbm>>
    %dma_start3A_280 = tpu.memref_slice %arg3[%add3A_278] : memref<8192xi32, #tpu.memory_space<hbm>> -> memref<16xi32, #tpu.memory_space<hbm>>
    tpu.enqueue_dma source(%dma_start3A_280 : memref<16xi32, #tpu.memory_space<hbm>>) target(%arg5 : memref<16xi32, #tpu.memory_space<vmem>>) target_semaphore(%arg11 : memref<!tpu.dma_semaphore, #tpu.memory_space<semaphore_mem>>)
    %dma_start3A_281 = arith.constant 0 : i32
    %dma_start3A_282 = tpu.memref_slice %arg2[%add3A_278, %dma_start3A_281] : memref<8192x1024xi32, #tpu.memory_space<hbm>> -> memref<16x1024xi32, #tpu.memory_space<hbm>>
    %dma_start3A_283 = arith.constant 0 : i32
    %dma_start3A_284 = tpu.memref_slice %arg2[%add3A_278, %dma_start3A_283] : memref<8192x1024xi32, #tpu.memory_space<hbm>> -> memref<16x1024xi32, #tpu.memory_space<hbm>>
    tpu.enqueue_dma source(%dma_start3A_284 : memref<16x1024xi32, #tpu.memory_space<hbm>>) target(%arg8 : memref<16x1024xi32, #tpu.memory_space<vmem>>) target_semaphore(%arg11 : memref<!tpu.dma_semaphore, #tpu.memory_space<semaphore_mem>>)
    %dma_wait3A_285 = tpu.memref_slice %arg3[%add3A_238] : memref<8192xi32, #tpu.memory_space<hbm>> -> memref<16xi32, #tpu.memory_space<hbm>>
    %dma_wait3A_286 = tpu.memref_slice %arg3[%add3A_238] : memref<8192xi32, #tpu.memory_space<hbm>> -> memref<16xi32, #tpu.memory_space<hbm>>
    tpu.wait_dma2 semaphore(%arg12 : memref<!tpu.dma_semaphore, #tpu.memory_space<semaphore_mem>>) src(%dma_wait3A_286 : memref<16xi32, #tpu.memory_space<hbm>>) dst(%arg6 : memref<16xi32, #tpu.memory_space<vmem>>)
    %dma_wait3A_287 = arith.constant 0 : i32
    %dma_wait3A_288 = tpu.memref_slice %arg2[%add3A_238, %dma_wait3A_287] : memref<8192x1024xi32, #tpu.memory_space<hbm>> -> memref<16x1024xi32, #tpu.memory_space<hbm>>
    %dma_wait3A_289 = arith.constant 0 : i32
    %dma_wait3A_290 = tpu.memref_slice %arg2[%add3A_238, %dma_wait3A_289] : memref<8192x1024xi32, #tpu.memory_space<hbm>> -> memref<16x1024xi32, #tpu.memory_space<hbm>>
    tpu.wait_dma2 semaphore(%arg12 : memref<!tpu.dma_semaphore, #tpu.memory_space<semaphore_mem>>) src(%dma_wait3A_290 : memref<16x1024xi32, #tpu.memory_space<hbm>>) dst(%arg9 : memref<16x1024xi32, #tpu.memory_space<vmem>>)
    %dma_start3A_291 = arith.constant 0 : i32
    %dma_start3A_292 = arith.constant 0 : i32
    %dma_start3A_293 = tpu.memref_slice %arg4[%dma_start3A_291, %dma_start3A_292] : memref<8192x1024xi32, #tpu.memory_space<hbm>> -> memref<8192x1024xi32, #tpu.memory_space<hbm>>
    tpu.enqueue_indirect_dma source(%arg9 : memref<16x1024xi32, #tpu.memory_space<vmem>>) target(%dma_start3A_293 : memref<8192x1024xi32, #tpu.memory_space<hbm>>) offsets(%arg6 : memref<16xi32, #tpu.memory_space<vmem>>) semaphore(%arg15 : memref<!tpu.dma_semaphore, #tpu.memory_space<semaphore_mem>>)
    %dma_wait3A_294 = tpu.memref_slice %arg3[%add3A_258] : memref<8192xi32, #tpu.memory_space<hbm>> -> memref<16xi32, #tpu.memory_space<hbm>>
    %dma_wait3A_295 = tpu.memref_slice %arg3[%add3A_258] : memref<8192xi32, #tpu.memory_space<hbm>> -> memref<16xi32, #tpu.memory_space<hbm>>
    tpu.wait_dma2 semaphore(%arg13 : memref<!tpu.dma_semaphore, #tpu.memory_space<semaphore_mem>>) src(%dma_wait3A_295 : memref<16xi32, #tpu.memory_space<hbm>>) dst(%arg7 : memref<16xi32, #tpu.memory_space<vmem>>)
    %dma_wait3A_296 = arith.constant 0 : i32
    %dma_wait3A_297 = tpu.memref_slice %arg2[%add3A_258, %dma_wait3A_296] : memref<8192x1024xi32, #tpu.memory_space<hbm>> -> memref<16x1024xi32, #tpu.memory_space<hbm>>
    %dma_wait3A_298 = arith.constant 0 : i32
    %dma_wait3A_299 = tpu.memref_slice %arg2[%add3A_258, %dma_wait3A_298] : memref<8192x1024xi32, #tpu.memory_space<hbm>> -> memref<16x1024xi32, #tpu.memory_space<hbm>>
    tpu.wait_dma2 semaphore(%arg13 : memref<!tpu.dma_semaphore, #tpu.memory_space<semaphore_mem>>) src(%dma_wait3A_299 : memref<16x1024xi32, #tpu.memory_space<hbm>>) dst(%arg10 : memref<16x1024xi32, #tpu.memory_space<vmem>>)
    %dma_start3A_300 = arith.constant 0 : i32
    %dma_start3A_301 = arith.constant 0 : i32
    %dma_start3A_302 = tpu.memref_slice %arg4[%dma_start3A_300, %dma_start3A_301] : memref<8192x1024xi32, #tpu.memory_space<hbm>> -> memref<8192x1024xi32, #tpu.memory_space<hbm>>
    tpu.enqueue_indirect_dma source(%arg10 : memref<16x1024xi32, #tpu.memory_space<vmem>>) target(%dma_start3A_302 : memref<8192x1024xi32, #tpu.memory_space<hbm>>) offsets(%arg7 : memref<16xi32, #tpu.memory_space<vmem>>) semaphore(%arg16 : memref<!tpu.dma_semaphore, #tpu.memory_space<semaphore_mem>>)
    %dma_wait3A_303 = tpu.memref_slice %arg3[%add3A_278] : memref<8192xi32, #tpu.memory_space<hbm>> -> memref<16xi32, #tpu.memory_space<hbm>>
    %dma_wait3A_304 = tpu.memref_slice %arg3[%add3A_278] : memref<8192xi32, #tpu.memory_space<hbm>> -> memref<16xi32, #tpu.memory_space<hbm>>
    tpu.wait_dma2 semaphore(%arg11 : memref<!tpu.dma_semaphore, #tpu.memory_space<semaphore_mem>>) src(%dma_wait3A_304 : memref<16xi32, #tpu.memory_space<hbm>>) dst(%arg5 : memref<16xi32, #tpu.memory_space<vmem>>)
    %dma_wait3A_305 = arith.constant 0 : i32
    %dma_wait3A_306 = tpu.memref_slice %arg2[%add3A_278, %dma_wait3A_305] : memref<8192x1024xi32, #tpu.memory_space<hbm>> -> memref<16x1024xi32, #tpu.memory_space<hbm>>
    %dma_wait3A_307 = arith.constant 0 : i32
    %dma_wait3A_308 = tpu.memref_slice %arg2[%add3A_278, %dma_wait3A_307] : memref<8192x1024xi32, #tpu.memory_space<hbm>> -> memref<16x1024xi32, #tpu.memory_space<hbm>>
    tpu.wait_dma2 semaphore(%arg11 : memref<!tpu.dma_semaphore, #tpu.memory_space<semaphore_mem>>) src(%dma_wait3A_308 : memref<16x1024xi32, #tpu.memory_space<hbm>>) dst(%arg8 : memref<16x1024xi32, #tpu.memory_space<vmem>>)
    %dma_start3A_309 = arith.constant 0 : i32
    %dma_start3A_310 = arith.constant 0 : i32
    %dma_start3A_311 = tpu.memref_slice %arg4[%dma_start3A_309, %dma_start3A_310] : memref<8192x1024xi32, #tpu.memory_space<hbm>> -> memref<8192x1024xi32, #tpu.memory_space<hbm>>
    tpu.enqueue_indirect_dma source(%arg8 : memref<16x1024xi32, #tpu.memory_space<vmem>>) target(%dma_start3A_311 : memref<8192x1024xi32, #tpu.memory_space<hbm>>) offsets(%arg5 : memref<16xi32, #tpu.memory_space<vmem>>) semaphore(%arg14 : memref<!tpu.dma_semaphore, #tpu.memory_space<semaphore_mem>>)
    %dma_wait3A_312 = arith.constant 0 : i32
    %dma_wait3A_313 = arith.constant 0 : i32
    %dma_wait3A_314 = tpu.memref_slice %arg4[%dma_wait3A_312, %dma_wait3A_313] : memref<8192x1024xi32, #tpu.memory_space<hbm>> -> memref<8192x1024xi32, #tpu.memory_space<hbm>>
    tpu.wait_indirect_dma semaphore(%arg14 : memref<!tpu.dma_semaphore, #tpu.memory_space<semaphore_mem>>) src(%arg8 : memref<16x1024xi32, #tpu.memory_space<vmem>>) dst(%dma_wait3A_314 : memref<8192x1024xi32, #tpu.memory_space<hbm>>)
    %dma_wait3A_315 = arith.constant 0 : i32
    %dma_wait3A_316 = arith.constant 0 : i32
    %dma_wait3A_317 = tpu.memref_slice %arg4[%dma_wait3A_315, %dma_wait3A_316] : memref<8192x1024xi32, #tpu.memory_space<hbm>> -> memref<8192x1024xi32, #tpu.memory_space<hbm>>
    tpu.wait_indirect_dma semaphore(%arg15 : memref<!tpu.dma_semaphore, #tpu.memory_space<semaphore_mem>>) src(%arg9 : memref<16x1024xi32, #tpu.memory_space<vmem>>) dst(%dma_wait3A_317 : memref<8192x1024xi32, #tpu.memory_space<hbm>>)
    %dma_wait3A_318 = arith.constant 0 : i32
    %dma_wait3A_319 = arith.constant 0 : i32
    %dma_wait3A_320 = tpu.memref_slice %arg4[%dma_wait3A_318, %dma_wait3A_319] : memref<8192x1024xi32, #tpu.memory_space<hbm>> -> memref<8192x1024xi32, #tpu.memory_space<hbm>>
    tpu.wait_indirect_dma semaphore(%arg16 : memref<!tpu.dma_semaphore, #tpu.memory_space<semaphore_mem>>) src(%arg10 : memref<16x1024xi32, #tpu.memory_space<vmem>>) dst(%dma_wait3A_320 : memref<8192x1024xi32, #tpu.memory_space<hbm>>)
    return
  }
}

#map = affine_map<(d0, d1) -> (0, 0)>
#map1 = affine_map<(d0, d1) -> (0)>
module attributes {stable_mosaic.version = 14 : i64} {
  func.func @body(%arg0: i32, %arg1: i32, %arg2: memref<8192x2048xf32, #tpu.memory_space<hbm>>, %arg3: memref<8192xi32, #tpu.memory_space<hbm>>, %arg4: memref<8192x2048xf32, #tpu.memory_space<hbm>>, %arg5: memref<16xi32, #tpu.memory_space<vmem>>, %arg6: memref<16xi32, #tpu.memory_space<vmem>>, %arg7: memref<16xi32, #tpu.memory_space<vmem>>, %arg8: memref<16x2048xf32, #tpu.memory_space<vmem>>, %arg9: memref<16x2048xf32, #tpu.memory_space<vmem>>, %arg10: memref<16x2048xf32, #tpu.memory_space<vmem>>, %arg11: memref<!tpu.dma_semaphore, #tpu.memory_space<semaphore_mem>>, %arg12: memref<!tpu.dma_semaphore, #tpu.memory_space<semaphore_mem>>, %arg13: memref<!tpu.dma_semaphore, #tpu.memory_space<semaphore_mem>>, %arg14: memref<!tpu.dma_semaphore, #tpu.memory_space<semaphore_mem>>, %arg15: memref<!tpu.dma_semaphore, #tpu.memory_space<semaphore_mem>>, %arg16: memref<!tpu.dma_semaphore, #tpu.memory_space<semaphore_mem>>) attributes {dimension_semantics = [#tpu.dimension_semantics<core_parallel>, #tpu.dimension_semantics<subcore_parallel>], iteration_bounds = array<i64: 2, 16>, scalar_prefetch = 0 : i64, scratch_operands = 12 : i64, tpu.core_type = #tpu.core_type<sc_vector_subcore>, window_params = [{transform_indices = #map}, {transform_indices = #map1}, {transform_indices = #map}]} {
    %mul3A = arith.constant 2 : i32
    %mul3A_0 = arith.muli %arg1, %mul3A : i32
    %add3A = arith.addi %mul3A_0, %arg0 : i32
    %mul3A_1 = arith.constant 256 : i32
    %mul3A_2 = arith.muli %add3A, %mul3A_1 : i32
    %add3A_3 = arith.constant 0 : i32
    %add3A_4 = arith.addi %mul3A_2, %add3A_3 : i32
    "tpu.region"() ({
      %run_scoped3A = tpu.sem_alloc : memref<!tpu.dma_semaphore, #tpu.memory_space<semaphore_mem>>
      %dma_start3A_289 = tpu.memref_slice %arg3[%add3A_4] : memref<8192xi32, #tpu.memory_space<hbm>> -> memref<16xi32, #tpu.memory_space<hbm>>
      %dma_start3A_290 = tpu.memref_slice %arg3[%add3A_4] : memref<8192xi32, #tpu.memory_space<hbm>> -> memref<16xi32, #tpu.memory_space<hbm>>
      tpu.enqueue_dma source(%dma_start3A_290 : memref<16xi32, #tpu.memory_space<hbm>>) target(%arg5 : memref<16xi32, #tpu.memory_space<vmem>>) target_semaphore(%run_scoped3A : memref<!tpu.dma_semaphore, #tpu.memory_space<semaphore_mem>>)
      %dma_wait3A_291 = tpu.memref_slice %arg3[%add3A_4] : memref<8192xi32, #tpu.memory_space<hbm>> -> memref<16xi32, #tpu.memory_space<hbm>>
      %dma_wait3A_292 = tpu.memref_slice %arg3[%add3A_4] : memref<8192xi32, #tpu.memory_space<hbm>> -> memref<16xi32, #tpu.memory_space<hbm>>
      tpu.wait_dma2 semaphore(%run_scoped3A : memref<!tpu.dma_semaphore, #tpu.memory_space<semaphore_mem>>) src(%dma_wait3A_292 : memref<16xi32, #tpu.memory_space<hbm>>) dst(%arg5 : memref<16xi32, #tpu.memory_space<vmem>>)
      tpu.yield
    }) : () -> ()
    %dma_start3A = arith.constant 0 : i32
    %dma_start3A_5 = arith.constant 0 : i32
    %dma_start3A_6 = tpu.memref_slice %arg2[%dma_start3A, %dma_start3A_5] : memref<8192x2048xf32, #tpu.memory_space<hbm>> -> memref<8192x2048xf32, #tpu.memory_space<hbm>>
    tpu.enqueue_indirect_dma source(%dma_start3A_6 : memref<8192x2048xf32, #tpu.memory_space<hbm>>) target(%arg8 : memref<16x2048xf32, #tpu.memory_space<vmem>>) offsets(%arg5 : memref<16xi32, #tpu.memory_space<vmem>>) semaphore(%arg11 : memref<!tpu.dma_semaphore, #tpu.memory_space<semaphore_mem>>)
    %add3A_7 = arith.constant 16 : i32
    %add3A_8 = arith.addi %mul3A_2, %add3A_7 : i32
    "tpu.region"() ({
      %run_scoped3A = tpu.sem_alloc : memref<!tpu.dma_semaphore, #tpu.memory_space<semaphore_mem>>
      %dma_start3A_289 = tpu.memref_slice %arg3[%add3A_8] : memref<8192xi32, #tpu.memory_space<hbm>> -> memref<16xi32, #tpu.memory_space<hbm>>
      %dma_start3A_290 = tpu.memref_slice %arg3[%add3A_8] : memref<8192xi32, #tpu.memory_space<hbm>> -> memref<16xi32, #tpu.memory_space<hbm>>
      tpu.enqueue_dma source(%dma_start3A_290 : memref<16xi32, #tpu.memory_space<hbm>>) target(%arg6 : memref<16xi32, #tpu.memory_space<vmem>>) target_semaphore(%run_scoped3A : memref<!tpu.dma_semaphore, #tpu.memory_space<semaphore_mem>>)
      %dma_wait3A_291 = tpu.memref_slice %arg3[%add3A_8] : memref<8192xi32, #tpu.memory_space<hbm>> -> memref<16xi32, #tpu.memory_space<hbm>>
      %dma_wait3A_292 = tpu.memref_slice %arg3[%add3A_8] : memref<8192xi32, #tpu.memory_space<hbm>> -> memref<16xi32, #tpu.memory_space<hbm>>
      tpu.wait_dma2 semaphore(%run_scoped3A : memref<!tpu.dma_semaphore, #tpu.memory_space<semaphore_mem>>) src(%dma_wait3A_292 : memref<16xi32, #tpu.memory_space<hbm>>) dst(%arg6 : memref<16xi32, #tpu.memory_space<vmem>>)
      tpu.yield
    }) : () -> ()
    %dma_start3A_9 = arith.constant 0 : i32
    %dma_start3A_10 = arith.constant 0 : i32
    %dma_start3A_11 = tpu.memref_slice %arg2[%dma_start3A_9, %dma_start3A_10] : memref<8192x2048xf32, #tpu.memory_space<hbm>> -> memref<8192x2048xf32, #tpu.memory_space<hbm>>
    tpu.enqueue_indirect_dma source(%dma_start3A_11 : memref<8192x2048xf32, #tpu.memory_space<hbm>>) target(%arg9 : memref<16x2048xf32, #tpu.memory_space<vmem>>) offsets(%arg6 : memref<16xi32, #tpu.memory_space<vmem>>) semaphore(%arg12 : memref<!tpu.dma_semaphore, #tpu.memory_space<semaphore_mem>>)
    %add3A_12 = arith.constant 32 : i32
    %add3A_13 = arith.addi %mul3A_2, %add3A_12 : i32
    "tpu.region"() ({
      %run_scoped3A = tpu.sem_alloc : memref<!tpu.dma_semaphore, #tpu.memory_space<semaphore_mem>>
      %dma_start3A_289 = tpu.memref_slice %arg3[%add3A_13] : memref<8192xi32, #tpu.memory_space<hbm>> -> memref<16xi32, #tpu.memory_space<hbm>>
      %dma_start3A_290 = tpu.memref_slice %arg3[%add3A_13] : memref<8192xi32, #tpu.memory_space<hbm>> -> memref<16xi32, #tpu.memory_space<hbm>>
      tpu.enqueue_dma source(%dma_start3A_290 : memref<16xi32, #tpu.memory_space<hbm>>) target(%arg7 : memref<16xi32, #tpu.memory_space<vmem>>) target_semaphore(%run_scoped3A : memref<!tpu.dma_semaphore, #tpu.memory_space<semaphore_mem>>)
      %dma_wait3A_291 = tpu.memref_slice %arg3[%add3A_13] : memref<8192xi32, #tpu.memory_space<hbm>> -> memref<16xi32, #tpu.memory_space<hbm>>
      %dma_wait3A_292 = tpu.memref_slice %arg3[%add3A_13] : memref<8192xi32, #tpu.memory_space<hbm>> -> memref<16xi32, #tpu.memory_space<hbm>>
      tpu.wait_dma2 semaphore(%run_scoped3A : memref<!tpu.dma_semaphore, #tpu.memory_space<semaphore_mem>>) src(%dma_wait3A_292 : memref<16xi32, #tpu.memory_space<hbm>>) dst(%arg7 : memref<16xi32, #tpu.memory_space<vmem>>)
      tpu.yield
    }) : () -> ()
    %dma_start3A_14 = arith.constant 0 : i32
    %dma_start3A_15 = arith.constant 0 : i32
    %dma_start3A_16 = tpu.memref_slice %arg2[%dma_start3A_14, %dma_start3A_15] : memref<8192x2048xf32, #tpu.memory_space<hbm>> -> memref<8192x2048xf32, #tpu.memory_space<hbm>>
    tpu.enqueue_indirect_dma source(%dma_start3A_16 : memref<8192x2048xf32, #tpu.memory_space<hbm>>) target(%arg10 : memref<16x2048xf32, #tpu.memory_space<vmem>>) offsets(%arg7 : memref<16xi32, #tpu.memory_space<vmem>>) semaphore(%arg13 : memref<!tpu.dma_semaphore, #tpu.memory_space<semaphore_mem>>)
    %dma_wait3A = arith.constant 0 : i32
    %dma_wait3A_17 = arith.constant 0 : i32
    %dma_wait3A_18 = tpu.memref_slice %arg2[%dma_wait3A, %dma_wait3A_17] : memref<8192x2048xf32, #tpu.memory_space<hbm>> -> memref<8192x2048xf32, #tpu.memory_space<hbm>>
    tpu.wait_indirect_dma semaphore(%arg11 : memref<!tpu.dma_semaphore, #tpu.memory_space<semaphore_mem>>) src(%dma_wait3A_18 : memref<8192x2048xf32, #tpu.memory_space<hbm>>) dst(%arg8 : memref<16x2048xf32, #tpu.memory_space<vmem>>)
    %add3A_19 = arith.constant 0 : i32
    %add3A_20 = arith.addi %mul3A_2, %add3A_19 : i32
    %dma_start3A_21 = arith.constant 0 : i32
    %dma_start3A_22 = tpu.memref_slice %arg4[%add3A_20, %dma_start3A_21] : memref<8192x2048xf32, #tpu.memory_space<hbm>> -> memref<16x2048xf32, #tpu.memory_space<hbm>>
    %dma_start3A_23 = arith.constant 0 : i32
    %dma_start3A_24 = tpu.memref_slice %arg4[%add3A_20, %dma_start3A_23] : memref<8192x2048xf32, #tpu.memory_space<hbm>> -> memref<16x2048xf32, #tpu.memory_space<hbm>>
    tpu.enqueue_dma source(%arg8 : memref<16x2048xf32, #tpu.memory_space<vmem>>) target(%dma_start3A_24 : memref<16x2048xf32, #tpu.memory_space<hbm>>) target_semaphore(%arg14 : memref<!tpu.dma_semaphore, #tpu.memory_space<semaphore_mem>>)
    %dma_wait3A_25 = arith.constant 0 : i32
    %dma_wait3A_26 = tpu.memref_slice %arg4[%add3A_20, %dma_wait3A_25] : memref<8192x2048xf32, #tpu.memory_space<hbm>> -> memref<16x2048xf32, #tpu.memory_space<hbm>>
    %dma_wait3A_27 = arith.constant 0 : i32
    %dma_wait3A_28 = tpu.memref_slice %arg4[%add3A_20, %dma_wait3A_27] : memref<8192x2048xf32, #tpu.memory_space<hbm>> -> memref<16x2048xf32, #tpu.memory_space<hbm>>
    tpu.wait_dma2 semaphore(%arg14 : memref<!tpu.dma_semaphore, #tpu.memory_space<semaphore_mem>>) src(%arg8 : memref<16x2048xf32, #tpu.memory_space<vmem>>) dst(%dma_wait3A_28 : memref<16x2048xf32, #tpu.memory_space<hbm>>)
    %add3A_29 = arith.constant 48 : i32
    %add3A_30 = arith.addi %mul3A_2, %add3A_29 : i32
    "tpu.region"() ({
      %run_scoped3A = tpu.sem_alloc : memref<!tpu.dma_semaphore, #tpu.memory_space<semaphore_mem>>
      %dma_start3A_289 = tpu.memref_slice %arg3[%add3A_30] : memref<8192xi32, #tpu.memory_space<hbm>> -> memref<16xi32, #tpu.memory_space<hbm>>
      %dma_start3A_290 = tpu.memref_slice %arg3[%add3A_30] : memref<8192xi32, #tpu.memory_space<hbm>> -> memref<16xi32, #tpu.memory_space<hbm>>
      tpu.enqueue_dma source(%dma_start3A_290 : memref<16xi32, #tpu.memory_space<hbm>>) target(%arg5 : memref<16xi32, #tpu.memory_space<vmem>>) target_semaphore(%run_scoped3A : memref<!tpu.dma_semaphore, #tpu.memory_space<semaphore_mem>>)
      %dma_wait3A_291 = tpu.memref_slice %arg3[%add3A_30] : memref<8192xi32, #tpu.memory_space<hbm>> -> memref<16xi32, #tpu.memory_space<hbm>>
      %dma_wait3A_292 = tpu.memref_slice %arg3[%add3A_30] : memref<8192xi32, #tpu.memory_space<hbm>> -> memref<16xi32, #tpu.memory_space<hbm>>
      tpu.wait_dma2 semaphore(%run_scoped3A : memref<!tpu.dma_semaphore, #tpu.memory_space<semaphore_mem>>) src(%dma_wait3A_292 : memref<16xi32, #tpu.memory_space<hbm>>) dst(%arg5 : memref<16xi32, #tpu.memory_space<vmem>>)
      tpu.yield
    }) : () -> ()
    %dma_start3A_31 = arith.constant 0 : i32
    %dma_start3A_32 = arith.constant 0 : i32
    %dma_start3A_33 = tpu.memref_slice %arg2[%dma_start3A_31, %dma_start3A_32] : memref<8192x2048xf32, #tpu.memory_space<hbm>> -> memref<8192x2048xf32, #tpu.memory_space<hbm>>
    tpu.enqueue_indirect_dma source(%dma_start3A_33 : memref<8192x2048xf32, #tpu.memory_space<hbm>>) target(%arg8 : memref<16x2048xf32, #tpu.memory_space<vmem>>) offsets(%arg5 : memref<16xi32, #tpu.memory_space<vmem>>) semaphore(%arg11 : memref<!tpu.dma_semaphore, #tpu.memory_space<semaphore_mem>>)
    %dma_wait3A_34 = arith.constant 0 : i32
    %dma_wait3A_35 = arith.constant 0 : i32
    %dma_wait3A_36 = tpu.memref_slice %arg2[%dma_wait3A_34, %dma_wait3A_35] : memref<8192x2048xf32, #tpu.memory_space<hbm>> -> memref<8192x2048xf32, #tpu.memory_space<hbm>>
    tpu.wait_indirect_dma semaphore(%arg12 : memref<!tpu.dma_semaphore, #tpu.memory_space<semaphore_mem>>) src(%dma_wait3A_36 : memref<8192x2048xf32, #tpu.memory_space<hbm>>) dst(%arg9 : memref<16x2048xf32, #tpu.memory_space<vmem>>)
    %add3A_37 = arith.constant 16 : i32
    %add3A_38 = arith.addi %mul3A_2, %add3A_37 : i32
    %dma_start3A_39 = arith.constant 0 : i32
    %dma_start3A_40 = tpu.memref_slice %arg4[%add3A_38, %dma_start3A_39] : memref<8192x2048xf32, #tpu.memory_space<hbm>> -> memref<16x2048xf32, #tpu.memory_space<hbm>>
    %dma_start3A_41 = arith.constant 0 : i32
    %dma_start3A_42 = tpu.memref_slice %arg4[%add3A_38, %dma_start3A_41] : memref<8192x2048xf32, #tpu.memory_space<hbm>> -> memref<16x2048xf32, #tpu.memory_space<hbm>>
    tpu.enqueue_dma source(%arg9 : memref<16x2048xf32, #tpu.memory_space<vmem>>) target(%dma_start3A_42 : memref<16x2048xf32, #tpu.memory_space<hbm>>) target_semaphore(%arg15 : memref<!tpu.dma_semaphore, #tpu.memory_space<semaphore_mem>>)
    %dma_wait3A_43 = arith.constant 0 : i32
    %dma_wait3A_44 = tpu.memref_slice %arg4[%add3A_38, %dma_wait3A_43] : memref<8192x2048xf32, #tpu.memory_space<hbm>> -> memref<16x2048xf32, #tpu.memory_space<hbm>>
    %dma_wait3A_45 = arith.constant 0 : i32
    %dma_wait3A_46 = tpu.memref_slice %arg4[%add3A_38, %dma_wait3A_45] : memref<8192x2048xf32, #tpu.memory_space<hbm>> -> memref<16x2048xf32, #tpu.memory_space<hbm>>
    tpu.wait_dma2 semaphore(%arg15 : memref<!tpu.dma_semaphore, #tpu.memory_space<semaphore_mem>>) src(%arg9 : memref<16x2048xf32, #tpu.memory_space<vmem>>) dst(%dma_wait3A_46 : memref<16x2048xf32, #tpu.memory_space<hbm>>)
    %add3A_47 = arith.constant 64 : i32
    %add3A_48 = arith.addi %mul3A_2, %add3A_47 : i32
    "tpu.region"() ({
      %run_scoped3A = tpu.sem_alloc : memref<!tpu.dma_semaphore, #tpu.memory_space<semaphore_mem>>
      %dma_start3A_289 = tpu.memref_slice %arg3[%add3A_48] : memref<8192xi32, #tpu.memory_space<hbm>> -> memref<16xi32, #tpu.memory_space<hbm>>
      %dma_start3A_290 = tpu.memref_slice %arg3[%add3A_48] : memref<8192xi32, #tpu.memory_space<hbm>> -> memref<16xi32, #tpu.memory_space<hbm>>
      tpu.enqueue_dma source(%dma_start3A_290 : memref<16xi32, #tpu.memory_space<hbm>>) target(%arg6 : memref<16xi32, #tpu.memory_space<vmem>>) target_semaphore(%run_scoped3A : memref<!tpu.dma_semaphore, #tpu.memory_space<semaphore_mem>>)
      %dma_wait3A_291 = tpu.memref_slice %arg3[%add3A_48] : memref<8192xi32, #tpu.memory_space<hbm>> -> memref<16xi32, #tpu.memory_space<hbm>>
      %dma_wait3A_292 = tpu.memref_slice %arg3[%add3A_48] : memref<8192xi32, #tpu.memory_space<hbm>> -> memref<16xi32, #tpu.memory_space<hbm>>
      tpu.wait_dma2 semaphore(%run_scoped3A : memref<!tpu.dma_semaphore, #tpu.memory_space<semaphore_mem>>) src(%dma_wait3A_292 : memref<16xi32, #tpu.memory_space<hbm>>) dst(%arg6 : memref<16xi32, #tpu.memory_space<vmem>>)
      tpu.yield
    }) : () -> ()
    %dma_start3A_49 = arith.constant 0 : i32
    %dma_start3A_50 = arith.constant 0 : i32
    %dma_start3A_51 = tpu.memref_slice %arg2[%dma_start3A_49, %dma_start3A_50] : memref<8192x2048xf32, #tpu.memory_space<hbm>> -> memref<8192x2048xf32, #tpu.memory_space<hbm>>
    tpu.enqueue_indirect_dma source(%dma_start3A_51 : memref<8192x2048xf32, #tpu.memory_space<hbm>>) target(%arg9 : memref<16x2048xf32, #tpu.memory_space<vmem>>) offsets(%arg6 : memref<16xi32, #tpu.memory_space<vmem>>) semaphore(%arg12 : memref<!tpu.dma_semaphore, #tpu.memory_space<semaphore_mem>>)
    %dma_wait3A_52 = arith.constant 0 : i32
    %dma_wait3A_53 = arith.constant 0 : i32
    %dma_wait3A_54 = tpu.memref_slice %arg2[%dma_wait3A_52, %dma_wait3A_53] : memref<8192x2048xf32, #tpu.memory_space<hbm>> -> memref<8192x2048xf32, #tpu.memory_space<hbm>>
    tpu.wait_indirect_dma semaphore(%arg13 : memref<!tpu.dma_semaphore, #tpu.memory_space<semaphore_mem>>) src(%dma_wait3A_54 : memref<8192x2048xf32, #tpu.memory_space<hbm>>) dst(%arg10 : memref<16x2048xf32, #tpu.memory_space<vmem>>)
    %add3A_55 = arith.constant 32 : i32
    %add3A_56 = arith.addi %mul3A_2, %add3A_55 : i32
    %dma_start3A_57 = arith.constant 0 : i32
    %dma_start3A_58 = tpu.memref_slice %arg4[%add3A_56, %dma_start3A_57] : memref<8192x2048xf32, #tpu.memory_space<hbm>> -> memref<16x2048xf32, #tpu.memory_space<hbm>>
    %dma_start3A_59 = arith.constant 0 : i32
    %dma_start3A_60 = tpu.memref_slice %arg4[%add3A_56, %dma_start3A_59] : memref<8192x2048xf32, #tpu.memory_space<hbm>> -> memref<16x2048xf32, #tpu.memory_space<hbm>>
    tpu.enqueue_dma source(%arg10 : memref<16x2048xf32, #tpu.memory_space<vmem>>) target(%dma_start3A_60 : memref<16x2048xf32, #tpu.memory_space<hbm>>) target_semaphore(%arg16 : memref<!tpu.dma_semaphore, #tpu.memory_space<semaphore_mem>>)
    %dma_wait3A_61 = arith.constant 0 : i32
    %dma_wait3A_62 = tpu.memref_slice %arg4[%add3A_56, %dma_wait3A_61] : memref<8192x2048xf32, #tpu.memory_space<hbm>> -> memref<16x2048xf32, #tpu.memory_space<hbm>>
    %dma_wait3A_63 = arith.constant 0 : i32
    %dma_wait3A_64 = tpu.memref_slice %arg4[%add3A_56, %dma_wait3A_63] : memref<8192x2048xf32, #tpu.memory_space<hbm>> -> memref<16x2048xf32, #tpu.memory_space<hbm>>
    tpu.wait_dma2 semaphore(%arg16 : memref<!tpu.dma_semaphore, #tpu.memory_space<semaphore_mem>>) src(%arg10 : memref<16x2048xf32, #tpu.memory_space<vmem>>) dst(%dma_wait3A_64 : memref<16x2048xf32, #tpu.memory_space<hbm>>)
    %add3A_65 = arith.constant 80 : i32
    %add3A_66 = arith.addi %mul3A_2, %add3A_65 : i32
    "tpu.region"() ({
      %run_scoped3A = tpu.sem_alloc : memref<!tpu.dma_semaphore, #tpu.memory_space<semaphore_mem>>
      %dma_start3A_289 = tpu.memref_slice %arg3[%add3A_66] : memref<8192xi32, #tpu.memory_space<hbm>> -> memref<16xi32, #tpu.memory_space<hbm>>
      %dma_start3A_290 = tpu.memref_slice %arg3[%add3A_66] : memref<8192xi32, #tpu.memory_space<hbm>> -> memref<16xi32, #tpu.memory_space<hbm>>
      tpu.enqueue_dma source(%dma_start3A_290 : memref<16xi32, #tpu.memory_space<hbm>>) target(%arg7 : memref<16xi32, #tpu.memory_space<vmem>>) target_semaphore(%run_scoped3A : memref<!tpu.dma_semaphore, #tpu.memory_space<semaphore_mem>>)
      %dma_wait3A_291 = tpu.memref_slice %arg3[%add3A_66] : memref<8192xi32, #tpu.memory_space<hbm>> -> memref<16xi32, #tpu.memory_space<hbm>>
      %dma_wait3A_292 = tpu.memref_slice %arg3[%add3A_66] : memref<8192xi32, #tpu.memory_space<hbm>> -> memref<16xi32, #tpu.memory_space<hbm>>
      tpu.wait_dma2 semaphore(%run_scoped3A : memref<!tpu.dma_semaphore, #tpu.memory_space<semaphore_mem>>) src(%dma_wait3A_292 : memref<16xi32, #tpu.memory_space<hbm>>) dst(%arg7 : memref<16xi32, #tpu.memory_space<vmem>>)
      tpu.yield
    }) : () -> ()
    %dma_start3A_67 = arith.constant 0 : i32
    %dma_start3A_68 = arith.constant 0 : i32
    %dma_start3A_69 = tpu.memref_slice %arg2[%dma_start3A_67, %dma_start3A_68] : memref<8192x2048xf32, #tpu.memory_space<hbm>> -> memref<8192x2048xf32, #tpu.memory_space<hbm>>
    tpu.enqueue_indirect_dma source(%dma_start3A_69 : memref<8192x2048xf32, #tpu.memory_space<hbm>>) target(%arg10 : memref<16x2048xf32, #tpu.memory_space<vmem>>) offsets(%arg7 : memref<16xi32, #tpu.memory_space<vmem>>) semaphore(%arg13 : memref<!tpu.dma_semaphore, #tpu.memory_space<semaphore_mem>>)
    %dma_wait3A_70 = arith.constant 0 : i32
    %dma_wait3A_71 = arith.constant 0 : i32
    %dma_wait3A_72 = tpu.memref_slice %arg2[%dma_wait3A_70, %dma_wait3A_71] : memref<8192x2048xf32, #tpu.memory_space<hbm>> -> memref<8192x2048xf32, #tpu.memory_space<hbm>>
    tpu.wait_indirect_dma semaphore(%arg11 : memref<!tpu.dma_semaphore, #tpu.memory_space<semaphore_mem>>) src(%dma_wait3A_72 : memref<8192x2048xf32, #tpu.memory_space<hbm>>) dst(%arg8 : memref<16x2048xf32, #tpu.memory_space<vmem>>)
    %add3A_73 = arith.constant 48 : i32
    %add3A_74 = arith.addi %mul3A_2, %add3A_73 : i32
    %dma_start3A_75 = arith.constant 0 : i32
    %dma_start3A_76 = tpu.memref_slice %arg4[%add3A_74, %dma_start3A_75] : memref<8192x2048xf32, #tpu.memory_space<hbm>> -> memref<16x2048xf32, #tpu.memory_space<hbm>>
    %dma_start3A_77 = arith.constant 0 : i32
    %dma_start3A_78 = tpu.memref_slice %arg4[%add3A_74, %dma_start3A_77] : memref<8192x2048xf32, #tpu.memory_space<hbm>> -> memref<16x2048xf32, #tpu.memory_space<hbm>>
    tpu.enqueue_dma source(%arg8 : memref<16x2048xf32, #tpu.memory_space<vmem>>) target(%dma_start3A_78 : memref<16x2048xf32, #tpu.memory_space<hbm>>) target_semaphore(%arg14 : memref<!tpu.dma_semaphore, #tpu.memory_space<semaphore_mem>>)
    %dma_wait3A_79 = arith.constant 0 : i32
    %dma_wait3A_80 = tpu.memref_slice %arg4[%add3A_74, %dma_wait3A_79] : memref<8192x2048xf32, #tpu.memory_space<hbm>> -> memref<16x2048xf32, #tpu.memory_space<hbm>>
    %dma_wait3A_81 = arith.constant 0 : i32
    %dma_wait3A_82 = tpu.memref_slice %arg4[%add3A_74, %dma_wait3A_81] : memref<8192x2048xf32, #tpu.memory_space<hbm>> -> memref<16x2048xf32, #tpu.memory_space<hbm>>
    tpu.wait_dma2 semaphore(%arg14 : memref<!tpu.dma_semaphore, #tpu.memory_space<semaphore_mem>>) src(%arg8 : memref<16x2048xf32, #tpu.memory_space<vmem>>) dst(%dma_wait3A_82 : memref<16x2048xf32, #tpu.memory_space<hbm>>)
    %add3A_83 = arith.constant 96 : i32
    %add3A_84 = arith.addi %mul3A_2, %add3A_83 : i32
    "tpu.region"() ({
      %run_scoped3A = tpu.sem_alloc : memref<!tpu.dma_semaphore, #tpu.memory_space<semaphore_mem>>
      %dma_start3A_289 = tpu.memref_slice %arg3[%add3A_84] : memref<8192xi32, #tpu.memory_space<hbm>> -> memref<16xi32, #tpu.memory_space<hbm>>
      %dma_start3A_290 = tpu.memref_slice %arg3[%add3A_84] : memref<8192xi32, #tpu.memory_space<hbm>> -> memref<16xi32, #tpu.memory_space<hbm>>
      tpu.enqueue_dma source(%dma_start3A_290 : memref<16xi32, #tpu.memory_space<hbm>>) target(%arg5 : memref<16xi32, #tpu.memory_space<vmem>>) target_semaphore(%run_scoped3A : memref<!tpu.dma_semaphore, #tpu.memory_space<semaphore_mem>>)
      %dma_wait3A_291 = tpu.memref_slice %arg3[%add3A_84] : memref<8192xi32, #tpu.memory_space<hbm>> -> memref<16xi32, #tpu.memory_space<hbm>>
      %dma_wait3A_292 = tpu.memref_slice %arg3[%add3A_84] : memref<8192xi32, #tpu.memory_space<hbm>> -> memref<16xi32, #tpu.memory_space<hbm>>
      tpu.wait_dma2 semaphore(%run_scoped3A : memref<!tpu.dma_semaphore, #tpu.memory_space<semaphore_mem>>) src(%dma_wait3A_292 : memref<16xi32, #tpu.memory_space<hbm>>) dst(%arg5 : memref<16xi32, #tpu.memory_space<vmem>>)
      tpu.yield
    }) : () -> ()
    %dma_start3A_85 = arith.constant 0 : i32
    %dma_start3A_86 = arith.constant 0 : i32
    %dma_start3A_87 = tpu.memref_slice %arg2[%dma_start3A_85, %dma_start3A_86] : memref<8192x2048xf32, #tpu.memory_space<hbm>> -> memref<8192x2048xf32, #tpu.memory_space<hbm>>
    tpu.enqueue_indirect_dma source(%dma_start3A_87 : memref<8192x2048xf32, #tpu.memory_space<hbm>>) target(%arg8 : memref<16x2048xf32, #tpu.memory_space<vmem>>) offsets(%arg5 : memref<16xi32, #tpu.memory_space<vmem>>) semaphore(%arg11 : memref<!tpu.dma_semaphore, #tpu.memory_space<semaphore_mem>>)
    %dma_wait3A_88 = arith.constant 0 : i32
    %dma_wait3A_89 = arith.constant 0 : i32
    %dma_wait3A_90 = tpu.memref_slice %arg2[%dma_wait3A_88, %dma_wait3A_89] : memref<8192x2048xf32, #tpu.memory_space<hbm>> -> memref<8192x2048xf32, #tpu.memory_space<hbm>>
    tpu.wait_indirect_dma semaphore(%arg12 : memref<!tpu.dma_semaphore, #tpu.memory_space<semaphore_mem>>) src(%dma_wait3A_90 : memref<8192x2048xf32, #tpu.memory_space<hbm>>) dst(%arg9 : memref<16x2048xf32, #tpu.memory_space<vmem>>)
    %add3A_91 = arith.constant 64 : i32
    %add3A_92 = arith.addi %mul3A_2, %add3A_91 : i32
    %dma_start3A_93 = arith.constant 0 : i32
    %dma_start3A_94 = tpu.memref_slice %arg4[%add3A_92, %dma_start3A_93] : memref<8192x2048xf32, #tpu.memory_space<hbm>> -> memref<16x2048xf32, #tpu.memory_space<hbm>>
    %dma_start3A_95 = arith.constant 0 : i32
    %dma_start3A_96 = tpu.memref_slice %arg4[%add3A_92, %dma_start3A_95] : memref<8192x2048xf32, #tpu.memory_space<hbm>> -> memref<16x2048xf32, #tpu.memory_space<hbm>>
    tpu.enqueue_dma source(%arg9 : memref<16x2048xf32, #tpu.memory_space<vmem>>) target(%dma_start3A_96 : memref<16x2048xf32, #tpu.memory_space<hbm>>) target_semaphore(%arg15 : memref<!tpu.dma_semaphore, #tpu.memory_space<semaphore_mem>>)
    %dma_wait3A_97 = arith.constant 0 : i32
    %dma_wait3A_98 = tpu.memref_slice %arg4[%add3A_92, %dma_wait3A_97] : memref<8192x2048xf32, #tpu.memory_space<hbm>> -> memref<16x2048xf32, #tpu.memory_space<hbm>>
    %dma_wait3A_99 = arith.constant 0 : i32
    %dma_wait3A_100 = tpu.memref_slice %arg4[%add3A_92, %dma_wait3A_99] : memref<8192x2048xf32, #tpu.memory_space<hbm>> -> memref<16x2048xf32, #tpu.memory_space<hbm>>
    tpu.wait_dma2 semaphore(%arg15 : memref<!tpu.dma_semaphore, #tpu.memory_space<semaphore_mem>>) src(%arg9 : memref<16x2048xf32, #tpu.memory_space<vmem>>) dst(%dma_wait3A_100 : memref<16x2048xf32, #tpu.memory_space<hbm>>)
    %add3A_101 = arith.constant 112 : i32
    %add3A_102 = arith.addi %mul3A_2, %add3A_101 : i32
    "tpu.region"() ({
      %run_scoped3A = tpu.sem_alloc : memref<!tpu.dma_semaphore, #tpu.memory_space<semaphore_mem>>
      %dma_start3A_289 = tpu.memref_slice %arg3[%add3A_102] : memref<8192xi32, #tpu.memory_space<hbm>> -> memref<16xi32, #tpu.memory_space<hbm>>
      %dma_start3A_290 = tpu.memref_slice %arg3[%add3A_102] : memref<8192xi32, #tpu.memory_space<hbm>> -> memref<16xi32, #tpu.memory_space<hbm>>
      tpu.enqueue_dma source(%dma_start3A_290 : memref<16xi32, #tpu.memory_space<hbm>>) target(%arg6 : memref<16xi32, #tpu.memory_space<vmem>>) target_semaphore(%run_scoped3A : memref<!tpu.dma_semaphore, #tpu.memory_space<semaphore_mem>>)
      %dma_wait3A_291 = tpu.memref_slice %arg3[%add3A_102] : memref<8192xi32, #tpu.memory_space<hbm>> -> memref<16xi32, #tpu.memory_space<hbm>>
      %dma_wait3A_292 = tpu.memref_slice %arg3[%add3A_102] : memref<8192xi32, #tpu.memory_space<hbm>> -> memref<16xi32, #tpu.memory_space<hbm>>
      tpu.wait_dma2 semaphore(%run_scoped3A : memref<!tpu.dma_semaphore, #tpu.memory_space<semaphore_mem>>) src(%dma_wait3A_292 : memref<16xi32, #tpu.memory_space<hbm>>) dst(%arg6 : memref<16xi32, #tpu.memory_space<vmem>>)
      tpu.yield
    }) : () -> ()
    %dma_start3A_103 = arith.constant 0 : i32
    %dma_start3A_104 = arith.constant 0 : i32
    %dma_start3A_105 = tpu.memref_slice %arg2[%dma_start3A_103, %dma_start3A_104] : memref<8192x2048xf32, #tpu.memory_space<hbm>> -> memref<8192x2048xf32, #tpu.memory_space<hbm>>
    tpu.enqueue_indirect_dma source(%dma_start3A_105 : memref<8192x2048xf32, #tpu.memory_space<hbm>>) target(%arg9 : memref<16x2048xf32, #tpu.memory_space<vmem>>) offsets(%arg6 : memref<16xi32, #tpu.memory_space<vmem>>) semaphore(%arg12 : memref<!tpu.dma_semaphore, #tpu.memory_space<semaphore_mem>>)
    %dma_wait3A_106 = arith.constant 0 : i32
    %dma_wait3A_107 = arith.constant 0 : i32
    %dma_wait3A_108 = tpu.memref_slice %arg2[%dma_wait3A_106, %dma_wait3A_107] : memref<8192x2048xf32, #tpu.memory_space<hbm>> -> memref<8192x2048xf32, #tpu.memory_space<hbm>>
    tpu.wait_indirect_dma semaphore(%arg13 : memref<!tpu.dma_semaphore, #tpu.memory_space<semaphore_mem>>) src(%dma_wait3A_108 : memref<8192x2048xf32, #tpu.memory_space<hbm>>) dst(%arg10 : memref<16x2048xf32, #tpu.memory_space<vmem>>)
    %add3A_109 = arith.constant 80 : i32
    %add3A_110 = arith.addi %mul3A_2, %add3A_109 : i32
    %dma_start3A_111 = arith.constant 0 : i32
    %dma_start3A_112 = tpu.memref_slice %arg4[%add3A_110, %dma_start3A_111] : memref<8192x2048xf32, #tpu.memory_space<hbm>> -> memref<16x2048xf32, #tpu.memory_space<hbm>>
    %dma_start3A_113 = arith.constant 0 : i32
    %dma_start3A_114 = tpu.memref_slice %arg4[%add3A_110, %dma_start3A_113] : memref<8192x2048xf32, #tpu.memory_space<hbm>> -> memref<16x2048xf32, #tpu.memory_space<hbm>>
    tpu.enqueue_dma source(%arg10 : memref<16x2048xf32, #tpu.memory_space<vmem>>) target(%dma_start3A_114 : memref<16x2048xf32, #tpu.memory_space<hbm>>) target_semaphore(%arg16 : memref<!tpu.dma_semaphore, #tpu.memory_space<semaphore_mem>>)
    %dma_wait3A_115 = arith.constant 0 : i32
    %dma_wait3A_116 = tpu.memref_slice %arg4[%add3A_110, %dma_wait3A_115] : memref<8192x2048xf32, #tpu.memory_space<hbm>> -> memref<16x2048xf32, #tpu.memory_space<hbm>>
    %dma_wait3A_117 = arith.constant 0 : i32
    %dma_wait3A_118 = tpu.memref_slice %arg4[%add3A_110, %dma_wait3A_117] : memref<8192x2048xf32, #tpu.memory_space<hbm>> -> memref<16x2048xf32, #tpu.memory_space<hbm>>
    tpu.wait_dma2 semaphore(%arg16 : memref<!tpu.dma_semaphore, #tpu.memory_space<semaphore_mem>>) src(%arg10 : memref<16x2048xf32, #tpu.memory_space<vmem>>) dst(%dma_wait3A_118 : memref<16x2048xf32, #tpu.memory_space<hbm>>)
    %add3A_119 = arith.constant 128 : i32
    %add3A_120 = arith.addi %mul3A_2, %add3A_119 : i32
    "tpu.region"() ({
      %run_scoped3A = tpu.sem_alloc : memref<!tpu.dma_semaphore, #tpu.memory_space<semaphore_mem>>
      %dma_start3A_289 = tpu.memref_slice %arg3[%add3A_120] : memref<8192xi32, #tpu.memory_space<hbm>> -> memref<16xi32, #tpu.memory_space<hbm>>
      %dma_start3A_290 = tpu.memref_slice %arg3[%add3A_120] : memref<8192xi32, #tpu.memory_space<hbm>> -> memref<16xi32, #tpu.memory_space<hbm>>
      tpu.enqueue_dma source(%dma_start3A_290 : memref<16xi32, #tpu.memory_space<hbm>>) target(%arg7 : memref<16xi32, #tpu.memory_space<vmem>>) target_semaphore(%run_scoped3A : memref<!tpu.dma_semaphore, #tpu.memory_space<semaphore_mem>>)
      %dma_wait3A_291 = tpu.memref_slice %arg3[%add3A_120] : memref<8192xi32, #tpu.memory_space<hbm>> -> memref<16xi32, #tpu.memory_space<hbm>>
      %dma_wait3A_292 = tpu.memref_slice %arg3[%add3A_120] : memref<8192xi32, #tpu.memory_space<hbm>> -> memref<16xi32, #tpu.memory_space<hbm>>
      tpu.wait_dma2 semaphore(%run_scoped3A : memref<!tpu.dma_semaphore, #tpu.memory_space<semaphore_mem>>) src(%dma_wait3A_292 : memref<16xi32, #tpu.memory_space<hbm>>) dst(%arg7 : memref<16xi32, #tpu.memory_space<vmem>>)
      tpu.yield
    }) : () -> ()
    %dma_start3A_121 = arith.constant 0 : i32
    %dma_start3A_122 = arith.constant 0 : i32
    %dma_start3A_123 = tpu.memref_slice %arg2[%dma_start3A_121, %dma_start3A_122] : memref<8192x2048xf32, #tpu.memory_space<hbm>> -> memref<8192x2048xf32, #tpu.memory_space<hbm>>
    tpu.enqueue_indirect_dma source(%dma_start3A_123 : memref<8192x2048xf32, #tpu.memory_space<hbm>>) target(%arg10 : memref<16x2048xf32, #tpu.memory_space<vmem>>) offsets(%arg7 : memref<16xi32, #tpu.memory_space<vmem>>) semaphore(%arg13 : memref<!tpu.dma_semaphore, #tpu.memory_space<semaphore_mem>>)
    %dma_wait3A_124 = arith.constant 0 : i32
    %dma_wait3A_125 = arith.constant 0 : i32
    %dma_wait3A_126 = tpu.memref_slice %arg2[%dma_wait3A_124, %dma_wait3A_125] : memref<8192x2048xf32, #tpu.memory_space<hbm>> -> memref<8192x2048xf32, #tpu.memory_space<hbm>>
    tpu.wait_indirect_dma semaphore(%arg11 : memref<!tpu.dma_semaphore, #tpu.memory_space<semaphore_mem>>) src(%dma_wait3A_126 : memref<8192x2048xf32, #tpu.memory_space<hbm>>) dst(%arg8 : memref<16x2048xf32, #tpu.memory_space<vmem>>)
    %add3A_127 = arith.constant 96 : i32
    %add3A_128 = arith.addi %mul3A_2, %add3A_127 : i32
    %dma_start3A_129 = arith.constant 0 : i32
    %dma_start3A_130 = tpu.memref_slice %arg4[%add3A_128, %dma_start3A_129] : memref<8192x2048xf32, #tpu.memory_space<hbm>> -> memref<16x2048xf32, #tpu.memory_space<hbm>>
    %dma_start3A_131 = arith.constant 0 : i32
    %dma_start3A_132 = tpu.memref_slice %arg4[%add3A_128, %dma_start3A_131] : memref<8192x2048xf32, #tpu.memory_space<hbm>> -> memref<16x2048xf32, #tpu.memory_space<hbm>>
    tpu.enqueue_dma source(%arg8 : memref<16x2048xf32, #tpu.memory_space<vmem>>) target(%dma_start3A_132 : memref<16x2048xf32, #tpu.memory_space<hbm>>) target_semaphore(%arg14 : memref<!tpu.dma_semaphore, #tpu.memory_space<semaphore_mem>>)
    %dma_wait3A_133 = arith.constant 0 : i32
    %dma_wait3A_134 = tpu.memref_slice %arg4[%add3A_128, %dma_wait3A_133] : memref<8192x2048xf32, #tpu.memory_space<hbm>> -> memref<16x2048xf32, #tpu.memory_space<hbm>>
    %dma_wait3A_135 = arith.constant 0 : i32
    %dma_wait3A_136 = tpu.memref_slice %arg4[%add3A_128, %dma_wait3A_135] : memref<8192x2048xf32, #tpu.memory_space<hbm>> -> memref<16x2048xf32, #tpu.memory_space<hbm>>
    tpu.wait_dma2 semaphore(%arg14 : memref<!tpu.dma_semaphore, #tpu.memory_space<semaphore_mem>>) src(%arg8 : memref<16x2048xf32, #tpu.memory_space<vmem>>) dst(%dma_wait3A_136 : memref<16x2048xf32, #tpu.memory_space<hbm>>)
    %add3A_137 = arith.constant 144 : i32
    %add3A_138 = arith.addi %mul3A_2, %add3A_137 : i32
    "tpu.region"() ({
      %run_scoped3A = tpu.sem_alloc : memref<!tpu.dma_semaphore, #tpu.memory_space<semaphore_mem>>
      %dma_start3A_289 = tpu.memref_slice %arg3[%add3A_138] : memref<8192xi32, #tpu.memory_space<hbm>> -> memref<16xi32, #tpu.memory_space<hbm>>
      %dma_start3A_290 = tpu.memref_slice %arg3[%add3A_138] : memref<8192xi32, #tpu.memory_space<hbm>> -> memref<16xi32, #tpu.memory_space<hbm>>
      tpu.enqueue_dma source(%dma_start3A_290 : memref<16xi32, #tpu.memory_space<hbm>>) target(%arg5 : memref<16xi32, #tpu.memory_space<vmem>>) target_semaphore(%run_scoped3A : memref<!tpu.dma_semaphore, #tpu.memory_space<semaphore_mem>>)
      %dma_wait3A_291 = tpu.memref_slice %arg3[%add3A_138] : memref<8192xi32, #tpu.memory_space<hbm>> -> memref<16xi32, #tpu.memory_space<hbm>>
      %dma_wait3A_292 = tpu.memref_slice %arg3[%add3A_138] : memref<8192xi32, #tpu.memory_space<hbm>> -> memref<16xi32, #tpu.memory_space<hbm>>
      tpu.wait_dma2 semaphore(%run_scoped3A : memref<!tpu.dma_semaphore, #tpu.memory_space<semaphore_mem>>) src(%dma_wait3A_292 : memref<16xi32, #tpu.memory_space<hbm>>) dst(%arg5 : memref<16xi32, #tpu.memory_space<vmem>>)
      tpu.yield
    }) : () -> ()
    %dma_start3A_139 = arith.constant 0 : i32
    %dma_start3A_140 = arith.constant 0 : i32
    %dma_start3A_141 = tpu.memref_slice %arg2[%dma_start3A_139, %dma_start3A_140] : memref<8192x2048xf32, #tpu.memory_space<hbm>> -> memref<8192x2048xf32, #tpu.memory_space<hbm>>
    tpu.enqueue_indirect_dma source(%dma_start3A_141 : memref<8192x2048xf32, #tpu.memory_space<hbm>>) target(%arg8 : memref<16x2048xf32, #tpu.memory_space<vmem>>) offsets(%arg5 : memref<16xi32, #tpu.memory_space<vmem>>) semaphore(%arg11 : memref<!tpu.dma_semaphore, #tpu.memory_space<semaphore_mem>>)
    %dma_wait3A_142 = arith.constant 0 : i32
    %dma_wait3A_143 = arith.constant 0 : i32
    %dma_wait3A_144 = tpu.memref_slice %arg2[%dma_wait3A_142, %dma_wait3A_143] : memref<8192x2048xf32, #tpu.memory_space<hbm>> -> memref<8192x2048xf32, #tpu.memory_space<hbm>>
    tpu.wait_indirect_dma semaphore(%arg12 : memref<!tpu.dma_semaphore, #tpu.memory_space<semaphore_mem>>) src(%dma_wait3A_144 : memref<8192x2048xf32, #tpu.memory_space<hbm>>) dst(%arg9 : memref<16x2048xf32, #tpu.memory_space<vmem>>)
    %add3A_145 = arith.constant 112 : i32
    %add3A_146 = arith.addi %mul3A_2, %add3A_145 : i32
    %dma_start3A_147 = arith.constant 0 : i32
    %dma_start3A_148 = tpu.memref_slice %arg4[%add3A_146, %dma_start3A_147] : memref<8192x2048xf32, #tpu.memory_space<hbm>> -> memref<16x2048xf32, #tpu.memory_space<hbm>>
    %dma_start3A_149 = arith.constant 0 : i32
    %dma_start3A_150 = tpu.memref_slice %arg4[%add3A_146, %dma_start3A_149] : memref<8192x2048xf32, #tpu.memory_space<hbm>> -> memref<16x2048xf32, #tpu.memory_space<hbm>>
    tpu.enqueue_dma source(%arg9 : memref<16x2048xf32, #tpu.memory_space<vmem>>) target(%dma_start3A_150 : memref<16x2048xf32, #tpu.memory_space<hbm>>) target_semaphore(%arg15 : memref<!tpu.dma_semaphore, #tpu.memory_space<semaphore_mem>>)
    %dma_wait3A_151 = arith.constant 0 : i32
    %dma_wait3A_152 = tpu.memref_slice %arg4[%add3A_146, %dma_wait3A_151] : memref<8192x2048xf32, #tpu.memory_space<hbm>> -> memref<16x2048xf32, #tpu.memory_space<hbm>>
    %dma_wait3A_153 = arith.constant 0 : i32
    %dma_wait3A_154 = tpu.memref_slice %arg4[%add3A_146, %dma_wait3A_153] : memref<8192x2048xf32, #tpu.memory_space<hbm>> -> memref<16x2048xf32, #tpu.memory_space<hbm>>
    tpu.wait_dma2 semaphore(%arg15 : memref<!tpu.dma_semaphore, #tpu.memory_space<semaphore_mem>>) src(%arg9 : memref<16x2048xf32, #tpu.memory_space<vmem>>) dst(%dma_wait3A_154 : memref<16x2048xf32, #tpu.memory_space<hbm>>)
    %add3A_155 = arith.constant 160 : i32
    %add3A_156 = arith.addi %mul3A_2, %add3A_155 : i32
    "tpu.region"() ({
      %run_scoped3A = tpu.sem_alloc : memref<!tpu.dma_semaphore, #tpu.memory_space<semaphore_mem>>
      %dma_start3A_289 = tpu.memref_slice %arg3[%add3A_156] : memref<8192xi32, #tpu.memory_space<hbm>> -> memref<16xi32, #tpu.memory_space<hbm>>
      %dma_start3A_290 = tpu.memref_slice %arg3[%add3A_156] : memref<8192xi32, #tpu.memory_space<hbm>> -> memref<16xi32, #tpu.memory_space<hbm>>
      tpu.enqueue_dma source(%dma_start3A_290 : memref<16xi32, #tpu.memory_space<hbm>>) target(%arg6 : memref<16xi32, #tpu.memory_space<vmem>>) target_semaphore(%run_scoped3A : memref<!tpu.dma_semaphore, #tpu.memory_space<semaphore_mem>>)
      %dma_wait3A_291 = tpu.memref_slice %arg3[%add3A_156] : memref<8192xi32, #tpu.memory_space<hbm>> -> memref<16xi32, #tpu.memory_space<hbm>>
      %dma_wait3A_292 = tpu.memref_slice %arg3[%add3A_156] : memref<8192xi32, #tpu.memory_space<hbm>> -> memref<16xi32, #tpu.memory_space<hbm>>
      tpu.wait_dma2 semaphore(%run_scoped3A : memref<!tpu.dma_semaphore, #tpu.memory_space<semaphore_mem>>) src(%dma_wait3A_292 : memref<16xi32, #tpu.memory_space<hbm>>) dst(%arg6 : memref<16xi32, #tpu.memory_space<vmem>>)
      tpu.yield
    }) : () -> ()
    %dma_start3A_157 = arith.constant 0 : i32
    %dma_start3A_158 = arith.constant 0 : i32
    %dma_start3A_159 = tpu.memref_slice %arg2[%dma_start3A_157, %dma_start3A_158] : memref<8192x2048xf32, #tpu.memory_space<hbm>> -> memref<8192x2048xf32, #tpu.memory_space<hbm>>
    tpu.enqueue_indirect_dma source(%dma_start3A_159 : memref<8192x2048xf32, #tpu.memory_space<hbm>>) target(%arg9 : memref<16x2048xf32, #tpu.memory_space<vmem>>) offsets(%arg6 : memref<16xi32, #tpu.memory_space<vmem>>) semaphore(%arg12 : memref<!tpu.dma_semaphore, #tpu.memory_space<semaphore_mem>>)
    %dma_wait3A_160 = arith.constant 0 : i32
    %dma_wait3A_161 = arith.constant 0 : i32
    %dma_wait3A_162 = tpu.memref_slice %arg2[%dma_wait3A_160, %dma_wait3A_161] : memref<8192x2048xf32, #tpu.memory_space<hbm>> -> memref<8192x2048xf32, #tpu.memory_space<hbm>>
    tpu.wait_indirect_dma semaphore(%arg13 : memref<!tpu.dma_semaphore, #tpu.memory_space<semaphore_mem>>) src(%dma_wait3A_162 : memref<8192x2048xf32, #tpu.memory_space<hbm>>) dst(%arg10 : memref<16x2048xf32, #tpu.memory_space<vmem>>)
    %add3A_163 = arith.constant 128 : i32
    %add3A_164 = arith.addi %mul3A_2, %add3A_163 : i32
    %dma_start3A_165 = arith.constant 0 : i32
    %dma_start3A_166 = tpu.memref_slice %arg4[%add3A_164, %dma_start3A_165] : memref<8192x2048xf32, #tpu.memory_space<hbm>> -> memref<16x2048xf32, #tpu.memory_space<hbm>>
    %dma_start3A_167 = arith.constant 0 : i32
    %dma_start3A_168 = tpu.memref_slice %arg4[%add3A_164, %dma_start3A_167] : memref<8192x2048xf32, #tpu.memory_space<hbm>> -> memref<16x2048xf32, #tpu.memory_space<hbm>>
    tpu.enqueue_dma source(%arg10 : memref<16x2048xf32, #tpu.memory_space<vmem>>) target(%dma_start3A_168 : memref<16x2048xf32, #tpu.memory_space<hbm>>) target_semaphore(%arg16 : memref<!tpu.dma_semaphore, #tpu.memory_space<semaphore_mem>>)
    %dma_wait3A_169 = arith.constant 0 : i32
    %dma_wait3A_170 = tpu.memref_slice %arg4[%add3A_164, %dma_wait3A_169] : memref<8192x2048xf32, #tpu.memory_space<hbm>> -> memref<16x2048xf32, #tpu.memory_space<hbm>>
    %dma_wait3A_171 = arith.constant 0 : i32
    %dma_wait3A_172 = tpu.memref_slice %arg4[%add3A_164, %dma_wait3A_171] : memref<8192x2048xf32, #tpu.memory_space<hbm>> -> memref<16x2048xf32, #tpu.memory_space<hbm>>
    tpu.wait_dma2 semaphore(%arg16 : memref<!tpu.dma_semaphore, #tpu.memory_space<semaphore_mem>>) src(%arg10 : memref<16x2048xf32, #tpu.memory_space<vmem>>) dst(%dma_wait3A_172 : memref<16x2048xf32, #tpu.memory_space<hbm>>)
    %add3A_173 = arith.constant 176 : i32
    %add3A_174 = arith.addi %mul3A_2, %add3A_173 : i32
    "tpu.region"() ({
      %run_scoped3A = tpu.sem_alloc : memref<!tpu.dma_semaphore, #tpu.memory_space<semaphore_mem>>
      %dma_start3A_289 = tpu.memref_slice %arg3[%add3A_174] : memref<8192xi32, #tpu.memory_space<hbm>> -> memref<16xi32, #tpu.memory_space<hbm>>
      %dma_start3A_290 = tpu.memref_slice %arg3[%add3A_174] : memref<8192xi32, #tpu.memory_space<hbm>> -> memref<16xi32, #tpu.memory_space<hbm>>
      tpu.enqueue_dma source(%dma_start3A_290 : memref<16xi32, #tpu.memory_space<hbm>>) target(%arg7 : memref<16xi32, #tpu.memory_space<vmem>>) target_semaphore(%run_scoped3A : memref<!tpu.dma_semaphore, #tpu.memory_space<semaphore_mem>>)
      %dma_wait3A_291 = tpu.memref_slice %arg3[%add3A_174] : memref<8192xi32, #tpu.memory_space<hbm>> -> memref<16xi32, #tpu.memory_space<hbm>>
      %dma_wait3A_292 = tpu.memref_slice %arg3[%add3A_174] : memref<8192xi32, #tpu.memory_space<hbm>> -> memref<16xi32, #tpu.memory_space<hbm>>
      tpu.wait_dma2 semaphore(%run_scoped3A : memref<!tpu.dma_semaphore, #tpu.memory_space<semaphore_mem>>) src(%dma_wait3A_292 : memref<16xi32, #tpu.memory_space<hbm>>) dst(%arg7 : memref<16xi32, #tpu.memory_space<vmem>>)
      tpu.yield
    }) : () -> ()
    %dma_start3A_175 = arith.constant 0 : i32
    %dma_start3A_176 = arith.constant 0 : i32
    %dma_start3A_177 = tpu.memref_slice %arg2[%dma_start3A_175, %dma_start3A_176] : memref<8192x2048xf32, #tpu.memory_space<hbm>> -> memref<8192x2048xf32, #tpu.memory_space<hbm>>
    tpu.enqueue_indirect_dma source(%dma_start3A_177 : memref<8192x2048xf32, #tpu.memory_space<hbm>>) target(%arg10 : memref<16x2048xf32, #tpu.memory_space<vmem>>) offsets(%arg7 : memref<16xi32, #tpu.memory_space<vmem>>) semaphore(%arg13 : memref<!tpu.dma_semaphore, #tpu.memory_space<semaphore_mem>>)
    %dma_wait3A_178 = arith.constant 0 : i32
    %dma_wait3A_179 = arith.constant 0 : i32
    %dma_wait3A_180 = tpu.memref_slice %arg2[%dma_wait3A_178, %dma_wait3A_179] : memref<8192x2048xf32, #tpu.memory_space<hbm>> -> memref<8192x2048xf32, #tpu.memory_space<hbm>>
    tpu.wait_indirect_dma semaphore(%arg11 : memref<!tpu.dma_semaphore, #tpu.memory_space<semaphore_mem>>) src(%dma_wait3A_180 : memref<8192x2048xf32, #tpu.memory_space<hbm>>) dst(%arg8 : memref<16x2048xf32, #tpu.memory_space<vmem>>)
    %add3A_181 = arith.constant 144 : i32
    %add3A_182 = arith.addi %mul3A_2, %add3A_181 : i32
    %dma_start3A_183 = arith.constant 0 : i32
    %dma_start3A_184 = tpu.memref_slice %arg4[%add3A_182, %dma_start3A_183] : memref<8192x2048xf32, #tpu.memory_space<hbm>> -> memref<16x2048xf32, #tpu.memory_space<hbm>>
    %dma_start3A_185 = arith.constant 0 : i32
    %dma_start3A_186 = tpu.memref_slice %arg4[%add3A_182, %dma_start3A_185] : memref<8192x2048xf32, #tpu.memory_space<hbm>> -> memref<16x2048xf32, #tpu.memory_space<hbm>>
    tpu.enqueue_dma source(%arg8 : memref<16x2048xf32, #tpu.memory_space<vmem>>) target(%dma_start3A_186 : memref<16x2048xf32, #tpu.memory_space<hbm>>) target_semaphore(%arg14 : memref<!tpu.dma_semaphore, #tpu.memory_space<semaphore_mem>>)
    %dma_wait3A_187 = arith.constant 0 : i32
    %dma_wait3A_188 = tpu.memref_slice %arg4[%add3A_182, %dma_wait3A_187] : memref<8192x2048xf32, #tpu.memory_space<hbm>> -> memref<16x2048xf32, #tpu.memory_space<hbm>>
    %dma_wait3A_189 = arith.constant 0 : i32
    %dma_wait3A_190 = tpu.memref_slice %arg4[%add3A_182, %dma_wait3A_189] : memref<8192x2048xf32, #tpu.memory_space<hbm>> -> memref<16x2048xf32, #tpu.memory_space<hbm>>
    tpu.wait_dma2 semaphore(%arg14 : memref<!tpu.dma_semaphore, #tpu.memory_space<semaphore_mem>>) src(%arg8 : memref<16x2048xf32, #tpu.memory_space<vmem>>) dst(%dma_wait3A_190 : memref<16x2048xf32, #tpu.memory_space<hbm>>)
    %add3A_191 = arith.constant 192 : i32
    %add3A_192 = arith.addi %mul3A_2, %add3A_191 : i32
    "tpu.region"() ({
      %run_scoped3A = tpu.sem_alloc : memref<!tpu.dma_semaphore, #tpu.memory_space<semaphore_mem>>
      %dma_start3A_289 = tpu.memref_slice %arg3[%add3A_192] : memref<8192xi32, #tpu.memory_space<hbm>> -> memref<16xi32, #tpu.memory_space<hbm>>
      %dma_start3A_290 = tpu.memref_slice %arg3[%add3A_192] : memref<8192xi32, #tpu.memory_space<hbm>> -> memref<16xi32, #tpu.memory_space<hbm>>
      tpu.enqueue_dma source(%dma_start3A_290 : memref<16xi32, #tpu.memory_space<hbm>>) target(%arg5 : memref<16xi32, #tpu.memory_space<vmem>>) target_semaphore(%run_scoped3A : memref<!tpu.dma_semaphore, #tpu.memory_space<semaphore_mem>>)
      %dma_wait3A_291 = tpu.memref_slice %arg3[%add3A_192] : memref<8192xi32, #tpu.memory_space<hbm>> -> memref<16xi32, #tpu.memory_space<hbm>>
      %dma_wait3A_292 = tpu.memref_slice %arg3[%add3A_192] : memref<8192xi32, #tpu.memory_space<hbm>> -> memref<16xi32, #tpu.memory_space<hbm>>
      tpu.wait_dma2 semaphore(%run_scoped3A : memref<!tpu.dma_semaphore, #tpu.memory_space<semaphore_mem>>) src(%dma_wait3A_292 : memref<16xi32, #tpu.memory_space<hbm>>) dst(%arg5 : memref<16xi32, #tpu.memory_space<vmem>>)
      tpu.yield
    }) : () -> ()
    %dma_start3A_193 = arith.constant 0 : i32
    %dma_start3A_194 = arith.constant 0 : i32
    %dma_start3A_195 = tpu.memref_slice %arg2[%dma_start3A_193, %dma_start3A_194] : memref<8192x2048xf32, #tpu.memory_space<hbm>> -> memref<8192x2048xf32, #tpu.memory_space<hbm>>
    tpu.enqueue_indirect_dma source(%dma_start3A_195 : memref<8192x2048xf32, #tpu.memory_space<hbm>>) target(%arg8 : memref<16x2048xf32, #tpu.memory_space<vmem>>) offsets(%arg5 : memref<16xi32, #tpu.memory_space<vmem>>) semaphore(%arg11 : memref<!tpu.dma_semaphore, #tpu.memory_space<semaphore_mem>>)
    %dma_wait3A_196 = arith.constant 0 : i32
    %dma_wait3A_197 = arith.constant 0 : i32
    %dma_wait3A_198 = tpu.memref_slice %arg2[%dma_wait3A_196, %dma_wait3A_197] : memref<8192x2048xf32, #tpu.memory_space<hbm>> -> memref<8192x2048xf32, #tpu.memory_space<hbm>>
    tpu.wait_indirect_dma semaphore(%arg12 : memref<!tpu.dma_semaphore, #tpu.memory_space<semaphore_mem>>) src(%dma_wait3A_198 : memref<8192x2048xf32, #tpu.memory_space<hbm>>) dst(%arg9 : memref<16x2048xf32, #tpu.memory_space<vmem>>)
    %add3A_199 = arith.constant 160 : i32
    %add3A_200 = arith.addi %mul3A_2, %add3A_199 : i32
    %dma_start3A_201 = arith.constant 0 : i32
    %dma_start3A_202 = tpu.memref_slice %arg4[%add3A_200, %dma_start3A_201] : memref<8192x2048xf32, #tpu.memory_space<hbm>> -> memref<16x2048xf32, #tpu.memory_space<hbm>>
    %dma_start3A_203 = arith.constant 0 : i32
    %dma_start3A_204 = tpu.memref_slice %arg4[%add3A_200, %dma_start3A_203] : memref<8192x2048xf32, #tpu.memory_space<hbm>> -> memref<16x2048xf32, #tpu.memory_space<hbm>>
    tpu.enqueue_dma source(%arg9 : memref<16x2048xf32, #tpu.memory_space<vmem>>) target(%dma_start3A_204 : memref<16x2048xf32, #tpu.memory_space<hbm>>) target_semaphore(%arg15 : memref<!tpu.dma_semaphore, #tpu.memory_space<semaphore_mem>>)
    %dma_wait3A_205 = arith.constant 0 : i32
    %dma_wait3A_206 = tpu.memref_slice %arg4[%add3A_200, %dma_wait3A_205] : memref<8192x2048xf32, #tpu.memory_space<hbm>> -> memref<16x2048xf32, #tpu.memory_space<hbm>>
    %dma_wait3A_207 = arith.constant 0 : i32
    %dma_wait3A_208 = tpu.memref_slice %arg4[%add3A_200, %dma_wait3A_207] : memref<8192x2048xf32, #tpu.memory_space<hbm>> -> memref<16x2048xf32, #tpu.memory_space<hbm>>
    tpu.wait_dma2 semaphore(%arg15 : memref<!tpu.dma_semaphore, #tpu.memory_space<semaphore_mem>>) src(%arg9 : memref<16x2048xf32, #tpu.memory_space<vmem>>) dst(%dma_wait3A_208 : memref<16x2048xf32, #tpu.memory_space<hbm>>)
    %add3A_209 = arith.constant 208 : i32
    %add3A_210 = arith.addi %mul3A_2, %add3A_209 : i32
    "tpu.region"() ({
      %run_scoped3A = tpu.sem_alloc : memref<!tpu.dma_semaphore, #tpu.memory_space<semaphore_mem>>
      %dma_start3A_289 = tpu.memref_slice %arg3[%add3A_210] : memref<8192xi32, #tpu.memory_space<hbm>> -> memref<16xi32, #tpu.memory_space<hbm>>
      %dma_start3A_290 = tpu.memref_slice %arg3[%add3A_210] : memref<8192xi32, #tpu.memory_space<hbm>> -> memref<16xi32, #tpu.memory_space<hbm>>
      tpu.enqueue_dma source(%dma_start3A_290 : memref<16xi32, #tpu.memory_space<hbm>>) target(%arg6 : memref<16xi32, #tpu.memory_space<vmem>>) target_semaphore(%run_scoped3A : memref<!tpu.dma_semaphore, #tpu.memory_space<semaphore_mem>>)
      %dma_wait3A_291 = tpu.memref_slice %arg3[%add3A_210] : memref<8192xi32, #tpu.memory_space<hbm>> -> memref<16xi32, #tpu.memory_space<hbm>>
      %dma_wait3A_292 = tpu.memref_slice %arg3[%add3A_210] : memref<8192xi32, #tpu.memory_space<hbm>> -> memref<16xi32, #tpu.memory_space<hbm>>
      tpu.wait_dma2 semaphore(%run_scoped3A : memref<!tpu.dma_semaphore, #tpu.memory_space<semaphore_mem>>) src(%dma_wait3A_292 : memref<16xi32, #tpu.memory_space<hbm>>) dst(%arg6 : memref<16xi32, #tpu.memory_space<vmem>>)
      tpu.yield
    }) : () -> ()
    %dma_start3A_211 = arith.constant 0 : i32
    %dma_start3A_212 = arith.constant 0 : i32
    %dma_start3A_213 = tpu.memref_slice %arg2[%dma_start3A_211, %dma_start3A_212] : memref<8192x2048xf32, #tpu.memory_space<hbm>> -> memref<8192x2048xf32, #tpu.memory_space<hbm>>
    tpu.enqueue_indirect_dma source(%dma_start3A_213 : memref<8192x2048xf32, #tpu.memory_space<hbm>>) target(%arg9 : memref<16x2048xf32, #tpu.memory_space<vmem>>) offsets(%arg6 : memref<16xi32, #tpu.memory_space<vmem>>) semaphore(%arg12 : memref<!tpu.dma_semaphore, #tpu.memory_space<semaphore_mem>>)
    %dma_wait3A_214 = arith.constant 0 : i32
    %dma_wait3A_215 = arith.constant 0 : i32
    %dma_wait3A_216 = tpu.memref_slice %arg2[%dma_wait3A_214, %dma_wait3A_215] : memref<8192x2048xf32, #tpu.memory_space<hbm>> -> memref<8192x2048xf32, #tpu.memory_space<hbm>>
    tpu.wait_indirect_dma semaphore(%arg13 : memref<!tpu.dma_semaphore, #tpu.memory_space<semaphore_mem>>) src(%dma_wait3A_216 : memref<8192x2048xf32, #tpu.memory_space<hbm>>) dst(%arg10 : memref<16x2048xf32, #tpu.memory_space<vmem>>)
    %add3A_217 = arith.constant 176 : i32
    %add3A_218 = arith.addi %mul3A_2, %add3A_217 : i32
    %dma_start3A_219 = arith.constant 0 : i32
    %dma_start3A_220 = tpu.memref_slice %arg4[%add3A_218, %dma_start3A_219] : memref<8192x2048xf32, #tpu.memory_space<hbm>> -> memref<16x2048xf32, #tpu.memory_space<hbm>>
    %dma_start3A_221 = arith.constant 0 : i32
    %dma_start3A_222 = tpu.memref_slice %arg4[%add3A_218, %dma_start3A_221] : memref<8192x2048xf32, #tpu.memory_space<hbm>> -> memref<16x2048xf32, #tpu.memory_space<hbm>>
    tpu.enqueue_dma source(%arg10 : memref<16x2048xf32, #tpu.memory_space<vmem>>) target(%dma_start3A_222 : memref<16x2048xf32, #tpu.memory_space<hbm>>) target_semaphore(%arg16 : memref<!tpu.dma_semaphore, #tpu.memory_space<semaphore_mem>>)
    %dma_wait3A_223 = arith.constant 0 : i32
    %dma_wait3A_224 = tpu.memref_slice %arg4[%add3A_218, %dma_wait3A_223] : memref<8192x2048xf32, #tpu.memory_space<hbm>> -> memref<16x2048xf32, #tpu.memory_space<hbm>>
    %dma_wait3A_225 = arith.constant 0 : i32
    %dma_wait3A_226 = tpu.memref_slice %arg4[%add3A_218, %dma_wait3A_225] : memref<8192x2048xf32, #tpu.memory_space<hbm>> -> memref<16x2048xf32, #tpu.memory_space<hbm>>
    tpu.wait_dma2 semaphore(%arg16 : memref<!tpu.dma_semaphore, #tpu.memory_space<semaphore_mem>>) src(%arg10 : memref<16x2048xf32, #tpu.memory_space<vmem>>) dst(%dma_wait3A_226 : memref<16x2048xf32, #tpu.memory_space<hbm>>)
    %add3A_227 = arith.constant 224 : i32
    %add3A_228 = arith.addi %mul3A_2, %add3A_227 : i32
    "tpu.region"() ({
      %run_scoped3A = tpu.sem_alloc : memref<!tpu.dma_semaphore, #tpu.memory_space<semaphore_mem>>
      %dma_start3A_289 = tpu.memref_slice %arg3[%add3A_228] : memref<8192xi32, #tpu.memory_space<hbm>> -> memref<16xi32, #tpu.memory_space<hbm>>
      %dma_start3A_290 = tpu.memref_slice %arg3[%add3A_228] : memref<8192xi32, #tpu.memory_space<hbm>> -> memref<16xi32, #tpu.memory_space<hbm>>
      tpu.enqueue_dma source(%dma_start3A_290 : memref<16xi32, #tpu.memory_space<hbm>>) target(%arg7 : memref<16xi32, #tpu.memory_space<vmem>>) target_semaphore(%run_scoped3A : memref<!tpu.dma_semaphore, #tpu.memory_space<semaphore_mem>>)
      %dma_wait3A_291 = tpu.memref_slice %arg3[%add3A_228] : memref<8192xi32, #tpu.memory_space<hbm>> -> memref<16xi32, #tpu.memory_space<hbm>>
      %dma_wait3A_292 = tpu.memref_slice %arg3[%add3A_228] : memref<8192xi32, #tpu.memory_space<hbm>> -> memref<16xi32, #tpu.memory_space<hbm>>
      tpu.wait_dma2 semaphore(%run_scoped3A : memref<!tpu.dma_semaphore, #tpu.memory_space<semaphore_mem>>) src(%dma_wait3A_292 : memref<16xi32, #tpu.memory_space<hbm>>) dst(%arg7 : memref<16xi32, #tpu.memory_space<vmem>>)
      tpu.yield
    }) : () -> ()
    %dma_start3A_229 = arith.constant 0 : i32
    %dma_start3A_230 = arith.constant 0 : i32
    %dma_start3A_231 = tpu.memref_slice %arg2[%dma_start3A_229, %dma_start3A_230] : memref<8192x2048xf32, #tpu.memory_space<hbm>> -> memref<8192x2048xf32, #tpu.memory_space<hbm>>
    tpu.enqueue_indirect_dma source(%dma_start3A_231 : memref<8192x2048xf32, #tpu.memory_space<hbm>>) target(%arg10 : memref<16x2048xf32, #tpu.memory_space<vmem>>) offsets(%arg7 : memref<16xi32, #tpu.memory_space<vmem>>) semaphore(%arg13 : memref<!tpu.dma_semaphore, #tpu.memory_space<semaphore_mem>>)
    %dma_wait3A_232 = arith.constant 0 : i32
    %dma_wait3A_233 = arith.constant 0 : i32
    %dma_wait3A_234 = tpu.memref_slice %arg2[%dma_wait3A_232, %dma_wait3A_233] : memref<8192x2048xf32, #tpu.memory_space<hbm>> -> memref<8192x2048xf32, #tpu.memory_space<hbm>>
    tpu.wait_indirect_dma semaphore(%arg11 : memref<!tpu.dma_semaphore, #tpu.memory_space<semaphore_mem>>) src(%dma_wait3A_234 : memref<8192x2048xf32, #tpu.memory_space<hbm>>) dst(%arg8 : memref<16x2048xf32, #tpu.memory_space<vmem>>)
    %add3A_235 = arith.constant 192 : i32
    %add3A_236 = arith.addi %mul3A_2, %add3A_235 : i32
    %dma_start3A_237 = arith.constant 0 : i32
    %dma_start3A_238 = tpu.memref_slice %arg4[%add3A_236, %dma_start3A_237] : memref<8192x2048xf32, #tpu.memory_space<hbm>> -> memref<16x2048xf32, #tpu.memory_space<hbm>>
    %dma_start3A_239 = arith.constant 0 : i32
    %dma_start3A_240 = tpu.memref_slice %arg4[%add3A_236, %dma_start3A_239] : memref<8192x2048xf32, #tpu.memory_space<hbm>> -> memref<16x2048xf32, #tpu.memory_space<hbm>>
    tpu.enqueue_dma source(%arg8 : memref<16x2048xf32, #tpu.memory_space<vmem>>) target(%dma_start3A_240 : memref<16x2048xf32, #tpu.memory_space<hbm>>) target_semaphore(%arg14 : memref<!tpu.dma_semaphore, #tpu.memory_space<semaphore_mem>>)
    %dma_wait3A_241 = arith.constant 0 : i32
    %dma_wait3A_242 = tpu.memref_slice %arg4[%add3A_236, %dma_wait3A_241] : memref<8192x2048xf32, #tpu.memory_space<hbm>> -> memref<16x2048xf32, #tpu.memory_space<hbm>>
    %dma_wait3A_243 = arith.constant 0 : i32
    %dma_wait3A_244 = tpu.memref_slice %arg4[%add3A_236, %dma_wait3A_243] : memref<8192x2048xf32, #tpu.memory_space<hbm>> -> memref<16x2048xf32, #tpu.memory_space<hbm>>
    tpu.wait_dma2 semaphore(%arg14 : memref<!tpu.dma_semaphore, #tpu.memory_space<semaphore_mem>>) src(%arg8 : memref<16x2048xf32, #tpu.memory_space<vmem>>) dst(%dma_wait3A_244 : memref<16x2048xf32, #tpu.memory_space<hbm>>)
    %add3A_245 = arith.constant 240 : i32
    %add3A_246 = arith.addi %mul3A_2, %add3A_245 : i32
    "tpu.region"() ({
      %run_scoped3A = tpu.sem_alloc : memref<!tpu.dma_semaphore, #tpu.memory_space<semaphore_mem>>
      %dma_start3A_289 = tpu.memref_slice %arg3[%add3A_246] : memref<8192xi32, #tpu.memory_space<hbm>> -> memref<16xi32, #tpu.memory_space<hbm>>
      %dma_start3A_290 = tpu.memref_slice %arg3[%add3A_246] : memref<8192xi32, #tpu.memory_space<hbm>> -> memref<16xi32, #tpu.memory_space<hbm>>
      tpu.enqueue_dma source(%dma_start3A_290 : memref<16xi32, #tpu.memory_space<hbm>>) target(%arg5 : memref<16xi32, #tpu.memory_space<vmem>>) target_semaphore(%run_scoped3A : memref<!tpu.dma_semaphore, #tpu.memory_space<semaphore_mem>>)
      %dma_wait3A_291 = tpu.memref_slice %arg3[%add3A_246] : memref<8192xi32, #tpu.memory_space<hbm>> -> memref<16xi32, #tpu.memory_space<hbm>>
      %dma_wait3A_292 = tpu.memref_slice %arg3[%add3A_246] : memref<8192xi32, #tpu.memory_space<hbm>> -> memref<16xi32, #tpu.memory_space<hbm>>
      tpu.wait_dma2 semaphore(%run_scoped3A : memref<!tpu.dma_semaphore, #tpu.memory_space<semaphore_mem>>) src(%dma_wait3A_292 : memref<16xi32, #tpu.memory_space<hbm>>) dst(%arg5 : memref<16xi32, #tpu.memory_space<vmem>>)
      tpu.yield
    }) : () -> ()
    %dma_start3A_247 = arith.constant 0 : i32
    %dma_start3A_248 = arith.constant 0 : i32
    %dma_start3A_249 = tpu.memref_slice %arg2[%dma_start3A_247, %dma_start3A_248] : memref<8192x2048xf32, #tpu.memory_space<hbm>> -> memref<8192x2048xf32, #tpu.memory_space<hbm>>
    tpu.enqueue_indirect_dma source(%dma_start3A_249 : memref<8192x2048xf32, #tpu.memory_space<hbm>>) target(%arg8 : memref<16x2048xf32, #tpu.memory_space<vmem>>) offsets(%arg5 : memref<16xi32, #tpu.memory_space<vmem>>) semaphore(%arg11 : memref<!tpu.dma_semaphore, #tpu.memory_space<semaphore_mem>>)
    %dma_wait3A_250 = arith.constant 0 : i32
    %dma_wait3A_251 = arith.constant 0 : i32
    %dma_wait3A_252 = tpu.memref_slice %arg2[%dma_wait3A_250, %dma_wait3A_251] : memref<8192x2048xf32, #tpu.memory_space<hbm>> -> memref<8192x2048xf32, #tpu.memory_space<hbm>>
    tpu.wait_indirect_dma semaphore(%arg12 : memref<!tpu.dma_semaphore, #tpu.memory_space<semaphore_mem>>) src(%dma_wait3A_252 : memref<8192x2048xf32, #tpu.memory_space<hbm>>) dst(%arg9 : memref<16x2048xf32, #tpu.memory_space<vmem>>)
    %add3A_253 = arith.constant 208 : i32
    %add3A_254 = arith.addi %mul3A_2, %add3A_253 : i32
    %dma_start3A_255 = arith.constant 0 : i32
    %dma_start3A_256 = tpu.memref_slice %arg4[%add3A_254, %dma_start3A_255] : memref<8192x2048xf32, #tpu.memory_space<hbm>> -> memref<16x2048xf32, #tpu.memory_space<hbm>>
    %dma_start3A_257 = arith.constant 0 : i32
    %dma_start3A_258 = tpu.memref_slice %arg4[%add3A_254, %dma_start3A_257] : memref<8192x2048xf32, #tpu.memory_space<hbm>> -> memref<16x2048xf32, #tpu.memory_space<hbm>>
    tpu.enqueue_dma source(%arg9 : memref<16x2048xf32, #tpu.memory_space<vmem>>) target(%dma_start3A_258 : memref<16x2048xf32, #tpu.memory_space<hbm>>) target_semaphore(%arg15 : memref<!tpu.dma_semaphore, #tpu.memory_space<semaphore_mem>>)
    %dma_wait3A_259 = arith.constant 0 : i32
    %dma_wait3A_260 = arith.constant 0 : i32
    %dma_wait3A_261 = tpu.memref_slice %arg2[%dma_wait3A_259, %dma_wait3A_260] : memref<8192x2048xf32, #tpu.memory_space<hbm>> -> memref<8192x2048xf32, #tpu.memory_space<hbm>>
    tpu.wait_indirect_dma semaphore(%arg13 : memref<!tpu.dma_semaphore, #tpu.memory_space<semaphore_mem>>) src(%dma_wait3A_261 : memref<8192x2048xf32, #tpu.memory_space<hbm>>) dst(%arg10 : memref<16x2048xf32, #tpu.memory_space<vmem>>)
    %add3A_262 = arith.constant 224 : i32
    %add3A_263 = arith.addi %mul3A_2, %add3A_262 : i32
    %dma_start3A_264 = arith.constant 0 : i32
    %dma_start3A_265 = tpu.memref_slice %arg4[%add3A_263, %dma_start3A_264] : memref<8192x2048xf32, #tpu.memory_space<hbm>> -> memref<16x2048xf32, #tpu.memory_space<hbm>>
    %dma_start3A_266 = arith.constant 0 : i32
    %dma_start3A_267 = tpu.memref_slice %arg4[%add3A_263, %dma_start3A_266] : memref<8192x2048xf32, #tpu.memory_space<hbm>> -> memref<16x2048xf32, #tpu.memory_space<hbm>>
    tpu.enqueue_dma source(%arg10 : memref<16x2048xf32, #tpu.memory_space<vmem>>) target(%dma_start3A_267 : memref<16x2048xf32, #tpu.memory_space<hbm>>) target_semaphore(%arg16 : memref<!tpu.dma_semaphore, #tpu.memory_space<semaphore_mem>>)
    %dma_wait3A_268 = arith.constant 0 : i32
    %dma_wait3A_269 = arith.constant 0 : i32
    %dma_wait3A_270 = tpu.memref_slice %arg2[%dma_wait3A_268, %dma_wait3A_269] : memref<8192x2048xf32, #tpu.memory_space<hbm>> -> memref<8192x2048xf32, #tpu.memory_space<hbm>>
    tpu.wait_indirect_dma semaphore(%arg11 : memref<!tpu.dma_semaphore, #tpu.memory_space<semaphore_mem>>) src(%dma_wait3A_270 : memref<8192x2048xf32, #tpu.memory_space<hbm>>) dst(%arg8 : memref<16x2048xf32, #tpu.memory_space<vmem>>)
    %add3A_271 = arith.constant 240 : i32
    %add3A_272 = arith.addi %mul3A_2, %add3A_271 : i32
    %dma_start3A_273 = arith.constant 0 : i32
    %dma_start3A_274 = tpu.memref_slice %arg4[%add3A_272, %dma_start3A_273] : memref<8192x2048xf32, #tpu.memory_space<hbm>> -> memref<16x2048xf32, #tpu.memory_space<hbm>>
    %dma_start3A_275 = arith.constant 0 : i32
    %dma_start3A_276 = tpu.memref_slice %arg4[%add3A_272, %dma_start3A_275] : memref<8192x2048xf32, #tpu.memory_space<hbm>> -> memref<16x2048xf32, #tpu.memory_space<hbm>>
    tpu.enqueue_dma source(%arg8 : memref<16x2048xf32, #tpu.memory_space<vmem>>) target(%dma_start3A_276 : memref<16x2048xf32, #tpu.memory_space<hbm>>) target_semaphore(%arg14 : memref<!tpu.dma_semaphore, #tpu.memory_space<semaphore_mem>>)
    %dma_wait3A_277 = arith.constant 0 : i32
    %dma_wait3A_278 = tpu.memref_slice %arg4[%add3A_272, %dma_wait3A_277] : memref<8192x2048xf32, #tpu.memory_space<hbm>> -> memref<16x2048xf32, #tpu.memory_space<hbm>>
    %dma_wait3A_279 = arith.constant 0 : i32
    %dma_wait3A_280 = tpu.memref_slice %arg4[%add3A_272, %dma_wait3A_279] : memref<8192x2048xf32, #tpu.memory_space<hbm>> -> memref<16x2048xf32, #tpu.memory_space<hbm>>
    tpu.wait_dma2 semaphore(%arg14 : memref<!tpu.dma_semaphore, #tpu.memory_space<semaphore_mem>>) src(%arg8 : memref<16x2048xf32, #tpu.memory_space<vmem>>) dst(%dma_wait3A_280 : memref<16x2048xf32, #tpu.memory_space<hbm>>)
    %dma_wait3A_281 = arith.constant 0 : i32
    %dma_wait3A_282 = tpu.memref_slice %arg4[%add3A_254, %dma_wait3A_281] : memref<8192x2048xf32, #tpu.memory_space<hbm>> -> memref<16x2048xf32, #tpu.memory_space<hbm>>
    %dma_wait3A_283 = arith.constant 0 : i32
    %dma_wait3A_284 = tpu.memref_slice %arg4[%add3A_254, %dma_wait3A_283] : memref<8192x2048xf32, #tpu.memory_space<hbm>> -> memref<16x2048xf32, #tpu.memory_space<hbm>>
    tpu.wait_dma2 semaphore(%arg15 : memref<!tpu.dma_semaphore, #tpu.memory_space<semaphore_mem>>) src(%arg9 : memref<16x2048xf32, #tpu.memory_space<vmem>>) dst(%dma_wait3A_284 : memref<16x2048xf32, #tpu.memory_space<hbm>>)
    %dma_wait3A_285 = arith.constant 0 : i32
    %dma_wait3A_286 = tpu.memref_slice %arg4[%add3A_263, %dma_wait3A_285] : memref<8192x2048xf32, #tpu.memory_space<hbm>> -> memref<16x2048xf32, #tpu.memory_space<hbm>>
    %dma_wait3A_287 = arith.constant 0 : i32
    %dma_wait3A_288 = tpu.memref_slice %arg4[%add3A_263, %dma_wait3A_287] : memref<8192x2048xf32, #tpu.memory_space<hbm>> -> memref<16x2048xf32, #tpu.memory_space<hbm>>
    tpu.wait_dma2 semaphore(%arg16 : memref<!tpu.dma_semaphore, #tpu.memory_space<semaphore_mem>>) src(%arg10 : memref<16x2048xf32, #tpu.memory_space<vmem>>) dst(%dma_wait3A_288 : memref<16x2048xf32, #tpu.memory_space<hbm>>)
    return
  }
}

module attributes {stable_mosaic.version = 14 : i64} {
  func.func @_gate_route_body(%arg0: i32, %arg1: memref<512x2048xf32, #tpu.memory_space<vmem>>, %arg2: memref<8x2048xf32, #tpu.memory_space<vmem>>, %arg3: memref<8192x1xi32, #tpu.memory_space<vmem>>, %arg4: memref<1x8xi32, #tpu.memory_space<vmem>>, %arg5: memref<1x8xi32, #tpu.memory_space<vmem>>, %arg6: memref<40x1xi32, #tpu.memory_space<vmem>>, %arg7: memref<40x1xi32, #tpu.memory_space<vmem>>, %arg8: memref<40x1xi32, #tpu.memory_space<vmem>>, %arg9: memref<512x1024xi32, #tpu.memory_space<vmem>>, %arg10: memref<8192x1xi32, #tpu.memory_space<vmem>>) attributes {dimension_semantics = [#tpu.dimension_semantics<arbitrary>], iteration_bounds = array<i64: 16>, scalar_prefetch = 0 : i64, scratch_operands = 1 : i64, tpu.core_type = #tpu.core_type<tc>, window_params = [{transform_indices = @transform_0, window_bounds = array<i64: 512, 2048>}, {pipeline_mode = #tpu.pipeline_mode<synchronous>, transform_indices = @transform_1, window_bounds = array<i64: 8, 2048>}, {pipeline_mode = #tpu.pipeline_mode<synchronous>, transform_indices = @transform_2, window_bounds = array<i64: 8192, 1>}, {pipeline_mode = #tpu.pipeline_mode<synchronous>, transform_indices = @transform_3, window_bounds = array<i64: 1, 8>}, {pipeline_mode = #tpu.pipeline_mode<synchronous>, transform_indices = @transform_4, window_bounds = array<i64: 1, 8>}, {pipeline_mode = #tpu.pipeline_mode<synchronous>, transform_indices = @transform_5, window_bounds = array<i64: 40, 1>}, {pipeline_mode = #tpu.pipeline_mode<synchronous>, transform_indices = @transform_6, window_bounds = array<i64: 40, 1>}, {pipeline_mode = #tpu.pipeline_mode<synchronous>, transform_indices = @transform_7, window_bounds = array<i64: 40, 1>}, {transform_indices = @transform_8, window_bounds = array<i64: 512, 1024>}]} {
    %get3A = arith.constant 0 : index
    %get3A_0 = arith.constant 0 : index
    %get3A_1 = vector.load %arg1[%get3A, %get3A_0] : memref<512x2048xf32, #tpu.memory_space<vmem>>, vector<512x2048xf32>
    %bitcast_convert_type3A = tpu.bitcast %get3A_1 : vector<512x2048xf32> -> vector<512x2048xi32>
    %shift_right_logical3A = arith.constant 16 : i32
    %shift_right_logical3A_2 = vector.broadcast %shift_right_logical3A : i32 to vector<512x2048xi32>
    %shift_right_logical3A_3 = arith.shrui %bitcast_convert_type3A, %shift_right_logical3A_2 : vector<512x2048xi32>
    %and3A = arith.constant 1 : i32
    %and3A_4 = vector.broadcast %and3A : i32 to vector<512x2048xi32>
    %and3A_5 = arith.andi %shift_right_logical3A_3, %and3A_4 : vector<512x2048xi32>
    %add3A = arith.constant 32767 : i32
    %add3A_6 = vector.broadcast %add3A : i32 to vector<512x2048xi32>
    %add3A_7 = arith.addi %bitcast_convert_type3A, %add3A_6 : vector<512x2048xi32>
    %add3A_8 = arith.addi %add3A_7, %and3A_5 : vector<512x2048xi32>
    %shift_right_logical3A_9 = arith.constant 16 : i32
    %shift_right_logical3A_10 = vector.broadcast %shift_right_logical3A_9 : i32 to vector<512x2048xi32>
    %shift_right_logical3A_11 = arith.shrui %add3A_8, %shift_right_logical3A_10 : vector<512x2048xi32>
    %slice3A = vector.extract_strided_slice %shift_right_logical3A_11 {offsets = [0, 0], sizes = [512, 1024], strides = [1, 1]} : vector<512x2048xi32> to vector<512x1024xi32>
    %slice3A_12 = vector.extract_strided_slice %shift_right_logical3A_11 {offsets = [0, 1024], sizes = [512, 1024], strides = [1, 1]} : vector<512x2048xi32> to vector<512x1024xi32>
    %shift_left3A = arith.constant 16 : i32
    %shift_left3A_13 = vector.broadcast %shift_left3A : i32 to vector<512x1024xi32>
    %shift_left3A_14 = arith.shli %slice3A_12, %shift_left3A_13 : vector<512x1024xi32>
    %or3A = arith.ori %slice3A, %shift_left3A_14 : vector<512x1024xi32>
    %bitcast_convert_type3A_15 = tpu.bitcast %or3A : vector<512x1024xi32> -> vector<512x1024xi32>
    %swap3A = arith.constant 0 : index
    %swap3A_16 = arith.constant 0 : index
    %swap3A_17 = vector.load %arg9[%swap3A, %swap3A_16] : memref<512x1024xi32, #tpu.memory_space<vmem>>, vector<512x1024xi32>
    tpu.vector_store %arg9[%swap3A, %swap3A_16], %bitcast_convert_type3A_15 {strides = array<i32>} : memref<512x1024xi32, #tpu.memory_space<vmem>>, vector<512x1024xi32>,
    %get3A_18 = arith.constant 0 : index
    %get3A_19 = arith.constant 0 : index
    %get3A_20 = vector.load %arg2[%get3A_18, %get3A_19] : memref<8x2048xf32, #tpu.memory_space<vmem>>, vector<8x2048xf32>
    %dot_general3A = arith.constant dense<0.000000e+00> : vector<512x8xf32>
    %dot_general3A_21 = tpu.matmul %get3A_1, %get3A_20, %dot_general3A {dimension_numbers = #tpu.dot_dimension_numbers<[1], [1], [0], [0], [0, 0, 1, 0], [], []>, transpose_lhs_hint = false} : vector<512x2048xf32>, vector<8x2048xf32>, vector<512x8xf32> -> vector<512x8xf32>
    %reduce_max3A = arith.constant dense<0xFF800000> : vector<512xf32>
    %reduce_max3A_22 = vector.multi_reduction <maximumf>, %dot_general3A_21, %reduce_max3A [1] : vector<512x8xf32> to vector<512xf32>
    %broadcast_in_dim3A = vector.shape_cast %reduce_max3A_22 : vector<512xf32> to vector<512x1xf32>
    %iota3A = tpu.iota {dimensions = array<i32: 1>} : vector<512x8xi32>
    %eq3A = vector.broadcast %broadcast_in_dim3A : vector<512x1xf32> to vector<512x8xf32>
    %eq3A_23 = arith.cmpf oeq, %dot_general3A_21, %eq3A : vector<512x8xf32>
    %jit3A = arith.constant 8 : i32
    %broadcast_in_dim3A_24 = vector.broadcast %jit3A : i32 to vector<512x8xi32>
    %select_n3A = arith.select %eq3A_23, %iota3A, %broadcast_in_dim3A_24 : vector<512x8xi1>, vector<512x8xi32>
    %reduce_min3A = arith.constant dense<2147483647> : vector<512xi32>
    %reduce_min3A_25 = vector.multi_reduction <minsi>, %select_n3A, %reduce_min3A [1] : vector<512x8xi32> to vector<512xi32>
    %broadcast_in_dim3A_26 = vector.shape_cast %reduce_min3A_25 : vector<512xi32> to vector<512x1xi32>
    %mul3A = arith.constant 512 : i32
    %mul3A_27 = arith.muli %arg0, %mul3A : i32
    %swap3A_28 = arith.index_cast %mul3A_27 : i32 to index
    %swap3A_29 = arith.constant 0 : index
    %swap3A_30 = vector.load %arg10[%swap3A_28, %swap3A_29] : memref<8192x1xi32, #tpu.memory_space<vmem>>, vector<512x1xi32>
    tpu.vector_store %arg10[%swap3A_28, %swap3A_29], %broadcast_in_dim3A_26 {strides = array<i32>} : memref<8192x1xi32, #tpu.memory_space<vmem>>, vector<512x1xi32>,
    %eq3A_31 = arith.constant 15 : i32
    %eq3A_32 = arith.cmpi eq, %arg0, %eq3A_31 : i32
    %convert_element_type3A = arith.extui %eq3A_32 : i1 to i32
    %cond3A = arith.constant 0 : i32
    %cond3A_33 = arith.cmpi ne, %convert_element_type3A, %cond3A : i32
    scf.if %cond3A_33 {
      %get3A_34 = arith.constant 0 : index
      %get3A_35 = arith.constant 0 : index
      %get3A_36 = vector.load %arg10[%get3A_34, %get3A_35] : memref<8192x1xi32, #tpu.memory_space<vmem>>, vector<8192x1xi32>
      %iota3A_37 = tpu.iota {dimensions = array<i32: 1>} : vector<8192x8xi32>
      %eq3A_38 = vector.broadcast %get3A_36 : vector<8192x1xi32> to vector<8192x8xi32>
      %eq3A_39 = arith.cmpi eq, %eq3A_38, %iota3A_37 : vector<8192x8xi32>
      %convert_element_type3A_40 = arith.extui %eq3A_39 : vector<8192x8xi1> to vector<8192x8xi32>
      %broadcast_in_dim3A_41 = arith.constant 0 : i32
      %broadcast_in_dim3A_42 = vector.broadcast %broadcast_in_dim3A_41 : i32 to vector<1x8xi32>
      %slice3A_43 = vector.extract_strided_slice %convert_element_type3A_40 {offsets = [0, 0], sizes = [8191, 8], strides = [1, 1]} : vector<8192x8xi32> to vector<8191x8xi32>
      %concatenate3A = tpu.concatenate %broadcast_in_dim3A_42, %slice3A_43 in 0 : vector<1x8xi32>, vector<8191x8xi32> -> vector<8192x8xi32>
      %add3A_44 = arith.addi %convert_element_type3A_40, %concatenate3A : vector<8192x8xi32>
      %broadcast_in_dim3A_45 = arith.constant 0 : i32
      %broadcast_in_dim3A_46 = vector.broadcast %broadcast_in_dim3A_45 : i32 to vector<2x8xi32>
      %slice3A_47 = vector.extract_strided_slice %add3A_44 {offsets = [0, 0], sizes = [8190, 8], strides = [1, 1]} : vector<8192x8xi32> to vector<8190x8xi32>
      %concatenate3A_48 = tpu.concatenate %broadcast_in_dim3A_46, %slice3A_47 in 0 : vector<2x8xi32>, vector<8190x8xi32> -> vector<8192x8xi32>
      %add3A_49 = arith.addi %add3A_44, %concatenate3A_48 : vector<8192x8xi32>
      %broadcast_in_dim3A_50 = arith.constant 0 : i32
      %broadcast_in_dim3A_51 = vector.broadcast %broadcast_in_dim3A_50 : i32 to vector<4x8xi32>
      %slice3A_52 = vector.extract_strided_slice %add3A_49 {offsets = [0, 0], sizes = [8188, 8], strides = [1, 1]} : vector<8192x8xi32> to vector<8188x8xi32>
      %concatenate3A_53 = tpu.concatenate %broadcast_in_dim3A_51, %slice3A_52 in 0 : vector<4x8xi32>, vector<8188x8xi32> -> vector<8192x8xi32>
      %add3A_54 = arith.addi %add3A_49, %concatenate3A_53 : vector<8192x8xi32>
      %broadcast_in_dim3A_55 = arith.constant 0 : i32
      %broadcast_in_dim3A_56 = vector.broadcast %broadcast_in_dim3A_55 : i32 to vector<8x8xi32>
      %slice3A_57 = vector.extract_strided_slice %add3A_54 {offsets = [0, 0], sizes = [8184, 8], strides = [1, 1]} : vector<8192x8xi32> to vector<8184x8xi32>
      %concatenate3A_58 = tpu.concatenate %broadcast_in_dim3A_56, %slice3A_57 in 0 : vector<8x8xi32>, vector<8184x8xi32> -> vector<8192x8xi32>
      %add3A_59 = arith.addi %add3A_54, %concatenate3A_58 : vector<8192x8xi32>
      %broadcast_in_dim3A_60 = arith.constant 0 : i32
      %broadcast_in_dim3A_61 = vector.broadcast %broadcast_in_dim3A_60 : i32 to vector<16x8xi32>
      %slice3A_62 = vector.extract_strided_slice %add3A_59 {offsets = [0, 0], sizes = [8176, 8], strides = [1, 1]} : vector<8192x8xi32> to vector<8176x8xi32>
      %concatenate3A_63 = tpu.concatenate %broadcast_in_dim3A_61, %slice3A_62 in 0 : vector<16x8xi32>, vector<8176x8xi32> -> vector<8192x8xi32>
      %add3A_64 = arith.addi %add3A_59, %concatenate3A_63 : vector<8192x8xi32>
      %broadcast_in_dim3A_65 = arith.constant 0 : i32
      %broadcast_in_dim3A_66 = vector.broadcast %broadcast_in_dim3A_65 : i32 to vector<32x8xi32>
      %slice3A_67 = vector.extract_strided_slice %add3A_64 {offsets = [0, 0], sizes = [8160, 8], strides = [1, 1]} : vector<8192x8xi32> to vector<8160x8xi32>
      %concatenate3A_68 = tpu.concatenate %broadcast_in_dim3A_66, %slice3A_67 in 0 : vector<32x8xi32>, vector<8160x8xi32> -> vector<8192x8xi32>
      %add3A_69 = arith.addi %add3A_64, %concatenate3A_68 : vector<8192x8xi32>
      %broadcast_in_dim3A_70 = arith.constant 0 : i32
      %broadcast_in_dim3A_71 = vector.broadcast %broadcast_in_dim3A_70 : i32 to vector<64x8xi32>
      %slice3A_72 = vector.extract_strided_slice %add3A_69 {offsets = [0, 0], sizes = [8128, 8], strides = [1, 1]} : vector<8192x8xi32> to vector<8128x8xi32>
      %concatenate3A_73 = tpu.concatenate %broadcast_in_dim3A_71, %slice3A_72 in 0 : vector<64x8xi32>, vector<8128x8xi32> -> vector<8192x8xi32>
      %add3A_74 = arith.addi %add3A_69, %concatenate3A_73 : vector<8192x8xi32>
      %broadcast_in_dim3A_75 = arith.constant 0 : i32
      %broadcast_in_dim3A_76 = vector.broadcast %broadcast_in_dim3A_75 : i32 to vector<128x8xi32>
      %slice3A_77 = vector.extract_strided_slice %add3A_74 {offsets = [0, 0], sizes = [8064, 8], strides = [1, 1]} : vector<8192x8xi32> to vector<8064x8xi32>
      %concatenate3A_78 = tpu.concatenate %broadcast_in_dim3A_76, %slice3A_77 in 0 : vector<128x8xi32>, vector<8064x8xi32> -> vector<8192x8xi32>
      %add3A_79 = arith.addi %add3A_74, %concatenate3A_78 : vector<8192x8xi32>
      %broadcast_in_dim3A_80 = arith.constant 0 : i32
      %broadcast_in_dim3A_81 = vector.broadcast %broadcast_in_dim3A_80 : i32 to vector<256x8xi32>
      %slice3A_82 = vector.extract_strided_slice %add3A_79 {offsets = [0, 0], sizes = [7936, 8], strides = [1, 1]} : vector<8192x8xi32> to vector<7936x8xi32>
      %concatenate3A_83 = tpu.concatenate %broadcast_in_dim3A_81, %slice3A_82 in 0 : vector<256x8xi32>, vector<7936x8xi32> -> vector<8192x8xi32>
      %add3A_84 = arith.addi %add3A_79, %concatenate3A_83 : vector<8192x8xi32>
      %broadcast_in_dim3A_85 = arith.constant 0 : i32
      %broadcast_in_dim3A_86 = vector.broadcast %broadcast_in_dim3A_85 : i32 to vector<512x8xi32>
      %slice3A_87 = vector.extract_strided_slice %add3A_84 {offsets = [0, 0], sizes = [7680, 8], strides = [1, 1]} : vector<8192x8xi32> to vector<7680x8xi32>
      %concatenate3A_88 = tpu.concatenate %broadcast_in_dim3A_86, %slice3A_87 in 0 : vector<512x8xi32>, vector<7680x8xi32> -> vector<8192x8xi32>
      %add3A_89 = arith.addi %add3A_84, %concatenate3A_88 : vector<8192x8xi32>
      %broadcast_in_dim3A_90 = arith.constant 0 : i32
      %broadcast_in_dim3A_91 = vector.broadcast %broadcast_in_dim3A_90 : i32 to vector<1024x8xi32>
      %slice3A_92 = vector.extract_strided_slice %add3A_89 {offsets = [0, 0], sizes = [7168, 8], strides = [1, 1]} : vector<8192x8xi32> to vector<7168x8xi32>
      %concatenate3A_93 = tpu.concatenate %broadcast_in_dim3A_91, %slice3A_92 in 0 : vector<1024x8xi32>, vector<7168x8xi32> -> vector<8192x8xi32>
      %add3A_94 = arith.addi %add3A_89, %concatenate3A_93 : vector<8192x8xi32>
      %broadcast_in_dim3A_95 = arith.constant 0 : i32
      %broadcast_in_dim3A_96 = vector.broadcast %broadcast_in_dim3A_95 : i32 to vector<2048x8xi32>
      %slice3A_97 = vector.extract_strided_slice %add3A_94 {offsets = [0, 0], sizes = [6144, 8], strides = [1, 1]} : vector<8192x8xi32> to vector<6144x8xi32>
      %concatenate3A_98 = tpu.concatenate %broadcast_in_dim3A_96, %slice3A_97 in 0 : vector<2048x8xi32>, vector<6144x8xi32> -> vector<8192x8xi32>
      %add3A_99 = arith.addi %add3A_94, %concatenate3A_98 : vector<8192x8xi32>
      %broadcast_in_dim3A_100 = arith.constant 0 : i32
      %broadcast_in_dim3A_101 = vector.broadcast %broadcast_in_dim3A_100 : i32 to vector<4096x8xi32>
      %slice3A_102 = vector.extract_strided_slice %add3A_99 {offsets = [0, 0], sizes = [4096, 8], strides = [1, 1]} : vector<8192x8xi32> to vector<4096x8xi32>
      %concatenate3A_103 = tpu.concatenate %broadcast_in_dim3A_101, %slice3A_102 in 0 : vector<4096x8xi32>, vector<4096x8xi32> -> vector<8192x8xi32>
      %add3A_104 = arith.addi %add3A_99, %concatenate3A_103 : vector<8192x8xi32>
      %slice3A_105 = vector.extract_strided_slice %add3A_104 {offsets = [8191, 0], sizes = [1, 8], strides = [1, 1]} : vector<8192x8xi32> to vector<1x8xi32>
      %broadcast_in_dim3A_106 = arith.constant 0 : i32
      %broadcast_in_dim3A_107 = vector.broadcast %broadcast_in_dim3A_106 : i32 to vector<1x1xi32>
      %slice3A_108 = vector.extract_strided_slice %slice3A_105 {offsets = [0, 0], sizes = [1, 7], strides = [1, 1]} : vector<1x8xi32> to vector<1x7xi32>
      %concatenate3A_109 = tpu.concatenate %broadcast_in_dim3A_107, %slice3A_108 in 1 : vector<1x1xi32>, vector<1x7xi32> -> vector<1x8xi32>
      %add3A_110 = arith.addi %slice3A_105, %concatenate3A_109 : vector<1x8xi32>
      %broadcast_in_dim3A_111 = arith.constant 0 : i32
      %broadcast_in_dim3A_112 = vector.broadcast %broadcast_in_dim3A_111 : i32 to vector<1x2xi32>
      %slice3A_113 = vector.extract_strided_slice %add3A_110 {offsets = [0, 0], sizes = [1, 6], strides = [1, 1]} : vector<1x8xi32> to vector<1x6xi32>
      %concatenate3A_114 = tpu.concatenate %broadcast_in_dim3A_112, %slice3A_113 in 1 : vector<1x2xi32>, vector<1x6xi32> -> vector<1x8xi32>
      %add3A_115 = arith.addi %add3A_110, %concatenate3A_114 : vector<1x8xi32>
      %broadcast_in_dim3A_116 = arith.constant 0 : i32
      %broadcast_in_dim3A_117 = vector.broadcast %broadcast_in_dim3A_116 : i32 to vector<1x4xi32>
      %slice3A_118 = vector.extract_strided_slice %add3A_115 {offsets = [0, 0], sizes = [1, 4], strides = [1, 1]} : vector<1x8xi32> to vector<1x4xi32>
      %concatenate3A_119 = tpu.concatenate %broadcast_in_dim3A_117, %slice3A_118 in 1 : vector<1x4xi32>, vector<1x4xi32> -> vector<1x8xi32>
      %add3A_120 = arith.addi %add3A_115, %concatenate3A_119 : vector<1x8xi32>
      %sub3A = arith.subi %add3A_120, %slice3A_105 : vector<1x8xi32>
      %sub3A_121 = arith.subi %add3A_104, %convert_element_type3A_40 : vector<8192x8xi32>
      %add3A_122 = vector.broadcast %sub3A : vector<1x8xi32> to vector<8192x8xi32>
      %add3A_123 = arith.addi %add3A_122, %sub3A_121 : vector<8192x8xi32>
      %mul3A_124 = arith.muli %convert_element_type3A_40, %add3A_123 : vector<8192x8xi32>
      %reduce_sum3A = arith.constant dense<0> : vector<8192xi32>
      %reduce_sum3A_125 = vector.multi_reduction <add>, %mul3A_124, %reduce_sum3A [1] : vector<8192x8xi32> to vector<8192xi32>
      %broadcast_in_dim3A_126 = vector.shape_cast %reduce_sum3A_125 : vector<8192xi32> to vector<8192x1xi32>
      %swap3A_127 = arith.constant 0 : index
      %swap3A_128 = arith.constant 0 : index
      %swap3A_129 = vector.load %arg3[%swap3A_127, %swap3A_128] : memref<8192x1xi32, #tpu.memory_space<vmem>>, vector<8192x1xi32>
      tpu.vector_store %arg3[%swap3A_127, %swap3A_128], %broadcast_in_dim3A_126 {strides = array<i32>} : memref<8192x1xi32, #tpu.memory_space<vmem>>, vector<8192x1xi32>,
      %swap3A_130 = arith.constant 0 : index
      %swap3A_131 = arith.constant 0 : index
      %swap3A_132 = vector.load %arg4[%swap3A_130, %swap3A_131] : memref<1x8xi32, #tpu.memory_space<vmem>>, vector<1x8xi32>
      tpu.vector_store %arg4[%swap3A_130, %swap3A_131], %sub3A {strides = array<i32>} : memref<1x8xi32, #tpu.memory_space<vmem>>, vector<1x8xi32>,
      %swap3A_133 = arith.constant 0 : index
      %swap3A_134 = arith.constant 0 : index
      %swap3A_135 = vector.load %arg5[%swap3A_133, %swap3A_134] : memref<1x8xi32, #tpu.memory_space<vmem>>, vector<1x8xi32>
      tpu.vector_store %arg5[%swap3A_133, %swap3A_134], %add3A_120 {strides = array<i32>} : memref<1x8xi32, #tpu.memory_space<vmem>>, vector<1x8xi32>,
      %gt3A = arith.constant 0 : i32
      %gt3A_136 = vector.broadcast %gt3A : i32 to vector<1x8xi32>
      %gt3A_137 = arith.cmpi sgt, %slice3A_105, %gt3A_136 : vector<1x8xi32>
      %jit3A_138 = arith.constant 256 : i32
      %div3A = vector.broadcast %jit3A_138 : i32 to vector<1x8xi32>
      %div3A_139 = arith.divsi %sub3A, %div3A : vector<1x8xi32>
      %sign3A = arith.constant 0 : i32
      %sign3A_140 = vector.broadcast %sign3A : i32 to vector<1x8xi32>
      %sign3A_141 = arith.cmpi sgt, %sub3A, %sign3A_140 : vector<1x8xi32>
      %sign3A_142 = arith.extui %sign3A_141 : vector<1x8xi1> to vector<1x8xi32>
      %sign3A_143 = arith.constant 0 : i32
      %sign3A_144 = vector.broadcast %sign3A_143 : i32 to vector<1x8xi32>
      %sign3A_145 = arith.cmpi slt, %sub3A, %sign3A_144 : vector<1x8xi32>
      %sign3A_146 = arith.extui %sign3A_145 : vector<1x8xi1> to vector<1x8xi32>
      %sign3A_147 = arith.subi %sign3A_142, %sign3A_146 : vector<1x8xi32>
      %sign3A_148 = arith.constant 0 : i32
      %sign3A_149 = arith.cmpi sgt, %jit3A_138, %sign3A_148 : i32
      %sign3A_150 = arith.extui %sign3A_149 : i1 to i32
      %sign3A_151 = arith.constant 0 : i32
      %sign3A_152 = arith.cmpi slt, %jit3A_138, %sign3A_151 : i32
      %sign3A_153 = arith.extui %sign3A_152 : i1 to i32
      %sign3A_154 = arith.subi %sign3A_150, %sign3A_153 : i32
      %ne3A = vector.broadcast %sign3A_154 : i32 to vector<1x8xi32>
      %ne3A_155 = arith.cmpi ne, %sign3A_147, %ne3A : vector<1x8xi32>
      %rem3A = vector.broadcast %jit3A_138 : i32 to vector<1x8xi32>
      %rem3A_156 = arith.remsi %sub3A, %rem3A : vector<1x8xi32>
      %ne3A_157 = arith.constant 0 : i32
      %ne3A_158 = vector.broadcast %ne3A_157 : i32 to vector<1x8xi32>
      %ne3A_159 = arith.cmpi ne, %rem3A_156, %ne3A_158 : vector<1x8xi32>
      %and3A_160 = arith.andi %ne3A_155, %ne3A_159 : vector<1x8xi1>
      %sub3A_161 = arith.constant 1 : i32
      %sub3A_162 = vector.broadcast %sub3A_161 : i32 to vector<1x8xi32>
      %sub3A_163 = arith.subi %div3A_139, %sub3A_162 : vector<1x8xi32>
      %select_n3A_164 = arith.select %and3A_160, %sub3A_163, %div3A_139 : vector<1x8xi1>, vector<1x8xi32>
      %sub3A_165 = arith.constant 1 : i32
      %sub3A_166 = vector.broadcast %sub3A_165 : i32 to vector<1x8xi32>
      %sub3A_167 = arith.subi %add3A_120, %sub3A_166 : vector<1x8xi32>
      %jit3A_168 = arith.constant 256 : i32
      %div3A_169 = vector.broadcast %jit3A_168 : i32 to vector<1x8xi32>
      %div3A_170 = arith.divsi %sub3A_167, %div3A_169 : vector<1x8xi32>
      %sign3A_171 = arith.constant 0 : i32
      %sign3A_172 = vector.broadcast %sign3A_171 : i32 to vector<1x8xi32>
      %sign3A_173 = arith.cmpi sgt, %sub3A_167, %sign3A_172 : vector<1x8xi32>
      %sign3A_174 = arith.extui %sign3A_173 : vector<1x8xi1> to vector<1x8xi32>
      %sign3A_175 = arith.constant 0 : i32
      %sign3A_176 = vector.broadcast %sign3A_175 : i32 to vector<1x8xi32>
      %sign3A_177 = arith.cmpi slt, %sub3A_167, %sign3A_176 : vector<1x8xi32>
      %sign3A_178 = arith.extui %sign3A_177 : vector<1x8xi1> to vector<1x8xi32>
      %sign3A_179 = arith.subi %sign3A_174, %sign3A_178 : vector<1x8xi32>
      %sign3A_180 = arith.constant 0 : i32
      %sign3A_181 = arith.cmpi sgt, %jit3A_168, %sign3A_180 : i32
      %sign3A_182 = arith.extui %sign3A_181 : i1 to i32
      %sign3A_183 = arith.constant 0 : i32
      %sign3A_184 = arith.cmpi slt, %jit3A_168, %sign3A_183 : i32
      %sign3A_185 = arith.extui %sign3A_184 : i1 to i32
      %sign3A_186 = arith.subi %sign3A_182, %sign3A_185 : i32
      %ne3A_187 = vector.broadcast %sign3A_186 : i32 to vector<1x8xi32>
      %ne3A_188 = arith.cmpi ne, %sign3A_179, %ne3A_187 : vector<1x8xi32>
      %rem3A_189 = vector.broadcast %jit3A_168 : i32 to vector<1x8xi32>
      %rem3A_190 = arith.remsi %sub3A_167, %rem3A_189 : vector<1x8xi32>
      %ne3A_191 = arith.constant 0 : i32
      %ne3A_192 = vector.broadcast %ne3A_191 : i32 to vector<1x8xi32>
      %ne3A_193 = arith.cmpi ne, %rem3A_190, %ne3A_192 : vector<1x8xi32>
      %and3A_194 = arith.andi %ne3A_188, %ne3A_193 : vector<1x8xi1>
      %sub3A_195 = arith.constant 1 : i32
      %sub3A_196 = vector.broadcast %sub3A_195 : i32 to vector<1x8xi32>
      %sub3A_197 = arith.subi %div3A_170, %sub3A_196 : vector<1x8xi32>
      %select_n3A_198 = arith.select %and3A_194, %sub3A_197, %div3A_170 : vector<1x8xi1>, vector<1x8xi32>
      %sub3A_199 = arith.subi %select_n3A_198, %select_n3A_164 : vector<1x8xi32>
      %add3A_200 = arith.constant 1 : i32
      %add3A_201 = vector.broadcast %add3A_200 : i32 to vector<1x8xi32>
      %add3A_202 = arith.addi %sub3A_199, %add3A_201 : vector<1x8xi32>
      %jit3A_203 = arith.constant 0 : i32
      %broadcast_in_dim3A_204 = vector.broadcast %jit3A_203 : i32 to vector<1x8xi32>
      %select_n3A_205 = arith.select %gt3A_137, %add3A_202, %broadcast_in_dim3A_204 : vector<1x8xi1>, vector<1x8xi32>
      %broadcast_in_dim3A_206 = arith.constant 0 : i32
      %broadcast_in_dim3A_207 = vector.broadcast %broadcast_in_dim3A_206 : i32 to vector<1x1xi32>
      %slice3A_208 = vector.extract_strided_slice %select_n3A_205 {offsets = [0, 0], sizes = [1, 7], strides = [1, 1]} : vector<1x8xi32> to vector<1x7xi32>
      %concatenate3A_209 = tpu.concatenate %broadcast_in_dim3A_207, %slice3A_208 in 1 : vector<1x1xi32>, vector<1x7xi32> -> vector<1x8xi32>
      %add3A_210 = arith.addi %select_n3A_205, %concatenate3A_209 : vector<1x8xi32>
      %broadcast_in_dim3A_211 = arith.constant 0 : i32
      %broadcast_in_dim3A_212 = vector.broadcast %broadcast_in_dim3A_211 : i32 to vector<1x2xi32>
      %slice3A_213 = vector.extract_strided_slice %add3A_210 {offsets = [0, 0], sizes = [1, 6], strides = [1, 1]} : vector<1x8xi32> to vector<1x6xi32>
      %concatenate3A_214 = tpu.concatenate %broadcast_in_dim3A_212, %slice3A_213 in 1 : vector<1x2xi32>, vector<1x6xi32> -> vector<1x8xi32>
      %add3A_215 = arith.addi %add3A_210, %concatenate3A_214 : vector<1x8xi32>
      %broadcast_in_dim3A_216 = arith.constant 0 : i32
      %broadcast_in_dim3A_217 = vector.broadcast %broadcast_in_dim3A_216 : i32 to vector<1x4xi32>
      %slice3A_218 = vector.extract_strided_slice %add3A_215 {offsets = [0, 0], sizes = [1, 4], strides = [1, 1]} : vector<1x8xi32> to vector<1x4xi32>
      %concatenate3A_219 = tpu.concatenate %broadcast_in_dim3A_217, %slice3A_218 in 1 : vector<1x4xi32>, vector<1x4xi32> -> vector<1x8xi32>
      %add3A_220 = arith.addi %add3A_215, %concatenate3A_219 : vector<1x8xi32>
      %sub3A_221 = arith.subi %add3A_220, %select_n3A_205 : vector<1x8xi32>
      %slice3A_222 = vector.extract_strided_slice %add3A_220 {offsets = [0, 7], sizes = [1, 1], strides = [1, 1]} : vector<1x8xi32> to vector<1x1xi32>
      %iota3A_223 = tpu.iota {dimensions = array<i32: 0>} : vector<40x1xi32>
      %broadcast_in_dim3A_224 = vector.shape_cast %add3A_220 : vector<1x8xi32> to vector<1x8xi32>
      %broadcast_in_dim3A_225 = vector.broadcast %broadcast_in_dim3A_224 : vector<1x8xi32> to vector<40x8xi32>
      %le3A = vector.broadcast %iota3A_223 : vector<40x1xi32> to vector<40x8xi32>
      %le3A_226 = arith.cmpi sle, %broadcast_in_dim3A_225, %le3A : vector<40x8xi32>
      %convert_element_type3A_227 = arith.extui %le3A_226 : vector<40x8xi1> to vector<40x8xi32>
      %reduce_sum3A_228 = arith.constant dense<0> : vector<40xi32>
      %reduce_sum3A_229 = vector.multi_reduction <add>, %convert_element_type3A_227, %reduce_sum3A_228 [1] : vector<40x8xi32> to vector<40xi32>
      %broadcast_in_dim3A_230 = vector.shape_cast %reduce_sum3A_229 : vector<40xi32> to vector<40x1xi32>
      %lt3A = vector.broadcast %slice3A_222 : vector<1x1xi32> to vector<40x1xi32>
      %lt3A_231 = arith.cmpi slt, %iota3A_223, %lt3A : vector<40x1xi32>
      %min3A = arith.constant 7 : i32
      %min3A_232 = vector.broadcast %min3A : i32 to vector<40x1xi32>
      %min3A_233 = arith.minsi %broadcast_in_dim3A_230, %min3A_232 : vector<40x1xi32>
      %iota3A_234 = tpu.iota {dimensions = array<i32: 1>} : vector<40x8xi32>
      %eq3A_235 = vector.broadcast %min3A_233 : vector<40x1xi32> to vector<40x8xi32>
      %eq3A_236 = arith.cmpi eq, %eq3A_235, %iota3A_234 : vector<40x8xi32>
      %convert_element_type3A_237 = arith.extui %eq3A_236 : vector<40x8xi1> to vector<40x8xi32>
      %broadcast_in_dim3A_238 = vector.shape_cast %select_n3A_164 : vector<1x8xi32> to vector<1x8xi32>
      %broadcast_in_dim3A_239 = vector.broadcast %broadcast_in_dim3A_238 : vector<1x8xi32> to vector<40x8xi32>
      %mul3A_240 = arith.muli %convert_element_type3A_237, %broadcast_in_dim3A_239 : vector<40x8xi32>
      %reduce_sum3A_241 = arith.constant dense<0> : vector<40xi32>
      %reduce_sum3A_242 = vector.multi_reduction <add>, %mul3A_240, %reduce_sum3A_241 [1] : vector<40x8xi32> to vector<40xi32>
      %broadcast_in_dim3A_243 = vector.shape_cast %reduce_sum3A_242 : vector<40xi32> to vector<40x1xi32>
      %broadcast_in_dim3A_244 = vector.shape_cast %sub3A_221 : vector<1x8xi32> to vector<1x8xi32>
      %broadcast_in_dim3A_245 = vector.broadcast %broadcast_in_dim3A_244 : vector<1x8xi32> to vector<40x8xi32>
      %mul3A_246 = arith.muli %convert_element_type3A_237, %broadcast_in_dim3A_245 : vector<40x8xi32>
      %reduce_sum3A_247 = arith.constant dense<0> : vector<40xi32>
      %reduce_sum3A_248 = vector.multi_reduction <add>, %mul3A_246, %reduce_sum3A_247 [1] : vector<40x8xi32> to vector<40xi32>
      %broadcast_in_dim3A_249 = vector.shape_cast %reduce_sum3A_248 : vector<40xi32> to vector<40x1xi32>
      %sub3A_250 = arith.subi %iota3A_223, %broadcast_in_dim3A_249 : vector<40x1xi32>
      %add3A_251 = arith.addi %broadcast_in_dim3A_243, %sub3A_250 : vector<40x1xi32>
      %jit3A_252 = arith.constant 31 : i32
      %broadcast_in_dim3A_253 = vector.broadcast %jit3A_252 : i32 to vector<40x1xi32>
      %select_n3A_254 = arith.select %lt3A_231, %add3A_251, %broadcast_in_dim3A_253 : vector<40x1xi1>, vector<40x1xi32>
      %swap3A_255 = arith.constant 0 : index
      %swap3A_256 = arith.constant 0 : index
      %swap3A_257 = vector.load %arg6[%swap3A_255, %swap3A_256] : memref<40x1xi32, #tpu.memory_space<vmem>>, vector<40x1xi32>
      tpu.vector_store %arg6[%swap3A_255, %swap3A_256], %select_n3A_254 {strides = array<i32>} : memref<40x1xi32, #tpu.memory_space<vmem>>, vector<40x1xi32>,
      %jit3A_258 = arith.constant 7 : i32
      %broadcast_in_dim3A_259 = vector.broadcast %jit3A_258 : i32 to vector<40x1xi32>
      %select_n3A_260 = arith.select %lt3A_231, %min3A_233, %broadcast_in_dim3A_259 : vector<40x1xi1>, vector<40x1xi32>
      %swap3A_261 = arith.constant 0 : index
      %swap3A_262 = arith.constant 0 : index
      %swap3A_263 = vector.load %arg7[%swap3A_261, %swap3A_262] : memref<40x1xi32, #tpu.memory_space<vmem>>, vector<40x1xi32>
      tpu.vector_store %arg7[%swap3A_261, %swap3A_262], %select_n3A_260 {strides = array<i32>} : memref<40x1xi32, #tpu.memory_space<vmem>>, vector<40x1xi32>,
      %convert_element_type3A_264 = arith.extui %lt3A_231 : vector<40x1xi1> to vector<40x1xi32>
      %swap3A_265 = arith.constant 0 : index
      %swap3A_266 = arith.constant 0 : index
      %swap3A_267 = vector.load %arg8[%swap3A_265, %swap3A_266] : memref<40x1xi32, #tpu.memory_space<vmem>>, vector<40x1xi32>
      tpu.vector_store %arg8[%swap3A_265, %swap3A_266], %convert_element_type3A_264 {strides = array<i32>} : memref<40x1xi32, #tpu.memory_space<vmem>>, vector<40x1xi32>,
    } else {
    }
    return
  }
  func.func @transform_0(%arg0: i32) -> (i32, i32) {
    %c0_i32 = arith.constant 0 : i32
    %c0_i32_0 = arith.constant 0 : i32
    return %arg0, %c0_i32 : i32, i32
  }
  func.func @transform_1(%arg0: i32) -> (i32, i32) {
    %c0_i32 = arith.constant 0 : i32
    %c0_i32_0 = arith.constant 0 : i32
    %c0_i32_1 = arith.constant 0 : i32
    return %c0_i32, %c0_i32_0 : i32, i32
  }
  func.func @transform_2(%arg0: i32) -> (i32, i32) {
    %c0_i32 = arith.constant 0 : i32
    %c0_i32_0 = arith.constant 0 : i32
    %c0_i32_1 = arith.constant 0 : i32
    return %c0_i32, %c0_i32_0 : i32, i32
  }
  func.func @transform_3(%arg0: i32) -> (i32, i32) {
    %c0_i32 = arith.constant 0 : i32
    %c0_i32_0 = arith.constant 0 : i32
    %c0_i32_1 = arith.constant 0 : i32
    return %c0_i32, %c0_i32_0 : i32, i32
  }
  func.func @transform_4(%arg0: i32) -> (i32, i32) {
    %c0_i32 = arith.constant 0 : i32
    %c0_i32_0 = arith.constant 0 : i32
    %c0_i32_1 = arith.constant 0 : i32
    return %c0_i32, %c0_i32_0 : i32, i32
  }
  func.func @transform_5(%arg0: i32) -> (i32, i32) {
    %c0_i32 = arith.constant 0 : i32
    %c0_i32_0 = arith.constant 0 : i32
    %c0_i32_1 = arith.constant 0 : i32
    return %c0_i32, %c0_i32_0 : i32, i32
  }
  func.func @transform_6(%arg0: i32) -> (i32, i32) {
    %c0_i32 = arith.constant 0 : i32
    %c0_i32_0 = arith.constant 0 : i32
    %c0_i32_1 = arith.constant 0 : i32
    return %c0_i32, %c0_i32_0 : i32, i32
  }
  func.func @transform_7(%arg0: i32) -> (i32, i32) {
    %c0_i32 = arith.constant 0 : i32
    %c0_i32_0 = arith.constant 0 : i32
    %c0_i32_1 = arith.constant 0 : i32
    return %c0_i32, %c0_i32_0 : i32, i32
  }
  func.func @transform_8(%arg0: i32) -> (i32, i32) {
    %c0_i32 = arith.constant 0 : i32
    %c0_i32_0 = arith.constant 0 : i32
    return %arg0, %c0_i32 : i32, i32
  }
}

module attributes {stable_mosaic.version = 14 : i64} {
  func.func @_moe_body(%arg0: i32, %arg1: memref<40xi32, #tpu.memory_space<smem>>, %arg2: memref<40xi32, #tpu.memory_space<smem>>, %arg3: memref<40xi32, #tpu.memory_space<smem>>, %arg4: memref<8xi32, #tpu.memory_space<smem>>, %arg5: memref<8xi32, #tpu.memory_space<smem>>, %arg6: memref<256x1024xi32, #tpu.memory_space<vmem>>, %arg7: memref<1x2048x2048xf32, #tpu.memory_space<vmem>>, %arg8: memref<1x1x2048xf32, #tpu.memory_space<vmem>>, %arg9: memref<2048x2048xf32, #tpu.memory_space<vmem>>, %arg10: memref<256x2048xf32, #tpu.memory_space<vmem>>) attributes {dimension_semantics = [#tpu.dimension_semantics<arbitrary>], iteration_bounds = array<i64: 39>, scalar_prefetch = 5 : i64, scratch_operands = 0 : i64, tpu.core_type = #tpu.core_type<tc>, window_params = [{transform_indices = @transform_0, window_bounds = array<i64: 256, 1024>}, {transform_indices = @transform_1, window_bounds = array<i64: 1, 2048, 2048>}, {transform_indices = @transform_2, window_bounds = array<i64: 1, 1, 2048>}, {pipeline_mode = #tpu.pipeline_mode<synchronous>, transform_indices = @transform_3, window_bounds = array<i64: 2048, 2048>}, {transform_indices = @transform_4, window_bounds = array<i64: 256, 2048>}]} {
    %get3A = arith.index_cast %arg0 : i32 to index
    %get3A_0 = memref.load %arg3[%get3A] : memref<40xi32, #tpu.memory_space<smem>>
    %eq3A = arith.constant 1 : i32
    %eq3A_1 = arith.cmpi eq, %get3A_0, %eq3A : i32
    %convert_element_type3A = arith.extui %eq3A_1 : i1 to i32
    %cond3A = arith.constant 0 : i32
    %cond3A_2 = arith.cmpi ne, %convert_element_type3A, %cond3A : i32
    scf.if %cond3A_2 {
      %get3A_3 = arith.constant 0 : index
      %get3A_4 = arith.constant 0 : index
      %get3A_5 = vector.load %arg6[%get3A_3, %get3A_4] : memref<256x1024xi32, #tpu.memory_space<vmem>>, vector<256x1024xi32>
      %bitcast_convert_type3A = tpu.bitcast %get3A_5 : vector<256x1024xi32> -> vector<256x1024xi32>
      %shift_left3A = arith.constant 16 : i32
      %shift_left3A_6 = vector.broadcast %shift_left3A : i32 to vector<256x1024xi32>
      %shift_left3A_7 = arith.shli %bitcast_convert_type3A, %shift_left3A_6 : vector<256x1024xi32>
      %bitcast_convert_type3A_8 = tpu.bitcast %shift_left3A_7 : vector<256x1024xi32> -> vector<256x1024xf32>
      %and3A = arith.constant -65536 : i32
      %and3A_9 = vector.broadcast %and3A : i32 to vector<256x1024xi32>
      %and3A_10 = arith.andi %bitcast_convert_type3A, %and3A_9 : vector<256x1024xi32>
      %bitcast_convert_type3A_11 = tpu.bitcast %and3A_10 : vector<256x1024xi32> -> vector<256x1024xf32>
      %concatenate3A = tpu.concatenate %bitcast_convert_type3A_8, %bitcast_convert_type3A_11 in 1 : vector<256x1024xf32>, vector<256x1024xf32> -> vector<256x2048xf32>
      %get3A_12 = arith.constant 0 : index
      %get3A_13 = arith.constant 0 : index
      %get3A_14 = arith.constant 0 : index
      %get3A_15 = vector.load %arg7[%get3A_12, %get3A_13, %get3A_14] : memref<1x2048x2048xf32, #tpu.memory_space<vmem>>, vector<1x2048x2048xf32>
      %get3A_16 = vector.shape_cast %get3A_15 : vector<1x2048x2048xf32> to vector<2048x2048xf32>
      %dot_general3A = arith.constant dense<0.000000e+00> : vector<256x2048xf32>
      %dot_general3A_17 = tpu.matmul %concatenate3A, %get3A_16, %dot_general3A {dimension_numbers = #tpu.dot_dimension_numbers<[1], [1], [0], [0], [0, 0, 1, 0], [], []>, transpose_lhs_hint = false} : vector<256x2048xf32>, vector<2048x2048xf32>, vector<256x2048xf32> -> vector<256x2048xf32>
      %get3A_18 = arith.constant 0 : index
      %get3A_19 = arith.constant 0 : index
      %get3A_20 = arith.constant 0 : index
      %get3A_21 = vector.load %arg8[%get3A_18, %get3A_19, %get3A_20] : memref<1x1x2048xf32, #tpu.memory_space<vmem>>, vector<1x1x2048xf32>
      %get3A_22 = vector.shape_cast %get3A_21 : vector<1x1x2048xf32> to vector<1x2048xf32>
      %add3A = vector.broadcast %get3A_22 : vector<1x2048xf32> to vector<256x2048xf32>
      %add3A_23 = arith.addf %dot_general3A_17, %add3A : vector<256x2048xf32>
      %mul3A = arith.constant 5.000000e-01 : f32
      %mul3A_24 = vector.broadcast %mul3A : f32 to vector<256x2048xf32>
      %mul3A_25 = arith.mulf %mul3A_24, %add3A_23 : vector<256x2048xf32>
      %mul3A_26 = arith.constant 0.707106769 : f32
      %mul3A_27 = vector.broadcast %mul3A_26 : f32 to vector<256x2048xf32>
      %mul3A_28 = arith.mulf %add3A_23, %mul3A_27 : vector<256x2048xf32>
      %erf3A = math.erf %mul3A_28 : vector<256x2048xf32>
      %add3A_29 = arith.constant 1.000000e+00 : f32
      %add3A_30 = vector.broadcast %add3A_29 : f32 to vector<256x2048xf32>
      %add3A_31 = arith.addf %add3A_30, %erf3A : vector<256x2048xf32>
      %mul3A_32 = arith.mulf %mul3A_25, %add3A_31 : vector<256x2048xf32>
      %get3A_33 = arith.index_cast %arg0 : i32 to index
      %get3A_34 = memref.load %arg2[%get3A_33] : memref<40xi32, #tpu.memory_space<smem>>
      %get3A_35 = arith.index_cast %arg0 : i32 to index
      %get3A_36 = memref.load %arg1[%get3A_35] : memref<40xi32, #tpu.memory_space<smem>>
      %mul3A_37 = arith.constant 256 : i32
      %mul3A_38 = arith.muli %get3A_36, %mul3A_37 : i32
      %iota3A = tpu.iota {dimensions = array<i32: 0>} : vector<256x1xi32>
      %add3A_39 = vector.broadcast %mul3A_38 : i32 to vector<256x1xi32>
      %add3A_40 = arith.addi %add3A_39, %iota3A : vector<256x1xi32>
      %get3A_41 = arith.index_cast %get3A_34 : i32 to index
      %get3A_42 = memref.load %arg4[%get3A_41] : memref<8xi32, #tpu.memory_space<smem>>
      %ge3A = vector.broadcast %get3A_42 : i32 to vector<256x1xi32>
      %ge3A_43 = arith.cmpi sge, %add3A_40, %ge3A : vector<256x1xi32>
      %get3A_44 = arith.index_cast %get3A_34 : i32 to index
      %get3A_45 = memref.load %arg5[%get3A_44] : memref<8xi32, #tpu.memory_space<smem>>
      %lt3A = vector.broadcast %get3A_45 : i32 to vector<256x1xi32>
      %lt3A_46 = arith.cmpi slt, %add3A_40, %lt3A : vector<256x1xi32>
      %and3A_47 = arith.andi %ge3A_43, %lt3A_46 : vector<256x1xi1>
      %jit3A = arith.constant 0.000000e+00 : f32
      %broadcast_in_dim3A = vector.shape_cast %and3A_47 : vector<256x1xi1> to vector<256x1xi1>
      %broadcast_in_dim3A_48 = vector.broadcast %broadcast_in_dim3A : vector<256x1xi1> to vector<256x2048xi1>
      %broadcast_in_dim3A_49 = vector.broadcast %jit3A : f32 to vector<256x2048xf32>
      %select_n3A = arith.select %broadcast_in_dim3A_48, %mul3A_32, %broadcast_in_dim3A_49 : vector<256x2048xi1>, vector<256x2048xf32>
      %get3A_50 = arith.constant 0 : index
      %get3A_51 = arith.constant 0 : index
      %get3A_52 = vector.load %arg9[%get3A_50, %get3A_51] : memref<2048x2048xf32, #tpu.memory_space<vmem>>, vector<2048x2048xf32>
      %dot_general3A_53 = arith.constant dense<0.000000e+00> : vector<256x2048xf32>
      %dot_general3A_54 = tpu.matmul %select_n3A, %get3A_52, %dot_general3A_53 {dimension_numbers = #tpu.dot_dimension_numbers<[1], [1], [0], [0], [0, 0, 1, 0], [], []>, transpose_lhs_hint = false} : vector<256x2048xf32>, vector<2048x2048xf32>, vector<256x2048xf32> -> vector<256x2048xf32>
      %get3A_55 = arith.constant 0 : index
      %get3A_56 = arith.constant 0 : index
      %get3A_57 = vector.load %arg10[%get3A_55, %get3A_56] : memref<256x2048xf32, #tpu.memory_space<vmem>>, vector<256x2048xf32>
      %broadcast_in_dim3A_58 = vector.shape_cast %and3A_47 : vector<256x1xi1> to vector<256x1xi1>
      %broadcast_in_dim3A_59 = vector.broadcast %broadcast_in_dim3A_58 : vector<256x1xi1> to vector<256x2048xi1>
      %select_n3A_60 = arith.select %broadcast_in_dim3A_59, %dot_general3A_54, %get3A_57 : vector<256x2048xi1>, vector<256x2048xf32>
      %swap3A = arith.constant 0 : index
      %swap3A_61 = arith.constant 0 : index
      %swap3A_62 = vector.load %arg10[%swap3A, %swap3A_61] : memref<256x2048xf32, #tpu.memory_space<vmem>>, vector<256x2048xf32>
      tpu.vector_store %arg10[%swap3A, %swap3A_61], %select_n3A_60 {strides = array<i32>} : memref<256x2048xf32, #tpu.memory_space<vmem>>, vector<256x2048xf32>,
    } else {
    }
    return
  }
  func.func @transform_0(%arg0: i32, %arg1: memref<40xi32, #tpu.memory_space<smem>>, %arg2: memref<40xi32, #tpu.memory_space<smem>>, %arg3: memref<40xi32, #tpu.memory_space<smem>>, %arg4: memref<8xi32, #tpu.memory_space<smem>>, %arg5: memref<8xi32, #tpu.memory_space<smem>>) -> (i32, i32) {
    %get3A = arith.index_cast %arg0 : i32 to index
    %get3A_0 = memref.load %arg1[%get3A] : memref<40xi32, #tpu.memory_space<smem>>
    %c0_i32 = arith.constant 0 : i32
    %c0_i32_1 = arith.constant 0 : i32
    return %get3A_0, %c0_i32 : i32, i32
  }
  func.func @transform_1(%arg0: i32, %arg1: memref<40xi32, #tpu.memory_space<smem>>, %arg2: memref<40xi32, #tpu.memory_space<smem>>, %arg3: memref<40xi32, #tpu.memory_space<smem>>, %arg4: memref<8xi32, #tpu.memory_space<smem>>, %arg5: memref<8xi32, #tpu.memory_space<smem>>) -> (i32, i32, i32) {
    %get3A = arith.index_cast %arg0 : i32 to index
    %get3A_0 = memref.load %arg2[%get3A] : memref<40xi32, #tpu.memory_space<smem>>
    %c0_i32 = arith.constant 0 : i32
    %c0_i32_1 = arith.constant 0 : i32
    %c0_i32_2 = arith.constant 0 : i32
    return %get3A_0, %c0_i32, %c0_i32_1 : i32, i32, i32
  }
  func.func @transform_2(%arg0: i32, %arg1: memref<40xi32, #tpu.memory_space<smem>>, %arg2: memref<40xi32, #tpu.memory_space<smem>>, %arg3: memref<40xi32, #tpu.memory_space<smem>>, %arg4: memref<8xi32, #tpu.memory_space<smem>>, %arg5: memref<8xi32, #tpu.memory_space<smem>>) -> (i32, i32, i32) {
    %get3A = arith.index_cast %arg0 : i32 to index
    %get3A_0 = memref.load %arg2[%get3A] : memref<40xi32, #tpu.memory_space<smem>>
    %c0_i32 = arith.constant 0 : i32
    %c0_i32_1 = arith.constant 0 : i32
    %c0_i32_2 = arith.constant 0 : i32
    return %get3A_0, %c0_i32, %c0_i32_1 : i32, i32, i32
  }
  func.func @transform_3(%arg0: i32, %arg1: memref<40xi32, #tpu.memory_space<smem>>, %arg2: memref<40xi32, #tpu.memory_space<smem>>, %arg3: memref<40xi32, #tpu.memory_space<smem>>, %arg4: memref<8xi32, #tpu.memory_space<smem>>, %arg5: memref<8xi32, #tpu.memory_space<smem>>) -> (i32, i32) {
    %c0_i32 = arith.constant 0 : i32
    %c0_i32_0 = arith.constant 0 : i32
    %c0_i32_1 = arith.constant 0 : i32
    return %c0_i32, %c0_i32_0 : i32, i32
  }
  func.func @transform_4(%arg0: i32, %arg1: memref<40xi32, #tpu.memory_space<smem>>, %arg2: memref<40xi32, #tpu.memory_space<smem>>, %arg3: memref<40xi32, #tpu.memory_space<smem>>, %arg4: memref<8xi32, #tpu.memory_space<smem>>, %arg5: memref<8xi32, #tpu.memory_space<smem>>) -> (i32, i32) {
    %get3A = arith.index_cast %arg0 : i32 to index
    %get3A_0 = memref.load %arg1[%get3A] : memref<40xi32, #tpu.memory_space<smem>>
    %c0_i32 = arith.constant 0 : i32
    %c0_i32_1 = arith.constant 0 : i32
    return %get3A_0, %c0_i32 : i32, i32
  }
}

</mosaic_0001>

<sc_bundles>
// kernel: kernel.6.cloned.1.call-start
scs
__scs_entry_jumppad:
0x0: {  	(pc) =	sbr.rel $0x88, $3  }
0x1: {  	(tag) =	ssettag $0x0;
	lr =	simm.s32 $0x1  }
0x2: {  	[smem:$0x3F9C] =	sst lr;
	_ =	strace $0xD0000000  }
0x3: {  	_ = 	snop  }
0x4: {  	_ = 	snop  }
0x5: {  	_ = 	snop  }
0x6: {  	_ = 	snop  }
0x7: {  	_ = 	snop  }
__scs_overlays_trampoline_lowered:
0x8: {  	[smem:$0x3FAB] =	sst s0  }
0x9: {  	[smem:$0x3FAC] =	sst s1  }
0xa: {  	[smem:$0x3FAD] =	sst s2  }
0xb: {  	[smem:$0x3FAE] =	sst s3  }
0xc: {  	[smem:$0x3FAF] =	sst s4  }
0xd: {  	[smem:$0x3FB0] =	sst s5  }
0xe: {  	[smem:$0x3FB1] =	sst s6  }
0xf: {  	[smem:$0x3FB2] =	sst s7  }
0x10: {  	[smem:$0x3FB3] =	sst s8  }
0x11: {  	[smem:$0x3FB4] =	sst s9;
	s0 =	simm.s32 @!p0 $0x0  }
0x12: {  	s1 =	sld [smem:$0x3F9A];
	s0 =	simm.s32 @p0 $0x1  }
0x13: {  	[smem:$0x3FB5] =	sst s0;
	s0 =	simm.s32 @!p1 $0x0  }
0x14: {  	s2 =	sld [smem:$0x3F99];
	s0 =	simm.s32 @p1 $0x1  }
0x15: {  	[smem:$0x3FB6] =	sst s0;
	s0 =	simm.s32 @!p2 $0x0  }
0x16: {  	s3 =	sld [smem:$0x3FDB];
	s0 =	simm.s32 @p2 $0x1  }
0x17: {  	s4 =	simm.s32 $0x1BF5;
	[smem:$0x3FB8] =	sst s0  }
0x18: {  	s0 =	sld [smem:$0x3F9B];
	_ =	swait.ge [sflag:s4], $0x0  }
0x19: {  	s7 =	sld [smem:$0x3F9C]  }
0x1a: {  	s8 =	sadd.s32 $0xFFFFE003, lr  }
0x1b: {  	s9 =	sadd.s32 $0xFFFFFEF7, lr;
	s5 =	simm.s32 $0xFFFFFFFF;
	p2 =	slt.u32 s8, $0xFFFFF086  }
0x1c: {  	p1 =	slt.u32 s9, $0xF7A;
	s5 =	simm.s32 @!p2 $0x0  }
0x1d: {  	s5 =	simm.s32 @p1 $0x1;
	p0 =	seq.s32 s7, s2  }
0x1e: {  	s7 =	smul.u32 @!p0 $0xF7A, s2;
	p2 =	seq.s32 @!p0 s5, $0x0  }
0x1f: {  	s9 =	smul.u32 $0xF7A, s1;
	s8 =	simm.s32 @!p0 $0x1BF5;
	p2 =	por !p2, p0  }
0x20: {  	[sflag:s8] =	ssyncset.s32 @!p0 $0xFFFFF086;
	s6 =	sadd.s32 @!p0 s3, s7;
	s7 =	simm.s32 @!p0 $0x108  }
0x21: {  	s3 =	sadd.s32 s3, s9;
	s6 =	sadd.s32 @!p0 $0x88, s6;
	s7 =	simm.s32 @p2 $0x1082  }
0x22: {  	[simem:s7], [sflag:s8] =	dma.local @!p0 [hbm:s6], $0xF7A  }
0x23: {  	s9 =	sor.u32 $0xD0000000, s2;
	s6 =	simm.s32 $0x108;
	_ =	swait.ge @!p0 [sflag:s8], $0x0  }
0x24: {  	s3 =	sadd.s32 $0x88, s3;
	s6 =	simm.s32 @!p1 $0x1082;
	[sflag:s4] =	ssyncset.s32 $0xFFFFF086  }
0x25: {  	[simem:s6], [sflag:s4] =	dma.local [hbm:s3], $0xF7A  }
0x26: {  	[smem:$0x3F9C] =	sst s1;
	(tag) =	ssettag s2;
	_ =	strace s9  }
0x27: {  	s1 =	sld [smem:$0x3FAC]  }
0x28: {  	s2 =	sld [smem:$0x3FAD]  }
0x29: {  	s4 =	sld [smem:$0x3FAF]  }
0x2a: {  	p0 =	seq.s32 s5, $0x0;
	s5 =	sld [smem:$0x3FB0]  }
0x2b: {  	s6 =	sld [smem:$0x3FB1]  }
0x2c: {  	s7 =	sld [smem:$0x3FB2]  }
0x2d: {  	s3 =	simm.s32 $0x108;
	s8 =	sld [smem:$0x3FB3]  }
0x2e: {  	s3 =	simm.s32 @!p0 $0x1082;
	s9 =	sld [smem:$0x3FB4]  }
0x2f: {  	lr =	sadd.s32 s0, s3;
	s0 =	sld [smem:$0x3FAB]  }
0x30: {  	s3 =	sld [smem:$0x3FAE]  }
0x31: {  	[smem:$0x3FB7] =	sst s10  }
0x32: {  	s10 =	sld [smem:$0x3FB5];
	_ =	sdelay $0x3  }
0x33: {  	p0 =	seq.s32 s10, $0x1;
	s10 =	sld [smem:$0x3FB7];
	_ =	sdelay $0x3  }
0x34: {  	[smem:$0x3FB7] =	sst s10  }
0x35: {  	s10 =	sld [smem:$0x3FB6];
	_ =	sdelay $0x3  }
0x36: {  	p1 =	seq.s32 s10, $0x1;
	s10 =	sld [smem:$0x3FB7];
	_ =	sdelay $0x3  }
0x37: {  	[smem:$0x3FB7] =	sst s10  }
0x38: {  	s10 =	sld [smem:$0x3FB8]  }
0x39: {  	_ = 	snop;
	(pc) =	sbr.ind lr, $3  }
0x3a: {  	_ = 	snop  }
0x3b: {  	_ = 	snop  }
0x3c: {  	p2 =	seq.s32 s10, $0x1;
	s10 =	sld [smem:$0x3FB7]  }
0x3d: {  	_ =	shalt  }
0x3e: {  	_ =	shalt  }
0x3f: {  	_ =	shalt  }
0x40: {  	_ =	shalt  }
0x41: {  	_ =	shalt  }
0x42: {  	_ =	shalt  }
0x43: {  	_ =	shalt  }
0x44: {  	_ =	shalt  }
0x45: {  	_ =	shalt  }
0x46: {  	_ =	shalt  }
0x47: {  	_ =	shalt  }
0x48: {  	_ =	shalt  }
0x49: {  	_ =	shalt  }
0x4a: {  	_ =	shalt  }
0x4b: {  	_ =	shalt  }
0x4c: {  	_ =	shalt  }
0x4d: {  	_ =	shalt  }
0x4e: {  	_ =	shalt  }
0x4f: {  	_ =	shalt  }
0x50: {  	_ =	shalt  }
0x51: {  	_ =	shalt  }
0x52: {  	_ =	shalt  }
0x53: {  	_ =	shalt  }
0x54: {  	_ =	shalt  }
0x55: {  	_ =	shalt  }
0x56: {  	_ =	shalt  }
0x57: {  	_ =	shalt  }
0x58: {  	_ =	shalt  }
0x59: {  	_ =	shalt  }
0x5a: {  	_ =	shalt  }
0x5b: {  	_ =	shalt  }
0x5c: {  	_ =	shalt  }
0x5d: {  	_ =	shalt  }
0x5e: {  	_ =	shalt  }
0x5f: {  	_ =	shalt  }
0x60: {  	_ =	shalt  }
0x61: {  	_ =	shalt  }
0x62: {  	_ =	shalt  }
0x63: {  	_ =	shalt  }
0x64: {  	_ =	shalt  }
0x65: {  	_ =	shalt  }
0x66: {  	_ =	shalt  }
0x67: {  	_ =	shalt  }
0x68: {  	_ =	shalt  }
0x69: {  	_ =	shalt  }
0x6a: {  	_ =	shalt  }
0x6b: {  	_ =	shalt  }
0x6c: {  	_ =	shalt  }
0x6d: {  	_ =	shalt  }
0x6e: {  	_ =	shalt  }
0x6f: {  	_ =	shalt  }
0x70: {  	_ =	shalt  }
0x71: {  	_ =	shalt  }
0x72: {  	_ =	shalt  }
0x73: {  	_ =	shalt  }
0x74: {  	_ =	shalt  }
0x75: {  	_ =	shalt  }
0x76: {  	_ =	shalt  }
0x77: {  	_ =	shalt  }
0x78: {  	_ =	shalt  }
0x79: {  	_ =	shalt  }
0x7a: {  	_ =	shalt  }
0x7b: {  	_ =	shalt  }
0x7c: {  	_ =	shalt  }
0x7d: {  	_ =	shalt  }
0x7e: {  	_ =	shalt  }
0x7f: {  	_ =	shalt  }
0x80: {  	_ =	shalt  }
0x81: {  	_ =	shalt  }
0x82: {  	_ =	shalt  }
0x83: {  	_ =	shalt  }
0x84: {  	_ =	shalt  }
0x85: {  	_ =	shalt  }
0x86: {  	_ =	shalt  }
0x87: {  	_ =	shalt  }
.Lfunc_end0:
.L_simem_size_0:
called_computation_lowered:
.L_overlay_start_0:
0x88: {  	s2 =	sld [smem:$0x3FD9]  }
0x89: {  	s3 =	sld [smem:$0x3FFE];
	_ =	sdelay $0x1  }
0x8a: {  	s1 =	srdreg.scid  }
0x8b: {  	s0 =	sand.u32 $0x1, s1  }
0x8c: {  	s17 =	sshll.u32 s0, $0xA;
	s2 =	sadd.s32 s3, s2  }
0x8d: {  	s2 =	sadd.s32 s2, s17  }
0x8e: {  	[smem:$0x3FC3] =	sst s2  }
0x8f: {  	_ = 	snop  }
0x90: {  	s2 =	sld [smem:$0x3FD0];
	(tm) =	ssettm $0x1  }
0x91: {  	s18 =	sld [smem:$0x3FFB];
	_ =	sdelay $0x3  }
0x92: {  	_ =	strace s18  }
0x93: {  	s3 =	sld [smem:$0x3FFC];
	_ =	sdelay $0x3  }
0x94: {  	_ =	strace s3  }
0x95: {  	s3 =	sld [smem:$0x3FFD];
	_ =	sdelay $0x3  }
0x96: {  	_ =	strace s3  }
0x97: {  	_ =	strace $0x8FFFFFFF  }
0x98: {  	s19 =	sld [smem:$0x3FDB];
	_ =	sdelay $0x1  }
0x99: {  	s4 =	simm.s32 $_scs_section_size  }
0x9a: {  	s5 =	simm.s32 $_size__tile_overlayer_lowered;
	s6 =	simm.s32 $_tile_overlayer_lowered  }
0x9b: {  	s22 =	simm.s32 $0x1BFF;
	s21 =	sshll.u32 s6, $0x1;
	s3 =	sadd.s32 s4, s19  }
0x9c: {  	s7 =	simm.s32 $0x0;
	s20 =	sshll.u32 s5, $0x1;
	s5 =	sadd.s32 s21, s3  }
0x9d: {  	[timem:s7], [sflag:s22] =	dma.local [hbm:s5], s20  }
0x9e: {  	_ =	swait.ge [sflag:s22], s20  }
0x9f: {  	s4 =	ssub.s32 $0x0, s20;
	[sflag:s22] =	ssyncset.done $0x0  }
0xa0: {  	[sflag:s22] =	ssyncadd.s32 s4;
	_ =	sdelay $0x1  }
0xa1: {  	s23 =	simm.s32 $0x1B8B  }
0xa2: {  	_ =	swait.ge [sflag:s23], $0x1  }
0xa3: {  	[sflag:s23] =	ssyncset.done $0x0  }
0xa4: {  	s25 =	simm.s32 $0x1B8E;
	s24 =	sld [smem:$0x3FFE];
	[sflag:s23] =	ssyncadd.s32 $0xFFFFFFFF  }
0xa5: {  	s26 =	simm.s32 $execute0_lowered;
	[smem:$0x3FD2] =	sst s25  }
0xa6: {  	s5 =	sshll.u32 s26, $0x1;
	_ =	strace $0x80000046;
	[dreg:$0x1] =	wrdreg $0xFFFFFFFF  }
0xa7: {  	s28 =	simm.s32 $_size_execute0_lowered;
	s3 =	sadd.s32 s3, s5;
	[dreg:$0x0] =	wrdreg $0x0  }
0xa8: {  	s5 =	sshll.u32 s28, $0x1;
	[dreg:$0x2] =	wrdreg s3  }
0xa9: {  	[dreg:$0x3] =	wrdreg s5  }
0xaa: {  	[dreg:$0x4] =	wrdreg $0xC0  }
0xab: {  	_ =	task [dreg:s7], $0x5FFFF  }
0xac: {  	[dreg:$0x1] =	wrdreg $0xFFFFFFFF  }
0xad: {  	[dreg:$0x0] =	wrdreg $0x60  }
0xae: {  	[dreg:$0x2] =	wrdreg s2  }
0xaf: {  	[dreg:$0x3] =	wrdreg s24  }
0xb0: {  	[dreg:$0x4] =	wrdreg $0x9  }
0xb1: {  	_ =	task.clear_ibuf [dreg:s7], $0x5FFFF;
	_ =	strace $0x90000046  }
0xb2: {  	s29 =	simm.s32 $0x9;
	_ =	strace $0x80000048  }
0xb3: {  	_ =	swait.ge [sflag:s29], $0x1  }
0xb4: {  	[sflag:s29] =	ssyncadd.s32 $0xFFFFFFFF  }
0xb5: {  	_ =	strace $0x90000048  }
0xb6: {  	_ =	sfence  }
0xb7: {  	s30 =	sld [smem:$0x0];
	_ =	sdelay $0x2  }
0xb8: {  	s31 =	sshll.u32 s1, $0xD;
	s1 =	sshrl.u32 s1, $0x2  }
0xb9: {  	s3 =	sand.u32 $0x4000, s31;
	s1 =	sadd.s32 s1, s30  }
0xba: {  	s0 =	sor.u32 s3, s0;
	s1 =	sshll.u32 s1, $0x11  }
0xbb: {  	s0 =	sor.u32 s1, s0  }
0xbc: {  	s0 =	sadd.s32 $0x8F2B, s0  }
0xbd: {  	[sflag:s0] =	ssyncadd.remote.s32 $0x1  }
0xbe: {  	_ =	sfence.sel $0xFFFF  }
0xbf: {  	[dreg:$0x0] =	wrdreg $0xFFFFFFFF;
	(pc) =	sbr.abs _section_cstart, $3  }
0xc0: {  	[dreg:$0x1] =	wrdreg $0xFFFFFFFF  }
0xc1: {  	_ =	task.clear_ibuf [dreg:s7], $0x2FFFF;
	_ =	strace $0x9FFFFFFF  }
0xc2: {  	(tm) =	ssettm $0x7FFFFFFF  }
0xc3: {  	_ =	shalt  }
tec
execute0_lowered:
.L_overlay_start_1:
0x0: {  	(tag) =	ssettag $0x1  }
0x1: {  	s1 =	rddreg [dreg:$0x0]  }
0x2: {  	s0 =	rddreg [dreg:$0x1];
	s2 =	srdreg.scid  }
0x3: {  	s3 =	stileid.u32;
	s31 =	simm.s32 $0x5;
	s28 =	simm.s32 $0x6  }
0x4: {  	s6 =	sand.u32 $0x1, s2;
	s2 =	simm.s32 $0x0;
	s3 =	sshll.u32 s3, $0x9  }
0x5: {  	s4 =	sshll.u32 s6, $0x8;
	[smem:$0x7FF] =	sst s2;
	s6 =	ssub.s32 $0x2, s6  }
0x6: {  	s5 =	sor.u32 s4, s3;
	_ =	strace $0x80000047;
	s4 =	sadd.s32 $0x400, s0  }
0x7: {  	s3 =	sshrl.u32 s5, $0x3;
	s7 =	sshll.u32 s5, $0x7;
	s8 =	sor.u32 $0x10, s5  }
0x8: {  	s16 =	sor.u32 $0x20, s5;
	s18 =	sor.u32 $0x30, s5;
	s24 =	sor.u32 $0x40, s5  }
0x9: {  	s26 =	sor.u32 $0x50, s5;
	s3 =	sadd.s32 s4, s3;
	s11 =	sadd.s32 s1, s7  }
0xa: {  	s12 =	sshrl.u32 s8, $0x3;
	s14 =	sshll.u32 s8, $0x7;
	s17 =	sshrl.u32 s16, $0x3  }
0xb: {  	s7 =	sshll.u32 s16, $0x7;
	s20 =	sshrl.u32 s18, $0x3;
	s22 =	sshll.u32 s18, $0x7  }
0xc: {  	s25 =	sshrl.u32 s24, $0x3;
	s30 =	sshrl.u32 s26, $0x3;
	[dreg:$0x3] =	wrdreg s3  }
0xd: {  	s10 =	sshll.u32 s26, $0x7;
	[dreg:$0x4] =	wrdreg s11;
	s13 =	sadd.s32 s4, s12  }
0xe: {  	s26 =	sor.u32 $0xA0, s5;
	s15 =	sadd.s32 s1, s14;
	[dreg:$0x5] =	wrdreg s13  }
0xf: {  	s3 =	sadd.s32 s4, s17;
	s19 =	sadd.s32 s1, s7;
	[dreg:$0x6] =	wrdreg s15  }
0x10: {  	s21 =	sadd.s32 s4, s20;
	s23 =	sadd.s32 s1, s22;
	[dreg:$0x7] =	wrdreg s3  }
0x11: {  	s7 =	sshll.u32 s24, $0x7;
	s9 =	sadd.s32 s4, s30;
	[dreg:$0x8] =	wrdreg s19  }
0x12: {  	s11 =	sadd.s32 s1, s10;
	s12 =	sor.u32 $0x60, s5;
	[dreg:$0x9] =	wrdreg s21  }
0x13: {  	s14 =	sor.u32 $0x70, s5;
	s30 =	sor.u32 $0xB0, s5;
	[dreg:$0xa] =	wrdreg s23  }
0x14: {  	s3 =	sadd.s32 s4, s25;
	s29 =	sadd.s32 s1, s7;
	[dreg:$0xd] =	wrdreg s9  }
0x15: {  	[dreg:$0xe] =	wrdreg s11;
	s13 =	sshrl.u32 s12, $0x3;
	s7 =	sshll.u32 s12, $0x7  }
0x16: {  	s16 =	sshrl.u32 s14, $0x3;
	s18 =	sshll.u32 s14, $0x7;
	s19 =	sor.u32 $0x80, s5  }
0x17: {  	s9 =	sor.u32 $0x90, s5;
	s11 =	sshrl.u32 s30, $0x3;
	[dreg:$0xb] =	wrdreg s3  }
0x18: {  	[dreg:$0xc] =	wrdreg s29;
	s3 =	sadd.s32 s4, s13;
	s15 =	sadd.s32 s1, s7  }
0x19: {  	s17 =	sadd.s32 s4, s16;
	s7 =	sadd.s32 s1, s18;
	s20 =	sshrl.u32 s19, $0x3  }
0x1a: {  	s8 =	sshll.u32 s19, $0x7;
	s22 =	sshrl.u32 s9, $0x3;
	[dreg:$0xf] =	wrdreg s3  }
0x1b: {  	s24 =	sshll.u32 s9, $0x7;
	s29 =	sshrl.u32 s26, $0x3;
	[dreg:$0x10] =	wrdreg s15  }
0x1c: {  	s12 =	sadd.s32 s4, s11;
	s13 =	sshll.u32 s30, $0x7;
	[dreg:$0x11] =	wrdreg s17  }
0x1d: {  	s16 =	sshrl.u32 s6, $0x1;
	s3 =	sadd.s32 $0x800, s0;
	[dreg:$0x12] =	wrdreg s7  }
0x1e: {  	s7 =	sadd.s32 s4, s20;
	s21 =	sadd.s32 s1, s8;
	[dreg:$0x19] =	wrdreg s12  }
0x1f: {  	s23 =	sadd.s32 s4, s22;
	s25 =	sadd.s32 s1, s24;
	[dreg:$0x13] =	wrdreg s7  }
0x20: {  	s8 =	sshll.u32 s26, $0x7;
	s14 =	sadd.s32 s1, s13;
	[dreg:$0x14] =	wrdreg s21  }
0x21: {  	s15 =	sor.u32 $0xC0, s5;
	s9 =	ssub.s32 s6, s16;
	[dreg:$0x15] =	wrdreg s23  }
0x22: {  	s13 =	simm.s32 $0x1;
	[dreg:$0x16] =	wrdreg s25;
	s7 =	sadd.s32 s4, s29  }
0x23: {  	s10 =	sadd.s32 s1, s8;
	[dreg:$0x1a] =	wrdreg s14;
	s17 =	sshrl.u32 s15, $0x3  }
0x24: {  	s8 =	sshll.u32 s15, $0x7;
	s23 =	sor.u32 $0xE0, s5;
	[dreg:$0x17] =	wrdreg s7  }
0x25: {  	[dreg:$0x18] =	wrdreg s10;
	s7 =	sadd.s32 s4, s17;
	s10 =	sor.u32 $0xD0, s5  }
0x26: {  	s18 =	sadd.s32 s1, s8;
	s24 =	sshrl.u32 s23, $0x3;
	s25 =	sshll.u32 s23, $0x7  }
0x27: {  	s5 =	sor.u32 $0xF0, s5;
	s17 =	simm.s32 $0x180;
	[dreg:$0x1b] =	wrdreg s7  }
0x28: {  	s19 =	sshrl.u32 s10, $0x3;
	[dreg:$0x1c] =	wrdreg s18;
	s21 =	sshll.u32 s10, $0x7  }
0x29: {  	s6 =	sadd.s32 s4, s24;
	s26 =	sadd.s32 s1, s25;
	s29 =	sshrl.u32 s5, $0x3  }
0x2a: {  	s5 =	sshll.u32 s5, $0x7;
	s20 =	sadd.s32 s4, s19;
	[dreg:$0x1f] =	wrdreg s6  }
0x2b: {  	s22 =	sadd.s32 s1, s21;
	[smem:$0x7FB] =	sst s26;
	s30 =	sadd.s32 s4, s29  }
0x2c: {  	s4 =	sadd.s32 $0x900, s0;
	s1 =	sadd.s32 s1, s5;
	[dreg:$0x1d] =	wrdreg s20  }
0x2d: {  	v2 =	vlaneseq.u32;
	s5 =	sadd.s32 $0xA00, s0;
	s6 =	sadd.s32 $0xB00, s0;
	[dreg:$0x1e] =	wrdreg s22  }
0x2e: {  	vm0 =	vmmov $0xffff;
	v1 =	vshrl.u32 v2, $0x3;
	s21 =	simm.s32 $0x4;
	s0 =	simm.s32 $0x3;
	[smem:$0x7FC] =	sst s30  }
0x2f: {  	v0 =	vand.u32 $0x7, v2;
	v2 =	vor.u32 $0x8, v2;
	v1 =	vmul.u32 $0x8, v1;
	[smem:$0x7FD] =	sst s1;
	s1 =	smax.u32 s9, $0x1;
	s22 =	simm.s32 $0x2  }
.LBB2_1:
0x30: {  	[smem:$0x7FA] =	sst s1  }
0x31: {  	s29 =	rddreg [dreg:$0x3]  }
0x32: {  	[tilespmem:s2], [sflag:$0x1] =	stream.linear.gather [hbm4b:s29+s2], $0x10, $0x38;
	[tilespmem:$0xC180] =	vst v63  }
0x33: {  	s30 =	rddreg [dreg:$0x4]  }
0x34: {  	[tilespmem:s17], [sflag:$0x1] =	stream.linear.gather [hbm4b:s30+s2], $0x4000, $0x38;
	[tilespmem:$0xC180] =	vst v63  }
0x35: {  	s24 =	rddreg [dreg:$0x5];
	s26 =	simm.s32 $0x80  }
0x36: {  	[tilespmem:s26], [sflag:$0x2] =	stream.linear.gather [hbm4b:s24+s2], $0x10, $0x38;
	[tilespmem:$0xC180] =	vst v63  }
0x37: {  	s25 =	rddreg [dreg:$0x6];
	s9 =	simm.s32 $0x4180  }
0x38: {  	[tilespmem:s9], [sflag:$0x2] =	stream.linear.gather [hbm4b:s25+s2], $0x4000, $0x38;
	[tilespmem:$0xC180] =	vst v63  }
0x39: {  	s7 =	rddreg [dreg:$0x7];
	s11 =	simm.s32 $0x100  }
0x3a: {  	[tilespmem:s11], [sflag:$0x3] =	stream.linear.gather [hbm4b:s7+s2], $0x10, $0x38;
	[tilespmem:$0xC180] =	vst v63  }
0x3b: {  	s10 =	rddreg [dreg:$0x8];
	s12 =	simm.s32 $0x8180  }
0x3c: {  	[tilespmem:s12], [sflag:$0x3] =	stream.linear.gather [hbm4b:s10+s2], $0x4000, $0x38;
	[tilespmem:$0xC180] =	vst v63  }
0x3d: {  	_ =	swait.ge [sflag:s13], $0x10  }
0x3e: {  	[sflag:s13] =	ssyncset.done $0x0  }
0x3f: {  	[sflag:s13] =	ssyncadd.s32 $0xFFFFFFF0  }
0x40: {  	_ =	swait.ge [sflag:s13], $0x4000  }
0x41: {  	[sflag:s13] =	ssyncset.done $0x0  }
0x42: {  	[sflag:s13] =	ssyncadd.s32 $0xFFFFC000  }
0x43: {  	v3 =	vld [tilespmem:$0x0];
	_ =	sdelay $0x4  }
0x44: {  	v4 =	vshll.u32 v3, $0x3  }
0x45: {  	v3 =	vand.u32 $0x7, v3;
	v4 =	vand.u32 $0xFFFFFFC0, v4  }
0x46: {  	v3 =	vor.u32 v3, v4  }
0x47: {  	v4 =	vperm.xlane v3, v0;
	_ =	sdelay $0x1  }
0x48: {  	v4 =	vadd.s32 v1, v4;
	_ =	sdelay $0x4  }
0x49: {  	[hbm4b:s3+s2] =	stream.indirect_vreg.scatter [tilespmem:s17], [sflag:$0x4], $0x80, v4, vm0, $0xb8;
	[tilespmem:$0xC180] =	vst v63  }
0x4a: {  	s9 =	simm.s32 $0x980;
	v3 =	vperm.xlane v3, v2  }
0x4b: {  	[hbm4b:s4+s2] =	stream.indirect_vreg.scatter [tilespmem:s9], [sflag:$0x4], $0x80, v4, vm0, $0xb8;
	[tilespmem:$0xC180] =	vst v63  }
0x4c: {  	s14 =	simm.s32 $0x1180;
	v3 =	vadd.s32 v1, v3  }
0x4d: {  	[hbm4b:s5+s2] =	stream.indirect_vreg.scatter [tilespmem:s14], [sflag:$0x4], $0x80, v4, vm0, $0xb8;
	[tilespmem:$0xC180] =	vst v63  }
0x4e: {  	s15 =	simm.s32 $0x1980  }
0x4f: {  	[hbm4b:s6+s2] =	stream.indirect_vreg.scatter [tilespmem:s15], [sflag:$0x4], $0x80, v4, vm0, $0xb8;
	[tilespmem:$0xC180] =	vst v63  }
0x50: {  	s19 =	simm.s32 $0x2180  }
0x51: {  	[hbm4b:s3+s2] =	stream.indirect_vreg.scatter [tilespmem:s19], [sflag:$0x4], $0x80, v3, vm0, $0xb8;
	[tilespmem:$0xC180] =	vst v63  }
0x52: {  	s20 =	simm.s32 $0x2980  }
0x53: {  	[hbm4b:s4+s2] =	stream.indirect_vreg.scatter [tilespmem:s20], [sflag:$0x4], $0x80, v3, vm0, $0xb8;
	[tilespmem:$0xC180] =	vst v63  }
0x54: {  	s23 =	simm.s32 $0x3180  }
0x55: {  	[hbm4b:s5+s2] =	stream.indirect_vreg.scatter [tilespmem:s23], [sflag:$0x4], $0x80, v3, vm0, $0xb8;
	[tilespmem:$0xC180] =	vst v63  }
0x56: {  	s24 =	simm.s32 $0x3980  }
0x57: {  	[hbm4b:s6+s2] =	stream.indirect_vreg.scatter [tilespmem:s24], [sflag:$0x4], $0x80, v3, vm0, $0xb8;
	[tilespmem:$0xC180] =	vst v63  }
0x58: {  	_ =	swait.ge [sflag:s21], $0x4000  }
0x59: {  	[sflag:s21] =	ssyncset.done $0x0  }
0x5a: {  	s25 =	rddreg [dreg:$0x9];
	[sflag:s21] =	ssyncadd.s32 $0xFFFFC000  }
0x5b: {  	[tilespmem:s2], [sflag:$0x1] =	stream.linear.gather [hbm4b:s25+s2], $0x10, $0x38;
	[tilespmem:$0xC180] =	vst v63  }
0x5c: {  	s26 =	rddreg [dreg:$0xa]  }
0x5d: {  	[tilespmem:s17], [sflag:$0x1] =	stream.linear.gather [hbm4b:s26+s2], $0x4000, $0x38;
	[tilespmem:$0xC180] =	vst v63  }
0x5e: {  	_ =	swait.ge [sflag:s22], $0x10  }
0x5f: {  	[sflag:s22] =	ssyncset.done $0x0  }
0x60: {  	[sflag:s22] =	ssyncadd.s32 $0xFFFFFFF0  }
0x61: {  	_ =	swait.ge [sflag:s22], $0x4000  }
0x62: {  	[sflag:s22] =	ssyncset.done $0x0  }
0x63: {  	[sflag:s22] =	ssyncadd.s32 $0xFFFFC000  }
0x64: {  	v3 =	vld [tilespmem:$0x80];
	_ =	sdelay $0x4  }
0x65: {  	v49 =	vshll.u32 v3, $0x3  }
0x66: {  	v3 =	vand.u32 $0x7, v3;
	v4 =	vand.u32 $0xFFFFFFC0, v49  }
0x67: {  	v3 =	vor.u32 v3, v4  }
0x68: {  	v4 =	vperm.xlane v3, v0;
	_ =	sdelay $0x1  }
0x69: {  	v4 =	vadd.s32 v1, v4;
	_ =	sdelay $0x3  }
0x6a: {  	s8 =	simm.s32 $0x4180  }
0x6b: {  	[hbm4b:s3+s2] =	stream.indirect_vreg.scatter [tilespmem:s8], [sflag:$0x5], $0x80, v4, vm0, $0xb8;
	[tilespmem:$0xC180] =	vst v63  }
0x6c: {  	s10 =	simm.s32 $0x4980;
	v3 =	vperm.xlane v3, v2  }
0x6d: {  	[hbm4b:s4+s2] =	stream.indirect_vreg.scatter [tilespmem:s10], [sflag:$0x5], $0x80, v4, vm0, $0xb8;
	[tilespmem:$0xC180] =	vst v63  }
0x6e: {  	s30 =	simm.s32 $0x5180;
	v3 =	vadd.s32 v1, v3  }
0x6f: {  	[hbm4b:s5+s2] =	stream.indirect_vreg.scatter [tilespmem:s30], [sflag:$0x5], $0x80, v4, vm0, $0xb8;
	[tilespmem:$0xC180] =	vst v63  }
0x70: {  	s11 =	simm.s32 $0x5980  }
0x71: {  	[hbm4b:s6+s2] =	stream.indirect_vreg.scatter [tilespmem:s11], [sflag:$0x5], $0x80, v4, vm0, $0xb8;
	[tilespmem:$0xC180] =	vst v63  }
0x72: {  	s14 =	simm.s32 $0x6180  }
0x73: {  	[hbm4b:s3+s2] =	stream.indirect_vreg.scatter [tilespmem:s14], [sflag:$0x5], $0x80, v3, vm0, $0xb8;
	[tilespmem:$0xC180] =	vst v63  }
0x74: {  	s15 =	simm.s32 $0x6980  }
0x75: {  	[hbm4b:s4+s2] =	stream.indirect_vreg.scatter [tilespmem:s15], [sflag:$0x5], $0x80, v3, vm0, $0xb8;
	[tilespmem:$0xC180] =	vst v63  }
0x76: {  	s19 =	simm.s32 $0x7180  }
0x77: {  	[hbm4b:s5+s2] =	stream.indirect_vreg.scatter [tilespmem:s19], [sflag:$0x5], $0x80, v3, vm0, $0xb8;
	[tilespmem:$0xC180] =	vst v63  }
0x78: {  	s20 =	simm.s32 $0x7980  }
0x79: {  	[hbm4b:s6+s2] =	stream.indirect_vreg.scatter [tilespmem:s20], [sflag:$0x5], $0x80, v3, vm0, $0xb8;
	[tilespmem:$0xC180] =	vst v63  }
0x7a: {  	_ =	swait.ge [sflag:s31], $0x4000  }
0x7b: {  	[sflag:s31] =	ssyncset.done $0x0  }
0x7c: {  	s16 =	simm.s32 $0x80;
	s23 =	rddreg [dreg:$0xb];
	[sflag:s31] =	ssyncadd.s32 $0xFFFFC000  }
0x7d: {  	[tilespmem:s16], [sflag:$0x2] =	stream.linear.gather [hbm4b:s23+s2], $0x10, $0x38;
	[tilespmem:$0xC180] =	vst v63  }
0x7e: {  	s24 =	rddreg [dreg:$0xc]  }
0x7f: {  	[tilespmem:s8], [sflag:$0x2] =	stream.linear.gather [hbm4b:s24+s2], $0x4000, $0x38;
	[tilespmem:$0xC180] =	vst v63  }
0x80: {  	_ =	swait.ge [sflag:s0], $0x10  }
0x81: {  	[sflag:s0] =	ssyncset.done $0x0  }
0x82: {  	[sflag:s0] =	ssyncadd.s32 $0xFFFFFFF0  }
0x83: {  	_ =	swait.ge [sflag:s0], $0x4000  }
0x84: {  	[sflag:s0] =	ssyncset.done $0x0  }
0x85: {  	[sflag:s0] =	ssyncadd.s32 $0xFFFFC000  }
0x86: {  	v3 =	vld [tilespmem:$0x100];
	_ =	sdelay $0x4  }
0x87: {  	v50 =	vshll.u32 v3, $0x3  }
0x88: {  	v3 =	vand.u32 $0x7, v3;
	v4 =	vand.u32 $0xFFFFFFC0, v50  }
0x89: {  	v3 =	vor.u32 v3, v4  }
0x8a: {  	v4 =	vperm.xlane v3, v0;
	_ =	sdelay $0x1  }
0x8b: {  	v4 =	vadd.s32 v1, v4;
	_ =	sdelay $0x3  }
0x8c: {  	s18 =	simm.s32 $0x8180  }
0x8d: {  	[hbm4b:s3+s2] =	stream.indirect_vreg.scatter [tilespmem:s18], [sflag:$0x6], $0x80, v4, vm0, $0xb8;
	[tilespmem:$0xC180] =	vst v63  }
0x8e: {  	s25 =	simm.s32 $0x8980;
	v3 =	vperm.xlane v3, v2  }
0x8f: {  	[hbm4b:s4+s2] =	stream.indirect_vreg.scatter [tilespmem:s25], [sflag:$0x6], $0x80, v4, vm0, $0xb8;
	[tilespmem:$0xC180] =	vst v63  }
0x90: {  	s29 =	simm.s32 $0x9180;
	v3 =	vadd.s32 v1, v3  }
0x91: {  	[hbm4b:s5+s2] =	stream.indirect_vreg.scatter [tilespmem:s29], [sflag:$0x6], $0x80, v4, vm0, $0xb8;
	[tilespmem:$0xC180] =	vst v63  }
0x92: {  	s30 =	simm.s32 $0x9980  }
0x93: {  	[hbm4b:s6+s2] =	stream.indirect_vreg.scatter [tilespmem:s30], [sflag:$0x6], $0x80, v4, vm0, $0xb8;
	[tilespmem:$0xC180] =	vst v63  }
0x94: {  	s15 =	simm.s32 $0xA180  }
0x95: {  	[hbm4b:s3+s2] =	stream.indirect_vreg.scatter [tilespmem:s15], [sflag:$0x6], $0x80, v3, vm0, $0xb8;
	[tilespmem:$0xC180] =	vst v63  }
0x96: {  	s16 =	simm.s32 $0xA980  }
0x97: {  	[hbm4b:s4+s2] =	stream.indirect_vreg.scatter [tilespmem:s16], [sflag:$0x6], $0x80, v3, vm0, $0xb8;
	[tilespmem:$0xC180] =	vst v63  }
0x98: {  	s20 =	simm.s32 $0xB180  }
0x99: {  	[hbm4b:s5+s2] =	stream.indirect_vreg.scatter [tilespmem:s20], [sflag:$0x6], $0x80, v3, vm0, $0xb8;
	[tilespmem:$0xC180] =	vst v63  }
0x9a: {  	s23 =	simm.s32 $0xB980  }
0x9b: {  	[hbm4b:s6+s2] =	stream.indirect_vreg.scatter [tilespmem:s23], [sflag:$0x6], $0x80, v3, vm0, $0xb8;
	[tilespmem:$0xC180] =	vst v63  }
0x9c: {  	_ =	swait.ge [sflag:s28], $0x4000  }
0x9d: {  	[sflag:s28] =	ssyncset.done $0x0  }
0x9e: {  	s7 =	simm.s32 $0x100;
	s24 =	rddreg [dreg:$0xd];
	[sflag:s28] =	ssyncadd.s32 $0xFFFFC000  }
0x9f: {  	[tilespmem:s7], [sflag:$0x3] =	stream.linear.gather [hbm4b:s24+s2], $0x10, $0x38;
	[tilespmem:$0xC180] =	vst v63  }
0xa0: {  	s25 =	rddreg [dreg:$0xe]  }
0xa1: {  	[tilespmem:s18], [sflag:$0x3] =	stream.linear.gather [hbm4b:s25+s2], $0x4000, $0x38;
	[tilespmem:$0xC180] =	vst v63  }
0xa2: {  	_ =	swait.ge [sflag:s13], $0x10  }
0xa3: {  	[sflag:s13] =	ssyncset.done $0x0  }
0xa4: {  	[sflag:s13] =	ssyncadd.s32 $0xFFFFFFF0  }
0xa5: {  	_ =	swait.ge [sflag:s13], $0x4000  }
0xa6: {  	[sflag:s13] =	ssyncset.done $0x0  }
0xa7: {  	[sflag:s13] =	ssyncadd.s32 $0xFFFFC000  }
0xa8: {  	v3 =	vld [tilespmem:$0x0];
	_ =	sdelay $0x4  }
0xa9: {  	v51 =	vshll.u32 v3, $0x3  }
0xaa: {  	v3 =	vand.u32 $0x7, v3;
	v4 =	vand.u32 $0xFFFFFFC0, v51  }
0xab: {  	v3 =	vor.u32 v3, v4  }
0xac: {  	v4 =	vperm.xlane v3, v0;
	_ =	sdelay $0x1  }
0xad: {  	v4 =	vadd.s32 v1, v4;
	_ =	sdelay $0x4  }
0xae: {  	[hbm4b:s3+s2] =	stream.indirect_vreg.scatter [tilespmem:s17], [sflag:$0x4], $0x80, v4, vm0, $0xb8;
	[tilespmem:$0xC180] =	vst v63  }
0xaf: {  	s1 =	simm.s32 $0x980;
	v3 =	vperm.xlane v3, v2  }
0xb0: {  	[hbm4b:s4+s2] =	stream.indirect_vreg.scatter [tilespmem:s1], [sflag:$0x4], $0x80, v4, vm0, $0xb8;
	[tilespmem:$0xC180] =	vst v63  }
0xb1: {  	v3 =	vadd.s32 v1, v3;
	s1 =	simm.s32 $0x1180  }
0xb2: {  	[hbm4b:s5+s2] =	stream.indirect_vreg.scatter [tilespmem:s1], [sflag:$0x4], $0x80, v4, vm0, $0xb8;
	[tilespmem:$0xC180] =	vst v63  }
0xb3: {  	s10 =	simm.s32 $0x1980  }
0xb4: {  	[hbm4b:s6+s2] =	stream.indirect_vreg.scatter [tilespmem:s10], [sflag:$0x4], $0x80, v4, vm0, $0xb8;
	[tilespmem:$0xC180] =	vst v63  }
0xb5: {  	s20 =	simm.s32 $0x2180  }
0xb6: {  	[hbm4b:s3+s2] =	stream.indirect_vreg.scatter [tilespmem:s20], [sflag:$0x4], $0x80, v3, vm0, $0xb8;
	[tilespmem:$0xC180] =	vst v63  }
0xb7: {  	s23 =	simm.s32 $0x2980  }
0xb8: {  	[hbm4b:s4+s2] =	stream.indirect_vreg.scatter [tilespmem:s23], [sflag:$0x4], $0x80, v3, vm0, $0xb8;
	[tilespmem:$0xC180] =	vst v63  }
0xb9: {  	s24 =	simm.s32 $0x3180  }
0xba: {  	[hbm4b:s5+s2] =	stream.indirect_vreg.scatter [tilespmem:s24], [sflag:$0x4], $0x80, v3, vm0, $0xb8;
	[tilespmem:$0xC180] =	vst v63  }
0xbb: {  	s9 =	simm.s32 $0x3980  }
0xbc: {  	[hbm4b:s6+s2] =	stream.indirect_vreg.scatter [tilespmem:s9], [sflag:$0x4], $0x80, v3, vm0, $0xb8;
	[tilespmem:$0xC180] =	vst v63  }
0xbd: {  	_ =	swait.ge [sflag:s21], $0x4000  }
0xbe: {  	[sflag:s21] =	ssyncset.done $0x0  }
0xbf: {  	s7 =	rddreg [dreg:$0xf];
	[sflag:s21] =	ssyncadd.s32 $0xFFFFC000  }
0xc0: {  	[tilespmem:s2], [sflag:$0x1] =	stream.linear.gather [hbm4b:s7+s2], $0x10, $0x38;
	[tilespmem:$0xC180] =	vst v63  }
0xc1: {  	s9 =	rddreg [dreg:$0x10]  }
0xc2: {  	[tilespmem:s17], [sflag:$0x1] =	stream.linear.gather [hbm4b:s9+s2], $0x4000, $0x38;
	[tilespmem:$0xC180] =	vst v63  }
0xc3: {  	_ =	swait.ge [sflag:s22], $0x10  }
0xc4: {  	[sflag:s22] =	ssyncset.done $0x0  }
0xc5: {  	[sflag:s22] =	ssyncadd.s32 $0xFFFFFFF0  }
0xc6: {  	_ =	swait.ge [sflag:s22], $0x4000  }
0xc7: {  	[sflag:s22] =	ssyncset.done $0x0  }
0xc8: {  	[sflag:s22] =	ssyncadd.s32 $0xFFFFC000  }
0xc9: {  	v3 =	vld [tilespmem:$0x80];
	_ =	sdelay $0x4  }
0xca: {  	v52 =	vshll.u32 v3, $0x3  }
0xcb: {  	v3 =	vand.u32 $0x7, v3;
	v4 =	vand.u32 $0xFFFFFFC0, v52  }
0xcc: {  	v3 =	vor.u32 v3, v4  }
0xcd: {  	v4 =	vperm.xlane v3, v0;
	_ =	sdelay $0x1  }
0xce: {  	v4 =	vadd.s32 v1, v4;
	_ =	sdelay $0x4  }
0xcf: {  	[hbm4b:s3+s2] =	stream.indirect_vreg.scatter [tilespmem:s8], [sflag:$0x5], $0x80, v4, vm0, $0xb8;
	[tilespmem:$0xC180] =	vst v63  }
0xd0: {  	s12 =	simm.s32 $0x4980;
	v3 =	vperm.xlane v3, v2  }
0xd1: {  	[hbm4b:s4+s2] =	stream.indirect_vreg.scatter [tilespmem:s12], [sflag:$0x5], $0x80, v4, vm0, $0xb8;
	[tilespmem:$0xC180] =	vst v63  }
0xd2: {  	s9 =	simm.s32 $0x5180;
	v3 =	vadd.s32 v1, v3  }
0xd3: {  	[hbm4b:s5+s2] =	stream.indirect_vreg.scatter [tilespmem:s9], [sflag:$0x5], $0x80, v4, vm0, $0xb8;
	[tilespmem:$0xC180] =	vst v63  }
0xd4: {  	s25 =	simm.s32 $0x5980  }
0xd5: {  	[hbm4b:s6+s2] =	stream.indirect_vreg.scatter [tilespmem:s25], [sflag:$0x5], $0x80, v4, vm0, $0xb8;
	[tilespmem:$0xC180] =	vst v63  }
0xd6: {  	s7 =	simm.s32 $0x6180  }
0xd7: {  	[hbm4b:s3+s2] =	stream.indirect_vreg.scatter [tilespmem:s7], [sflag:$0x5], $0x80, v3, vm0, $0xb8;
	[tilespmem:$0xC180] =	vst v63  }
0xd8: {  	s12 =	simm.s32 $0x6980  }
0xd9: {  	[hbm4b:s4+s2] =	stream.indirect_vreg.scatter [tilespmem:s12], [sflag:$0x5], $0x80, v3, vm0, $0xb8;
	[tilespmem:$0xC180] =	vst v63  }
0xda: {  	s16 =	simm.s32 $0x7180  }
0xdb: {  	[hbm4b:s5+s2] =	stream.indirect_vreg.scatter [tilespmem:s16], [sflag:$0x5], $0x80, v3, vm0, $0xb8;
	[tilespmem:$0xC180] =	vst v63  }
0xdc: {  	s11 =	simm.s32 $0x7980  }
0xdd: {  	[hbm4b:s6+s2] =	stream.indirect_vreg.scatter [tilespmem:s11], [sflag:$0x5], $0x80, v3, vm0, $0xb8;
	[tilespmem:$0xC180] =	vst v63  }
0xde: {  	_ =	swait.ge [sflag:s31], $0x4000  }
0xdf: {  	[sflag:s31] =	ssyncset.done $0x0  }
0xe0: {  	s26 =	simm.s32 $0x80;
	s15 =	rddreg [dreg:$0x11];
	[sflag:s31] =	ssyncadd.s32 $0xFFFFC000  }
0xe1: {  	[tilespmem:s26], [sflag:$0x2] =	stream.linear.gather [hbm4b:s15+s2], $0x10, $0x38;
	[tilespmem:$0xC180] =	vst v63  }
0xe2: {  	s11 =	rddreg [dreg:$0x12]  }
0xe3: {  	[tilespmem:s8], [sflag:$0x2] =	stream.linear.gather [hbm4b:s11+s2], $0x4000, $0x38;
	[tilespmem:$0xC180] =	vst v63  }
0xe4: {  	_ =	swait.ge [sflag:s0], $0x10  }
0xe5: {  	[sflag:s0] =	ssyncset.done $0x0  }
0xe6: {  	[sflag:s0] =	ssyncadd.s32 $0xFFFFFFF0  }
0xe7: {  	_ =	swait.ge [sflag:s0], $0x4000  }
0xe8: {  	[sflag:s0] =	ssyncset.done $0x0  }
0xe9: {  	[sflag:s0] =	ssyncadd.s32 $0xFFFFC000  }
0xea: {  	v3 =	vld [tilespmem:$0x100];
	_ =	sdelay $0x4  }
0xeb: {  	v53 =	vshll.u32 v3, $0x3  }
0xec: {  	v3 =	vand.u32 $0x7, v3;
	v4 =	vand.u32 $0xFFFFFFC0, v53  }
0xed: {  	v3 =	vor.u32 v3, v4  }
0xee: {  	v4 =	vperm.xlane v3, v0;
	_ =	sdelay $0x1  }
0xef: {  	v4 =	vadd.s32 v1, v4;
	_ =	sdelay $0x4  }
0xf0: {  	[hbm4b:s3+s2] =	stream.indirect_vreg.scatter [tilespmem:s18], [sflag:$0x6], $0x80, v4, vm0, $0xb8;
	[tilespmem:$0xC180] =	vst v63  }
0xf1: {  	s19 =	simm.s32 $0x8980;
	v3 =	vperm.xlane v3, v2  }
0xf2: {  	[hbm4b:s4+s2] =	stream.indirect_vreg.scatter [tilespmem:s19], [sflag:$0x6], $0x80, v4, vm0, $0xb8;
	[tilespmem:$0xC180] =	vst v63  }
0xf3: {  	s14 =	simm.s32 $0x9180;
	v3 =	vadd.s32 v1, v3  }
0xf4: {  	[hbm4b:s5+s2] =	stream.indirect_vreg.scatter [tilespmem:s14], [sflag:$0x6], $0x80, v4, vm0, $0xb8;
	[tilespmem:$0xC180] =	vst v63  }
0xf5: {  	s11 =	simm.s32 $0x9980  }
0xf6: {  	[hbm4b:s6+s2] =	stream.indirect_vreg.scatter [tilespmem:s11], [sflag:$0x6], $0x80, v4, vm0, $0xb8;
	[tilespmem:$0xC180] =	vst v63  }
0xf7: {  	s14 =	simm.s32 $0xA180  }
0xf8: {  	[hbm4b:s3+s2] =	stream.indirect_vreg.scatter [tilespmem:s14], [sflag:$0x6], $0x80, v3, vm0, $0xb8;
	[tilespmem:$0xC180] =	vst v63  }
0xf9: {  	s19 =	simm.s32 $0xA980  }
0xfa: {  	[hbm4b:s4+s2] =	stream.indirect_vreg.scatter [tilespmem:s19], [sflag:$0x6], $0x80, v3, vm0, $0xb8;
	[tilespmem:$0xC180] =	vst v63  }
0xfb: {  	s26 =	simm.s32 $0xB180  }
0xfc: {  	[hbm4b:s5+s2] =	stream.indirect_vreg.scatter [tilespmem:s26], [sflag:$0x6], $0x80, v3, vm0, $0xb8;
	[tilespmem:$0xC180] =	vst v63  }
0xfd: {  	s15 =	simm.s32 $0xB980  }
0xfe: {  	[hbm4b:s6+s2] =	stream.indirect_vreg.scatter [tilespmem:s15], [sflag:$0x6], $0x80, v3, vm0, $0xb8;
	[tilespmem:$0xC180] =	vst v63  }
0xff: {  	_ =	swait.ge [sflag:s28], $0x4000  }
0x100: {  	[sflag:s28] =	ssyncset.done $0x0  }
0x101: {  	s15 =	simm.s32 $0x100;
	s29 =	rddreg [dreg:$0x13];
	[sflag:s28] =	ssyncadd.s32 $0xFFFFC000  }
0x102: {  	[tilespmem:s15], [sflag:$0x3] =	stream.linear.gather [hbm4b:s29+s2], $0x10, $0x38;
	[tilespmem:$0xC180] =	vst v63  }
0x103: {  	s30 =	rddreg [dreg:$0x14]  }
0x104: {  	[tilespmem:s18], [sflag:$0x3] =	stream.linear.gather [hbm4b:s30+s2], $0x4000, $0x38;
	[tilespmem:$0xC180] =	vst v63  }
0x105: {  	_ =	swait.ge [sflag:s13], $0x10  }
0x106: {  	[sflag:s13] =	ssyncset.done $0x0  }
0x107: {  	[sflag:s13] =	ssyncadd.s32 $0xFFFFFFF0  }
0x108: {  	_ =	swait.ge [sflag:s13], $0x4000  }
0x109: {  	[sflag:s13] =	ssyncset.done $0x0  }
0x10a: {  	[sflag:s13] =	ssyncadd.s32 $0xFFFFC000  }
0x10b: {  	v3 =	vld [tilespmem:$0x0];
	_ =	sdelay $0x4  }
0x10c: {  	v54 =	vshll.u32 v3, $0x3  }
0x10d: {  	v3 =	vand.u32 $0x7, v3;
	v4 =	vand.u32 $0xFFFFFFC0, v54  }
0x10e: {  	v3 =	vor.u32 v3, v4  }
0x10f: {  	v4 =	vperm.xlane v3, v0;
	_ =	sdelay $0x1  }
0x110: {  	v4 =	vadd.s32 v1, v4;
	_ =	sdelay $0x4  }
0x111: {  	[hbm4b:s3+s2] =	stream.indirect_vreg.scatter [tilespmem:s17], [sflag:$0x4], $0x80, v4, vm0, $0xb8;
	[tilespmem:$0xC180] =	vst v63  }
0x112: {  	s29 =	simm.s32 $0x980;
	v3 =	vperm.xlane v3, v2  }
0x113: {  	[hbm4b:s4+s2] =	stream.indirect_vreg.scatter [tilespmem:s29], [sflag:$0x4], $0x80, v4, vm0, $0xb8;
	[tilespmem:$0xC180] =	vst v63  }
0x114: {  	v3 =	vadd.s32 v1, v3  }
0x115: {  	[hbm4b:s5+s2] =	stream.indirect_vreg.scatter [tilespmem:s1], [sflag:$0x4], $0x80, v4, vm0, $0xb8;
	[tilespmem:$0xC180] =	vst v63  }
0x116: {  	_ = 	snop  }
0x117: {  	[hbm4b:s6+s2] =	stream.indirect_vreg.scatter [tilespmem:s10], [sflag:$0x4], $0x80, v4, vm0, $0xb8;
	[tilespmem:$0xC180] =	vst v63  }
0x118: {  	_ = 	snop  }
0x119: {  	[hbm4b:s3+s2] =	stream.indirect_vreg.scatter [tilespmem:s20], [sflag:$0x4], $0x80, v3, vm0, $0xb8;
	[tilespmem:$0xC180] =	vst v63  }
0x11a: {  	_ = 	snop  }
0x11b: {  	[hbm4b:s4+s2] =	stream.indirect_vreg.scatter [tilespmem:s23], [sflag:$0x4], $0x80, v3, vm0, $0xb8;
	[tilespmem:$0xC180] =	vst v63  }
0x11c: {  	_ = 	snop  }
0x11d: {  	[hbm4b:s5+s2] =	stream.indirect_vreg.scatter [tilespmem:s24], [sflag:$0x4], $0x80, v3, vm0, $0xb8;
	[tilespmem:$0xC180] =	vst v63  }
0x11e: {  	s30 =	simm.s32 $0x3980  }
0x11f: {  	[hbm4b:s6+s2] =	stream.indirect_vreg.scatter [tilespmem:s30], [sflag:$0x4], $0x80, v3, vm0, $0xb8;
	[tilespmem:$0xC180] =	vst v63  }
0x120: {  	_ =	swait.ge [sflag:s21], $0x4000  }
0x121: {  	[sflag:s21] =	ssyncset.done $0x0  }
0x122: {  	s10 =	rddreg [dreg:$0x15];
	[sflag:s21] =	ssyncadd.s32 $0xFFFFC000  }
0x123: {  	[tilespmem:s2], [sflag:$0x1] =	stream.linear.gather [hbm4b:s10+s2], $0x10, $0x38;
	[tilespmem:$0xC180] =	vst v63  }
0x124: {  	s18 =	rddreg [dreg:$0x16]  }
0x125: {  	[tilespmem:s17], [sflag:$0x1] =	stream.linear.gather [hbm4b:s18+s2], $0x4000, $0x38;
	[tilespmem:$0xC180] =	vst v63  }
0x126: {  	_ =	swait.ge [sflag:s22], $0x10  }
0x127: {  	[sflag:s22] =	ssyncset.done $0x0  }
0x128: {  	[sflag:s22] =	ssyncadd.s32 $0xFFFFFFF0  }
0x129: {  	_ =	swait.ge [sflag:s22], $0x4000  }
0x12a: {  	[sflag:s22] =	ssyncset.done $0x0  }
0x12b: {  	[sflag:s22] =	ssyncadd.s32 $0xFFFFC000  }
0x12c: {  	v3 =	vld [tilespmem:$0x80];
	_ =	sdelay $0x4  }
0x12d: {  	v55 =	vshll.u32 v3, $0x3  }
0x12e: {  	v3 =	vand.u32 $0x7, v3;
	v4 =	vand.u32 $0xFFFFFFC0, v55  }
0x12f: {  	v3 =	vor.u32 v3, v4  }
0x130: {  	v4 =	vperm.xlane v3, v0;
	_ =	sdelay $0x1  }
0x131: {  	v4 =	vadd.s32 v1, v4;
	_ =	sdelay $0x4  }
0x132: {  	[hbm4b:s3+s2] =	stream.indirect_vreg.scatter [tilespmem:s8], [sflag:$0x5], $0x80, v4, vm0, $0xb8;
	[tilespmem:$0xC180] =	vst v63  }
0x133: {  	s29 =	simm.s32 $0x4980;
	v3 =	vperm.xlane v3, v2  }
0x134: {  	[hbm4b:s4+s2] =	stream.indirect_vreg.scatter [tilespmem:s29], [sflag:$0x5], $0x80, v4, vm0, $0xb8;
	[tilespmem:$0xC180] =	vst v63  }
0x135: {  	v3 =	vadd.s32 v1, v3  }
0x136: {  	[hbm4b:s5+s2] =	stream.indirect_vreg.scatter [tilespmem:s9], [sflag:$0x5], $0x80, v4, vm0, $0xb8;
	[tilespmem:$0xC180] =	vst v63  }
0x137: {  	_ = 	snop  }
0x138: {  	[hbm4b:s6+s2] =	stream.indirect_vreg.scatter [tilespmem:s25], [sflag:$0x5], $0x80, v4, vm0, $0xb8;
	[tilespmem:$0xC180] =	vst v63  }
0x139: {  	_ = 	snop  }
0x13a: {  	[hbm4b:s3+s2] =	stream.indirect_vreg.scatter [tilespmem:s7], [sflag:$0x5], $0x80, v3, vm0, $0xb8;
	[tilespmem:$0xC180] =	vst v63  }
0x13b: {  	_ = 	snop  }
0x13c: {  	[hbm4b:s4+s2] =	stream.indirect_vreg.scatter [tilespmem:s12], [sflag:$0x5], $0x80, v3, vm0, $0xb8;
	[tilespmem:$0xC180] =	vst v63  }
0x13d: {  	_ = 	snop  }
0x13e: {  	[hbm4b:s5+s2] =	stream.indirect_vreg.scatter [tilespmem:s16], [sflag:$0x5], $0x80, v3, vm0, $0xb8;
	[tilespmem:$0xC180] =	vst v63  }
0x13f: {  	s30 =	simm.s32 $0x7980  }
0x140: {  	[hbm4b:s6+s2] =	stream.indirect_vreg.scatter [tilespmem:s30], [sflag:$0x5], $0x80, v3, vm0, $0xb8;
	[tilespmem:$0xC180] =	vst v63  }
0x141: {  	_ =	swait.ge [sflag:s31], $0x4000  }
0x142: {  	[sflag:s31] =	ssyncset.done $0x0  }
0x143: {  	s12 =	simm.s32 $0x80;
	s1 =	rddreg [dreg:$0x17];
	[sflag:s31] =	ssyncadd.s32 $0xFFFFC000  }
0x144: {  	[tilespmem:s12], [sflag:$0x2] =	stream.linear.gather [hbm4b:s1+s2], $0x10, $0x38;
	[tilespmem:$0xC180] =	vst v63  }
0x145: {  	s10 =	rddreg [dreg:$0x18]  }
0x146: {  	[tilespmem:s8], [sflag:$0x2] =	stream.linear.gather [hbm4b:s10+s2], $0x4000, $0x38;
	[tilespmem:$0xC180] =	vst v63  }
0x147: {  	_ =	swait.ge [sflag:s0], $0x10  }
0x148: {  	[sflag:s0] =	ssyncset.done $0x0  }
0x149: {  	[sflag:s0] =	ssyncadd.s32 $0xFFFFFFF0  }
0x14a: {  	_ =	swait.ge [sflag:s0], $0x4000  }
0x14b: {  	[sflag:s0] =	ssyncset.done $0x0  }
0x14c: {  	[sflag:s0] =	ssyncadd.s32 $0xFFFFC000  }
0x14d: {  	v3 =	vld [tilespmem:$0x100];
	_ =	sdelay $0x4  }
0x14e: {  	v56 =	vshll.u32 v3, $0x3  }
0x14f: {  	v3 =	vand.u32 $0x7, v3;
	v4 =	vand.u32 $0xFFFFFFC0, v56  }
0x150: {  	v3 =	vor.u32 v3, v4  }
0x151: {  	v4 =	vperm.xlane v3, v0;
	_ =	sdelay $0x1  }
0x152: {  	v4 =	vadd.s32 v1, v4;
	_ =	sdelay $0x3  }
0x153: {  	s1 =	simm.s32 $0x8180  }
0x154: {  	[hbm4b:s3+s2] =	stream.indirect_vreg.scatter [tilespmem:s1], [sflag:$0x6], $0x80, v4, vm0, $0xb8;
	[tilespmem:$0xC180] =	vst v63  }
0x155: {  	s10 =	simm.s32 $0x8980;
	v3 =	vperm.xlane v3, v2  }
0x156: {  	[hbm4b:s4+s2] =	stream.indirect_vreg.scatter [tilespmem:s10], [sflag:$0x6], $0x80, v4, vm0, $0xb8;
	[tilespmem:$0xC180] =	vst v63  }
0x157: {  	s12 =	simm.s32 $0x9180;
	v3 =	vadd.s32 v1, v3  }
0x158: {  	[hbm4b:s5+s2] =	stream.indirect_vreg.scatter [tilespmem:s12], [sflag:$0x6], $0x80, v4, vm0, $0xb8;
	[tilespmem:$0xC180] =	vst v63  }
0x159: {  	_ = 	snop  }
0x15a: {  	[hbm4b:s6+s2] =	stream.indirect_vreg.scatter [tilespmem:s11], [sflag:$0x6], $0x80, v4, vm0, $0xb8;
	[tilespmem:$0xC180] =	vst v63  }
0x15b: {  	_ = 	snop  }
0x15c: {  	[hbm4b:s3+s2] =	stream.indirect_vreg.scatter [tilespmem:s14], [sflag:$0x6], $0x80, v3, vm0, $0xb8;
	[tilespmem:$0xC180] =	vst v63  }
0x15d: {  	_ = 	snop  }
0x15e: {  	[hbm4b:s4+s2] =	stream.indirect_vreg.scatter [tilespmem:s19], [sflag:$0x6], $0x80, v3, vm0, $0xb8;
	[tilespmem:$0xC180] =	vst v63  }
0x15f: {  	_ = 	snop  }
0x160: {  	[hbm4b:s5+s2] =	stream.indirect_vreg.scatter [tilespmem:s26], [sflag:$0x6], $0x80, v3, vm0, $0xb8;
	[tilespmem:$0xC180] =	vst v63  }
0x161: {  	s19 =	simm.s32 $0xB980  }
0x162: {  	[hbm4b:s6+s2] =	stream.indirect_vreg.scatter [tilespmem:s19], [sflag:$0x6], $0x80, v3, vm0, $0xb8;
	[tilespmem:$0xC180] =	vst v63  }
0x163: {  	_ =	swait.ge [sflag:s28], $0x4000  }
0x164: {  	[sflag:s28] =	ssyncset.done $0x0  }
0x165: {  	s10 =	simm.s32 $0x100;
	s26 =	rddreg [dreg:$0x19];
	[sflag:s28] =	ssyncadd.s32 $0xFFFFC000  }
0x166: {  	[tilespmem:s10], [sflag:$0x3] =	stream.linear.gather [hbm4b:s26+s2], $0x10, $0x38;
	[tilespmem:$0xC180] =	vst v63  }
0x167: {  	s8 =	rddreg [dreg:$0x1a]  }
0x168: {  	[tilespmem:s1], [sflag:$0x3] =	stream.linear.gather [hbm4b:s8+s2], $0x4000, $0x38;
	[tilespmem:$0xC180] =	vst v63  }
0x169: {  	_ =	swait.ge [sflag:s13], $0x10  }
0x16a: {  	[sflag:s13] =	ssyncset.done $0x0  }
0x16b: {  	[sflag:s13] =	ssyncadd.s32 $0xFFFFFFF0  }
0x16c: {  	_ =	swait.ge [sflag:s13], $0x4000  }
0x16d: {  	[sflag:s13] =	ssyncset.done $0x0  }
0x16e: {  	[sflag:s13] =	ssyncadd.s32 $0xFFFFC000  }
0x16f: {  	v3 =	vld [tilespmem:$0x0];
	_ =	sdelay $0x4  }
0x170: {  	v57 =	vshll.u32 v3, $0x3  }
0x171: {  	v3 =	vand.u32 $0x7, v3;
	v4 =	vand.u32 $0xFFFFFFC0, v57  }
0x172: {  	v3 =	vor.u32 v3, v4  }
0x173: {  	v4 =	vperm.xlane v3, v0;
	_ =	sdelay $0x1  }
0x174: {  	v4 =	vadd.s32 v1, v4;
	_ =	sdelay $0x4  }
0x175: {  	[hbm4b:s3+s2] =	stream.indirect_vreg.scatter [tilespmem:s17], [sflag:$0x4], $0x80, v4, vm0, $0xb8;
	[tilespmem:$0xC180] =	vst v63  }
0x176: {  	s11 =	simm.s32 $0x980;
	v3 =	vperm.xlane v3, v2  }
0x177: {  	[hbm4b:s4+s2] =	stream.indirect_vreg.scatter [tilespmem:s11], [sflag:$0x4], $0x80, v4, vm0, $0xb8;
	[tilespmem:$0xC180] =	vst v63  }
0x178: {  	s15 =	simm.s32 $0x1180;
	v3 =	vadd.s32 v1, v3  }
0x179: {  	[hbm4b:s5+s2] =	stream.indirect_vreg.scatter [tilespmem:s15], [sflag:$0x4], $0x80, v4, vm0, $0xb8;
	[tilespmem:$0xC180] =	vst v63  }
0x17a: {  	s14 =	simm.s32 $0x1980  }
0x17b: {  	[hbm4b:s6+s2] =	stream.indirect_vreg.scatter [tilespmem:s14], [sflag:$0x4], $0x80, v4, vm0, $0xb8;
	[tilespmem:$0xC180] =	vst v63  }
0x17c: {  	s20 =	simm.s32 $0x2180  }
0x17d: {  	[hbm4b:s3+s2] =	stream.indirect_vreg.scatter [tilespmem:s20], [sflag:$0x4], $0x80, v3, vm0, $0xb8;
	[tilespmem:$0xC180] =	vst v63  }
0x17e: {  	s23 =	simm.s32 $0x2980  }
0x17f: {  	[hbm4b:s4+s2] =	stream.indirect_vreg.scatter [tilespmem:s23], [sflag:$0x4], $0x80, v3, vm0, $0xb8;
	[tilespmem:$0xC180] =	vst v63  }
0x180: {  	s24 =	simm.s32 $0x3180  }
0x181: {  	[hbm4b:s5+s2] =	stream.indirect_vreg.scatter [tilespmem:s24], [sflag:$0x4], $0x80, v3, vm0, $0xb8;
	[tilespmem:$0xC180] =	vst v63  }
0x182: {  	s15 =	simm.s32 $0x3980  }
0x183: {  	[hbm4b:s6+s2] =	stream.indirect_vreg.scatter [tilespmem:s15], [sflag:$0x4], $0x80, v3, vm0, $0xb8;
	[tilespmem:$0xC180] =	vst v63  }
0x184: {  	_ =	swait.ge [sflag:s21], $0x4000  }
0x185: {  	[sflag:s21] =	ssyncset.done $0x0  }
0x186: {  	s20 =	rddreg [dreg:$0x1b];
	[sflag:s21] =	ssyncadd.s32 $0xFFFFC000  }
0x187: {  	[tilespmem:s2], [sflag:$0x1] =	stream.linear.gather [hbm4b:s20+s2], $0x10, $0x38;
	[tilespmem:$0xC180] =	vst v63  }
0x188: {  	s23 =	rddreg [dreg:$0x1c]  }
0x189: {  	[tilespmem:s17], [sflag:$0x1] =	stream.linear.gather [hbm4b:s23+s2], $0x4000, $0x38;
	[tilespmem:$0xC180] =	vst v63  }
0x18a: {  	_ =	swait.ge [sflag:s22], $0x10  }
0x18b: {  	[sflag:s22] =	ssyncset.done $0x0  }
0x18c: {  	[sflag:s22] =	ssyncadd.s32 $0xFFFFFFF0  }
0x18d: {  	_ =	swait.ge [sflag:s22], $0x4000  }
0x18e: {  	[sflag:s22] =	ssyncset.done $0x0  }
0x18f: {  	[sflag:s22] =	ssyncadd.s32 $0xFFFFC000  }
0x190: {  	v3 =	vld [tilespmem:$0x80];
	_ =	sdelay $0x4  }
0x191: {  	v58 =	vshll.u32 v3, $0x3  }
0x192: {  	v3 =	vand.u32 $0x7, v3;
	v4 =	vand.u32 $0xFFFFFFC0, v58  }
0x193: {  	v3 =	vor.u32 v3, v4  }
0x194: {  	v4 =	vperm.xlane v3, v0;
	_ =	sdelay $0x1  }
0x195: {  	v4 =	vadd.s32 v1, v4;
	_ =	sdelay $0x3  }
0x196: {  	s24 =	simm.s32 $0x4180  }
0x197: {  	[hbm4b:s3+s2] =	stream.indirect_vreg.scatter [tilespmem:s24], [sflag:$0x5], $0x80, v4, vm0, $0xb8;
	[tilespmem:$0xC180] =	vst v63  }
0x198: {  	s29 =	simm.s32 $0x4980;
	v3 =	vperm.xlane v3, v2  }
0x199: {  	[hbm4b:s4+s2] =	stream.indirect_vreg.scatter [tilespmem:s29], [sflag:$0x5], $0x80, v4, vm0, $0xb8;
	[tilespmem:$0xC180] =	vst v63  }
0x19a: {  	s18 =	simm.s32 $0x5180;
	v3 =	vadd.s32 v1, v3  }
0x19b: {  	[hbm4b:s5+s2] =	stream.indirect_vreg.scatter [tilespmem:s18], [sflag:$0x5], $0x80, v4, vm0, $0xb8;
	[tilespmem:$0xC180] =	vst v63  }
0x19c: {  	s25 =	simm.s32 $0x5980  }
0x19d: {  	[hbm4b:s6+s2] =	stream.indirect_vreg.scatter [tilespmem:s25], [sflag:$0x5], $0x80, v4, vm0, $0xb8;
	[tilespmem:$0xC180] =	vst v63  }
0x19e: {  	s7 =	simm.s32 $0x6180  }
0x19f: {  	[hbm4b:s3+s2] =	stream.indirect_vreg.scatter [tilespmem:s7], [sflag:$0x5], $0x80, v3, vm0, $0xb8;
	[tilespmem:$0xC180] =	vst v63  }
0x1a0: {  	s9 =	simm.s32 $0x6980  }
0x1a1: {  	[hbm4b:s4+s2] =	stream.indirect_vreg.scatter [tilespmem:s9], [sflag:$0x5], $0x80, v3, vm0, $0xb8;
	[tilespmem:$0xC180] =	vst v63  }
0x1a2: {  	s16 =	simm.s32 $0x7180  }
0x1a3: {  	[hbm4b:s5+s2] =	stream.indirect_vreg.scatter [tilespmem:s16], [sflag:$0x5], $0x80, v3, vm0, $0xb8;
	[tilespmem:$0xC180] =	vst v63  }
0x1a4: {  	s30 =	simm.s32 $0x7980  }
0x1a5: {  	[hbm4b:s6+s2] =	stream.indirect_vreg.scatter [tilespmem:s30], [sflag:$0x5], $0x80, v3, vm0, $0xb8;
	[tilespmem:$0xC180] =	vst v63  }
0x1a6: {  	_ =	swait.ge [sflag:s31], $0x4000  }
0x1a7: {  	[sflag:s31] =	ssyncset.done $0x0  }
0x1a8: {  	s9 =	simm.s32 $0x80;
	s1 =	rddreg [dreg:$0x1d];
	[sflag:s31] =	ssyncadd.s32 $0xFFFFC000  }
0x1a9: {  	[tilespmem:s9], [sflag:$0x2] =	stream.linear.gather [hbm4b:s1+s2], $0x10, $0x38;
	[tilespmem:$0xC180] =	vst v63  }
0x1aa: {  	s7 =	rddreg [dreg:$0x1e]  }
0x1ab: {  	[tilespmem:s24], [sflag:$0x2] =	stream.linear.gather [hbm4b:s7+s2], $0x4000, $0x38;
	[tilespmem:$0xC180] =	vst v63  }
0x1ac: {  	_ =	swait.ge [sflag:s0], $0x10  }
0x1ad: {  	[sflag:s0] =	ssyncset.done $0x0  }
0x1ae: {  	[sflag:s0] =	ssyncadd.s32 $0xFFFFFFF0  }
0x1af: {  	_ =	swait.ge [sflag:s0], $0x4000  }
0x1b0: {  	[sflag:s0] =	ssyncset.done $0x0  }
0x1b1: {  	[sflag:s0] =	ssyncadd.s32 $0xFFFFC000  }
0x1b2: {  	v3 =	vld [tilespmem:$0x100];
	_ =	sdelay $0x4  }
0x1b3: {  	v59 =	vshll.u32 v3, $0x3  }
0x1b4: {  	v3 =	vand.u32 $0x7, v3;
	v4 =	vand.u32 $0xFFFFFFC0, v59  }
0x1b5: {  	v3 =	vor.u32 v3, v4  }
0x1b6: {  	v4 =	vperm.xlane v3, v0;
	_ =	sdelay $0x1  }
0x1b7: {  	v4 =	vadd.s32 v1, v4;
	_ =	sdelay $0x3  }
0x1b8: {  	s19 =	simm.s32 $0x8180  }
0x1b9: {  	[hbm4b:s3+s2] =	stream.indirect_vreg.scatter [tilespmem:s19], [sflag:$0x6], $0x80, v4, vm0, $0xb8;
	[tilespmem:$0xC180] =	vst v63  }
0x1ba: {  	s14 =	simm.s32 $0x8980;
	v3 =	vperm.xlane v3, v2  }
0x1bb: {  	[hbm4b:s4+s2] =	stream.indirect_vreg.scatter [tilespmem:s14], [sflag:$0x6], $0x80, v4, vm0, $0xb8;
	[tilespmem:$0xC180] =	vst v63  }
0x1bc: {  	s12 =	simm.s32 $0x9180;
	v3 =	vadd.s32 v1, v3  }
0x1bd: {  	[hbm4b:s5+s2] =	stream.indirect_vreg.scatter [tilespmem:s12], [sflag:$0x6], $0x80, v4, vm0, $0xb8;
	[tilespmem:$0xC180] =	vst v63  }
0x1be: {  	s1 =	simm.s32 $0x9980  }
0x1bf: {  	[hbm4b:s6+s2] =	stream.indirect_vreg.scatter [tilespmem:s1], [sflag:$0x6], $0x80, v4, vm0, $0xb8;
	[tilespmem:$0xC180] =	vst v63  }
0x1c0: {  	s18 =	simm.s32 $0xA180  }
0x1c1: {  	[hbm4b:s3+s2] =	stream.indirect_vreg.scatter [tilespmem:s18], [sflag:$0x6], $0x80, v3, vm0, $0xb8;
	[tilespmem:$0xC180] =	vst v63  }
0x1c2: {  	s16 =	simm.s32 $0xA980  }
0x1c3: {  	[hbm4b:s4+s2] =	stream.indirect_vreg.scatter [tilespmem:s16], [sflag:$0x6], $0x80, v3, vm0, $0xb8;
	[tilespmem:$0xC180] =	vst v63  }
0x1c4: {  	s12 =	simm.s32 $0xB180  }
0x1c5: {  	[hbm4b:s5+s2] =	stream.indirect_vreg.scatter [tilespmem:s12], [sflag:$0x6], $0x80, v3, vm0, $0xb8;
	[tilespmem:$0xC180] =	vst v63  }
0x1c6: {  	s15 =	simm.s32 $0xB980  }
0x1c7: {  	[hbm4b:s6+s2] =	stream.indirect_vreg.scatter [tilespmem:s15], [sflag:$0x6], $0x80, v3, vm0, $0xb8;
	[tilespmem:$0xC180] =	vst v63  }
0x1c8: {  	_ =	swait.ge [sflag:s28], $0x4000  }
0x1c9: {  	s11 =	rddreg [dreg:$0x1f];
	[sflag:s28] =	ssyncset.done $0x0  }
0x1ca: {  	s26 =	simm.s32 $0x100;
	s23 =	sld [smem:$0x7FB];
	[sflag:s28] =	ssyncadd.s32 $0xFFFFC000  }
0x1cb: {  	[tilespmem:s26], [sflag:$0x3] =	stream.linear.gather [hbm4b:s11+s2], $0x10, $0x38;
	[tilespmem:$0xC180] =	vst v63  }
0x1cc: {  	_ = 	snop  }
0x1cd: {  	[tilespmem:s19], [sflag:$0x3] =	stream.linear.gather [hbm4b:s23+s2], $0x4000, $0x38;
	[tilespmem:$0xC180] =	vst v63  }
0x1ce: {  	_ =	swait.ge [sflag:s13], $0x10  }
0x1cf: {  	[sflag:s13] =	ssyncset.done $0x0  }
0x1d0: {  	[sflag:s13] =	ssyncadd.s32 $0xFFFFFFF0  }
0x1d1: {  	_ =	swait.ge [sflag:s13], $0x4000  }
0x1d2: {  	[sflag:s13] =	ssyncset.done $0x0  }
0x1d3: {  	[sflag:s13] =	ssyncadd.s32 $0xFFFFC000  }
0x1d4: {  	v3 =	vld [tilespmem:$0x0];
	_ =	sdelay $0x4  }
0x1d5: {  	v60 =	vshll.u32 v3, $0x3  }
0x1d6: {  	v3 =	vand.u32 $0x7, v3;
	v4 =	vand.u32 $0xFFFFFFC0, v60  }
0x1d7: {  	v3 =	vor.u32 v3, v4  }
0x1d8: {  	v4 =	vperm.xlane v3, v0;
	_ =	sdelay $0x1  }
0x1d9: {  	v4 =	vadd.s32 v1, v4;
	_ =	sdelay $0x4  }
0x1da: {  	[hbm4b:s3+s2] =	stream.indirect_vreg.scatter [tilespmem:s17], [sflag:$0x4], $0x80, v4, vm0, $0xb8;
	[tilespmem:$0xC180] =	vst v63  }
0x1db: {  	s10 =	simm.s32 $0x980;
	v3 =	vperm.xlane v3, v2  }
0x1dc: {  	[hbm4b:s4+s2] =	stream.indirect_vreg.scatter [tilespmem:s10], [sflag:$0x4], $0x80, v4, vm0, $0xb8;
	[tilespmem:$0xC180] =	vst v63  }
0x1dd: {  	s26 =	simm.s32 $0x1180;
	v3 =	vadd.s32 v1, v3  }
0x1de: {  	[hbm4b:s5+s2] =	stream.indirect_vreg.scatter [tilespmem:s26], [sflag:$0x4], $0x80, v4, vm0, $0xb8;
	[tilespmem:$0xC180] =	vst v63  }
0x1df: {  	s7 =	simm.s32 $0x1980  }
0x1e0: {  	[hbm4b:s6+s2] =	stream.indirect_vreg.scatter [tilespmem:s7], [sflag:$0x4], $0x80, v4, vm0, $0xb8;
	[tilespmem:$0xC180] =	vst v63  }
0x1e1: {  	s8 =	simm.s32 $0x2180  }
0x1e2: {  	[hbm4b:s3+s2] =	stream.indirect_vreg.scatter [tilespmem:s8], [sflag:$0x4], $0x80, v3, vm0, $0xb8;
	[tilespmem:$0xC180] =	vst v63  }
0x1e3: {  	s9 =	simm.s32 $0x2980  }
0x1e4: {  	[hbm4b:s4+s2] =	stream.indirect_vreg.scatter [tilespmem:s9], [sflag:$0x4], $0x80, v3, vm0, $0xb8;
	[tilespmem:$0xC180] =	vst v63  }
0x1e5: {  	s10 =	simm.s32 $0x3180  }
0x1e6: {  	[hbm4b:s5+s2] =	stream.indirect_vreg.scatter [tilespmem:s10], [sflag:$0x4], $0x80, v3, vm0, $0xb8;
	[tilespmem:$0xC180] =	vst v63  }
0x1e7: {  	s11 =	simm.s32 $0x3980  }
0x1e8: {  	[hbm4b:s6+s2] =	stream.indirect_vreg.scatter [tilespmem:s11], [sflag:$0x4], $0x80, v3, vm0, $0xb8;
	[tilespmem:$0xC180] =	vst v63  }
0x1e9: {  	_ =	swait.ge [sflag:s21], $0x4000  }
0x1ea: {  	s29 =	sld [smem:$0x7FC]  }
0x1eb: {  	[sflag:s21] =	ssyncset.done $0x0  }
0x1ec: {  	s30 =	sld [smem:$0x7FD];
	[sflag:s21] =	ssyncadd.s32 $0xFFFFC000  }
0x1ed: {  	[tilespmem:s2], [sflag:$0x1] =	stream.linear.gather [hbm4b:s29+s2], $0x10, $0x38;
	[tilespmem:$0xC180] =	vst v63  }
0x1ee: {  	_ = 	snop  }
0x1ef: {  	[tilespmem:s17], [sflag:$0x1] =	stream.linear.gather [hbm4b:s30+s2], $0x4000, $0x38;
	[tilespmem:$0xC180] =	vst v63  }
0x1f0: {  	_ =	swait.ge [sflag:s22], $0x10  }
0x1f1: {  	[sflag:s22] =	ssyncset.done $0x0  }
0x1f2: {  	[sflag:s22] =	ssyncadd.s32 $0xFFFFFFF0  }
0x1f3: {  	_ =	swait.ge [sflag:s22], $0x4000  }
0x1f4: {  	[sflag:s22] =	ssyncset.done $0x0  }
0x1f5: {  	[sflag:s22] =	ssyncadd.s32 $0xFFFFC000  }
0x1f6: {  	v3 =	vld [tilespmem:$0x80];
	_ =	sdelay $0x4  }
0x1f7: {  	v61 =	vshll.u32 v3, $0x3  }
0x1f8: {  	v3 =	vand.u32 $0x7, v3;
	v4 =	vand.u32 $0xFFFFFFC0, v61  }
0x1f9: {  	v3 =	vor.u32 v3, v4  }
0x1fa: {  	v4 =	vperm.xlane v3, v0;
	_ =	sdelay $0x1  }
0x1fb: {  	v4 =	vadd.s32 v1, v4;
	_ =	sdelay $0x3  }
0x1fc: {  	s20 =	simm.s32 $0x4180  }
0x1fd: {  	[hbm4b:s3+s2] =	stream.indirect_vreg.scatter [tilespmem:s20], [sflag:$0x5], $0x80, v4, vm0, $0xb8;
	[tilespmem:$0xC180] =	vst v63  }
0x1fe: {  	s29 =	simm.s32 $0x4980;
	v3 =	vperm.xlane v3, v2  }
0x1ff: {  	[hbm4b:s4+s2] =	stream.indirect_vreg.scatter [tilespmem:s29], [sflag:$0x5], $0x80, v4, vm0, $0xb8;
	[tilespmem:$0xC180] =	vst v63  }
0x200: {  	s30 =	simm.s32 $0x5180;
	v3 =	vadd.s32 v1, v3  }
0x201: {  	[hbm4b:s5+s2] =	stream.indirect_vreg.scatter [tilespmem:s30], [sflag:$0x5], $0x80, v4, vm0, $0xb8;
	[tilespmem:$0xC180] =	vst v63  }
0x202: {  	s29 =	simm.s32 $0x5980  }
0x203: {  	[hbm4b:s6+s2] =	stream.indirect_vreg.scatter [tilespmem:s29], [sflag:$0x5], $0x80, v4, vm0, $0xb8;
	[tilespmem:$0xC180] =	vst v63  }
0x204: {  	s25 =	simm.s32 $0x6180  }
0x205: {  	[hbm4b:s3+s2] =	stream.indirect_vreg.scatter [tilespmem:s25], [sflag:$0x5], $0x80, v3, vm0, $0xb8;
	[tilespmem:$0xC180] =	vst v63  }
0x206: {  	s30 =	simm.s32 $0x6980  }
0x207: {  	[hbm4b:s4+s2] =	stream.indirect_vreg.scatter [tilespmem:s30], [sflag:$0x5], $0x80, v3, vm0, $0xb8;
	[tilespmem:$0xC180] =	vst v63  }
0x208: {  	s25 =	simm.s32 $0x7180  }
0x209: {  	[hbm4b:s5+s2] =	stream.indirect_vreg.scatter [tilespmem:s25], [sflag:$0x5], $0x80, v3, vm0, $0xb8;
	[tilespmem:$0xC180] =	vst v63  }
0x20a: {  	s29 =	simm.s32 $0x7980  }
0x20b: {  	[hbm4b:s6+s2] =	stream.indirect_vreg.scatter [tilespmem:s29], [sflag:$0x5], $0x80, v3, vm0, $0xb8;
	[tilespmem:$0xC180] =	vst v63  }
0x20c: {  	_ =	swait.ge [sflag:s0], $0x10  }
0x20d: {  	[sflag:s0] =	ssyncset.done $0x0  }
0x20e: {  	[sflag:s0] =	ssyncadd.s32 $0xFFFFFFF0  }
0x20f: {  	_ =	swait.ge [sflag:s0], $0x4000  }
0x210: {  	[sflag:s0] =	ssyncset.done $0x0  }
0x211: {  	[sflag:s0] =	ssyncadd.s32 $0xFFFFC000  }
0x212: {  	v3 =	vld [tilespmem:$0x100];
	_ =	sdelay $0x4  }
0x213: {  	v62 =	vshll.u32 v3, $0x3  }
0x214: {  	v3 =	vand.u32 $0x7, v3;
	v4 =	vand.u32 $0xFFFFFFC0, v62  }
0x215: {  	v3 =	vor.u32 v3, v4  }
0x216: {  	v4 =	vperm.xlane v3, v0;
	_ =	sdelay $0x1  }
0x217: {  	v4 =	vadd.s32 v1, v4;
	_ =	sdelay $0x4  }
0x218: {  	[hbm4b:s3+s2] =	stream.indirect_vreg.scatter [tilespmem:s19], [sflag:$0x6], $0x80, v4, vm0, $0xb8;
	[tilespmem:$0xC180] =	vst v63  }
0x219: {  	v3 =	vperm.xlane v3, v2  }
0x21a: {  	[hbm4b:s4+s2] =	stream.indirect_vreg.scatter [tilespmem:s14], [sflag:$0x6], $0x80, v4, vm0, $0xb8;
	[tilespmem:$0xC180] =	vst v63  }
0x21b: {  	s24 =	simm.s32 $0x9180;
	v3 =	vadd.s32 v1, v3  }
0x21c: {  	[hbm4b:s5+s2] =	stream.indirect_vreg.scatter [tilespmem:s24], [sflag:$0x6], $0x80, v4, vm0, $0xb8;
	[tilespmem:$0xC180] =	vst v63  }
0x21d: {  	_ = 	snop  }
0x21e: {  	[hbm4b:s6+s2] =	stream.indirect_vreg.scatter [tilespmem:s1], [sflag:$0x6], $0x80, v4, vm0, $0xb8;
	[tilespmem:$0xC180] =	vst v63  }
0x21f: {  	_ = 	snop  }
0x220: {  	[hbm4b:s3+s2] =	stream.indirect_vreg.scatter [tilespmem:s18], [sflag:$0x6], $0x80, v3, vm0, $0xb8;
	[tilespmem:$0xC180] =	vst v63  }
0x221: {  	_ = 	snop  }
0x222: {  	[hbm4b:s4+s2] =	stream.indirect_vreg.scatter [tilespmem:s16], [sflag:$0x6], $0x80, v3, vm0, $0xb8;
	[tilespmem:$0xC180] =	vst v63  }
0x223: {  	_ = 	snop  }
0x224: {  	[hbm4b:s5+s2] =	stream.indirect_vreg.scatter [tilespmem:s12], [sflag:$0x6], $0x80, v3, vm0, $0xb8;
	[tilespmem:$0xC180] =	vst v63  }
0x225: {  	_ = 	snop  }
0x226: {  	[hbm4b:s6+s2] =	stream.indirect_vreg.scatter [tilespmem:s15], [sflag:$0x6], $0x80, v3, vm0, $0xb8;
	[tilespmem:$0xC180] =	vst v63  }
0x227: {  	s30 =	sld [smem:$0x7FA];
	_ =	swait.ge [sflag:s13], $0x10  }
0x228: {  	[sflag:s13] =	ssyncset.done $0x0  }
0x229: {  	[sflag:s13] =	ssyncadd.s32 $0xFFFFFFF0  }
0x22a: {  	_ =	swait.ge [sflag:s13], $0x4000  }
0x22b: {  	[sflag:s13] =	ssyncset.done $0x0  }
0x22c: {  	[sflag:s13] =	ssyncadd.s32 $0xFFFFC000  }
0x22d: {  	v3 =	vld [tilespmem:$0x0];
	_ =	sdelay $0x4  }
0x22e: {  	v63 =	vshll.u32 v3, $0x3  }
0x22f: {  	v3 =	vand.u32 $0x7, v3;
	v4 =	vand.u32 $0xFFFFFFC0, v63  }
0x230: {  	v3 =	vor.u32 v3, v4  }
0x231: {  	v4 =	vperm.xlane v3, v0;
	_ =	sdelay $0x1  }
0x232: {  	v4 =	vadd.s32 v1, v4;
	_ =	sdelay $0x4  }
0x233: {  	[hbm4b:s3+s2] =	stream.indirect_vreg.scatter [tilespmem:s17], [sflag:$0x4], $0x80, v4, vm0, $0xb8;
	[tilespmem:$0xC180] =	vst v63  }
0x234: {  	s23 =	simm.s32 $0x980;
	v3 =	vperm.xlane v3, v2  }
0x235: {  	[hbm4b:s4+s2] =	stream.indirect_vreg.scatter [tilespmem:s23], [sflag:$0x4], $0x80, v4, vm0, $0xb8;
	[tilespmem:$0xC180] =	vst v63  }
0x236: {  	v3 =	vadd.s32 v1, v3  }
0x237: {  	[hbm4b:s5+s2] =	stream.indirect_vreg.scatter [tilespmem:s26], [sflag:$0x4], $0x80, v4, vm0, $0xb8;
	[tilespmem:$0xC180] =	vst v63  }
0x238: {  	_ = 	snop  }
0x239: {  	[hbm4b:s6+s2] =	stream.indirect_vreg.scatter [tilespmem:s7], [sflag:$0x4], $0x80, v4, vm0, $0xb8;
	[tilespmem:$0xC180] =	vst v63  }
0x23a: {  	_ = 	snop  }
0x23b: {  	[hbm4b:s3+s2] =	stream.indirect_vreg.scatter [tilespmem:s8], [sflag:$0x4], $0x80, v3, vm0, $0xb8;
	[tilespmem:$0xC180] =	vst v63  }
0x23c: {  	_ = 	snop  }
0x23d: {  	[hbm4b:s4+s2] =	stream.indirect_vreg.scatter [tilespmem:s9], [sflag:$0x4], $0x80, v3, vm0, $0xb8;
	[tilespmem:$0xC180] =	vst v63  }
0x23e: {  	_ = 	snop  }
0x23f: {  	[hbm4b:s5+s2] =	stream.indirect_vreg.scatter [tilespmem:s10], [sflag:$0x4], $0x80, v3, vm0, $0xb8;
	[tilespmem:$0xC180] =	vst v63  }
0x240: {  	_ = 	snop  }
0x241: {  	[hbm4b:s6+s2] =	stream.indirect_vreg.scatter [tilespmem:s11], [sflag:$0x4], $0x80, v3, vm0, $0xb8;
	[tilespmem:$0xC180] =	vst v63  }
0x242: {  	_ =	swait.ge [sflag:s21], $0x4000  }
0x243: {  	[sflag:s21] =	ssyncset.done $0x0  }
0x244: {  	[sflag:s21] =	ssyncadd.s32 $0xFFFFC000  }
0x245: {  	p0 =	sne.s32 s30, $0x1;
	_ =	swait.ge [sflag:s31], $0x4000  }
.Ltmp0:
0x246: {  	[sflag:s31] =	ssyncset.done $0x0;
	(pc) =	sbr.rel @p0 .LBB2_1-.Ltmp0, $4  }
0x247: {  	[sflag:s31] =	ssyncadd.s32 $0xFFFFC000  }
0x248: {  	_ =	swait.ge [sflag:s28], $0x4000  }
0x249: {  	[sflag:s28] =	ssyncset.done $0x0  }
0x24a: {  	s1 =	sadd.s32 $0xFFFFFFFF, s30;
	[sflag:s28] =	ssyncadd.s32 $0xFFFFC000  }
0x24b: {  	_ =	sfence.sel $0x180000  }
0x24c: {  	[bflag:$0x0] =	sbarrier.arrive $0xFFFF  }
0x24d: {  	_ =	strace $0x90000047  }
0x24e: {  	s0 =	stileid.u32;
	[bflag:$0x2] =	sbarrier.arrive $0xFFFF  }
0x24f: {  	p0 =	sne.s32 s0, $0x0;
	s0 =	rddreg [dreg:$0x2]  }
0x250: {  	s0 =	sadd.s32 @!p0 $0x100000, s0  }
0x251: {  	[sflag:s0] =	ssyncadd.tile.s32 @!p0 $0x1;
	_ =	shalt  }
.Lfunc_end2:
_tile_overlayer_lowered:
.L_overlay_start_2:
0x252: {  	(tag) =	ssettag $0x2  }
0x253: {  	s0 =	rddreg [dreg:$0x0];
	s2 =	stileid.u32  }
0x254: {  	s1 =	rddreg [dreg:$0x1];
	p0 =	sne.s32 s2, $0x0  }
0x255: {  	s3 =	rddreg [dreg:$0x2];
	[bflag:$0x3] =	sbarrier.arrive $0xFFFF;
	s2 =	simm.s32 @!p0 $0x1C07  }
0x256: {  	[timem:s3], [sflag:s2] =	dma.local @!p0 [hbm:s0], s1  }
0x257: {  	s0 =	simm.s32 @!p0 $0x7  }
0x258: {  	_ =	swait.ge @!p0 [sflag:s0], s1  }
0x259: {  	s1 =	ssub.s32 @!p0 $0x0, s1;
	[sflag:s0] =	ssyncset.done @!p0 $0x0  }
0x25a: {  	[sflag:s0] =	ssyncadd.s32 @!p0 s1  }
0x25b: {  	[bflag:$0x3] =	sbarrier.arrive $0xFFFF  }
0x25c: {  	_ =	shalt  }

// kernel: kernel.9.cloned.1.call-start
scs
__scs_entry_jumppad:
0x0: {  	(pc) =	sbr.rel $0x88, $3  }
0x1: {  	(tag) =	ssettag $0x0;
	lr =	simm.s32 $0x1  }
0x2: {  	[smem:$0x3F9C] =	sst lr;
	_ =	strace $0xD0000000  }
0x3: {  	_ = 	snop  }
0x4: {  	_ = 	snop  }
0x5: {  	_ = 	snop  }
0x6: {  	_ = 	snop  }
0x7: {  	_ = 	snop  }
__scs_overlays_trampoline_lowered:
0x8: {  	[smem:$0x3FAB] =	sst s0  }
0x9: {  	[smem:$0x3FAC] =	sst s1  }
0xa: {  	[smem:$0x3FAD] =	sst s2  }
0xb: {  	[smem:$0x3FAE] =	sst s3  }
0xc: {  	[smem:$0x3FAF] =	sst s4  }
0xd: {  	[smem:$0x3FB0] =	sst s5  }
0xe: {  	[smem:$0x3FB1] =	sst s6  }
0xf: {  	[smem:$0x3FB2] =	sst s7  }
0x10: {  	[smem:$0x3FB3] =	sst s8  }
0x11: {  	[smem:$0x3FB4] =	sst s9;
	s0 =	simm.s32 @!p0 $0x0  }
0x12: {  	s1 =	sld [smem:$0x3F9A];
	s0 =	simm.s32 @p0 $0x1  }
0x13: {  	[smem:$0x3FB5] =	sst s0;
	s0 =	simm.s32 @!p1 $0x0  }
0x14: {  	s2 =	sld [smem:$0x3F99];
	s0 =	simm.s32 @p1 $0x1  }
0x15: {  	[smem:$0x3FB6] =	sst s0;
	s0 =	simm.s32 @!p2 $0x0  }
0x16: {  	s3 =	sld [smem:$0x3FDB];
	s0 =	simm.s32 @p2 $0x1  }
0x17: {  	s4 =	simm.s32 $0x1BF5;
	[smem:$0x3FB8] =	sst s0  }
0x18: {  	s0 =	sld [smem:$0x3F9B];
	_ =	swait.ge [sflag:s4], $0x0  }
0x19: {  	s7 =	sld [smem:$0x3F9C]  }
0x1a: {  	s8 =	sadd.s32 $0xFFFFE003, lr  }
0x1b: {  	s9 =	sadd.s32 $0xFFFFFEF7, lr;
	s5 =	simm.s32 $0xFFFFFFFF;
	p2 =	slt.u32 s8, $0xFFFFF086  }
0x1c: {  	p1 =	slt.u32 s9, $0xF7A;
	s5 =	simm.s32 @!p2 $0x0  }
0x1d: {  	s5 =	simm.s32 @p1 $0x1;
	p0 =	seq.s32 s7, s2  }
0x1e: {  	s7 =	smul.u32 @!p0 $0xF7A, s2;
	p2 =	seq.s32 @!p0 s5, $0x0  }
0x1f: {  	s9 =	smul.u32 $0xF7A, s1;
	s8 =	simm.s32 @!p0 $0x1BF5;
	p2 =	por !p2, p0  }
0x20: {  	[sflag:s8] =	ssyncset.s32 @!p0 $0xFFFFF086;
	s6 =	sadd.s32 @!p0 s3, s7;
	s7 =	simm.s32 @!p0 $0x108  }
0x21: {  	s3 =	sadd.s32 s3, s9;
	s6 =	sadd.s32 @!p0 $0x88, s6;
	s7 =	simm.s32 @p2 $0x1082  }
0x22: {  	[simem:s7], [sflag:s8] =	dma.local @!p0 [hbm:s6], $0xF7A  }
0x23: {  	s9 =	sor.u32 $0xD0000000, s2;
	s6 =	simm.s32 $0x108;
	_ =	swait.ge @!p0 [sflag:s8], $0x0  }
0x24: {  	s3 =	sadd.s32 $0x88, s3;
	s6 =	simm.s32 @!p1 $0x1082;
	[sflag:s4] =	ssyncset.s32 $0xFFFFF086  }
0x25: {  	[simem:s6], [sflag:s4] =	dma.local [hbm:s3], $0xF7A  }
0x26: {  	[smem:$0x3F9C] =	sst s1;
	(tag) =	ssettag s2;
	_ =	strace s9  }
0x27: {  	s1 =	sld [smem:$0x3FAC]  }
0x28: {  	s2 =	sld [smem:$0x3FAD]  }
0x29: {  	s4 =	sld [smem:$0x3FAF]  }
0x2a: {  	p0 =	seq.s32 s5, $0x0;
	s5 =	sld [smem:$0x3FB0]  }
0x2b: {  	s6 =	sld [smem:$0x3FB1]  }
0x2c: {  	s7 =	sld [smem:$0x3FB2]  }
0x2d: {  	s3 =	simm.s32 $0x108;
	s8 =	sld [smem:$0x3FB3]  }
0x2e: {  	s3 =	simm.s32 @!p0 $0x1082;
	s9 =	sld [smem:$0x3FB4]  }
0x2f: {  	lr =	sadd.s32 s0, s3;
	s0 =	sld [smem:$0x3FAB]  }
0x30: {  	s3 =	sld [smem:$0x3FAE]  }
0x31: {  	[smem:$0x3FB7] =	sst s10  }
0x32: {  	s10 =	sld [smem:$0x3FB5];
	_ =	sdelay $0x3  }
0x33: {  	p0 =	seq.s32 s10, $0x1;
	s10 =	sld [smem:$0x3FB7];
	_ =	sdelay $0x3  }
0x34: {  	[smem:$0x3FB7] =	sst s10  }
0x35: {  	s10 =	sld [smem:$0x3FB6];
	_ =	sdelay $0x3  }
0x36: {  	p1 =	seq.s32 s10, $0x1;
	s10 =	sld [smem:$0x3FB7];
	_ =	sdelay $0x3  }
0x37: {  	[smem:$0x3FB7] =	sst s10  }
0x38: {  	s10 =	sld [smem:$0x3FB8]  }
0x39: {  	_ = 	snop;
	(pc) =	sbr.ind lr, $3  }
0x3a: {  	_ = 	snop  }
0x3b: {  	_ = 	snop  }
0x3c: {  	p2 =	seq.s32 s10, $0x1;
	s10 =	sld [smem:$0x3FB7]  }
0x3d: {  	_ =	shalt  }
0x3e: {  	_ =	shalt  }
0x3f: {  	_ =	shalt  }
0x40: {  	_ =	shalt  }
0x41: {  	_ =	shalt  }
0x42: {  	_ =	shalt  }
0x43: {  	_ =	shalt  }
0x44: {  	_ =	shalt  }
0x45: {  	_ =	shalt  }
0x46: {  	_ =	shalt  }
0x47: {  	_ =	shalt  }
0x48: {  	_ =	shalt  }
0x49: {  	_ =	shalt  }
0x4a: {  	_ =	shalt  }
0x4b: {  	_ =	shalt  }
0x4c: {  	_ =	shalt  }
0x4d: {  	_ =	shalt  }
0x4e: {  	_ =	shalt  }
0x4f: {  	_ =	shalt  }
0x50: {  	_ =	shalt  }
0x51: {  	_ =	shalt  }
0x52: {  	_ =	shalt  }
0x53: {  	_ =	shalt  }
0x54: {  	_ =	shalt  }
0x55: {  	_ =	shalt  }
0x56: {  	_ =	shalt  }
0x57: {  	_ =	shalt  }
0x58: {  	_ =	shalt  }
0x59: {  	_ =	shalt  }
0x5a: {  	_ =	shalt  }
0x5b: {  	_ =	shalt  }
0x5c: {  	_ =	shalt  }
0x5d: {  	_ =	shalt  }
0x5e: {  	_ =	shalt  }
0x5f: {  	_ =	shalt  }
0x60: {  	_ =	shalt  }
0x61: {  	_ =	shalt  }
0x62: {  	_ =	shalt  }
0x63: {  	_ =	shalt  }
0x64: {  	_ =	shalt  }
0x65: {  	_ =	shalt  }
0x66: {  	_ =	shalt  }
0x67: {  	_ =	shalt  }
0x68: {  	_ =	shalt  }
0x69: {  	_ =	shalt  }
0x6a: {  	_ =	shalt  }
0x6b: {  	_ =	shalt  }
0x6c: {  	_ =	shalt  }
0x6d: {  	_ =	shalt  }
0x6e: {  	_ =	shalt  }
0x6f: {  	_ =	shalt  }
0x70: {  	_ =	shalt  }
0x71: {  	_ =	shalt  }
0x72: {  	_ =	shalt  }
0x73: {  	_ =	shalt  }
0x74: {  	_ =	shalt  }
0x75: {  	_ =	shalt  }
0x76: {  	_ =	shalt  }
0x77: {  	_ =	shalt  }
0x78: {  	_ =	shalt  }
0x79: {  	_ =	shalt  }
0x7a: {  	_ =	shalt  }
0x7b: {  	_ =	shalt  }
0x7c: {  	_ =	shalt  }
0x7d: {  	_ =	shalt  }
0x7e: {  	_ =	shalt  }
0x7f: {  	_ =	shalt  }
0x80: {  	_ =	shalt  }
0x81: {  	_ =	shalt  }
0x82: {  	_ =	shalt  }
0x83: {  	_ =	shalt  }
0x84: {  	_ =	shalt  }
0x85: {  	_ =	shalt  }
0x86: {  	_ =	shalt  }
0x87: {  	_ =	shalt  }
.Lfunc_end0:
.L_simem_size_0:
called_computation.1_lowered:
.L_overlay_start_0:
0x88: {  	s2 =	sld [smem:$0x3FD9]  }
0x89: {  	s3 =	sld [smem:$0x3FFE];
	_ =	sdelay $0x1  }
0x8a: {  	s1 =	srdreg.scid  }
0x8b: {  	s0 =	sand.u32 $0x1, s1  }
0x8c: {  	s17 =	sshll.u32 s0, $0xA;
	s2 =	sadd.s32 s3, s2  }
0x8d: {  	s2 =	sadd.s32 s2, s17  }
0x8e: {  	[smem:$0x3FC3] =	sst s2  }
0x8f: {  	_ = 	snop  }
0x90: {  	s2 =	sld [smem:$0x3FD0];
	(tm) =	ssettm $0x1  }
0x91: {  	s18 =	sld [smem:$0x3FFB];
	_ =	sdelay $0x3  }
0x92: {  	_ =	strace s18  }
0x93: {  	s3 =	sld [smem:$0x3FFC];
	_ =	sdelay $0x3  }
0x94: {  	_ =	strace s3  }
0x95: {  	s3 =	sld [smem:$0x3FFD];
	_ =	sdelay $0x3  }
0x96: {  	_ =	strace s3  }
0x97: {  	_ =	strace $0x8FFFFFFF  }
0x98: {  	s19 =	sld [smem:$0x3FDB];
	_ =	sdelay $0x1  }
0x99: {  	s4 =	simm.s32 $_scs_section_size  }
0x9a: {  	s5 =	simm.s32 $_size__tile_overlayer_lowered;
	s6 =	simm.s32 $_tile_overlayer_lowered  }
0x9b: {  	s22 =	simm.s32 $0x1BFF;
	s21 =	sshll.u32 s6, $0x1;
	s3 =	sadd.s32 s4, s19  }
0x9c: {  	s7 =	simm.s32 $0x0;
	s20 =	sshll.u32 s5, $0x1;
	s5 =	sadd.s32 s21, s3  }
0x9d: {  	[timem:s7], [sflag:s22] =	dma.local [hbm:s5], s20  }
0x9e: {  	_ =	swait.ge [sflag:s22], s20  }
0x9f: {  	s4 =	ssub.s32 $0x0, s20;
	[sflag:s22] =	ssyncset.done $0x0  }
0xa0: {  	[sflag:s22] =	ssyncadd.s32 s4;
	_ =	sdelay $0x1  }
0xa1: {  	s23 =	simm.s32 $0x1B8B  }
0xa2: {  	_ =	swait.ge [sflag:s23], $0x1  }
0xa3: {  	[sflag:s23] =	ssyncset.done $0x0  }
0xa4: {  	s25 =	simm.s32 $0x1B8E;
	s24 =	sld [smem:$0x3FFE];
	[sflag:s23] =	ssyncadd.s32 $0xFFFFFFFF  }
0xa5: {  	s26 =	simm.s32 $execute0_lowered;
	[smem:$0x3FD2] =	sst s25  }
0xa6: {  	s5 =	sshll.u32 s26, $0x1;
	_ =	strace $0x80000049;
	[dreg:$0x1] =	wrdreg $0xFFFFFFFF  }
0xa7: {  	s28 =	simm.s32 $_size_execute0_lowered;
	s3 =	sadd.s32 s3, s5;
	[dreg:$0x0] =	wrdreg $0x0  }
0xa8: {  	s5 =	sshll.u32 s28, $0x1;
	[dreg:$0x2] =	wrdreg s3  }
0xa9: {  	[dreg:$0x3] =	wrdreg s5  }
0xaa: {  	[dreg:$0x4] =	wrdreg $0xC0  }
0xab: {  	_ =	task [dreg:s7], $0x5FFFF  }
0xac: {  	[dreg:$0x1] =	wrdreg $0xFFFFFFFF  }
0xad: {  	[dreg:$0x0] =	wrdreg $0x60  }
0xae: {  	[dreg:$0x2] =	wrdreg s24  }
0xaf: {  	[dreg:$0x3] =	wrdreg s2  }
0xb0: {  	[dreg:$0x4] =	wrdreg $0x9  }
0xb1: {  	_ =	task.clear_ibuf [dreg:s7], $0x5FFFF;
	_ =	strace $0x90000049  }
0xb2: {  	s29 =	simm.s32 $0x9;
	_ =	strace $0x8000004B  }
0xb3: {  	_ =	swait.ge [sflag:s29], $0x1  }
0xb4: {  	[sflag:s29] =	ssyncadd.s32 $0xFFFFFFFF  }
0xb5: {  	_ =	strace $0x9000004B  }
0xb6: {  	_ =	sfence  }
0xb7: {  	s30 =	sld [smem:$0x0];
	_ =	sdelay $0x2  }
0xb8: {  	s31 =	sshll.u32 s1, $0xD;
	s1 =	sshrl.u32 s1, $0x2  }
0xb9: {  	s3 =	sand.u32 $0x4000, s31;
	s1 =	sadd.s32 s1, s30  }
0xba: {  	s0 =	sor.u32 s3, s0;
	s1 =	sshll.u32 s1, $0x11  }
0xbb: {  	s0 =	sor.u32 s1, s0  }
0xbc: {  	s0 =	sadd.s32 $0x8F2B, s0  }
0xbd: {  	[sflag:s0] =	ssyncadd.remote.s32 $0x1  }
0xbe: {  	_ =	sfence.sel $0xFFFF  }
0xbf: {  	[dreg:$0x0] =	wrdreg $0xFFFFFFFF;
	(pc) =	sbr.abs _section_cstart, $3  }
0xc0: {  	[dreg:$0x1] =	wrdreg $0xFFFFFFFF  }
0xc1: {  	_ =	task.clear_ibuf [dreg:s7], $0x2FFFF;
	_ =	strace $0x9FFFFFFF  }
0xc2: {  	(tm) =	ssettm $0x7FFFFFFF  }
0xc3: {  	_ =	shalt  }
tec
execute0_lowered:
.L_overlay_start_1:
0x0: {  	(tag) =	ssettag $0x1  }
0x1: {  	s0 =	rddreg [dreg:$0x0]  }
0x2: {  	s1 =	rddreg [dreg:$0x1];
	s3 =	srdreg.scid;
	s2 =	simm.s32 $0x0  }
0x3: {  	s5 =	stileid.u32;
	s30 =	simm.s32 $0x4;
	s4 =	sand.u32 $0x1, s3  }
0x4: {  	[smem:$0x7FF] =	sst s2;
	s5 =	sshll.u32 s5, $0x9;
	s3 =	sadd.s32 $0x101600, s0  }
0x5: {  	s9 =	sadd.s32 $0x400, s0;
	s6 =	sshll.u32 s4, $0x8;
	s4 =	ssub.s32 $0x2, s4  }
0x6: {  	_ =	strace $0x8000004A;
	s10 =	sor.u32 s6, s5;
	s8 =	sshrl.u32 s4, $0x1  }
0x7: {  	s5 =	sshrl.u32 s10, $0x3;
	s6 =	sor.u32 $0x10, s10;
	s18 =	sor.u32 $0x20, s10  }
0x8: {  	s11 =	sshll.u32 s10, $0x8;
	s12 =	sor.u32 $0x30, s10;
	s24 =	sor.u32 $0x40, s10  }
0x9: {  	s28 =	sor.u32 $0x50, s10;
	s14 =	sor.u32 $0x60, s10;
	s16 =	sor.u32 $0x70, s10  }
0xa: {  	s5 =	sadd.s32 s9, s5;
	s7 =	sshrl.u32 s6, $0x3;
	s19 =	sshrl.u32 s18, $0x3  }
0xb: {  	s20 =	sadd.s32 s1, s11;
	s21 =	sshrl.u32 s12, $0x3;
	s6 =	sshll.u32 s6, $0x8  }
0xc: {  	s11 =	ssub.s32 s4, s8;
	s25 =	sshrl.u32 s24, $0x3;
	s26 =	sshll.u32 s18, $0x8  }
0xd: {  	s31 =	sshrl.u32 s28, $0x3;
	s13 =	sshll.u32 s12, $0x8;
	[dreg:$0x3] =	wrdreg s5  }
0xe: {  	s15 =	sshrl.u32 s14, $0x3;
	s17 =	sadd.s32 s9, s7;
	[dreg:$0x6] =	wrdreg s20  }
0xf: {  	s18 =	sshrl.u32 s16, $0x3;
	s5 =	sadd.s32 s9, s19;
	[dreg:$0x4] =	wrdreg s17  }
0x10: {  	s22 =	sadd.s32 s9, s21;
	s23 =	sadd.s32 s1, s6;
	[dreg:$0x5] =	wrdreg s5  }
0x11: {  	s4 =	sadd.s32 s9, s25;
	s29 =	sadd.s32 s1, s26;
	[dreg:$0x7] =	wrdreg s22  }
0x12: {  	s8 =	sadd.s32 s9, s31;
	s6 =	sshll.u32 s24, $0x8;
	[dreg:$0x8] =	wrdreg s23  }
0x13: {  	s19 =	sadd.s32 s9, s18;
	s20 =	sshll.u32 s28, $0x8;
	[dreg:$0x9] =	wrdreg s4  }
0x14: {  	s21 =	sor.u32 $0x80, s10;
	s26 =	sshll.u32 s16, $0x8;
	[dreg:$0xa] =	wrdreg s29  }
0x15: {  	s28 =	sor.u32 $0xA0, s10;
	[dreg:$0xb] =	wrdreg s8;
	s5 =	sadd.s32 s1, s13  }
0x16: {  	s4 =	sadd.s32 $0x101700, s0;
	s17 =	sadd.s32 s1, s6;
	[dreg:$0xf] =	wrdreg s19  }
0x17: {  	s6 =	sadd.s32 s1, s20;
	s22 =	sshrl.u32 s21, $0x3;
	s8 =	sshll.u32 s14, $0x8  }
0x18: {  	s13 =	sor.u32 $0x90, s10;
	s29 =	sshrl.u32 s28, $0x3;
	[dreg:$0xc] =	wrdreg s5  }
0x19: {  	s7 =	sshll.u32 s21, $0x8;
	s14 =	sor.u32 $0xB0, s10;
	[dreg:$0xe] =	wrdreg s17  }
0x1a: {  	s12 =	sshll.u32 s28, $0x8;
	s5 =	sadd.s32 s9, s15;
	[dreg:$0x10] =	wrdreg s6  }
0x1b: {  	s6 =	sadd.s32 s9, s22;
	s23 =	sadd.s32 s1, s8;
	s24 =	sshrl.u32 s13, $0x3  }
0x1c: {  	s8 =	sadd.s32 s1, s26;
	s7 =	sadd.s32 s1, s7;
	[dreg:$0xd] =	wrdreg s5  }
0x1d: {  	s31 =	sshrl.u32 s14, $0x3;
	s16 =	sshll.u32 s13, $0x8;
	[dreg:$0x11] =	wrdreg s6  }
0x1e: {  	s17 =	sor.u32 $0xC0, s10;
	s19 =	sadd.s32 s1, s12;
	[dreg:$0x12] =	wrdreg s23  }
0x1f: {  	s22 =	sshll.u32 s14, $0x8;
	s5 =	sadd.s32 $0x101800, s0;
	[dreg:$0x14] =	wrdreg s8  }
0x20: {  	s25 =	sadd.s32 s9, s24;
	s6 =	sadd.s32 $0x101900, s0;
	[dreg:$0x16] =	wrdreg s7  }
0x21: {  	s8 =	sadd.s32 s9, s29;
	s15 =	sadd.s32 s9, s31;
	[dreg:$0x1a] =	wrdreg s19  }
0x22: {  	s7 =	sadd.s32 $0x101A00, s0;
	s18 =	sshrl.u32 s17, $0x3;
	[dreg:$0x13] =	wrdreg s25  }
0x23: {  	s12 =	sadd.s32 s1, s22;
	s23 =	sor.u32 $0xE0, s10;
	[dreg:$0x15] =	wrdreg s8  }
0x24: {  	s13 =	sshll.u32 s17, $0x8;
	s17 =	simm.s32 $0x6;
	[dreg:$0x17] =	wrdreg s15  }
0x25: {  	s8 =	sadd.s32 s1, s16;
	s15 =	sor.u32 $0xD0, s10;
	[dreg:$0x1c] =	wrdreg s12  }
0x26: {  	s24 =	sshrl.u32 s23, $0x3;
	s10 =	sor.u32 $0xF0, s10;
	s25 =	sadd.s32 s1, s13  }
0x27: {  	s31 =	sshll.u32 s23, $0x8;
	s23 =	simm.s32 $0x2;
	[dreg:$0x18] =	wrdreg s8  }
0x28: {  	s16 =	simm.s32 $0x3;
	s8 =	sadd.s32 s9, s18;
	[dreg:$0x1e] =	wrdreg s25  }
0x29: {  	s20 =	sshrl.u32 s15, $0x3;
	s12 =	sadd.s32 s9, s24;
	[dreg:$0x19] =	wrdreg s8  }
0x2a: {  	s26 =	sshrl.u32 s10, $0x3;
	s21 =	sadd.s32 s9, s20;
	[dreg:$0x1d] =	wrdreg s12  }
0x2b: {  	s28 =	sshll.u32 s15, $0x8;
	s9 =	sadd.s32 s9, s26;
	[dreg:$0x1b] =	wrdreg s21  }
0x2c: {  	s10 =	sshll.u32 s10, $0x8;
	s29 =	sadd.s32 s1, s28;
	[dreg:$0x1f] =	wrdreg s9  }
0x2d: {  	s8 =	sadd.s32 $0x101B00, s0;
	s12 =	sadd.s32 s1, s31;
	[smem:$0x7FB] =	sst s29  }
0x2e: {  	v2 =	vlaneseq.u32;
	s1 =	sadd.s32 s1, s10;
	s10 =	sadd.s32 $0x101D00, s0;
	[smem:$0x7FC] =	sst s12  }
0x2f: {  	vm0 =	vmmov $0xffff;
	v1 =	vshrl.u32 v2, $0x3;
	s15 =	simm.s32 $0x5;
	s9 =	sadd.s32 $0x101C00, s0;
	[smem:$0x7FD] =	sst s1  }
0x30: {  	v0 =	vand.u32 $0x7, v2;
	v2 =	vor.u32 $0x8, v2;
	v1 =	vmul.u32 $0x8, v1;
	s1 =	smax.u32 s11, $0x1;
	s12 =	simm.s32 $0x7;
	s0 =	simm.s32 $0x1  }
.LBB2_1:
0x31: {  	[smem:$0x7FA] =	sst s1  }
0x32: {  	s18 =	rddreg [dreg:$0x3]  }
0x33: {  	[tilespmem:s2], [sflag:$0x7] =	stream.linear.gather [hbm4b:s18+s2], $0x10, $0x38;
	[tilespmem:$0x18180] =	vst v63  }
0x34: {  	_ =	swait.ge [sflag:s12], $0x10  }
0x35: {  	[sflag:s12] =	ssyncset.done $0x0  }
0x36: {  	[sflag:s12] =	ssyncadd.s32 $0xFFFFFFF0  }
0x37: {  	v3 =	vld [tilespmem:$0x0];
	_ =	sdelay $0x4  }
0x38: {  	v4 =	vshll.u32 v3, $0x4  }
0x39: {  	v3 =	vand.u32 $0x7, v3;
	v4 =	vand.u32 $0xFFFFFF80, v4  }
0x3a: {  	v3 =	vor.u32 v3, v4  }
0x3b: {  	v4 =	vperm.xlane v3, v0;
	_ =	sdelay $0x1  }
0x3c: {  	v4 =	vadd.s32 v1, v4;
	_ =	sdelay $0x3  }
0x3d: {  	s25 =	simm.s32 $0x180  }
0x3e: {  	[tilespmem:s25], [sflag:$0x1] =	stream.indirect_vreg.gather [hbm4b:s3+s2], $0x80, v4, vm0, $0xb8;
	[tilespmem:$0x18180] =	vst v63  }
0x3f: {  	s26 =	simm.s32 $0x980  }
0x40: {  	[tilespmem:s26], [sflag:$0x1] =	stream.indirect_vreg.gather [hbm4b:s4+s2], $0x80, v4, vm0, $0xb8;
	[tilespmem:$0x18180] =	vst v63  }
0x41: {  	s28 =	simm.s32 $0x1180  }
0x42: {  	[tilespmem:s28], [sflag:$0x1] =	stream.indirect_vreg.gather [hbm4b:s5+s2], $0x80, v4, vm0, $0xb8;
	[tilespmem:$0x18180] =	vst v63  }
0x43: {  	s31 =	simm.s32 $0x1980  }
0x44: {  	[tilespmem:s31], [sflag:$0x1] =	stream.indirect_vreg.gather [hbm4b:s6+s2], $0x80, v4, vm0, $0xb8;
	[tilespmem:$0x18180] =	vst v63  }
0x45: {  	s1 =	simm.s32 $0x2180  }
0x46: {  	[tilespmem:s1], [sflag:$0x1] =	stream.indirect_vreg.gather [hbm4b:s7+s2], $0x80, v4, vm0, $0xb8;
	[tilespmem:$0x18180] =	vst v63  }
0x47: {  	s11 =	simm.s32 $0x2980;
	v3 =	vperm.xlane v3, v2  }
0x48: {  	[tilespmem:s11], [sflag:$0x1] =	stream.indirect_vreg.gather [hbm4b:s8+s2], $0x80, v4, vm0, $0xb8;
	[tilespmem:$0x18180] =	vst v63  }
0x49: {  	s13 =	simm.s32 $0x3180;
	v3 =	vadd.s32 v1, v3  }
0x4a: {  	[tilespmem:s13], [sflag:$0x1] =	stream.indirect_vreg.gather [hbm4b:s9+s2], $0x80, v4, vm0, $0xb8;
	[tilespmem:$0x18180] =	vst v63  }
0x4b: {  	s14 =	simm.s32 $0x3980  }
0x4c: {  	[tilespmem:s14], [sflag:$0x1] =	stream.indirect_vreg.gather [hbm4b:s10+s2], $0x80, v4, vm0, $0xb8;
	[tilespmem:$0x18180] =	vst v63  }
0x4d: {  	s19 =	simm.s32 $0x4180  }
0x4e: {  	[tilespmem:s19], [sflag:$0x1] =	stream.indirect_vreg.gather [hbm4b:s3+s2], $0x80, v3, vm0, $0xb8;
	[tilespmem:$0x18180] =	vst v63  }
0x4f: {  	s24 =	simm.s32 $0x4980  }
0x50: {  	[tilespmem:s24], [sflag:$0x1] =	stream.indirect_vreg.gather [hbm4b:s4+s2], $0x80, v3, vm0, $0xb8;
	[tilespmem:$0x18180] =	vst v63  }
0x51: {  	s25 =	simm.s32 $0x5180  }
0x52: {  	[tilespmem:s25], [sflag:$0x1] =	stream.indirect_vreg.gather [hbm4b:s5+s2], $0x80, v3, vm0, $0xb8;
	[tilespmem:$0x18180] =	vst v63  }
0x53: {  	s26 =	simm.s32 $0x5980  }
0x54: {  	[tilespmem:s26], [sflag:$0x1] =	stream.indirect_vreg.gather [hbm4b:s6+s2], $0x80, v3, vm0, $0xb8;
	[tilespmem:$0x18180] =	vst v63  }
0x55: {  	s28 =	simm.s32 $0x6180  }
0x56: {  	[tilespmem:s28], [sflag:$0x1] =	stream.indirect_vreg.gather [hbm4b:s7+s2], $0x80, v3, vm0, $0xb8;
	[tilespmem:$0x18180] =	vst v63  }
0x57: {  	s31 =	simm.s32 $0x6980  }
0x58: {  	[tilespmem:s31], [sflag:$0x1] =	stream.indirect_vreg.gather [hbm4b:s8+s2], $0x80, v3, vm0, $0xb8;
	[tilespmem:$0x18180] =	vst v63  }
0x59: {  	s1 =	simm.s32 $0x7180  }
0x5a: {  	[tilespmem:s1], [sflag:$0x1] =	stream.indirect_vreg.gather [hbm4b:s9+s2], $0x80, v3, vm0, $0xb8;
	[tilespmem:$0x18180] =	vst v63  }
0x5b: {  	s13 =	simm.s32 $0x7980  }
0x5c: {  	[tilespmem:s13], [sflag:$0x1] =	stream.indirect_vreg.gather [hbm4b:s10+s2], $0x80, v3, vm0, $0xb8;
	[tilespmem:$0x18180] =	vst v63  }
0x5d: {  	s11 =	rddreg [dreg:$0x4];
	s14 =	simm.s32 $0x80  }
0x5e: {  	[tilespmem:s14], [sflag:$0x7] =	stream.linear.gather [hbm4b:s11+s2], $0x10, $0x38;
	[tilespmem:$0x18180] =	vst v63  }
0x5f: {  	_ =	swait.ge [sflag:s12], $0x10  }
0x60: {  	[sflag:s12] =	ssyncset.done $0x0  }
0x61: {  	[sflag:s12] =	ssyncadd.s32 $0xFFFFFFF0  }
0x62: {  	v3 =	vld [tilespmem:$0x80];
	_ =	sdelay $0x4  }
0x63: {  	v49 =	vshll.u32 v3, $0x4  }
0x64: {  	v3 =	vand.u32 $0x7, v3;
	v4 =	vand.u32 $0xFFFFFF80, v49  }
0x65: {  	v3 =	vor.u32 v3, v4  }
0x66: {  	v4 =	vperm.xlane v3, v0;
	_ =	sdelay $0x1  }
0x67: {  	v4 =	vadd.s32 v1, v4;
	_ =	sdelay $0x3  }
0x68: {  	s18 =	simm.s32 $0x8180  }
0x69: {  	[tilespmem:s18], [sflag:$0x2] =	stream.indirect_vreg.gather [hbm4b:s3+s2], $0x80, v4, vm0, $0xb8;
	[tilespmem:$0x18180] =	vst v63  }
0x6a: {  	s13 =	simm.s32 $0x8980  }
0x6b: {  	[tilespmem:s13], [sflag:$0x2] =	stream.indirect_vreg.gather [hbm4b:s4+s2], $0x80, v4, vm0, $0xb8;
	[tilespmem:$0x18180] =	vst v63  }
0x6c: {  	s1 =	simm.s32 $0x9180  }
0x6d: {  	[tilespmem:s1], [sflag:$0x2] =	stream.indirect_vreg.gather [hbm4b:s5+s2], $0x80, v4, vm0, $0xb8;
	[tilespmem:$0x18180] =	vst v63  }
0x6e: {  	s14 =	simm.s32 $0x9980  }
0x6f: {  	[tilespmem:s14], [sflag:$0x2] =	stream.indirect_vreg.gather [hbm4b:s6+s2], $0x80, v4, vm0, $0xb8;
	[tilespmem:$0x18180] =	vst v63  }
0x70: {  	s18 =	simm.s32 $0xA180  }
0x71: {  	[tilespmem:s18], [sflag:$0x2] =	stream.indirect_vreg.gather [hbm4b:s7+s2], $0x80, v4, vm0, $0xb8;
	[tilespmem:$0x18180] =	vst v63  }
0x72: {  	v3 =	vperm.xlane v3, v2;
	s1 =	simm.s32 $0xA980  }
0x73: {  	[tilespmem:s1], [sflag:$0x2] =	stream.indirect_vreg.gather [hbm4b:s8+s2], $0x80, v4, vm0, $0xb8;
	[tilespmem:$0x18180] =	vst v63  }
0x74: {  	v3 =	vadd.s32 v1, v3;
	s14 =	simm.s32 $0xB180  }
0x75: {  	[tilespmem:s14], [sflag:$0x2] =	stream.indirect_vreg.gather [hbm4b:s9+s2], $0x80, v4, vm0, $0xb8;
	[tilespmem:$0x18180] =	vst v63  }
0x76: {  	s18 =	simm.s32 $0xB980  }
0x77: {  	[tilespmem:s18], [sflag:$0x2] =	stream.indirect_vreg.gather [hbm4b:s10+s2], $0x80, v4, vm0, $0xb8;
	[tilespmem:$0x18180] =	vst v63  }
0x78: {  	s1 =	simm.s32 $0xC180  }
0x79: {  	[tilespmem:s1], [sflag:$0x2] =	stream.indirect_vreg.gather [hbm4b:s3+s2], $0x80, v3, vm0, $0xb8;
	[tilespmem:$0x18180] =	vst v63  }
0x7a: {  	s14 =	simm.s32 $0xC980  }
0x7b: {  	[tilespmem:s14], [sflag:$0x2] =	stream.indirect_vreg.gather [hbm4b:s4+s2], $0x80, v3, vm0, $0xb8;
	[tilespmem:$0x18180] =	vst v63  }
0x7c: {  	s18 =	simm.s32 $0xD180  }
0x7d: {  	[tilespmem:s18], [sflag:$0x2] =	stream.indirect_vreg.gather [hbm4b:s5+s2], $0x80, v3, vm0, $0xb8;
	[tilespmem:$0x18180] =	vst v63  }
0x7e: {  	s1 =	simm.s32 $0xD980  }
0x7f: {  	[tilespmem:s1], [sflag:$0x2] =	stream.indirect_vreg.gather [hbm4b:s6+s2], $0x80, v3, vm0, $0xb8;
	[tilespmem:$0x18180] =	vst v63  }
0x80: {  	s14 =	simm.s32 $0xE180  }
0x81: {  	[tilespmem:s14], [sflag:$0x2] =	stream.indirect_vreg.gather [hbm4b:s7+s2], $0x80, v3, vm0, $0xb8;
	[tilespmem:$0x18180] =	vst v63  }
0x82: {  	s18 =	simm.s32 $0xE980  }
0x83: {  	[tilespmem:s18], [sflag:$0x2] =	stream.indirect_vreg.gather [hbm4b:s8+s2], $0x80, v3, vm0, $0xb8;
	[tilespmem:$0x18180] =	vst v63  }
0x84: {  	s1 =	simm.s32 $0xF180  }
0x85: {  	[tilespmem:s1], [sflag:$0x2] =	stream.indirect_vreg.gather [hbm4b:s9+s2], $0x80, v3, vm0, $0xb8;
	[tilespmem:$0x18180] =	vst v63  }
0x86: {  	s13 =	simm.s32 $0xF980  }
0x87: {  	[tilespmem:s13], [sflag:$0x2] =	stream.indirect_vreg.gather [hbm4b:s10+s2], $0x80, v3, vm0, $0xb8;
	[tilespmem:$0x18180] =	vst v63  }
0x88: {  	s14 =	simm.s32 $0x100;
	s18 =	rddreg [dreg:$0x5]  }
0x89: {  	[tilespmem:s14], [sflag:$0x7] =	stream.linear.gather [hbm4b:s18+s2], $0x10, $0x38;
	[tilespmem:$0x18180] =	vst v63  }
0x8a: {  	_ =	swait.ge [sflag:s12], $0x10  }
0x8b: {  	[sflag:s12] =	ssyncset.done $0x0  }
0x8c: {  	[sflag:s12] =	ssyncadd.s32 $0xFFFFFFF0  }
0x8d: {  	v3 =	vld [tilespmem:$0x100];
	_ =	sdelay $0x4  }
0x8e: {  	v50 =	vshll.u32 v3, $0x4  }
0x8f: {  	v3 =	vand.u32 $0x7, v3;
	v4 =	vand.u32 $0xFFFFFF80, v50  }
0x90: {  	v3 =	vor.u32 v3, v4  }
0x91: {  	v4 =	vperm.xlane v3, v0;
	_ =	sdelay $0x1  }
0x92: {  	v4 =	vadd.s32 v1, v4;
	_ =	sdelay $0x3  }
0x93: {  	s18 =	simm.s32 $0x10180  }
0x94: {  	[tilespmem:s18], [sflag:$0x3] =	stream.indirect_vreg.gather [hbm4b:s3+s2], $0x80, v4, vm0, $0xb8;
	[tilespmem:$0x18180] =	vst v63  }
0x95: {  	s1 =	simm.s32 $0x10980  }
0x96: {  	[tilespmem:s1], [sflag:$0x3] =	stream.indirect_vreg.gather [hbm4b:s4+s2], $0x80, v4, vm0, $0xb8;
	[tilespmem:$0x18180] =	vst v63  }
0x97: {  	s13 =	simm.s32 $0x11180  }
0x98: {  	[tilespmem:s13], [sflag:$0x3] =	stream.indirect_vreg.gather [hbm4b:s5+s2], $0x80, v4, vm0, $0xb8;
	[tilespmem:$0x18180] =	vst v63  }
0x99: {  	s1 =	simm.s32 $0x11980  }
0x9a: {  	[tilespmem:s1], [sflag:$0x3] =	stream.indirect_vreg.gather [hbm4b:s6+s2], $0x80, v4, vm0, $0xb8;
	[tilespmem:$0x18180] =	vst v63  }
0x9b: {  	s13 =	simm.s32 $0x12180  }
0x9c: {  	[tilespmem:s13], [sflag:$0x3] =	stream.indirect_vreg.gather [hbm4b:s7+s2], $0x80, v4, vm0, $0xb8;
	[tilespmem:$0x18180] =	vst v63  }
0x9d: {  	v3 =	vperm.xlane v3, v2;
	s1 =	simm.s32 $0x12980  }
0x9e: {  	[tilespmem:s1], [sflag:$0x3] =	stream.indirect_vreg.gather [hbm4b:s8+s2], $0x80, v4, vm0, $0xb8;
	[tilespmem:$0x18180] =	vst v63  }
0x9f: {  	v3 =	vadd.s32 v1, v3;
	s13 =	simm.s32 $0x13180  }
0xa0: {  	[tilespmem:s13], [sflag:$0x3] =	stream.indirect_vreg.gather [hbm4b:s9+s2], $0x80, v4, vm0, $0xb8;
	[tilespmem:$0x18180] =	vst v63  }
0xa1: {  	s1 =	simm.s32 $0x13980  }
0xa2: {  	[tilespmem:s1], [sflag:$0x3] =	stream.indirect_vreg.gather [hbm4b:s10+s2], $0x80, v4, vm0, $0xb8;
	[tilespmem:$0x18180] =	vst v63  }
0xa3: {  	s13 =	simm.s32 $0x14180  }
0xa4: {  	[tilespmem:s13], [sflag:$0x3] =	stream.indirect_vreg.gather [hbm4b:s3+s2], $0x80, v3, vm0, $0xb8;
	[tilespmem:$0x18180] =	vst v63  }
0xa5: {  	s1 =	simm.s32 $0x14980  }
0xa6: {  	[tilespmem:s1], [sflag:$0x3] =	stream.indirect_vreg.gather [hbm4b:s4+s2], $0x80, v3, vm0, $0xb8;
	[tilespmem:$0x18180] =	vst v63  }
0xa7: {  	s13 =	simm.s32 $0x15180  }
0xa8: {  	[tilespmem:s13], [sflag:$0x3] =	stream.indirect_vreg.gather [hbm4b:s5+s2], $0x80, v3, vm0, $0xb8;
	[tilespmem:$0x18180] =	vst v63  }
0xa9: {  	s1 =	simm.s32 $0x15980  }
0xaa: {  	[tilespmem:s1], [sflag:$0x3] =	stream.indirect_vreg.gather [hbm4b:s6+s2], $0x80, v3, vm0, $0xb8;
	[tilespmem:$0x18180] =	vst v63  }
0xab: {  	s13 =	simm.s32 $0x16180  }
0xac: {  	[tilespmem:s13], [sflag:$0x3] =	stream.indirect_vreg.gather [hbm4b:s7+s2], $0x80, v3, vm0, $0xb8;
	[tilespmem:$0x18180] =	vst v63  }
0xad: {  	s1 =	simm.s32 $0x16980  }
0xae: {  	[tilespmem:s1], [sflag:$0x3] =	stream.indirect_vreg.gather [hbm4b:s8+s2], $0x80, v3, vm0, $0xb8;
	[tilespmem:$0x18180] =	vst v63  }
0xaf: {  	s13 =	simm.s32 $0x17180  }
0xb0: {  	[tilespmem:s13], [sflag:$0x3] =	stream.indirect_vreg.gather [hbm4b:s9+s2], $0x80, v3, vm0, $0xb8;
	[tilespmem:$0x18180] =	vst v63  }
0xb1: {  	s1 =	simm.s32 $0x17980  }
0xb2: {  	[tilespmem:s1], [sflag:$0x3] =	stream.indirect_vreg.gather [hbm4b:s10+s2], $0x80, v3, vm0, $0xb8;
	[tilespmem:$0x18180] =	vst v63  }
0xb3: {  	_ =	swait.ge [sflag:s0], $0x8000  }
0xb4: {  	[sflag:s0] =	ssyncset.done $0x0  }
0xb5: {  	s1 =	simm.s32 $0x180;
	s13 =	rddreg [dreg:$0x6];
	[sflag:s0] =	ssyncadd.s32 $0xFFFF8000  }
0xb6: {  	[hbm4b:s13+s2] =	stream.linear.scatter [tilespmem:s1], [sflag:$0x4], $0x8000, $0x38;
	[tilespmem:$0x18180] =	vst v63  }
0xb7: {  	_ =	swait.ge [sflag:s30], $0x8000  }
0xb8: {  	[sflag:s30] =	ssyncset.done $0x0  }
0xb9: {  	s13 =	rddreg [dreg:$0x7];
	[sflag:s30] =	ssyncadd.s32 $0xFFFF8000  }
0xba: {  	[tilespmem:s2], [sflag:$0x7] =	stream.linear.gather [hbm4b:s13+s2], $0x10, $0x38;
	[tilespmem:$0x18180] =	vst v63  }
0xbb: {  	_ =	swait.ge [sflag:s12], $0x10  }
0xbc: {  	[sflag:s12] =	ssyncset.done $0x0  }
0xbd: {  	[sflag:s12] =	ssyncadd.s32 $0xFFFFFFF0  }
0xbe: {  	v3 =	vld [tilespmem:$0x0];
	_ =	sdelay $0x4  }
0xbf: {  	v51 =	vshll.u32 v3, $0x4  }
0xc0: {  	v3 =	vand.u32 $0x7, v3;
	v4 =	vand.u32 $0xFFFFFF80, v51  }
0xc1: {  	v3 =	vor.u32 v3, v4  }
0xc2: {  	v4 =	vperm.xlane v3, v0;
	_ =	sdelay $0x1  }
0xc3: {  	v4 =	vadd.s32 v1, v4;
	_ =	sdelay $0x4  }
0xc4: {  	[tilespmem:s1], [sflag:$0x1] =	stream.indirect_vreg.gather [hbm4b:s3+s2], $0x80, v4, vm0, $0xb8;
	[tilespmem:$0x18180] =	vst v63  }
0xc5: {  	s29 =	simm.s32 $0x980  }
0xc6: {  	[tilespmem:s29], [sflag:$0x1] =	stream.indirect_vreg.gather [hbm4b:s4+s2], $0x80, v4, vm0, $0xb8;
	[tilespmem:$0x18180] =	vst v63  }
0xc7: {  	s20 =	simm.s32 $0x1180  }
0xc8: {  	[tilespmem:s20], [sflag:$0x1] =	stream.indirect_vreg.gather [hbm4b:s5+s2], $0x80, v4, vm0, $0xb8;
	[tilespmem:$0x18180] =	vst v63  }
0xc9: {  	s21 =	simm.s32 $0x1980  }
0xca: {  	[tilespmem:s21], [sflag:$0x1] =	stream.indirect_vreg.gather [hbm4b:s6+s2], $0x80, v4, vm0, $0xb8;
	[tilespmem:$0x18180] =	vst v63  }
0xcb: {  	s20 =	simm.s32 $0x2180  }
0xcc: {  	[tilespmem:s20], [sflag:$0x1] =	stream.indirect_vreg.gather [hbm4b:s7+s2], $0x80, v4, vm0, $0xb8;
	[tilespmem:$0x18180] =	vst v63  }
0xcd: {  	v3 =	vperm.xlane v3, v2;
	s21 =	simm.s32 $0x2980  }
0xce: {  	[tilespmem:s21], [sflag:$0x1] =	stream.indirect_vreg.gather [hbm4b:s8+s2], $0x80, v4, vm0, $0xb8;
	[tilespmem:$0x18180] =	vst v63  }
0xcf: {  	s22 =	simm.s32 $0x3180;
	v3 =	vadd.s32 v1, v3  }
0xd0: {  	[tilespmem:s22], [sflag:$0x1] =	stream.indirect_vreg.gather [hbm4b:s9+s2], $0x80, v4, vm0, $0xb8;
	[tilespmem:$0x18180] =	vst v63  }
0xd1: {  	s22 =	simm.s32 $0x3980  }
0xd2: {  	[tilespmem:s22], [sflag:$0x1] =	stream.indirect_vreg.gather [hbm4b:s10+s2], $0x80, v4, vm0, $0xb8;
	[tilespmem:$0x18180] =	vst v63  }
0xd3: {  	s19 =	simm.s32 $0x4180  }
0xd4: {  	[tilespmem:s19], [sflag:$0x1] =	stream.indirect_vreg.gather [hbm4b:s3+s2], $0x80, v3, vm0, $0xb8;
	[tilespmem:$0x18180] =	vst v63  }
0xd5: {  	s24 =	simm.s32 $0x4980  }
0xd6: {  	[tilespmem:s24], [sflag:$0x1] =	stream.indirect_vreg.gather [hbm4b:s4+s2], $0x80, v3, vm0, $0xb8;
	[tilespmem:$0x18180] =	vst v63  }
0xd7: {  	s25 =	simm.s32 $0x5180  }
0xd8: {  	[tilespmem:s25], [sflag:$0x1] =	stream.indirect_vreg.gather [hbm4b:s5+s2], $0x80, v3, vm0, $0xb8;
	[tilespmem:$0x18180] =	vst v63  }
0xd9: {  	s26 =	simm.s32 $0x5980  }
0xda: {  	[tilespmem:s26], [sflag:$0x1] =	stream.indirect_vreg.gather [hbm4b:s6+s2], $0x80, v3, vm0, $0xb8;
	[tilespmem:$0x18180] =	vst v63  }
0xdb: {  	s28 =	simm.s32 $0x6180  }
0xdc: {  	[tilespmem:s28], [sflag:$0x1] =	stream.indirect_vreg.gather [hbm4b:s7+s2], $0x80, v3, vm0, $0xb8;
	[tilespmem:$0x18180] =	vst v63  }
0xdd: {  	s25 =	simm.s32 $0x6980  }
0xde: {  	[tilespmem:s25], [sflag:$0x1] =	stream.indirect_vreg.gather [hbm4b:s8+s2], $0x80, v3, vm0, $0xb8;
	[tilespmem:$0x18180] =	vst v63  }
0xdf: {  	s22 =	simm.s32 $0x7180  }
0xe0: {  	[tilespmem:s22], [sflag:$0x1] =	stream.indirect_vreg.gather [hbm4b:s9+s2], $0x80, v3, vm0, $0xb8;
	[tilespmem:$0x18180] =	vst v63  }
0xe1: {  	s31 =	simm.s32 $0x7980  }
0xe2: {  	[tilespmem:s31], [sflag:$0x1] =	stream.indirect_vreg.gather [hbm4b:s10+s2], $0x80, v3, vm0, $0xb8;
	[tilespmem:$0x18180] =	vst v63  }
0xe3: {  	_ =	swait.ge [sflag:s23], $0x8000  }
0xe4: {  	[sflag:s23] =	ssyncset.done $0x0  }
0xe5: {  	s28 =	simm.s32 $0x8180;
	s26 =	rddreg [dreg:$0x8];
	[sflag:s23] =	ssyncadd.s32 $0xFFFF8000  }
0xe6: {  	[hbm4b:s26+s2] =	stream.linear.scatter [tilespmem:s28], [sflag:$0x5], $0x8000, $0x38;
	[tilespmem:$0x18180] =	vst v63  }
0xe7: {  	_ =	swait.ge [sflag:s15], $0x8000  }
0xe8: {  	[sflag:s15] =	ssyncset.done $0x0  }
0xe9: {  	s11 =	simm.s32 $0x80;
	s29 =	rddreg [dreg:$0x9];
	[sflag:s15] =	ssyncadd.s32 $0xFFFF8000  }
0xea: {  	[tilespmem:s11], [sflag:$0x7] =	stream.linear.gather [hbm4b:s29+s2], $0x10, $0x38;
	[tilespmem:$0x18180] =	vst v63  }
0xeb: {  	_ =	swait.ge [sflag:s12], $0x10  }
0xec: {  	[sflag:s12] =	ssyncset.done $0x0  }
0xed: {  	[sflag:s12] =	ssyncadd.s32 $0xFFFFFFF0  }
0xee: {  	v3 =	vld [tilespmem:$0x80];
	_ =	sdelay $0x4  }
0xef: {  	v52 =	vshll.u32 v3, $0x4  }
0xf0: {  	v3 =	vand.u32 $0x7, v3;
	v4 =	vand.u32 $0xFFFFFF80, v52  }
0xf1: {  	v3 =	vor.u32 v3, v4  }
0xf2: {  	v4 =	vperm.xlane v3, v0;
	_ =	sdelay $0x1  }
0xf3: {  	v4 =	vadd.s32 v1, v4;
	_ =	sdelay $0x4  }
0xf4: {  	[tilespmem:s28], [sflag:$0x2] =	stream.indirect_vreg.gather [hbm4b:s3+s2], $0x80, v4, vm0, $0xb8;
	[tilespmem:$0x18180] =	vst v63  }
0xf5: {  	s19 =	simm.s32 $0x8980  }
0xf6: {  	[tilespmem:s19], [sflag:$0x2] =	stream.indirect_vreg.gather [hbm4b:s4+s2], $0x80, v4, vm0, $0xb8;
	[tilespmem:$0x18180] =	vst v63  }
0xf7: {  	s24 =	simm.s32 $0x9180  }
0xf8: {  	[tilespmem:s24], [sflag:$0x2] =	stream.indirect_vreg.gather [hbm4b:s5+s2], $0x80, v4, vm0, $0xb8;
	[tilespmem:$0x18180] =	vst v63  }
0xf9: {  	s25 =	simm.s32 $0x9980  }
0xfa: {  	[tilespmem:s25], [sflag:$0x2] =	stream.indirect_vreg.gather [hbm4b:s6+s2], $0x80, v4, vm0, $0xb8;
	[tilespmem:$0x18180] =	vst v63  }
0xfb: {  	s31 =	simm.s32 $0xA180  }
0xfc: {  	[tilespmem:s31], [sflag:$0x2] =	stream.indirect_vreg.gather [hbm4b:s7+s2], $0x80, v4, vm0, $0xb8;
	[tilespmem:$0x18180] =	vst v63  }
0xfd: {  	s11 =	simm.s32 $0xA980;
	v3 =	vperm.xlane v3, v2  }
0xfe: {  	[tilespmem:s11], [sflag:$0x2] =	stream.indirect_vreg.gather [hbm4b:s8+s2], $0x80, v4, vm0, $0xb8;
	[tilespmem:$0x18180] =	vst v63  }
0xff: {  	s26 =	simm.s32 $0xB180;
	v3 =	vadd.s32 v1, v3  }
0x100: {  	[tilespmem:s26], [sflag:$0x2] =	stream.indirect_vreg.gather [hbm4b:s9+s2], $0x80, v4, vm0, $0xb8;
	[tilespmem:$0x18180] =	vst v63  }
0x101: {  	s28 =	simm.s32 $0xB980  }
0x102: {  	[tilespmem:s28], [sflag:$0x2] =	stream.indirect_vreg.gather [hbm4b:s10+s2], $0x80, v4, vm0, $0xb8;
	[tilespmem:$0x18180] =	vst v63  }
0x103: {  	s29 =	simm.s32 $0xC180  }
0x104: {  	[tilespmem:s29], [sflag:$0x2] =	stream.indirect_vreg.gather [hbm4b:s3+s2], $0x80, v3, vm0, $0xb8;
	[tilespmem:$0x18180] =	vst v63  }
0x105: {  	s31 =	simm.s32 $0xC980  }
0x106: {  	[tilespmem:s31], [sflag:$0x2] =	stream.indirect_vreg.gather [hbm4b:s4+s2], $0x80, v3, vm0, $0xb8;
	[tilespmem:$0x18180] =	vst v63  }
0x107: {  	s11 =	simm.s32 $0xD180  }
0x108: {  	[tilespmem:s11], [sflag:$0x2] =	stream.indirect_vreg.gather [hbm4b:s5+s2], $0x80, v3, vm0, $0xb8;
	[tilespmem:$0x18180] =	vst v63  }
0x109: {  	s13 =	simm.s32 $0xD980  }
0x10a: {  	[tilespmem:s13], [sflag:$0x2] =	stream.indirect_vreg.gather [hbm4b:s6+s2], $0x80, v3, vm0, $0xb8;
	[tilespmem:$0x18180] =	vst v63  }
0x10b: {  	s13 =	simm.s32 $0xE180  }
0x10c: {  	[tilespmem:s13], [sflag:$0x2] =	stream.indirect_vreg.gather [hbm4b:s7+s2], $0x80, v3, vm0, $0xb8;
	[tilespmem:$0x18180] =	vst v63  }
0x10d: {  	s18 =	simm.s32 $0xE980  }
0x10e: {  	[tilespmem:s18], [sflag:$0x2] =	stream.indirect_vreg.gather [hbm4b:s8+s2], $0x80, v3, vm0, $0xb8;
	[tilespmem:$0x18180] =	vst v63  }
0x10f: {  	s18 =	simm.s32 $0xF180  }
0x110: {  	[tilespmem:s18], [sflag:$0x2] =	stream.indirect_vreg.gather [hbm4b:s9+s2], $0x80, v3, vm0, $0xb8;
	[tilespmem:$0x18180] =	vst v63  }
0x111: {  	s18 =	simm.s32 $0xF980  }
0x112: {  	[tilespmem:s18], [sflag:$0x2] =	stream.indirect_vreg.gather [hbm4b:s10+s2], $0x80, v3, vm0, $0xb8;
	[tilespmem:$0x18180] =	vst v63  }
0x113: {  	_ =	swait.ge [sflag:s16], $0x8000  }
0x114: {  	[sflag:s16] =	ssyncset.done $0x0  }
0x115: {  	s14 =	simm.s32 $0x10180;
	s1 =	rddreg [dreg:$0xa];
	[sflag:s16] =	ssyncadd.s32 $0xFFFF8000  }
0x116: {  	[hbm4b:s1+s2] =	stream.linear.scatter [tilespmem:s14], [sflag:$0x6], $0x8000, $0x38;
	[tilespmem:$0x18180] =	vst v63  }
0x117: {  	_ =	swait.ge [sflag:s17], $0x8000  }
0x118: {  	[sflag:s17] =	ssyncset.done $0x0  }
0x119: {  	s1 =	simm.s32 $0x100;
	s18 =	rddreg [dreg:$0xb];
	[sflag:s17] =	ssyncadd.s32 $0xFFFF8000  }
0x11a: {  	[tilespmem:s1], [sflag:$0x7] =	stream.linear.gather [hbm4b:s18+s2], $0x10, $0x38;
	[tilespmem:$0x18180] =	vst v63  }
0x11b: {  	_ =	swait.ge [sflag:s12], $0x10  }
0x11c: {  	[sflag:s12] =	ssyncset.done $0x0  }
0x11d: {  	[sflag:s12] =	ssyncadd.s32 $0xFFFFFFF0  }
0x11e: {  	v3 =	vld [tilespmem:$0x100];
	_ =	sdelay $0x4  }
0x11f: {  	v53 =	vshll.u32 v3, $0x4  }
0x120: {  	v3 =	vand.u32 $0x7, v3;
	v4 =	vand.u32 $0xFFFFFF80, v53  }
0x121: {  	v3 =	vor.u32 v3, v4  }
0x122: {  	v4 =	vperm.xlane v3, v0;
	_ =	sdelay $0x1  }
0x123: {  	v4 =	vadd.s32 v1, v4;
	_ =	sdelay $0x4  }
0x124: {  	[tilespmem:s14], [sflag:$0x3] =	stream.indirect_vreg.gather [hbm4b:s3+s2], $0x80, v4, vm0, $0xb8;
	[tilespmem:$0x18180] =	vst v63  }
0x125: {  	s18 =	simm.s32 $0x10980  }
0x126: {  	[tilespmem:s18], [sflag:$0x3] =	stream.indirect_vreg.gather [hbm4b:s4+s2], $0x80, v4, vm0, $0xb8;
	[tilespmem:$0x18180] =	vst v63  }
0x127: {  	s14 =	simm.s32 $0x11180  }
0x128: {  	[tilespmem:s14], [sflag:$0x3] =	stream.indirect_vreg.gather [hbm4b:s5+s2], $0x80, v4, vm0, $0xb8;
	[tilespmem:$0x18180] =	vst v63  }
0x129: {  	s18 =	simm.s32 $0x11980  }
0x12a: {  	[tilespmem:s18], [sflag:$0x3] =	stream.indirect_vreg.gather [hbm4b:s6+s2], $0x80, v4, vm0, $0xb8;
	[tilespmem:$0x18180] =	vst v63  }
0x12b: {  	s14 =	simm.s32 $0x12180  }
0x12c: {  	[tilespmem:s14], [sflag:$0x3] =	stream.indirect_vreg.gather [hbm4b:s7+s2], $0x80, v4, vm0, $0xb8;
	[tilespmem:$0x18180] =	vst v63  }
0x12d: {  	v3 =	vperm.xlane v3, v2;
	s18 =	simm.s32 $0x12980  }
0x12e: {  	[tilespmem:s18], [sflag:$0x3] =	stream.indirect_vreg.gather [hbm4b:s8+s2], $0x80, v4, vm0, $0xb8;
	[tilespmem:$0x18180] =	vst v63  }
0x12f: {  	v3 =	vadd.s32 v1, v3;
	s14 =	simm.s32 $0x13180  }
0x130: {  	[tilespmem:s14], [sflag:$0x3] =	stream.indirect_vreg.gather [hbm4b:s9+s2], $0x80, v4, vm0, $0xb8;
	[tilespmem:$0x18180] =	vst v63  }
0x131: {  	s18 =	simm.s32 $0x13980  }
0x132: {  	[tilespmem:s18], [sflag:$0x3] =	stream.indirect_vreg.gather [hbm4b:s10+s2], $0x80, v4, vm0, $0xb8;
	[tilespmem:$0x18180] =	vst v63  }
0x133: {  	s14 =	simm.s32 $0x14180  }
0x134: {  	[tilespmem:s14], [sflag:$0x3] =	stream.indirect_vreg.gather [hbm4b:s3+s2], $0x80, v3, vm0, $0xb8;
	[tilespmem:$0x18180] =	vst v63  }
0x135: {  	s18 =	simm.s32 $0x14980  }
0x136: {  	[tilespmem:s18], [sflag:$0x3] =	stream.indirect_vreg.gather [hbm4b:s4+s2], $0x80, v3, vm0, $0xb8;
	[tilespmem:$0x18180] =	vst v63  }
0x137: {  	s14 =	simm.s32 $0x15180  }
0x138: {  	[tilespmem:s14], [sflag:$0x3] =	stream.indirect_vreg.gather [hbm4b:s5+s2], $0x80, v3, vm0, $0xb8;
	[tilespmem:$0x18180] =	vst v63  }
0x139: {  	s18 =	simm.s32 $0x15980  }
0x13a: {  	[tilespmem:s18], [sflag:$0x3] =	stream.indirect_vreg.gather [hbm4b:s6+s2], $0x80, v3, vm0, $0xb8;
	[tilespmem:$0x18180] =	vst v63  }
0x13b: {  	s14 =	simm.s32 $0x16180  }
0x13c: {  	[tilespmem:s14], [sflag:$0x3] =	stream.indirect_vreg.gather [hbm4b:s7+s2], $0x80, v3, vm0, $0xb8;
	[tilespmem:$0x18180] =	vst v63  }
0x13d: {  	s18 =	simm.s32 $0x16980  }
0x13e: {  	[tilespmem:s18], [sflag:$0x3] =	stream.indirect_vreg.gather [hbm4b:s8+s2], $0x80, v3, vm0, $0xb8;
	[tilespmem:$0x18180] =	vst v63  }
0x13f: {  	s14 =	simm.s32 $0x17180  }
0x140: {  	[tilespmem:s14], [sflag:$0x3] =	stream.indirect_vreg.gather [hbm4b:s9+s2], $0x80, v3, vm0, $0xb8;
	[tilespmem:$0x18180] =	vst v63  }
0x141: {  	s18 =	simm.s32 $0x17980  }
0x142: {  	[tilespmem:s18], [sflag:$0x3] =	stream.indirect_vreg.gather [hbm4b:s10+s2], $0x80, v3, vm0, $0xb8;
	[tilespmem:$0x18180] =	vst v63  }
0x143: {  	_ =	swait.ge [sflag:s0], $0x8000  }
0x144: {  	[sflag:s0] =	ssyncset.done $0x0  }
0x145: {  	s14 =	simm.s32 $0x180;
	s1 =	rddreg [dreg:$0xc];
	[sflag:s0] =	ssyncadd.s32 $0xFFFF8000  }
0x146: {  	[hbm4b:s1+s2] =	stream.linear.scatter [tilespmem:s14], [sflag:$0x4], $0x8000, $0x38;
	[tilespmem:$0x18180] =	vst v63  }
0x147: {  	_ =	swait.ge [sflag:s30], $0x8000  }
0x148: {  	[sflag:s30] =	ssyncset.done $0x0  }
0x149: {  	s1 =	rddreg [dreg:$0xd];
	[sflag:s30] =	ssyncadd.s32 $0xFFFF8000  }
0x14a: {  	[tilespmem:s2], [sflag:$0x7] =	stream.linear.gather [hbm4b:s1+s2], $0x10, $0x38;
	[tilespmem:$0x18180] =	vst v63  }
0x14b: {  	_ =	swait.ge [sflag:s12], $0x10  }
0x14c: {  	[sflag:s12] =	ssyncset.done $0x0  }
0x14d: {  	[sflag:s12] =	ssyncadd.s32 $0xFFFFFFF0  }
0x14e: {  	v3 =	vld [tilespmem:$0x0];
	_ =	sdelay $0x4  }
0x14f: {  	v54 =	vshll.u32 v3, $0x4  }
0x150: {  	v3 =	vand.u32 $0x7, v3;
	v4 =	vand.u32 $0xFFFFFF80, v54  }
0x151: {  	v3 =	vor.u32 v3, v4  }
0x152: {  	v4 =	vperm.xlane v3, v0;
	_ =	sdelay $0x1  }
0x153: {  	v4 =	vadd.s32 v1, v4;
	_ =	sdelay $0x4  }
0x154: {  	[tilespmem:s14], [sflag:$0x1] =	stream.indirect_vreg.gather [hbm4b:s3+s2], $0x80, v4, vm0, $0xb8;
	[tilespmem:$0x18180] =	vst v63  }
0x155: {  	s18 =	simm.s32 $0x980  }
0x156: {  	[tilespmem:s18], [sflag:$0x1] =	stream.indirect_vreg.gather [hbm4b:s4+s2], $0x80, v4, vm0, $0xb8;
	[tilespmem:$0x18180] =	vst v63  }
0x157: {  	s14 =	simm.s32 $0x1180  }
0x158: {  	[tilespmem:s14], [sflag:$0x1] =	stream.indirect_vreg.gather [hbm4b:s5+s2], $0x80, v4, vm0, $0xb8;
	[tilespmem:$0x18180] =	vst v63  }
0x159: {  	s18 =	simm.s32 $0x1980  }
0x15a: {  	[tilespmem:s18], [sflag:$0x1] =	stream.indirect_vreg.gather [hbm4b:s6+s2], $0x80, v4, vm0, $0xb8;
	[tilespmem:$0x18180] =	vst v63  }
0x15b: {  	_ = 	snop  }
0x15c: {  	[tilespmem:s20], [sflag:$0x1] =	stream.indirect_vreg.gather [hbm4b:s7+s2], $0x80, v4, vm0, $0xb8;
	[tilespmem:$0x18180] =	vst v63  }
0x15d: {  	v3 =	vperm.xlane v3, v2  }
0x15e: {  	[tilespmem:s21], [sflag:$0x1] =	stream.indirect_vreg.gather [hbm4b:s8+s2], $0x80, v4, vm0, $0xb8;
	[tilespmem:$0x18180] =	vst v63  }
0x15f: {  	v3 =	vadd.s32 v1, v3;
	s20 =	simm.s32 $0x3180  }
0x160: {  	[tilespmem:s20], [sflag:$0x1] =	stream.indirect_vreg.gather [hbm4b:s9+s2], $0x80, v4, vm0, $0xb8;
	[tilespmem:$0x18180] =	vst v63  }
0x161: {  	s21 =	simm.s32 $0x3980  }
0x162: {  	[tilespmem:s21], [sflag:$0x1] =	stream.indirect_vreg.gather [hbm4b:s10+s2], $0x80, v4, vm0, $0xb8;
	[tilespmem:$0x18180] =	vst v63  }
0x163: {  	s14 =	simm.s32 $0x4180  }
0x164: {  	[tilespmem:s14], [sflag:$0x1] =	stream.indirect_vreg.gather [hbm4b:s3+s2], $0x80, v3, vm0, $0xb8;
	[tilespmem:$0x18180] =	vst v63  }
0x165: {  	s18 =	simm.s32 $0x4980  }
0x166: {  	[tilespmem:s18], [sflag:$0x1] =	stream.indirect_vreg.gather [hbm4b:s4+s2], $0x80, v3, vm0, $0xb8;
	[tilespmem:$0x18180] =	vst v63  }
0x167: {  	s20 =	simm.s32 $0x5180  }
0x168: {  	[tilespmem:s20], [sflag:$0x1] =	stream.indirect_vreg.gather [hbm4b:s5+s2], $0x80, v3, vm0, $0xb8;
	[tilespmem:$0x18180] =	vst v63  }
0x169: {  	s21 =	simm.s32 $0x5980  }
0x16a: {  	[tilespmem:s21], [sflag:$0x1] =	stream.indirect_vreg.gather [hbm4b:s6+s2], $0x80, v3, vm0, $0xb8;
	[tilespmem:$0x18180] =	vst v63  }
0x16b: {  	s14 =	simm.s32 $0x6180  }
0x16c: {  	[tilespmem:s14], [sflag:$0x1] =	stream.indirect_vreg.gather [hbm4b:s7+s2], $0x80, v3, vm0, $0xb8;
	[tilespmem:$0x18180] =	vst v63  }
0x16d: {  	s18 =	simm.s32 $0x6980  }
0x16e: {  	[tilespmem:s18], [sflag:$0x1] =	stream.indirect_vreg.gather [hbm4b:s8+s2], $0x80, v3, vm0, $0xb8;
	[tilespmem:$0x18180] =	vst v63  }
0x16f: {  	_ = 	snop  }
0x170: {  	[tilespmem:s22], [sflag:$0x1] =	stream.indirect_vreg.gather [hbm4b:s9+s2], $0x80, v3, vm0, $0xb8;
	[tilespmem:$0x18180] =	vst v63  }
0x171: {  	s20 =	simm.s32 $0x7980  }
0x172: {  	[tilespmem:s20], [sflag:$0x1] =	stream.indirect_vreg.gather [hbm4b:s10+s2], $0x80, v3, vm0, $0xb8;
	[tilespmem:$0x18180] =	vst v63  }
0x173: {  	_ =	swait.ge [sflag:s23], $0x8000  }
0x174: {  	[sflag:s23] =	ssyncset.done $0x0  }
0x175: {  	s22 =	simm.s32 $0x8180;
	s21 =	rddreg [dreg:$0xe];
	[sflag:s23] =	ssyncadd.s32 $0xFFFF8000  }
0x176: {  	[hbm4b:s21+s2] =	stream.linear.scatter [tilespmem:s22], [sflag:$0x5], $0x8000, $0x38;
	[tilespmem:$0x18180] =	vst v63  }
0x177: {  	_ =	swait.ge [sflag:s15], $0x8000  }
0x178: {  	[sflag:s15] =	ssyncset.done $0x0  }
0x179: {  	s21 =	simm.s32 $0x80;
	s20 =	rddreg [dreg:$0xf];
	[sflag:s15] =	ssyncadd.s32 $0xFFFF8000  }
0x17a: {  	[tilespmem:s21], [sflag:$0x7] =	stream.linear.gather [hbm4b:s20+s2], $0x10, $0x38;
	[tilespmem:$0x18180] =	vst v63  }
0x17b: {  	_ =	swait.ge [sflag:s12], $0x10  }
0x17c: {  	[sflag:s12] =	ssyncset.done $0x0  }
0x17d: {  	[sflag:s12] =	ssyncadd.s32 $0xFFFFFFF0  }
0x17e: {  	v3 =	vld [tilespmem:$0x80];
	_ =	sdelay $0x4  }
0x17f: {  	v55 =	vshll.u32 v3, $0x4  }
0x180: {  	v3 =	vand.u32 $0x7, v3;
	v4 =	vand.u32 $0xFFFFFF80, v55  }
0x181: {  	v3 =	vor.u32 v3, v4  }
0x182: {  	v4 =	vperm.xlane v3, v0;
	_ =	sdelay $0x1  }
0x183: {  	v4 =	vadd.s32 v1, v4;
	_ =	sdelay $0x4  }
0x184: {  	[tilespmem:s22], [sflag:$0x2] =	stream.indirect_vreg.gather [hbm4b:s3+s2], $0x80, v4, vm0, $0xb8;
	[tilespmem:$0x18180] =	vst v63  }
0x185: {  	_ = 	snop  }
0x186: {  	[tilespmem:s19], [sflag:$0x2] =	stream.indirect_vreg.gather [hbm4b:s4+s2], $0x80, v4, vm0, $0xb8;
	[tilespmem:$0x18180] =	vst v63  }
0x187: {  	_ = 	snop  }
0x188: {  	[tilespmem:s24], [sflag:$0x2] =	stream.indirect_vreg.gather [hbm4b:s5+s2], $0x80, v4, vm0, $0xb8;
	[tilespmem:$0x18180] =	vst v63  }
0x189: {  	_ = 	snop  }
0x18a: {  	[tilespmem:s25], [sflag:$0x2] =	stream.indirect_vreg.gather [hbm4b:s6+s2], $0x80, v4, vm0, $0xb8;
	[tilespmem:$0x18180] =	vst v63  }
0x18b: {  	s21 =	simm.s32 $0xA180  }
0x18c: {  	[tilespmem:s21], [sflag:$0x2] =	stream.indirect_vreg.gather [hbm4b:s7+s2], $0x80, v4, vm0, $0xb8;
	[tilespmem:$0x18180] =	vst v63  }
0x18d: {  	v3 =	vperm.xlane v3, v2;
	s24 =	simm.s32 $0xA980  }
0x18e: {  	[tilespmem:s24], [sflag:$0x2] =	stream.indirect_vreg.gather [hbm4b:s8+s2], $0x80, v4, vm0, $0xb8;
	[tilespmem:$0x18180] =	vst v63  }
0x18f: {  	v3 =	vadd.s32 v1, v3  }
0x190: {  	[tilespmem:s26], [sflag:$0x2] =	stream.indirect_vreg.gather [hbm4b:s9+s2], $0x80, v4, vm0, $0xb8;
	[tilespmem:$0x18180] =	vst v63  }
0x191: {  	_ = 	snop  }
0x192: {  	[tilespmem:s28], [sflag:$0x2] =	stream.indirect_vreg.gather [hbm4b:s10+s2], $0x80, v4, vm0, $0xb8;
	[tilespmem:$0x18180] =	vst v63  }
0x193: {  	_ = 	snop  }
0x194: {  	[tilespmem:s29], [sflag:$0x2] =	stream.indirect_vreg.gather [hbm4b:s3+s2], $0x80, v3, vm0, $0xb8;
	[tilespmem:$0x18180] =	vst v63  }
0x195: {  	_ = 	snop  }
0x196: {  	[tilespmem:s31], [sflag:$0x2] =	stream.indirect_vreg.gather [hbm4b:s4+s2], $0x80, v3, vm0, $0xb8;
	[tilespmem:$0x18180] =	vst v63  }
0x197: {  	_ = 	snop  }
0x198: {  	[tilespmem:s11], [sflag:$0x2] =	stream.indirect_vreg.gather [hbm4b:s5+s2], $0x80, v3, vm0, $0xb8;
	[tilespmem:$0x18180] =	vst v63  }
0x199: {  	s22 =	simm.s32 $0xD980  }
0x19a: {  	[tilespmem:s22], [sflag:$0x2] =	stream.indirect_vreg.gather [hbm4b:s6+s2], $0x80, v3, vm0, $0xb8;
	[tilespmem:$0x18180] =	vst v63  }
0x19b: {  	_ = 	snop  }
0x19c: {  	[tilespmem:s13], [sflag:$0x2] =	stream.indirect_vreg.gather [hbm4b:s7+s2], $0x80, v3, vm0, $0xb8;
	[tilespmem:$0x18180] =	vst v63  }
0x19d: {  	s14 =	simm.s32 $0xE980  }
0x19e: {  	[tilespmem:s14], [sflag:$0x2] =	stream.indirect_vreg.gather [hbm4b:s8+s2], $0x80, v3, vm0, $0xb8;
	[tilespmem:$0x18180] =	vst v63  }
0x19f: {  	s25 =	simm.s32 $0xF180  }
0x1a0: {  	[tilespmem:s25], [sflag:$0x2] =	stream.indirect_vreg.gather [hbm4b:s9+s2], $0x80, v3, vm0, $0xb8;
	[tilespmem:$0x18180] =	vst v63  }
0x1a1: {  	s26 =	simm.s32 $0xF980  }
0x1a2: {  	[tilespmem:s26], [sflag:$0x2] =	stream.indirect_vreg.gather [hbm4b:s10+s2], $0x80, v3, vm0, $0xb8;
	[tilespmem:$0x18180] =	vst v63  }
0x1a3: {  	_ =	swait.ge [sflag:s16], $0x8000  }
0x1a4: {  	[sflag:s16] =	ssyncset.done $0x0  }
0x1a5: {  	s29 =	simm.s32 $0x10180;
	s28 =	rddreg [dreg:$0x10];
	[sflag:s16] =	ssyncadd.s32 $0xFFFF8000  }
0x1a6: {  	[hbm4b:s28+s2] =	stream.linear.scatter [tilespmem:s29], [sflag:$0x6], $0x8000, $0x38;
	[tilespmem:$0x18180] =	vst v63  }
0x1a7: {  	_ =	swait.ge [sflag:s17], $0x8000  }
0x1a8: {  	[sflag:s17] =	ssyncset.done $0x0  }
0x1a9: {  	s11 =	simm.s32 $0x100;
	s31 =	rddreg [dreg:$0x11];
	[sflag:s17] =	ssyncadd.s32 $0xFFFF8000  }
0x1aa: {  	[tilespmem:s11], [sflag:$0x7] =	stream.linear.gather [hbm4b:s31+s2], $0x10, $0x38;
	[tilespmem:$0x18180] =	vst v63  }
0x1ab: {  	_ =	swait.ge [sflag:s12], $0x10  }
0x1ac: {  	[sflag:s12] =	ssyncset.done $0x0  }
0x1ad: {  	[sflag:s12] =	ssyncadd.s32 $0xFFFFFFF0  }
0x1ae: {  	v3 =	vld [tilespmem:$0x100];
	_ =	sdelay $0x4  }
0x1af: {  	v56 =	vshll.u32 v3, $0x4  }
0x1b0: {  	v3 =	vand.u32 $0x7, v3;
	v4 =	vand.u32 $0xFFFFFF80, v56  }
0x1b1: {  	v3 =	vor.u32 v3, v4  }
0x1b2: {  	v4 =	vperm.xlane v3, v0;
	_ =	sdelay $0x1  }
0x1b3: {  	v4 =	vadd.s32 v1, v4;
	_ =	sdelay $0x4  }
0x1b4: {  	[tilespmem:s29], [sflag:$0x3] =	stream.indirect_vreg.gather [hbm4b:s3+s2], $0x80, v4, vm0, $0xb8;
	[tilespmem:$0x18180] =	vst v63  }
0x1b5: {  	s19 =	simm.s32 $0x10980  }
0x1b6: {  	[tilespmem:s19], [sflag:$0x3] =	stream.indirect_vreg.gather [hbm4b:s4+s2], $0x80, v4, vm0, $0xb8;
	[tilespmem:$0x18180] =	vst v63  }
0x1b7: {  	s25 =	simm.s32 $0x11180  }
0x1b8: {  	[tilespmem:s25], [sflag:$0x3] =	stream.indirect_vreg.gather [hbm4b:s5+s2], $0x80, v4, vm0, $0xb8;
	[tilespmem:$0x18180] =	vst v63  }
0x1b9: {  	s26 =	simm.s32 $0x11980  }
0x1ba: {  	[tilespmem:s26], [sflag:$0x3] =	stream.indirect_vreg.gather [hbm4b:s6+s2], $0x80, v4, vm0, $0xb8;
	[tilespmem:$0x18180] =	vst v63  }
0x1bb: {  	s18 =	simm.s32 $0x12180  }
0x1bc: {  	[tilespmem:s18], [sflag:$0x3] =	stream.indirect_vreg.gather [hbm4b:s7+s2], $0x80, v4, vm0, $0xb8;
	[tilespmem:$0x18180] =	vst v63  }
0x1bd: {  	s20 =	simm.s32 $0x12980;
	v3 =	vperm.xlane v3, v2  }
0x1be: {  	[tilespmem:s20], [sflag:$0x3] =	stream.indirect_vreg.gather [hbm4b:s8+s2], $0x80, v4, vm0, $0xb8;
	[tilespmem:$0x18180] =	vst v63  }
0x1bf: {  	s28 =	simm.s32 $0x13180;
	v3 =	vadd.s32 v1, v3  }
0x1c0: {  	[tilespmem:s28], [sflag:$0x3] =	stream.indirect_vreg.gather [hbm4b:s9+s2], $0x80, v4, vm0, $0xb8;
	[tilespmem:$0x18180] =	vst v63  }
0x1c1: {  	s29 =	simm.s32 $0x13980  }
0x1c2: {  	[tilespmem:s29], [sflag:$0x3] =	stream.indirect_vreg.gather [hbm4b:s10+s2], $0x80, v4, vm0, $0xb8;
	[tilespmem:$0x18180] =	vst v63  }
0x1c3: {  	s31 =	simm.s32 $0x14180  }
0x1c4: {  	[tilespmem:s31], [sflag:$0x3] =	stream.indirect_vreg.gather [hbm4b:s3+s2], $0x80, v3, vm0, $0xb8;
	[tilespmem:$0x18180] =	vst v63  }
0x1c5: {  	s22 =	simm.s32 $0x14980  }
0x1c6: {  	[tilespmem:s22], [sflag:$0x3] =	stream.indirect_vreg.gather [hbm4b:s4+s2], $0x80, v3, vm0, $0xb8;
	[tilespmem:$0x18180] =	vst v63  }
0x1c7: {  	s11 =	simm.s32 $0x15180  }
0x1c8: {  	[tilespmem:s11], [sflag:$0x3] =	stream.indirect_vreg.gather [hbm4b:s5+s2], $0x80, v3, vm0, $0xb8;
	[tilespmem:$0x18180] =	vst v63  }
0x1c9: {  	s18 =	simm.s32 $0x15980  }
0x1ca: {  	[tilespmem:s18], [sflag:$0x3] =	stream.indirect_vreg.gather [hbm4b:s6+s2], $0x80, v3, vm0, $0xb8;
	[tilespmem:$0x18180] =	vst v63  }
0x1cb: {  	s20 =	simm.s32 $0x16180  }
0x1cc: {  	[tilespmem:s20], [sflag:$0x3] =	stream.indirect_vreg.gather [hbm4b:s7+s2], $0x80, v3, vm0, $0xb8;
	[tilespmem:$0x18180] =	vst v63  }
0x1cd: {  	s22 =	simm.s32 $0x16980  }
0x1ce: {  	[tilespmem:s22], [sflag:$0x3] =	stream.indirect_vreg.gather [hbm4b:s8+s2], $0x80, v3, vm0, $0xb8;
	[tilespmem:$0x18180] =	vst v63  }
0x1cf: {  	s11 =	simm.s32 $0x17180  }
0x1d0: {  	[tilespmem:s11], [sflag:$0x3] =	stream.indirect_vreg.gather [hbm4b:s9+s2], $0x80, v3, vm0, $0xb8;
	[tilespmem:$0x18180] =	vst v63  }
0x1d1: {  	s18 =	simm.s32 $0x17980  }
0x1d2: {  	[tilespmem:s18], [sflag:$0x3] =	stream.indirect_vreg.gather [hbm4b:s10+s2], $0x80, v3, vm0, $0xb8;
	[tilespmem:$0x18180] =	vst v63  }
0x1d3: {  	_ =	swait.ge [sflag:s0], $0x8000  }
0x1d4: {  	[sflag:s0] =	ssyncset.done $0x0  }
0x1d5: {  	s22 =	simm.s32 $0x180;
	s20 =	rddreg [dreg:$0x12];
	[sflag:s0] =	ssyncadd.s32 $0xFFFF8000  }
0x1d6: {  	[hbm4b:s20+s2] =	stream.linear.scatter [tilespmem:s22], [sflag:$0x4], $0x8000, $0x38;
	[tilespmem:$0x18180] =	vst v63  }
0x1d7: {  	_ =	swait.ge [sflag:s30], $0x8000  }
0x1d8: {  	[sflag:s30] =	ssyncset.done $0x0  }
0x1d9: {  	s11 =	rddreg [dreg:$0x13];
	[sflag:s30] =	ssyncadd.s32 $0xFFFF8000  }
0x1da: {  	[tilespmem:s2], [sflag:$0x7] =	stream.linear.gather [hbm4b:s11+s2], $0x10, $0x38;
	[tilespmem:$0x18180] =	vst v63  }
0x1db: {  	_ =	swait.ge [sflag:s12], $0x10  }
0x1dc: {  	[sflag:s12] =	ssyncset.done $0x0  }
0x1dd: {  	[sflag:s12] =	ssyncadd.s32 $0xFFFFFFF0  }
0x1de: {  	v3 =	vld [tilespmem:$0x0];
	_ =	sdelay $0x4  }
0x1df: {  	v57 =	vshll.u32 v3, $0x4  }
0x1e0: {  	v3 =	vand.u32 $0x7, v3;
	v4 =	vand.u32 $0xFFFFFF80, v57  }
0x1e1: {  	v3 =	vor.u32 v3, v4  }
0x1e2: {  	v4 =	vperm.xlane v3, v0;
	_ =	sdelay $0x1  }
0x1e3: {  	v4 =	vadd.s32 v1, v4;
	_ =	sdelay $0x4  }
0x1e4: {  	[tilespmem:s22], [sflag:$0x1] =	stream.indirect_vreg.gather [hbm4b:s3+s2], $0x80, v4, vm0, $0xb8;
	[tilespmem:$0x18180] =	vst v63  }
0x1e5: {  	s13 =	simm.s32 $0x980  }
0x1e6: {  	[tilespmem:s13], [sflag:$0x1] =	stream.indirect_vreg.gather [hbm4b:s4+s2], $0x80, v4, vm0, $0xb8;
	[tilespmem:$0x18180] =	vst v63  }
0x1e7: {  	s20 =	simm.s32 $0x1180  }
0x1e8: {  	[tilespmem:s20], [sflag:$0x1] =	stream.indirect_vreg.gather [hbm4b:s5+s2], $0x80, v4, vm0, $0xb8;
	[tilespmem:$0x18180] =	vst v63  }
0x1e9: {  	s22 =	simm.s32 $0x1980  }
0x1ea: {  	[tilespmem:s22], [sflag:$0x1] =	stream.indirect_vreg.gather [hbm4b:s6+s2], $0x80, v4, vm0, $0xb8;
	[tilespmem:$0x18180] =	vst v63  }
0x1eb: {  	s11 =	simm.s32 $0x2180  }
0x1ec: {  	[tilespmem:s11], [sflag:$0x1] =	stream.indirect_vreg.gather [hbm4b:s7+s2], $0x80, v4, vm0, $0xb8;
	[tilespmem:$0x18180] =	vst v63  }
0x1ed: {  	v3 =	vperm.xlane v3, v2;
	s22 =	simm.s32 $0x2980  }
0x1ee: {  	[tilespmem:s22], [sflag:$0x1] =	stream.indirect_vreg.gather [hbm4b:s8+s2], $0x80, v4, vm0, $0xb8;
	[tilespmem:$0x18180] =	vst v63  }
0x1ef: {  	v3 =	vadd.s32 v1, v3;
	s20 =	simm.s32 $0x3180  }
0x1f0: {  	[tilespmem:s20], [sflag:$0x1] =	stream.indirect_vreg.gather [hbm4b:s9+s2], $0x80, v4, vm0, $0xb8;
	[tilespmem:$0x18180] =	vst v63  }
0x1f1: {  	s11 =	simm.s32 $0x3980  }
0x1f2: {  	[tilespmem:s11], [sflag:$0x1] =	stream.indirect_vreg.gather [hbm4b:s10+s2], $0x80, v4, vm0, $0xb8;
	[tilespmem:$0x18180] =	vst v63  }
0x1f3: {  	s20 =	simm.s32 $0x4180  }
0x1f4: {  	[tilespmem:s20], [sflag:$0x1] =	stream.indirect_vreg.gather [hbm4b:s3+s2], $0x80, v3, vm0, $0xb8;
	[tilespmem:$0x18180] =	vst v63  }
0x1f5: {  	s11 =	simm.s32 $0x4980  }
0x1f6: {  	[tilespmem:s11], [sflag:$0x1] =	stream.indirect_vreg.gather [hbm4b:s4+s2], $0x80, v3, vm0, $0xb8;
	[tilespmem:$0x18180] =	vst v63  }
0x1f7: {  	s20 =	simm.s32 $0x5180  }
0x1f8: {  	[tilespmem:s20], [sflag:$0x1] =	stream.indirect_vreg.gather [hbm4b:s5+s2], $0x80, v3, vm0, $0xb8;
	[tilespmem:$0x18180] =	vst v63  }
0x1f9: {  	s11 =	simm.s32 $0x5980  }
0x1fa: {  	[tilespmem:s11], [sflag:$0x1] =	stream.indirect_vreg.gather [hbm4b:s6+s2], $0x80, v3, vm0, $0xb8;
	[tilespmem:$0x18180] =	vst v63  }
0x1fb: {  	s20 =	simm.s32 $0x6180  }
0x1fc: {  	[tilespmem:s20], [sflag:$0x1] =	stream.indirect_vreg.gather [hbm4b:s7+s2], $0x80, v3, vm0, $0xb8;
	[tilespmem:$0x18180] =	vst v63  }
0x1fd: {  	s11 =	simm.s32 $0x6980  }
0x1fe: {  	[tilespmem:s11], [sflag:$0x1] =	stream.indirect_vreg.gather [hbm4b:s8+s2], $0x80, v3, vm0, $0xb8;
	[tilespmem:$0x18180] =	vst v63  }
0x1ff: {  	s18 =	simm.s32 $0x7180  }
0x200: {  	[tilespmem:s18], [sflag:$0x1] =	stream.indirect_vreg.gather [hbm4b:s9+s2], $0x80, v3, vm0, $0xb8;
	[tilespmem:$0x18180] =	vst v63  }
0x201: {  	s20 =	simm.s32 $0x7980  }
0x202: {  	[tilespmem:s20], [sflag:$0x1] =	stream.indirect_vreg.gather [hbm4b:s10+s2], $0x80, v3, vm0, $0xb8;
	[tilespmem:$0x18180] =	vst v63  }
0x203: {  	_ =	swait.ge [sflag:s23], $0x8000  }
0x204: {  	[sflag:s23] =	ssyncset.done $0x0  }
0x205: {  	s1 =	simm.s32 $0x8180;
	s11 =	rddreg [dreg:$0x14];
	[sflag:s23] =	ssyncadd.s32 $0xFFFF8000  }
0x206: {  	[hbm4b:s11+s2] =	stream.linear.scatter [tilespmem:s1], [sflag:$0x5], $0x8000, $0x38;
	[tilespmem:$0x18180] =	vst v63  }
0x207: {  	_ =	swait.ge [sflag:s15], $0x8000  }
0x208: {  	[sflag:s15] =	ssyncset.done $0x0  }
0x209: {  	s11 =	simm.s32 $0x80;
	s20 =	rddreg [dreg:$0x15];
	[sflag:s15] =	ssyncadd.s32 $0xFFFF8000  }
0x20a: {  	[tilespmem:s11], [sflag:$0x7] =	stream.linear.gather [hbm4b:s20+s2], $0x10, $0x38;
	[tilespmem:$0x18180] =	vst v63  }
0x20b: {  	_ =	swait.ge [sflag:s12], $0x10  }
0x20c: {  	[sflag:s12] =	ssyncset.done $0x0  }
0x20d: {  	[sflag:s12] =	ssyncadd.s32 $0xFFFFFFF0  }
0x20e: {  	v3 =	vld [tilespmem:$0x80];
	_ =	sdelay $0x4  }
0x20f: {  	v58 =	vshll.u32 v3, $0x4  }
0x210: {  	v3 =	vand.u32 $0x7, v3;
	v4 =	vand.u32 $0xFFFFFF80, v58  }
0x211: {  	v3 =	vor.u32 v3, v4  }
0x212: {  	v4 =	vperm.xlane v3, v0;
	_ =	sdelay $0x1  }
0x213: {  	v4 =	vadd.s32 v1, v4;
	_ =	sdelay $0x4  }
0x214: {  	[tilespmem:s1], [sflag:$0x2] =	stream.indirect_vreg.gather [hbm4b:s3+s2], $0x80, v4, vm0, $0xb8;
	[tilespmem:$0x18180] =	vst v63  }
0x215: {  	s20 =	simm.s32 $0x8980  }
0x216: {  	[tilespmem:s20], [sflag:$0x2] =	stream.indirect_vreg.gather [hbm4b:s4+s2], $0x80, v4, vm0, $0xb8;
	[tilespmem:$0x18180] =	vst v63  }
0x217: {  	s11 =	simm.s32 $0x9180  }
0x218: {  	[tilespmem:s11], [sflag:$0x2] =	stream.indirect_vreg.gather [hbm4b:s5+s2], $0x80, v4, vm0, $0xb8;
	[tilespmem:$0x18180] =	vst v63  }
0x219: {  	s18 =	simm.s32 $0x9980  }
0x21a: {  	[tilespmem:s18], [sflag:$0x2] =	stream.indirect_vreg.gather [hbm4b:s6+s2], $0x80, v4, vm0, $0xb8;
	[tilespmem:$0x18180] =	vst v63  }
0x21b: {  	_ = 	snop  }
0x21c: {  	[tilespmem:s21], [sflag:$0x2] =	stream.indirect_vreg.gather [hbm4b:s7+s2], $0x80, v4, vm0, $0xb8;
	[tilespmem:$0x18180] =	vst v63  }
0x21d: {  	v3 =	vperm.xlane v3, v2  }
0x21e: {  	[tilespmem:s24], [sflag:$0x2] =	stream.indirect_vreg.gather [hbm4b:s8+s2], $0x80, v4, vm0, $0xb8;
	[tilespmem:$0x18180] =	vst v63  }
0x21f: {  	v3 =	vadd.s32 v1, v3;
	s11 =	simm.s32 $0xB180  }
0x220: {  	[tilespmem:s11], [sflag:$0x2] =	stream.indirect_vreg.gather [hbm4b:s9+s2], $0x80, v4, vm0, $0xb8;
	[tilespmem:$0x18180] =	vst v63  }
0x221: {  	s18 =	simm.s32 $0xB980  }
0x222: {  	[tilespmem:s18], [sflag:$0x2] =	stream.indirect_vreg.gather [hbm4b:s10+s2], $0x80, v4, vm0, $0xb8;
	[tilespmem:$0x18180] =	vst v63  }
0x223: {  	s21 =	simm.s32 $0xC180  }
0x224: {  	[tilespmem:s21], [sflag:$0x2] =	stream.indirect_vreg.gather [hbm4b:s3+s2], $0x80, v3, vm0, $0xb8;
	[tilespmem:$0x18180] =	vst v63  }
0x225: {  	s11 =	simm.s32 $0xC980  }
0x226: {  	[tilespmem:s11], [sflag:$0x2] =	stream.indirect_vreg.gather [hbm4b:s4+s2], $0x80, v3, vm0, $0xb8;
	[tilespmem:$0x18180] =	vst v63  }
0x227: {  	s18 =	simm.s32 $0xD180  }
0x228: {  	[tilespmem:s18], [sflag:$0x2] =	stream.indirect_vreg.gather [hbm4b:s5+s2], $0x80, v3, vm0, $0xb8;
	[tilespmem:$0x18180] =	vst v63  }
0x229: {  	s21 =	simm.s32 $0xD980  }
0x22a: {  	[tilespmem:s21], [sflag:$0x2] =	stream.indirect_vreg.gather [hbm4b:s6+s2], $0x80, v3, vm0, $0xb8;
	[tilespmem:$0x18180] =	vst v63  }
0x22b: {  	s11 =	simm.s32 $0xE180  }
0x22c: {  	[tilespmem:s11], [sflag:$0x2] =	stream.indirect_vreg.gather [hbm4b:s7+s2], $0x80, v3, vm0, $0xb8;
	[tilespmem:$0x18180] =	vst v63  }
0x22d: {  	_ = 	snop  }
0x22e: {  	[tilespmem:s14], [sflag:$0x2] =	stream.indirect_vreg.gather [hbm4b:s8+s2], $0x80, v3, vm0, $0xb8;
	[tilespmem:$0x18180] =	vst v63  }
0x22f: {  	s18 =	simm.s32 $0xF180  }
0x230: {  	[tilespmem:s18], [sflag:$0x2] =	stream.indirect_vreg.gather [hbm4b:s9+s2], $0x80, v3, vm0, $0xb8;
	[tilespmem:$0x18180] =	vst v63  }
0x231: {  	s21 =	simm.s32 $0xF980  }
0x232: {  	[tilespmem:s21], [sflag:$0x2] =	stream.indirect_vreg.gather [hbm4b:s10+s2], $0x80, v3, vm0, $0xb8;
	[tilespmem:$0x18180] =	vst v63  }
0x233: {  	_ =	swait.ge [sflag:s16], $0x8000  }
0x234: {  	[sflag:s16] =	ssyncset.done $0x0  }
0x235: {  	s14 =	simm.s32 $0x10180;
	s11 =	rddreg [dreg:$0x16];
	[sflag:s16] =	ssyncadd.s32 $0xFFFF8000  }
0x236: {  	[hbm4b:s11+s2] =	stream.linear.scatter [tilespmem:s14], [sflag:$0x6], $0x8000, $0x38;
	[tilespmem:$0x18180] =	vst v63  }
0x237: {  	_ =	swait.ge [sflag:s17], $0x8000  }
0x238: {  	[sflag:s17] =	ssyncset.done $0x0  }
0x239: {  	s11 =	simm.s32 $0x100;
	s1 =	rddreg [dreg:$0x17];
	[sflag:s17] =	ssyncadd.s32 $0xFFFF8000  }
0x23a: {  	[tilespmem:s11], [sflag:$0x7] =	stream.linear.gather [hbm4b:s1+s2], $0x10, $0x38;
	[tilespmem:$0x18180] =	vst v63  }
0x23b: {  	_ =	swait.ge [sflag:s12], $0x10  }
0x23c: {  	[sflag:s12] =	ssyncset.done $0x0  }
0x23d: {  	[sflag:s12] =	ssyncadd.s32 $0xFFFFFFF0  }
0x23e: {  	v3 =	vld [tilespmem:$0x100];
	_ =	sdelay $0x4  }
0x23f: {  	v59 =	vshll.u32 v3, $0x4  }
0x240: {  	v3 =	vand.u32 $0x7, v3;
	v4 =	vand.u32 $0xFFFFFF80, v59  }
0x241: {  	v3 =	vor.u32 v3, v4  }
0x242: {  	v4 =	vperm.xlane v3, v0;
	_ =	sdelay $0x1  }
0x243: {  	v4 =	vadd.s32 v1, v4;
	_ =	sdelay $0x4  }
0x244: {  	[tilespmem:s14], [sflag:$0x3] =	stream.indirect_vreg.gather [hbm4b:s3+s2], $0x80, v4, vm0, $0xb8;
	[tilespmem:$0x18180] =	vst v63  }
0x245: {  	_ = 	snop  }
0x246: {  	[tilespmem:s19], [sflag:$0x3] =	stream.indirect_vreg.gather [hbm4b:s4+s2], $0x80, v4, vm0, $0xb8;
	[tilespmem:$0x18180] =	vst v63  }
0x247: {  	_ = 	snop  }
0x248: {  	[tilespmem:s25], [sflag:$0x3] =	stream.indirect_vreg.gather [hbm4b:s5+s2], $0x80, v4, vm0, $0xb8;
	[tilespmem:$0x18180] =	vst v63  }
0x249: {  	_ = 	snop  }
0x24a: {  	[tilespmem:s26], [sflag:$0x3] =	stream.indirect_vreg.gather [hbm4b:s6+s2], $0x80, v4, vm0, $0xb8;
	[tilespmem:$0x18180] =	vst v63  }
0x24b: {  	s1 =	simm.s32 $0x12180  }
0x24c: {  	[tilespmem:s1], [sflag:$0x3] =	stream.indirect_vreg.gather [hbm4b:s7+s2], $0x80, v4, vm0, $0xb8;
	[tilespmem:$0x18180] =	vst v63  }
0x24d: {  	v3 =	vperm.xlane v3, v2;
	s19 =	simm.s32 $0x12980  }
0x24e: {  	[tilespmem:s19], [sflag:$0x3] =	stream.indirect_vreg.gather [hbm4b:s8+s2], $0x80, v4, vm0, $0xb8;
	[tilespmem:$0x18180] =	vst v63  }
0x24f: {  	v3 =	vadd.s32 v1, v3  }
0x250: {  	[tilespmem:s28], [sflag:$0x3] =	stream.indirect_vreg.gather [hbm4b:s9+s2], $0x80, v4, vm0, $0xb8;
	[tilespmem:$0x18180] =	vst v63  }
0x251: {  	_ = 	snop  }
0x252: {  	[tilespmem:s29], [sflag:$0x3] =	stream.indirect_vreg.gather [hbm4b:s10+s2], $0x80, v4, vm0, $0xb8;
	[tilespmem:$0x18180] =	vst v63  }
0x253: {  	_ = 	snop  }
0x254: {  	[tilespmem:s31], [sflag:$0x3] =	stream.indirect_vreg.gather [hbm4b:s3+s2], $0x80, v3, vm0, $0xb8;
	[tilespmem:$0x18180] =	vst v63  }
0x255: {  	s11 =	simm.s32 $0x14980  }
0x256: {  	[tilespmem:s11], [sflag:$0x3] =	stream.indirect_vreg.gather [hbm4b:s4+s2], $0x80, v3, vm0, $0xb8;
	[tilespmem:$0x18180] =	vst v63  }
0x257: {  	s19 =	simm.s32 $0x15180  }
0x258: {  	[tilespmem:s19], [sflag:$0x3] =	stream.indirect_vreg.gather [hbm4b:s5+s2], $0x80, v3, vm0, $0xb8;
	[tilespmem:$0x18180] =	vst v63  }
0x259: {  	s11 =	simm.s32 $0x15980  }
0x25a: {  	[tilespmem:s11], [sflag:$0x3] =	stream.indirect_vreg.gather [hbm4b:s6+s2], $0x80, v3, vm0, $0xb8;
	[tilespmem:$0x18180] =	vst v63  }
0x25b: {  	s19 =	simm.s32 $0x16180  }
0x25c: {  	[tilespmem:s19], [sflag:$0x3] =	stream.indirect_vreg.gather [hbm4b:s7+s2], $0x80, v3, vm0, $0xb8;
	[tilespmem:$0x18180] =	vst v63  }
0x25d: {  	s11 =	simm.s32 $0x16980  }
0x25e: {  	[tilespmem:s11], [sflag:$0x3] =	stream.indirect_vreg.gather [hbm4b:s8+s2], $0x80, v3, vm0, $0xb8;
	[tilespmem:$0x18180] =	vst v63  }
0x25f: {  	s19 =	simm.s32 $0x17180  }
0x260: {  	[tilespmem:s19], [sflag:$0x3] =	stream.indirect_vreg.gather [hbm4b:s9+s2], $0x80, v3, vm0, $0xb8;
	[tilespmem:$0x18180] =	vst v63  }
0x261: {  	s11 =	simm.s32 $0x17980  }
0x262: {  	[tilespmem:s11], [sflag:$0x3] =	stream.indirect_vreg.gather [hbm4b:s10+s2], $0x80, v3, vm0, $0xb8;
	[tilespmem:$0x18180] =	vst v63  }
0x263: {  	_ =	swait.ge [sflag:s0], $0x8000  }
0x264: {  	[sflag:s0] =	ssyncset.done $0x0  }
0x265: {  	s11 =	simm.s32 $0x180;
	s19 =	rddreg [dreg:$0x18];
	[sflag:s0] =	ssyncadd.s32 $0xFFFF8000  }
0x266: {  	[hbm4b:s19+s2] =	stream.linear.scatter [tilespmem:s11], [sflag:$0x4], $0x8000, $0x38;
	[tilespmem:$0x18180] =	vst v63  }
0x267: {  	_ =	swait.ge [sflag:s30], $0x8000  }
0x268: {  	[sflag:s30] =	ssyncset.done $0x0  }
0x269: {  	s19 =	rddreg [dreg:$0x19];
	[sflag:s30] =	ssyncadd.s32 $0xFFFF8000  }
0x26a: {  	[tilespmem:s2], [sflag:$0x7] =	stream.linear.gather [hbm4b:s19+s2], $0x10, $0x38;
	[tilespmem:$0x18180] =	vst v63  }
0x26b: {  	_ =	swait.ge [sflag:s12], $0x10  }
0x26c: {  	[sflag:s12] =	ssyncset.done $0x0  }
0x26d: {  	[sflag:s12] =	ssyncadd.s32 $0xFFFFFFF0  }
0x26e: {  	v3 =	vld [tilespmem:$0x0];
	_ =	sdelay $0x4  }
0x26f: {  	v60 =	vshll.u32 v3, $0x4  }
0x270: {  	v3 =	vand.u32 $0x7, v3;
	v4 =	vand.u32 $0xFFFFFF80, v60  }
0x271: {  	v3 =	vor.u32 v3, v4  }
0x272: {  	v4 =	vperm.xlane v3, v0;
	_ =	sdelay $0x1  }
0x273: {  	v4 =	vadd.s32 v1, v4;
	_ =	sdelay $0x4  }
0x274: {  	[tilespmem:s11], [sflag:$0x1] =	stream.indirect_vreg.gather [hbm4b:s3+s2], $0x80, v4, vm0, $0xb8;
	[tilespmem:$0x18180] =	vst v63  }
0x275: {  	_ = 	snop  }
0x276: {  	[tilespmem:s13], [sflag:$0x1] =	stream.indirect_vreg.gather [hbm4b:s4+s2], $0x80, v4, vm0, $0xb8;
	[tilespmem:$0x18180] =	vst v63  }
0x277: {  	s18 =	simm.s32 $0x1180  }
0x278: {  	[tilespmem:s18], [sflag:$0x1] =	stream.indirect_vreg.gather [hbm4b:s5+s2], $0x80, v4, vm0, $0xb8;
	[tilespmem:$0x18180] =	vst v63  }
0x279: {  	s19 =	simm.s32 $0x1980  }
0x27a: {  	[tilespmem:s19], [sflag:$0x1] =	stream.indirect_vreg.gather [hbm4b:s6+s2], $0x80, v4, vm0, $0xb8;
	[tilespmem:$0x18180] =	vst v63  }
0x27b: {  	s18 =	simm.s32 $0x2180  }
0x27c: {  	[tilespmem:s18], [sflag:$0x1] =	stream.indirect_vreg.gather [hbm4b:s7+s2], $0x80, v4, vm0, $0xb8;
	[tilespmem:$0x18180] =	vst v63  }
0x27d: {  	v3 =	vperm.xlane v3, v2  }
0x27e: {  	[tilespmem:s22], [sflag:$0x1] =	stream.indirect_vreg.gather [hbm4b:s8+s2], $0x80, v4, vm0, $0xb8;
	[tilespmem:$0x18180] =	vst v63  }
0x27f: {  	v3 =	vadd.s32 v1, v3;
	s19 =	simm.s32 $0x3180  }
0x280: {  	[tilespmem:s19], [sflag:$0x1] =	stream.indirect_vreg.gather [hbm4b:s9+s2], $0x80, v4, vm0, $0xb8;
	[tilespmem:$0x18180] =	vst v63  }
0x281: {  	s13 =	simm.s32 $0x3980  }
0x282: {  	[tilespmem:s13], [sflag:$0x1] =	stream.indirect_vreg.gather [hbm4b:s10+s2], $0x80, v4, vm0, $0xb8;
	[tilespmem:$0x18180] =	vst v63  }
0x283: {  	s19 =	simm.s32 $0x4180  }
0x284: {  	[tilespmem:s19], [sflag:$0x1] =	stream.indirect_vreg.gather [hbm4b:s3+s2], $0x80, v3, vm0, $0xb8;
	[tilespmem:$0x18180] =	vst v63  }
0x285: {  	s13 =	simm.s32 $0x4980  }
0x286: {  	[tilespmem:s13], [sflag:$0x1] =	stream.indirect_vreg.gather [hbm4b:s4+s2], $0x80, v3, vm0, $0xb8;
	[tilespmem:$0x18180] =	vst v63  }
0x287: {  	s19 =	simm.s32 $0x5180  }
0x288: {  	[tilespmem:s19], [sflag:$0x1] =	stream.indirect_vreg.gather [hbm4b:s5+s2], $0x80, v3, vm0, $0xb8;
	[tilespmem:$0x18180] =	vst v63  }
0x289: {  	s13 =	simm.s32 $0x5980  }
0x28a: {  	[tilespmem:s13], [sflag:$0x1] =	stream.indirect_vreg.gather [hbm4b:s6+s2], $0x80, v3, vm0, $0xb8;
	[tilespmem:$0x18180] =	vst v63  }
0x28b: {  	s19 =	simm.s32 $0x6180  }
0x28c: {  	[tilespmem:s19], [sflag:$0x1] =	stream.indirect_vreg.gather [hbm4b:s7+s2], $0x80, v3, vm0, $0xb8;
	[tilespmem:$0x18180] =	vst v63  }
0x28d: {  	s13 =	simm.s32 $0x6980  }
0x28e: {  	[tilespmem:s13], [sflag:$0x1] =	stream.indirect_vreg.gather [hbm4b:s8+s2], $0x80, v3, vm0, $0xb8;
	[tilespmem:$0x18180] =	vst v63  }
0x28f: {  	s19 =	simm.s32 $0x7180  }
0x290: {  	[tilespmem:s19], [sflag:$0x1] =	stream.indirect_vreg.gather [hbm4b:s9+s2], $0x80, v3, vm0, $0xb8;
	[tilespmem:$0x18180] =	vst v63  }
0x291: {  	s13 =	simm.s32 $0x7980  }
0x292: {  	[tilespmem:s13], [sflag:$0x1] =	stream.indirect_vreg.gather [hbm4b:s10+s2], $0x80, v3, vm0, $0xb8;
	[tilespmem:$0x18180] =	vst v63  }
0x293: {  	_ =	swait.ge [sflag:s23], $0x8000  }
0x294: {  	[sflag:s23] =	ssyncset.done $0x0  }
0x295: {  	s13 =	simm.s32 $0x8180;
	s19 =	rddreg [dreg:$0x1a];
	[sflag:s23] =	ssyncadd.s32 $0xFFFF8000  }
0x296: {  	[hbm4b:s19+s2] =	stream.linear.scatter [tilespmem:s13], [sflag:$0x5], $0x8000, $0x38;
	[tilespmem:$0x18180] =	vst v63  }
0x297: {  	_ =	swait.ge [sflag:s15], $0x8000  }
0x298: {  	[sflag:s15] =	ssyncset.done $0x0  }
0x299: {  	s19 =	simm.s32 $0x80;
	s18 =	rddreg [dreg:$0x1b];
	[sflag:s15] =	ssyncadd.s32 $0xFFFF8000  }
0x29a: {  	[tilespmem:s19], [sflag:$0x7] =	stream.linear.gather [hbm4b:s18+s2], $0x10, $0x38;
	[tilespmem:$0x18180] =	vst v63  }
0x29b: {  	_ =	swait.ge [sflag:s12], $0x10  }
0x29c: {  	[sflag:s12] =	ssyncset.done $0x0  }
0x29d: {  	[sflag:s12] =	ssyncadd.s32 $0xFFFFFFF0  }
0x29e: {  	v3 =	vld [tilespmem:$0x80];
	_ =	sdelay $0x4  }
0x29f: {  	v61 =	vshll.u32 v3, $0x4  }
0x2a0: {  	v3 =	vand.u32 $0x7, v3;
	v4 =	vand.u32 $0xFFFFFF80, v61  }
0x2a1: {  	v3 =	vor.u32 v3, v4  }
0x2a2: {  	v4 =	vperm.xlane v3, v0;
	_ =	sdelay $0x1  }
0x2a3: {  	v4 =	vadd.s32 v1, v4;
	_ =	sdelay $0x4  }
0x2a4: {  	[tilespmem:s13], [sflag:$0x2] =	stream.indirect_vreg.gather [hbm4b:s3+s2], $0x80, v4, vm0, $0xb8;
	[tilespmem:$0x18180] =	vst v63  }
0x2a5: {  	_ = 	snop  }
0x2a6: {  	[tilespmem:s20], [sflag:$0x2] =	stream.indirect_vreg.gather [hbm4b:s4+s2], $0x80, v4, vm0, $0xb8;
	[tilespmem:$0x18180] =	vst v63  }
0x2a7: {  	s20 =	simm.s32 $0x9180  }
0x2a8: {  	[tilespmem:s20], [sflag:$0x2] =	stream.indirect_vreg.gather [hbm4b:s5+s2], $0x80, v4, vm0, $0xb8;
	[tilespmem:$0x18180] =	vst v63  }
0x2a9: {  	s19 =	simm.s32 $0x9980  }
0x2aa: {  	[tilespmem:s19], [sflag:$0x2] =	stream.indirect_vreg.gather [hbm4b:s6+s2], $0x80, v4, vm0, $0xb8;
	[tilespmem:$0x18180] =	vst v63  }
0x2ab: {  	s20 =	simm.s32 $0xA180  }
0x2ac: {  	[tilespmem:s20], [sflag:$0x2] =	stream.indirect_vreg.gather [hbm4b:s7+s2], $0x80, v4, vm0, $0xb8;
	[tilespmem:$0x18180] =	vst v63  }
0x2ad: {  	s24 =	simm.s32 $0xA980;
	v3 =	vperm.xlane v3, v2  }
0x2ae: {  	[tilespmem:s24], [sflag:$0x2] =	stream.indirect_vreg.gather [hbm4b:s8+s2], $0x80, v4, vm0, $0xb8;
	[tilespmem:$0x18180] =	vst v63  }
0x2af: {  	v3 =	vadd.s32 v1, v3;
	s24 =	simm.s32 $0xB180  }
0x2b0: {  	[tilespmem:s24], [sflag:$0x2] =	stream.indirect_vreg.gather [hbm4b:s9+s2], $0x80, v4, vm0, $0xb8;
	[tilespmem:$0x18180] =	vst v63  }
0x2b1: {  	s19 =	simm.s32 $0xB980  }
0x2b2: {  	[tilespmem:s19], [sflag:$0x2] =	stream.indirect_vreg.gather [hbm4b:s10+s2], $0x80, v4, vm0, $0xb8;
	[tilespmem:$0x18180] =	vst v63  }
0x2b3: {  	s20 =	simm.s32 $0xC180  }
0x2b4: {  	[tilespmem:s20], [sflag:$0x2] =	stream.indirect_vreg.gather [hbm4b:s3+s2], $0x80, v3, vm0, $0xb8;
	[tilespmem:$0x18180] =	vst v63  }
0x2b5: {  	s24 =	simm.s32 $0xC980  }
0x2b6: {  	[tilespmem:s24], [sflag:$0x2] =	stream.indirect_vreg.gather [hbm4b:s4+s2], $0x80, v3, vm0, $0xb8;
	[tilespmem:$0x18180] =	vst v63  }
0x2b7: {  	s19 =	simm.s32 $0xD180  }
0x2b8: {  	[tilespmem:s19], [sflag:$0x2] =	stream.indirect_vreg.gather [hbm4b:s5+s2], $0x80, v3, vm0, $0xb8;
	[tilespmem:$0x18180] =	vst v63  }
0x2b9: {  	s20 =	simm.s32 $0xD980  }
0x2ba: {  	[tilespmem:s20], [sflag:$0x2] =	stream.indirect_vreg.gather [hbm4b:s6+s2], $0x80, v3, vm0, $0xb8;
	[tilespmem:$0x18180] =	vst v63  }
0x2bb: {  	s24 =	simm.s32 $0xE180  }
0x2bc: {  	[tilespmem:s24], [sflag:$0x2] =	stream.indirect_vreg.gather [hbm4b:s7+s2], $0x80, v3, vm0, $0xb8;
	[tilespmem:$0x18180] =	vst v63  }
0x2bd: {  	s19 =	simm.s32 $0xE980  }
0x2be: {  	[tilespmem:s19], [sflag:$0x2] =	stream.indirect_vreg.gather [hbm4b:s8+s2], $0x80, v3, vm0, $0xb8;
	[tilespmem:$0x18180] =	vst v63  }
0x2bf: {  	s20 =	simm.s32 $0xF180  }
0x2c0: {  	[tilespmem:s20], [sflag:$0x2] =	stream.indirect_vreg.gather [hbm4b:s9+s2], $0x80, v3, vm0, $0xb8;
	[tilespmem:$0x18180] =	vst v63  }
0x2c1: {  	s21 =	simm.s32 $0xF980  }
0x2c2: {  	[tilespmem:s21], [sflag:$0x2] =	stream.indirect_vreg.gather [hbm4b:s10+s2], $0x80, v3, vm0, $0xb8;
	[tilespmem:$0x18180] =	vst v63  }
0x2c3: {  	_ =	swait.ge [sflag:s16], $0x8000  }
0x2c4: {  	[sflag:s16] =	ssyncset.done $0x0  }
0x2c5: {  	s14 =	simm.s32 $0x10180;
	s21 =	rddreg [dreg:$0x1c];
	[sflag:s16] =	ssyncadd.s32 $0xFFFF8000  }
0x2c6: {  	[hbm4b:s21+s2] =	stream.linear.scatter [tilespmem:s14], [sflag:$0x6], $0x8000, $0x38;
	[tilespmem:$0x18180] =	vst v63  }
0x2c7: {  	_ =	swait.ge [sflag:s17], $0x8000  }
0x2c8: {  	[sflag:s17] =	ssyncset.done $0x0  }
0x2c9: {  	s19 =	simm.s32 $0x100;
	s24 =	rddreg [dreg:$0x1d];
	[sflag:s17] =	ssyncadd.s32 $0xFFFF8000  }
0x2ca: {  	[tilespmem:s19], [sflag:$0x7] =	stream.linear.gather [hbm4b:s24+s2], $0x10, $0x38;
	[tilespmem:$0x18180] =	vst v63  }
0x2cb: {  	_ =	swait.ge [sflag:s12], $0x10  }
0x2cc: {  	[sflag:s12] =	ssyncset.done $0x0  }
0x2cd: {  	[sflag:s12] =	ssyncadd.s32 $0xFFFFFFF0  }
0x2ce: {  	v3 =	vld [tilespmem:$0x100];
	_ =	sdelay $0x4  }
0x2cf: {  	v62 =	vshll.u32 v3, $0x4  }
0x2d0: {  	v3 =	vand.u32 $0x7, v3;
	v4 =	vand.u32 $0xFFFFFF80, v62  }
0x2d1: {  	v3 =	vor.u32 v3, v4  }
0x2d2: {  	v4 =	vperm.xlane v3, v0;
	_ =	sdelay $0x1  }
0x2d3: {  	v4 =	vadd.s32 v1, v4;
	_ =	sdelay $0x4  }
0x2d4: {  	[tilespmem:s14], [sflag:$0x3] =	stream.indirect_vreg.gather [hbm4b:s3+s2], $0x80, v4, vm0, $0xb8;
	[tilespmem:$0x18180] =	vst v63  }
0x2d5: {  	s20 =	simm.s32 $0x10980  }
0x2d6: {  	[tilespmem:s20], [sflag:$0x3] =	stream.indirect_vreg.gather [hbm4b:s4+s2], $0x80, v4, vm0, $0xb8;
	[tilespmem:$0x18180] =	vst v63  }
0x2d7: {  	s25 =	simm.s32 $0x11180  }
0x2d8: {  	[tilespmem:s25], [sflag:$0x3] =	stream.indirect_vreg.gather [hbm4b:s5+s2], $0x80, v4, vm0, $0xb8;
	[tilespmem:$0x18180] =	vst v63  }
0x2d9: {  	s26 =	simm.s32 $0x11980  }
0x2da: {  	[tilespmem:s26], [sflag:$0x3] =	stream.indirect_vreg.gather [hbm4b:s6+s2], $0x80, v4, vm0, $0xb8;
	[tilespmem:$0x18180] =	vst v63  }
0x2db: {  	_ = 	snop  }
0x2dc: {  	[tilespmem:s1], [sflag:$0x3] =	stream.indirect_vreg.gather [hbm4b:s7+s2], $0x80, v4, vm0, $0xb8;
	[tilespmem:$0x18180] =	vst v63  }
0x2dd: {  	s21 =	simm.s32 $0x12980;
	v3 =	vperm.xlane v3, v2  }
0x2de: {  	[tilespmem:s21], [sflag:$0x3] =	stream.indirect_vreg.gather [hbm4b:s8+s2], $0x80, v4, vm0, $0xb8;
	[tilespmem:$0x18180] =	vst v63  }
0x2df: {  	s28 =	simm.s32 $0x13180;
	v3 =	vadd.s32 v1, v3  }
0x2e0: {  	[tilespmem:s28], [sflag:$0x3] =	stream.indirect_vreg.gather [hbm4b:s9+s2], $0x80, v4, vm0, $0xb8;
	[tilespmem:$0x18180] =	vst v63  }
0x2e1: {  	s29 =	simm.s32 $0x13980  }
0x2e2: {  	[tilespmem:s29], [sflag:$0x3] =	stream.indirect_vreg.gather [hbm4b:s10+s2], $0x80, v4, vm0, $0xb8;
	[tilespmem:$0x18180] =	vst v63  }
0x2e3: {  	s31 =	simm.s32 $0x14180  }
0x2e4: {  	[tilespmem:s31], [sflag:$0x3] =	stream.indirect_vreg.gather [hbm4b:s3+s2], $0x80, v3, vm0, $0xb8;
	[tilespmem:$0x18180] =	vst v63  }
0x2e5: {  	s24 =	simm.s32 $0x14980  }
0x2e6: {  	[tilespmem:s24], [sflag:$0x3] =	stream.indirect_vreg.gather [hbm4b:s4+s2], $0x80, v3, vm0, $0xb8;
	[tilespmem:$0x18180] =	vst v63  }
0x2e7: {  	s25 =	simm.s32 $0x15180  }
0x2e8: {  	[tilespmem:s25], [sflag:$0x3] =	stream.indirect_vreg.gather [hbm4b:s5+s2], $0x80, v3, vm0, $0xb8;
	[tilespmem:$0x18180] =	vst v63  }
0x2e9: {  	s26 =	simm.s32 $0x15980  }
0x2ea: {  	[tilespmem:s26], [sflag:$0x3] =	stream.indirect_vreg.gather [hbm4b:s6+s2], $0x80, v3, vm0, $0xb8;
	[tilespmem:$0x18180] =	vst v63  }
0x2eb: {  	s28 =	simm.s32 $0x16180  }
0x2ec: {  	[tilespmem:s28], [sflag:$0x3] =	stream.indirect_vreg.gather [hbm4b:s7+s2], $0x80, v3, vm0, $0xb8;
	[tilespmem:$0x18180] =	vst v63  }
0x2ed: {  	s29 =	simm.s32 $0x16980  }
0x2ee: {  	[tilespmem:s29], [sflag:$0x3] =	stream.indirect_vreg.gather [hbm4b:s8+s2], $0x80, v3, vm0, $0xb8;
	[tilespmem:$0x18180] =	vst v63  }
0x2ef: {  	s31 =	simm.s32 $0x17180  }
0x2f0: {  	[tilespmem:s31], [sflag:$0x3] =	stream.indirect_vreg.gather [hbm4b:s9+s2], $0x80, v3, vm0, $0xb8;
	[tilespmem:$0x18180] =	vst v63  }
0x2f1: {  	s18 =	simm.s32 $0x17980  }
0x2f2: {  	[tilespmem:s18], [sflag:$0x3] =	stream.indirect_vreg.gather [hbm4b:s10+s2], $0x80, v3, vm0, $0xb8;
	[tilespmem:$0x18180] =	vst v63  }
0x2f3: {  	_ =	swait.ge [sflag:s0], $0x8000  }
0x2f4: {  	[sflag:s0] =	ssyncset.done $0x0  }
0x2f5: {  	s11 =	simm.s32 $0x180;
	s19 =	rddreg [dreg:$0x1e];
	[sflag:s0] =	ssyncadd.s32 $0xFFFF8000  }
0x2f6: {  	[hbm4b:s19+s2] =	stream.linear.scatter [tilespmem:s11], [sflag:$0x4], $0x8000, $0x38;
	[tilespmem:$0x18180] =	vst v63  }
0x2f7: {  	_ =	swait.ge [sflag:s30], $0x8000  }
0x2f8: {  	[sflag:s30] =	ssyncset.done $0x0  }
0x2f9: {  	s20 =	rddreg [dreg:$0x1f];
	[sflag:s30] =	ssyncadd.s32 $0xFFFF8000  }
0x2fa: {  	[tilespmem:s2], [sflag:$0x7] =	stream.linear.gather [hbm4b:s20+s2], $0x10, $0x38;
	[tilespmem:$0x18180] =	vst v63  }
0x2fb: {  	_ =	swait.ge [sflag:s12], $0x10  }
0x2fc: {  	[sflag:s12] =	ssyncset.done $0x0  }
0x2fd: {  	[sflag:s12] =	ssyncadd.s32 $0xFFFFFFF0  }
0x2fe: {  	v3 =	vld [tilespmem:$0x0];
	_ =	sdelay $0x4  }
0x2ff: {  	v63 =	vshll.u32 v3, $0x4  }
0x300: {  	v3 =	vand.u32 $0x7, v3;
	v4 =	vand.u32 $0xFFFFFF80, v63  }
0x301: {  	v3 =	vor.u32 v3, v4  }
0x302: {  	v4 =	vperm.xlane v3, v0;
	_ =	sdelay $0x1  }
0x303: {  	v4 =	vadd.s32 v1, v4;
	_ =	sdelay $0x4  }
0x304: {  	[tilespmem:s11], [sflag:$0x1] =	stream.indirect_vreg.gather [hbm4b:s3+s2], $0x80, v4, vm0, $0xb8;
	[tilespmem:$0x18180] =	vst v63  }
0x305: {  	s21 =	simm.s32 $0x980  }
0x306: {  	[tilespmem:s21], [sflag:$0x1] =	stream.indirect_vreg.gather [hbm4b:s4+s2], $0x80, v4, vm0, $0xb8;
	[tilespmem:$0x18180] =	vst v63  }
0x307: {  	s24 =	simm.s32 $0x1180  }
0x308: {  	[tilespmem:s24], [sflag:$0x1] =	stream.indirect_vreg.gather [hbm4b:s5+s2], $0x80, v4, vm0, $0xb8;
	[tilespmem:$0x18180] =	vst v63  }
0x309: {  	s25 =	simm.s32 $0x1980  }
0x30a: {  	[tilespmem:s25], [sflag:$0x1] =	stream.indirect_vreg.gather [hbm4b:s6+s2], $0x80, v4, vm0, $0xb8;
	[tilespmem:$0x18180] =	vst v63  }
0x30b: {  	s26 =	simm.s32 $0x2180  }
0x30c: {  	[tilespmem:s26], [sflag:$0x1] =	stream.indirect_vreg.gather [hbm4b:s7+s2], $0x80, v4, vm0, $0xb8;
	[tilespmem:$0x18180] =	vst v63  }
0x30d: {  	s22 =	simm.s32 $0x2980;
	v3 =	vperm.xlane v3, v2  }
0x30e: {  	[tilespmem:s22], [sflag:$0x1] =	stream.indirect_vreg.gather [hbm4b:s8+s2], $0x80, v4, vm0, $0xb8;
	[tilespmem:$0x18180] =	vst v63  }
0x30f: {  	s28 =	simm.s32 $0x3180;
	v3 =	vadd.s32 v1, v3  }
0x310: {  	[tilespmem:s28], [sflag:$0x1] =	stream.indirect_vreg.gather [hbm4b:s9+s2], $0x80, v4, vm0, $0xb8;
	[tilespmem:$0x18180] =	vst v63  }
0x311: {  	s29 =	simm.s32 $0x3980  }
0x312: {  	[tilespmem:s29], [sflag:$0x1] =	stream.indirect_vreg.gather [hbm4b:s10+s2], $0x80, v4, vm0, $0xb8;
	[tilespmem:$0x18180] =	vst v63  }
0x313: {  	s31 =	simm.s32 $0x4180  }
0x314: {  	[tilespmem:s31], [sflag:$0x1] =	stream.indirect_vreg.gather [hbm4b:s3+s2], $0x80, v3, vm0, $0xb8;
	[tilespmem:$0x18180] =	vst v63  }
0x315: {  	s18 =	simm.s32 $0x4980  }
0x316: {  	[tilespmem:s18], [sflag:$0x1] =	stream.indirect_vreg.gather [hbm4b:s4+s2], $0x80, v3, vm0, $0xb8;
	[tilespmem:$0x18180] =	vst v63  }
0x317: {  	s19 =	simm.s32 $0x5180  }
0x318: {  	[tilespmem:s19], [sflag:$0x1] =	stream.indirect_vreg.gather [hbm4b:s5+s2], $0x80, v3, vm0, $0xb8;
	[tilespmem:$0x18180] =	vst v63  }
0x319: {  	s20 =	simm.s32 $0x5980  }
0x31a: {  	[tilespmem:s20], [sflag:$0x1] =	stream.indirect_vreg.gather [hbm4b:s6+s2], $0x80, v3, vm0, $0xb8;
	[tilespmem:$0x18180] =	vst v63  }
0x31b: {  	s21 =	simm.s32 $0x6180  }
0x31c: {  	[tilespmem:s21], [sflag:$0x1] =	stream.indirect_vreg.gather [hbm4b:s7+s2], $0x80, v3, vm0, $0xb8;
	[tilespmem:$0x18180] =	vst v63  }
0x31d: {  	s22 =	simm.s32 $0x6980  }
0x31e: {  	[tilespmem:s22], [sflag:$0x1] =	stream.indirect_vreg.gather [hbm4b:s8+s2], $0x80, v3, vm0, $0xb8;
	[tilespmem:$0x18180] =	vst v63  }
0x31f: {  	s24 =	simm.s32 $0x7180  }
0x320: {  	[tilespmem:s24], [sflag:$0x1] =	stream.indirect_vreg.gather [hbm4b:s9+s2], $0x80, v3, vm0, $0xb8;
	[tilespmem:$0x18180] =	vst v63  }
0x321: {  	s25 =	simm.s32 $0x7980  }
0x322: {  	[tilespmem:s25], [sflag:$0x1] =	stream.indirect_vreg.gather [hbm4b:s10+s2], $0x80, v3, vm0, $0xb8;
	[tilespmem:$0x18180] =	vst v63  }
0x323: {  	_ =	swait.ge [sflag:s23], $0x8000  }
0x324: {  	s26 =	sld [smem:$0x7FB]  }
0x325: {  	[sflag:s23] =	ssyncset.done $0x0  }
0x326: {  	s13 =	simm.s32 $0x8180;
	[sflag:s23] =	ssyncadd.s32 $0xFFFF8000  }
0x327: {  	[hbm4b:s26+s2] =	stream.linear.scatter [tilespmem:s13], [sflag:$0x5], $0x8000, $0x38;
	[tilespmem:$0x18180] =	vst v63  }
0x328: {  	s28 =	sld [smem:$0x7FA];
	_ =	swait.ge [sflag:s16], $0x8000  }
0x329: {  	s29 =	sld [smem:$0x7FC]  }
0x32a: {  	[sflag:s16] =	ssyncset.done $0x0  }
0x32b: {  	[sflag:s16] =	ssyncadd.s32 $0xFFFF8000  }
0x32c: {  	[hbm4b:s29+s2] =	stream.linear.scatter [tilespmem:s14], [sflag:$0x6], $0x8000, $0x38;
	[tilespmem:$0x18180] =	vst v63  }
0x32d: {  	_ =	swait.ge [sflag:s0], $0x8000  }
0x32e: {  	s31 =	sld [smem:$0x7FD]  }
0x32f: {  	[sflag:s0] =	ssyncset.done $0x0  }
0x330: {  	[sflag:s0] =	ssyncadd.s32 $0xFFFF8000  }
0x331: {  	[hbm4b:s31+s2] =	stream.linear.scatter [tilespmem:s11], [sflag:$0x4], $0x8000, $0x38;
	[tilespmem:$0x18180] =	vst v63  }
0x332: {  	_ =	swait.ge [sflag:s30], $0x8000  }
0x333: {  	[sflag:s30] =	ssyncset.done $0x0  }
0x334: {  	[sflag:s30] =	ssyncadd.s32 $0xFFFF8000  }
0x335: {  	p0 =	sne.s32 s28, $0x1;
	_ =	swait.ge [sflag:s15], $0x8000  }
.Ltmp0:
0x336: {  	[sflag:s15] =	ssyncset.done $0x0;
	(pc) =	sbr.rel @p0 .LBB2_1-.Ltmp0, $4  }
0x337: {  	[sflag:s15] =	ssyncadd.s32 $0xFFFF8000  }
0x338: {  	_ =	swait.ge [sflag:s17], $0x8000  }
0x339: {  	[sflag:s17] =	ssyncset.done $0x0  }
0x33a: {  	s1 =	sadd.s32 $0xFFFFFFFF, s28;
	[sflag:s17] =	ssyncadd.s32 $0xFFFF8000  }
0x33b: {  	_ =	sfence.sel $0x180000  }
0x33c: {  	[bflag:$0x0] =	sbarrier.arrive $0xFFFF  }
0x33d: {  	_ =	strace $0x9000004A  }
0x33e: {  	s0 =	stileid.u32;
	[bflag:$0x2] =	sbarrier.arrive $0xFFFF  }
0x33f: {  	p0 =	sne.s32 s0, $0x0;
	s0 =	rddreg [dreg:$0x2]  }
0x340: {  	s0 =	sadd.s32 @!p0 $0x100000, s0  }
0x341: {  	[sflag:s0] =	ssyncadd.tile.s32 @!p0 $0x1;
	_ =	shalt  }
.Lfunc_end2:
_tile_overlayer_lowered:
.L_overlay_start_2:
0x342: {  	(tag) =	ssettag $0x2  }
0x343: {  	s0 =	rddreg [dreg:$0x0];
	s2 =	stileid.u32  }
0x344: {  	s1 =	rddreg [dreg:$0x1];
	p0 =	sne.s32 s2, $0x0  }
0x345: {  	s3 =	rddreg [dreg:$0x2];
	[bflag:$0x3] =	sbarrier.arrive $0xFFFF;
	s2 =	simm.s32 @!p0 $0x1C07  }
0x346: {  	[timem:s3], [sflag:s2] =	dma.local @!p0 [hbm:s0], s1  }
0x347: {  	s0 =	simm.s32 @!p0 $0x7  }
0x348: {  	_ =	swait.ge @!p0 [sflag:s0], s1  }
0x349: {  	s1 =	ssub.s32 @!p0 $0x0, s1;
	[sflag:s0] =	ssyncset.done @!p0 $0x0  }
0x34a: {  	[sflag:s0] =	ssyncadd.s32 @!p0 s1  }
0x34b: {  	[bflag:$0x3] =	sbarrier.arrive $0xFFFF  }
0x34c: {  	_ =	shalt  }

</sc_bundles>
